<compile_context>
chip_gen: v7x
topology: tpu7x:2x2x1
jax: 0.10.2.dev20260603
libtpu: 0.0.44.dev20260713+nightly
codegen_flags: <defaults>
</compile_context>

<pallas_src>
import functools

import jax
import jax.numpy as jnp
from jax import lax
from jax.experimental import pallas as pl
from jax.experimental.pallas import tpu as pltpu
from jax.experimental.pallas import tpu_sc as plsc

N_REAL = 10000
NPAD = 10240
NC, NS = 2, 16
G = 16
EPH = 163840


def _mesh():
    return plsc.VectorSubcoreMesh(
        core_axis_name="c", subcore_axis_name="s",
        num_cores=NC, num_subcores=NS)



def _degree_pass(dst, ones, zeros):
    E = dst.shape[0]
    ept = E // (NC * NS)
    KD = ones.shape[0]
    nch = ept // KD
    rpt = NPAD // NS

    @functools.partial(
        pl.kernel,
        out_type=jax.ShapeDtypeStruct((NC * NPAD, 16), jnp.float32),
        mesh=_mesh(),
        scratch_types=[
            pltpu.VMEM((KD,), jnp.int32),
            pltpu.VMEM((KD, 16), jnp.float32),
            pltpu.VMEM_SHARED((NPAD, 16), jnp.float32),
        ],
        compiler_params=pltpu.CompilerParams(use_tc_tiling_on_sc=False),
        name="sc_degree",
    )
    def k(dst_hbm, ones_hbm, zeros_hbm, out_hbm, idxb, onesb, hist):
        c = lax.axis_index("c")
        s = lax.axis_index("s")
        pltpu.sync_copy(ones_hbm, onesb)
        pltpu.sync_copy(zeros_hbm.at[pl.ds(s * rpt, rpt)],
                        hist.at[pl.ds(s * rpt, rpt)])
        plsc.subcore_barrier()
        tbase = (c * NS + s) * ept

        def chunk(i, carry):
            pltpu.sync_copy(dst_hbm.at[pl.ds(tbase + i * KD, KD)], idxb)
            pltpu.sync_copy(onesb, hist.at[idxb], add=True)
            return carry

        lax.fori_loop(0, nch, chunk, 0)
        plsc.subcore_barrier()
        pltpu.sync_copy(hist.at[pl.ds(s * rpt, rpt)],
                        out_hbm.at[pl.ds(c * NPAD + s * rpt, rpt)])

    return k(dst, ones, zeros)


def _edge_pass(src2, dst2, table, zeros, Bc, epc, label):
    ept = epc // NS
    nblk = ept // (G * 128)
    rpt = NPAD // NS

    NB = 2 if Bc > 64 else 4

    @functools.partial(
        pl.kernel,
        out_type=jax.ShapeDtypeStruct((NC * NPAD, Bc), jnp.float32),
        mesh=_mesh(),
        scratch_types=[
            pltpu.VMEM((G, 128), jnp.int32),
            pltpu.VMEM((G, 128), jnp.int32),
        ] + [pltpu.VMEM((128, Bc), jnp.float32) for _ in range(NB)] + [
            pltpu.VMEM_SHARED((NPAD, Bc), jnp.float32),
        ] + [pltpu.SemaphoreType.DMA for _ in range(2 * NB)],
        compiler_params=pltpu.CompilerParams(use_tc_tiling_on_sc=False),
        name=label,
    )
    def k(src_hbm, dst_hbm, tab_hbm, zeros_hbm, out_hbm,
          srcb, dstb, *rest):
        rows = rest[:NB]
        acc = rest[NB]
        gsem = rest[NB + 1:2 * NB + 1]
        ssem = rest[2 * NB + 1:]
        c = lax.axis_index("c")
        s = lax.axis_index("s")
        pltpu.sync_copy(zeros_hbm.at[pl.ds(s * rpt, rpt)],
                        acc.at[pl.ds(s * rpt, rpt)])
        plsc.subcore_barrier()
        ibase = (c * epc + s * ept) // 128

        def blk(i, carry):
            pltpu.sync_copy(src_hbm.at[pl.ds(ibase + i * G, G)], srcb)
            pltpu.sync_copy(dst_hbm.at[pl.ds(ibase + i * G, G)], dstb)
            gcp = [None] * NB
            scp = [None] * NB
            for j in range(G):
                cur = j % NB
                if j >= NB:
                    scp[cur].wait()
                gcp[cur] = pltpu.async_copy(tab_hbm.at[srcb.at[j]],
                                            rows[cur], gsem[cur])
                if j >= 1:
                    prv = (j - 1) % NB
                    gcp[prv].wait()
                    scp[prv] = pltpu.async_copy(
                        rows[prv], acc.at[dstb.at[j - 1]], ssem[prv],
                        add=True)
            last = (G - 1) % NB
            gcp[last].wait()
            scp[last] = pltpu.async_copy(
                rows[last], acc.at[dstb.at[G - 1]], ssem[last], add=True)
            for r in range(NB):
                scp[(last + 1 + r) % NB].wait()
            return carry

        lax.fori_loop(0, nblk, blk, 0)
        plsc.subcore_barrier()
        pltpu.sync_copy(acc.at[pl.ds(s * rpt, rpt)],
                        out_hbm.at[pl.ds(c * NPAD + s * rpt, rpt)])

    return k(src2, dst2, table, zeros)



def _dinv_block(hist_blk):
    deg = hist_blk[0, :, 0] + hist_blk[1, :, 0] + 1.0
    return lax.rsqrt(deg)[:, None]


def _keep_mask(i, br):
    row = lax.broadcasted_iota(jnp.int32, (br, 1), 0) + i * br
    return row < N_REAL


BR = 512


def _dot(a, w):
    if a.shape[1] > 128:
        return jnp.dot(a.astype(jnp.bfloat16), w.astype(jnp.bfloat16),
                       preferred_element_type=jnp.float32)
    return jnp.dot(a, w, preferred_element_type=jnp.float32,
                   precision=lax.Precision.HIGHEST)


def _scale_x(x, hist):

    def body(x_ref, hist_ref, out_ref):
        out_ref[...] = x_ref[...] * _dinv_block(hist_ref)

    return pl.pallas_call(
        body,
        grid=(NPAD // BR,),
        in_specs=[
            pl.BlockSpec((BR, 128), lambda i: (i, 0)),
            pl.BlockSpec((2, BR, 16), lambda i: (0, i, 0)),
        ],
        out_specs=pl.BlockSpec((BR, 128), lambda i: (i, 0)),
        out_shape=jax.ShapeDtypeStruct((NPAD, 128), jnp.float32),
        name="tc_scale",
    )(x, hist)


def _l1_combine(acc, t, hist, b, w1, w2):

    def body(acc_ref, t_ref, hist_ref, b_ref, w1_ref, w2_ref, out_ref):
        dinv = _dinv_block(hist_ref)
        u = dinv * (acc_ref[0] + acc_ref[1] + t_ref[...])
        z = jnp.maximum(_dot(u, w1_ref[...]) + b_ref[0], 0.0)
        s = _dot(z, w2_ref[...]) * dinv
        out_ref[...] = jnp.where(_keep_mask(pl.program_id(0), BR), s, 0.0)

    return pl.pallas_call(
        body,
        grid=(NPAD // BR,),
        in_specs=[
            pl.BlockSpec((2, BR, 128), lambda i: (0, i, 0)),
            pl.BlockSpec((BR, 128), lambda i: (i, 0)),
            pl.BlockSpec((2, BR, 16), lambda i: (0, i, 0)),
            pl.BlockSpec((1, 256), lambda i: (0, 0)),
            pl.BlockSpec((128, 256), lambda i: (0, 0)),
            pl.BlockSpec((256, 128), lambda i: (0, 0)),
        ],
        out_specs=pl.BlockSpec((BR, 128), lambda i: (i, 0)),
        out_shape=jax.ShapeDtypeStruct((NPAD, 128), jnp.float32),
        name="tc_l1",
    )(acc, t, hist, b, w1, w2)


def _combine_mm_scale(acc, s, hist, b, w, relu, label):
    fi = w.shape[0]
    fo = w.shape[1]

    def body(acc_ref, s_ref, hist_ref, b_ref, w_ref, out_ref):
        dinv = _dinv_block(hist_ref)
        z = dinv * (acc_ref[0] + acc_ref[1] + s_ref[...]) + b_ref[0]
        if relu:
            z = jnp.maximum(z, 0.0)
        zw = _dot(z, w_ref[...])
        sn = jnp.where(_keep_mask(pl.program_id(0), BR), zw * dinv, 0.0)
        out_ref[...] = sn

    return pl.pallas_call(
        body,
        grid=(NPAD // BR,),
        in_specs=[
            pl.BlockSpec((2, BR, fi), lambda i: (0, i, 0)),
            pl.BlockSpec((BR, fi), lambda i: (i, 0)),
            pl.BlockSpec((2, BR, 16), lambda i: (0, i, 0)),
            pl.BlockSpec((1, fi), lambda i: (0, 0)),
            pl.BlockSpec(w.shape, lambda i: (0, 0)),
        ],
        out_specs=pl.BlockSpec((BR, fo), lambda i: (i, 0)),
        out_shape=jax.ShapeDtypeStruct((NPAD, fo), jnp.float32),
        name=label,
    )(acc, s, hist, b, w)


def _readout(acc, s, hist, b3, bih, bhh, L1w, L1b, L2w, L2b, L3w, L3b,
             L4w, L4b):

    def body(acc_ref, s_ref, hist_ref, b3_ref, bih_ref, bhh_ref,
             l1w_ref, l1b_ref, l2w_ref, l2b_ref, l3w_ref, l3b_ref,
             l4w_ref, l4b_ref, out_ref):
        deg = hist_ref[0, :, 0] + hist_ref[1, :, 0] + 1.0
        dinv = lax.rsqrt(deg)[:, None]
        h3 = dinv * (acc_ref[0] + acc_ref[1] + s_ref[...]) + b3_ref[0]
        gates = bih_ref[...] + bhh_ref[...]
        ci = jax.nn.sigmoid(gates[:, 0:32]) * jnp.tanh(gates[:, 64:96])
        q = jax.nn.sigmoid(gates[:, 96:128]) * jnp.tanh(ci)
        e = jnp.sum(h3 * q, axis=1, keepdims=True)
        row = lax.broadcasted_iota(jnp.int32, (NPAD, 1), 0)
        e = jnp.where(row < N_REAL, e, -1e30)
        a = jnp.exp(e - jnp.max(e))
        r = jnp.sum(a * h3, axis=0, keepdims=True) / jnp.sum(a)
        qs = jnp.concatenate([q, r], axis=1)
        v = jnp.maximum(_dot(qs, l1w_ref[...]) + l1b_ref[...], 0.0)
        v = _dot(v, l2w_ref[...]) + l2b_ref[...]
        v = _dot(v, l3w_ref[...]) + l3b_ref[...]
        v = _dot(v, l4w_ref[...]) + l4b_ref[...]
        out_ref[...] = v

    return pl.pallas_call(
        body,
        out_shape=jax.ShapeDtypeStruct((1, 1), jnp.float32),
        name="tc_readout",
    )(acc, s, hist, b3, bih, bhh, L1w, L1b, L2w, L2b, L3w, L3b, L4w, L4b)



def kernel(x, edge_index, W1, b1, W2, b2, W3, b3, Wih, Whh, bih, bhh,
           L1w, L1b, L2w, L2b, L3w, L3b, L4w, L4b):
    n = x.shape[0]
    e = edge_index.shape[1]
    eh = e // 2
    xp = jnp.pad(x, ((0, NPAD - n), (0, 0)))
    src = edge_index[0]
    dst = edge_index[1]

    ones = jnp.ones((80, 16), jnp.float32)
    hist = _degree_pass(dst, ones, jnp.zeros((NPAD, 16), jnp.float32))
    hist = hist.reshape(2, NPAD, 16)

    fill_h = jnp.full(((EPH - eh),), NPAD - 1, jnp.int32)
    src_es = jnp.concatenate(
        [src[:eh], fill_h, src[eh:], fill_h]).reshape(-1, 128)
    dst_es = jnp.concatenate(
        [dst[:eh], fill_h, dst[eh:], fill_h]).reshape(-1, 128)

    z128 = jnp.zeros((NPAD, 128), jnp.float32)

    t1 = _scale_x(xp, hist)
    acc1 = _edge_pass(src_es, dst_es, t1, z128, 128, EPH,
                      "sc_edge1").reshape(2, NPAD, 128)
    s2 = _l1_combine(acc1, t1, hist, b1.reshape(1, -1),
                     W1, W2)
    acc2 = _edge_pass(src_es, dst_es, s2, z128, 128, EPH,
                      "sc_edge2").reshape(2, NPAD, 128)
    s3 = _combine_mm_scale(acc2, s2, hist, b2.reshape(1, -1), W3,
                           False, "tc_mm3")
    acc3 = _edge_pass(src_es, dst_es, s3,
                      jnp.zeros((NPAD, 32), jnp.float32), 32, EPH,
                      "sc_edge3").reshape(2, NPAD, 32)
    out = _readout(acc3, s3, hist, b3.reshape(1, -1),
                   bih.reshape(1, -1), bhh.reshape(1, -1),
                   L1w, L1b.reshape(1, -1), L2w, L2b.reshape(1, -1),
                   L3w, L3b.reshape(1, -1), L4w, L4b.reshape(1, -1))
    return out.reshape(-1)

# --- scband reference (transcript-rebuilt; emitter-appended) ---
"""Pipeline reference for scband-net-43061342110447 (READ-ONLY COPY).

The authoritative reference and input builder live on the scoring server;
editing this copy changes nothing except your own understanding.
"""

import jax, jax.numpy as jnp
import numpy as np

N_NODES = 10000
N_EDGES = 320000
D_FEAT = 128


def _w(k, shape):
    return jax.random.normal(k, shape, dtype=jnp.float32) * 0.05


def setup_inputs(seed: int = 0) -> dict:
    key = jax.random.key(seed)
    ks = jax.random.split(key, 24)
    inp = {}
    inp["x"] = jax.random.normal(ks[0], (N_NODES, D_FEAT), dtype=jnp.float32)
    inp["edge_index"] = jax.random.randint(ks[1], (2, N_EDGES), 0, N_NODES, dtype=jnp.int32)
    # GCNConv weights (in, out) + bias
    inp["W1"] = _w(ks[2], (D_FEAT, 256)); inp["b1"] = jnp.zeros((256,), jnp.float32)
    inp["W2"] = _w(ks[3], (256, 128));   inp["b2"] = jnp.zeros((128,), jnp.float32)
    inp["W3"] = _w(ks[4], (128, 32));    inp["b3"] = jnp.zeros((32,), jnp.float32)
    # Set2Set LSTM: input=2*32, hidden=32, gates i,f,g,o (torch order)
    inp["Wih"] = _w(ks[5], (4 * 32, 64))
    inp["Whh"] = _w(ks[6], (4 * 32, 32))
    inp["bih"] = jnp.zeros((4 * 32,), jnp.float32)
    inp["bhh"] = jnp.zeros((4 * 32,), jnp.float32)
    # MLP head
    inp["L1w"] = _w(ks[7], (64, 256));  inp["L1b"] = jnp.zeros((256,), jnp.float32)
    inp["L2w"] = _w(ks[8], (256, 128)); inp["L2b"] = jnp.zeros((128,), jnp.float32)
    inp["L3w"] = _w(ks[9], (128, 32));  inp["L3b"] = jnp.zeros((32,), jnp.float32)
    inp["L4w"] = _w(ks[10], (32, 1));   inp["L4b"] = jnp.zeros((1,), jnp.float32)
    return inp


def _gcn_conv(x, edge_index, W, b):
    # GCNConv with add_self_loops=True and symmetric normalization
    n = x.shape[0]
    xw = x @ W
    loop = jnp.arange(n, dtype=edge_index.dtype)
    src = jnp.concatenate([edge_index[0], loop])
    dst = jnp.concatenate([edge_index[1], loop])
    deg = jnp.zeros((n,), dtype=xw.dtype).at[dst].add(1.0)
    dinv = jnp.where(deg > 0, jax.lax.rsqrt(jnp.maximum(deg, 1e-12)), 0.0)
    norm = dinv[src] * dinv[dst]
    out = jnp.zeros_like(xw).at[dst].add(xw[src] * norm[:, None])
    return out + b


def _set2set(x, Wih, Whh, bih, bhh):
    # Set2Set with processing_steps=1, single graph (batch all zeros -> B=1)
    d = x.shape[1]
    q_star = jnp.zeros((1, 2 * d), dtype=x.dtype)
    h = jnp.zeros((1, d), dtype=x.dtype)
    c = jnp.zeros((1, d), dtype=x.dtype)
    gates = q_star @ Wih.T + bih + h @ Whh.T + bhh
    i, f, g, o = jnp.split(gates, 4, axis=1)
    i = jax.nn.sigmoid(i); f = jax.nn.sigmoid(f)
    g = jnp.tanh(g); o = jax.nn.sigmoid(o)
    c = f * c + i * g
    h = o * jnp.tanh(c)
    q = h  # (1, d)
    e = jnp.sum(x * q, axis=-1)  # (N,)
    a = jax.nn.softmax(e)
    r = jnp.sum(a[:, None] * x, axis=0, keepdims=True)  # (1, d)
    q_star = jnp.concatenate([q, r], axis=1)  # (1, 2d)
    return q_star


def reference(x, edge_index, W1, b1, W2, b2, W3, b3, Wih, Whh, bih, bhh,
              L1w, L1b, L2w, L2b, L3w, L3b, L4w, L4b):
    h = jax.nn.relu(_gcn_conv(x, edge_index, W1, b1))
    h = _gcn_conv(h, edge_index, W2, b2)
    h = _gcn_conv(h, edge_index, W3, b3)
    h = _set2set(h, Wih, Whh, bih, bhh)
    h = jax.nn.relu(h @ L1w + L1b)
    h = h @ L2w + L2b
    h = h @ L3w + L3b
    h = h @ L4w + L4b
    return h.reshape(-1)

if __name__ == "__main__":
    import jax
    _d = setup_inputs()
    print(jax.jit(kernel)(*tuple(_d.values())))

</pallas_src>

<mosaic_0001>
#map = affine_map<(d0, d1) -> (0, 0)>
module attributes {stable_mosaic.version = 14 : i64} {
  func.func @sc_edge3(%arg0: i32, %arg1: i32, %arg2: memref<2560x128xi32, #tpu.memory_space<hbm>>, %arg3: memref<2560x128xi32, #tpu.memory_space<hbm>>, %arg4: memref<10240x32xf32, #tpu.memory_space<hbm>>, %arg5: memref<10240x32xf32, #tpu.memory_space<hbm>>, %arg6: memref<20480x32xf32, #tpu.memory_space<hbm>>, %arg7: memref<16x128xi32, #tpu.memory_space<vmem>>, %arg8: memref<16x128xi32, #tpu.memory_space<vmem>>, %arg9: memref<128x32xf32, #tpu.memory_space<vmem>>, %arg10: memref<128x32xf32, #tpu.memory_space<vmem>>, %arg11: memref<128x32xf32, #tpu.memory_space<vmem>>, %arg12: memref<128x32xf32, #tpu.memory_space<vmem>>, %arg13: memref<10240x32xf32, #tpu.memory_space<vmem_shared>>, %arg14: memref<!tpu.dma_semaphore, #tpu.memory_space<semaphore_mem>>, %arg15: memref<!tpu.dma_semaphore, #tpu.memory_space<semaphore_mem>>, %arg16: memref<!tpu.dma_semaphore, #tpu.memory_space<semaphore_mem>>, %arg17: memref<!tpu.dma_semaphore, #tpu.memory_space<semaphore_mem>>, %arg18: memref<!tpu.dma_semaphore, #tpu.memory_space<semaphore_mem>>, %arg19: memref<!tpu.dma_semaphore, #tpu.memory_space<semaphore_mem>>, %arg20: memref<!tpu.dma_semaphore, #tpu.memory_space<semaphore_mem>>, %arg21: memref<!tpu.dma_semaphore, #tpu.memory_space<semaphore_mem>>) attributes {dimension_semantics = [#tpu.dimension_semantics<core_parallel>, #tpu.dimension_semantics<subcore_parallel>], iteration_bounds = array<i64: 2, 16>, scalar_prefetch = 0 : i64, scratch_operands = 15 : i64, tpu.core_type = #tpu.core_type<sc_vector_subcore>, window_params = [{transform_indices = #map}, {transform_indices = #map}, {transform_indices = #map}, {transform_indices = #map}, {transform_indices = #map}]} {
    %mul3A = arith.constant 640 : i32
    %mul3A_0 = arith.muli %arg1, %mul3A : i32
    %mul3A_1 = arith.constant 640 : i32
    %mul3A_2 = arith.muli %arg1, %mul3A_1 : i32
    "tpu.region"() ({
      %run_scoped3A = tpu.sem_alloc : memref<!tpu.dma_semaphore, #tpu.memory_space<semaphore_mem>>
      %dma_start3A = arith.constant 0 : i32
      %dma_start3A_36 = tpu.memref_slice %arg13[%mul3A_2, %dma_start3A] : memref<10240x32xf32, #tpu.memory_space<vmem_shared>> -> memref<640x32xf32, #tpu.memory_space<vmem_shared>>
      %dma_start3A_37 = arith.constant 0 : i32
      %dma_start3A_38 = tpu.memref_slice %arg5[%mul3A_0, %dma_start3A_37] : memref<10240x32xf32, #tpu.memory_space<hbm>> -> memref<640x32xf32, #tpu.memory_space<hbm>>
      tpu.enqueue_dma source(%dma_start3A_38 : memref<640x32xf32, #tpu.memory_space<hbm>>) target(%dma_start3A_36 : memref<640x32xf32, #tpu.memory_space<vmem_shared>>) target_semaphore(%run_scoped3A : memref<!tpu.dma_semaphore, #tpu.memory_space<semaphore_mem>>)
      %dma_wait3A = arith.constant 0 : i32
      %dma_wait3A_39 = tpu.memref_slice %arg13[%mul3A_2, %dma_wait3A] : memref<10240x32xf32, #tpu.memory_space<vmem_shared>> -> memref<640x32xf32, #tpu.memory_space<vmem_shared>>
      %dma_wait3A_40 = arith.constant 0 : i32
      %dma_wait3A_41 = tpu.memref_slice %arg5[%mul3A_0, %dma_wait3A_40] : memref<10240x32xf32, #tpu.memory_space<hbm>> -> memref<640x32xf32, #tpu.memory_space<hbm>>
      tpu.wait_dma2 semaphore(%run_scoped3A : memref<!tpu.dma_semaphore, #tpu.memory_space<semaphore_mem>>) src(%dma_wait3A_41 : memref<640x32xf32, #tpu.memory_space<hbm>>) dst(%dma_wait3A_39 : memref<640x32xf32, #tpu.memory_space<vmem_shared>>)
      tpu.yield
    }) : () -> ()
    %barrier3A = arith.constant 0 : index
    tpu.barrier barrier_id(%barrier3A)
    %mul3A_3 = arith.constant 163840 : i32
    %mul3A_4 = arith.muli %arg0, %mul3A_3 : i32
    %mul3A_5 = arith.constant 10240 : i32
    %mul3A_6 = arith.muli %arg1, %mul3A_5 : i32
    %add3A = arith.addi %mul3A_4, %mul3A_6 : i32
    %jit3A = arith.constant 128 : i32
    %div3A = arith.divsi %add3A, %jit3A : i32
    %sign3A = arith.constant 0 : i32
    %sign3A_7 = arith.cmpi sgt, %add3A, %sign3A : i32
    %sign3A_8 = arith.extui %sign3A_7 : i1 to i32
    %sign3A_9 = arith.constant 0 : i32
    %sign3A_10 = arith.cmpi slt, %add3A, %sign3A_9 : i32
    %sign3A_11 = arith.extui %sign3A_10 : i1 to i32
    %sign3A_12 = arith.subi %sign3A_8, %sign3A_11 : i32
    %sign3A_13 = arith.constant 0 : i32
    %sign3A_14 = arith.cmpi sgt, %jit3A, %sign3A_13 : i32
    %sign3A_15 = arith.extui %sign3A_14 : i1 to i32
    %sign3A_16 = arith.constant 0 : i32
    %sign3A_17 = arith.cmpi slt, %jit3A, %sign3A_16 : i32
    %sign3A_18 = arith.extui %sign3A_17 : i1 to i32
    %sign3A_19 = arith.subi %sign3A_15, %sign3A_18 : i32
    %ne3A = arith.cmpi ne, %sign3A_12, %sign3A_19 : i32
    %rem3A = arith.remsi %add3A, %jit3A : i32
    %ne3A_20 = arith.constant 0 : i32
    %ne3A_21 = arith.cmpi ne, %rem3A, %ne3A_20 : i32
    %and3A = arith.andi %ne3A, %ne3A_21 : i1
    %sub3A = arith.constant 1 : i32
    %sub3A_22 = arith.subi %div3A, %sub3A : i32
    %select_n3A = arith.select %and3A, %sub3A_22, %div3A : i32
    %scan3A = arith.constant 0 : i32
    %scan3A_23 = arith.constant 0 : i32
    %scan3A_24 = arith.constant 5 : i32
    %scan3A_25 = arith.addi %scan3A_23, %scan3A_24 : i32
    %scan3A_26 = arith.constant 1 : i32
    scf.for %scan3A_36 = %scan3A_23 to %scan3A_25 step %scan3A_26  : i32 {
      %mul3A_37 = arith.constant 16 : i32
      %mul3A_38 = arith.muli %scan3A_36, %mul3A_37 : i32
      %add3A_39 = arith.addi %select_n3A, %mul3A_38 : i32
      "tpu.region"() ({
        %run_scoped3A = tpu.sem_alloc : memref<!tpu.dma_semaphore, #tpu.memory_space<semaphore_mem>>
        %dma_start3A_489 = arith.constant 0 : i32
        %dma_start3A_490 = tpu.memref_slice %arg2[%add3A_39, %dma_start3A_489] : memref<2560x128xi32, #tpu.memory_space<hbm>> -> memref<16x128xi32, #tpu.memory_space<hbm>>
        %dma_start3A_491 = arith.constant 0 : i32
        %dma_start3A_492 = tpu.memref_slice %arg2[%add3A_39, %dma_start3A_491] : memref<2560x128xi32, #tpu.memory_space<hbm>> -> memref<16x128xi32, #tpu.memory_space<hbm>>
        tpu.enqueue_dma source(%dma_start3A_492 : memref<16x128xi32, #tpu.memory_space<hbm>>) target(%arg7 : memref<16x128xi32, #tpu.memory_space<vmem>>) target_semaphore(%run_scoped3A : memref<!tpu.dma_semaphore, #tpu.memory_space<semaphore_mem>>)
        %dma_wait3A_493 = arith.constant 0 : i32
        %dma_wait3A_494 = tpu.memref_slice %arg2[%add3A_39, %dma_wait3A_493] : memref<2560x128xi32, #tpu.memory_space<hbm>> -> memref<16x128xi32, #tpu.memory_space<hbm>>
        %dma_wait3A_495 = arith.constant 0 : i32
        %dma_wait3A_496 = tpu.memref_slice %arg2[%add3A_39, %dma_wait3A_495] : memref<2560x128xi32, #tpu.memory_space<hbm>> -> memref<16x128xi32, #tpu.memory_space<hbm>>
        tpu.wait_dma2 semaphore(%run_scoped3A : memref<!tpu.dma_semaphore, #tpu.memory_space<semaphore_mem>>) src(%dma_wait3A_496 : memref<16x128xi32, #tpu.memory_space<hbm>>) dst(%arg7 : memref<16x128xi32, #tpu.memory_space<vmem>>)
        tpu.yield
      }) : () -> ()
      %mul3A_40 = arith.constant 16 : i32
      %mul3A_41 = arith.muli %scan3A_36, %mul3A_40 : i32
      %add3A_42 = arith.addi %select_n3A, %mul3A_41 : i32
      "tpu.region"() ({
        %run_scoped3A = tpu.sem_alloc : memref<!tpu.dma_semaphore, #tpu.memory_space<semaphore_mem>>
        %dma_start3A_489 = arith.constant 0 : i32
        %dma_start3A_490 = tpu.memref_slice %arg3[%add3A_42, %dma_start3A_489] : memref<2560x128xi32, #tpu.memory_space<hbm>> -> memref<16x128xi32, #tpu.memory_space<hbm>>
        %dma_start3A_491 = arith.constant 0 : i32
        %dma_start3A_492 = tpu.memref_slice %arg3[%add3A_42, %dma_start3A_491] : memref<2560x128xi32, #tpu.memory_space<hbm>> -> memref<16x128xi32, #tpu.memory_space<hbm>>
        tpu.enqueue_dma source(%dma_start3A_492 : memref<16x128xi32, #tpu.memory_space<hbm>>) target(%arg8 : memref<16x128xi32, #tpu.memory_space<vmem>>) target_semaphore(%run_scoped3A : memref<!tpu.dma_semaphore, #tpu.memory_space<semaphore_mem>>)
        %dma_wait3A_493 = arith.constant 0 : i32
        %dma_wait3A_494 = tpu.memref_slice %arg3[%add3A_42, %dma_wait3A_493] : memref<2560x128xi32, #tpu.memory_space<hbm>> -> memref<16x128xi32, #tpu.memory_space<hbm>>
        %dma_wait3A_495 = arith.constant 0 : i32
        %dma_wait3A_496 = tpu.memref_slice %arg3[%add3A_42, %dma_wait3A_495] : memref<2560x128xi32, #tpu.memory_space<hbm>> -> memref<16x128xi32, #tpu.memory_space<hbm>>
        tpu.wait_dma2 semaphore(%run_scoped3A : memref<!tpu.dma_semaphore, #tpu.memory_space<semaphore_mem>>) src(%dma_wait3A_496 : memref<16x128xi32, #tpu.memory_space<hbm>>) dst(%arg8 : memref<16x128xi32, #tpu.memory_space<vmem>>)
        tpu.yield
      }) : () -> ()
      %dma_start3A = arith.constant 0 : i32
      %dma_start3A_43 = arith.constant 0 : i32
      %dma_start3A_44 = tpu.memref_slice %arg7[%dma_start3A, %dma_start3A_43] : memref<16x128xi32, #tpu.memory_space<vmem>> -> memref<1x128xi32, #tpu.memory_space<vmem>>
      %dma_start3A_45 = tpu.memref_squeeze %dma_start3A_44 : memref<1x128xi32, #tpu.memory_space<vmem>> -> memref<128xi32, #tpu.memory_space<vmem>>
      %dma_start3A_46 = arith.constant 0 : i32
      %dma_start3A_47 = arith.constant 0 : i32
      %dma_start3A_48 = tpu.memref_slice %arg4[%dma_start3A_46, %dma_start3A_47] : memref<10240x32xf32, #tpu.memory_space<hbm>> -> memref<10240x32xf32, #tpu.memory_space<hbm>>
      tpu.enqueue_indirect_dma source(%dma_start3A_48 : memref<10240x32xf32, #tpu.memory_space<hbm>>) target(%arg9 : memref<128x32xf32, #tpu.memory_space<vmem>>) offsets(%dma_start3A_45 : memref<128xi32, #tpu.memory_space<vmem>>) semaphore(%arg14 : memref<!tpu.dma_semaphore, #tpu.memory_space<semaphore_mem>>)
      %dma_start3A_49 = arith.constant 1 : i32
      %dma_start3A_50 = arith.constant 0 : i32
      %dma_start3A_51 = tpu.memref_slice %arg7[%dma_start3A_49, %dma_start3A_50] : memref<16x128xi32, #tpu.memory_space<vmem>> -> memref<1x128xi32, #tpu.memory_space<vmem>>
      %dma_start3A_52 = tpu.memref_squeeze %dma_start3A_51 : memref<1x128xi32, #tpu.memory_space<vmem>> -> memref<128xi32, #tpu.memory_space<vmem>>
      %dma_start3A_53 = arith.constant 0 : i32
      %dma_start3A_54 = arith.constant 0 : i32
      %dma_start3A_55 = tpu.memref_slice %arg4[%dma_start3A_53, %dma_start3A_54] : memref<10240x32xf32, #tpu.memory_space<hbm>> -> memref<10240x32xf32, #tpu.memory_space<hbm>>
      tpu.enqueue_indirect_dma source(%dma_start3A_55 : memref<10240x32xf32, #tpu.memory_space<hbm>>) target(%arg10 : memref<128x32xf32, #tpu.memory_space<vmem>>) offsets(%dma_start3A_52 : memref<128xi32, #tpu.memory_space<vmem>>) semaphore(%arg15 : memref<!tpu.dma_semaphore, #tpu.memory_space<semaphore_mem>>)
      %dma_wait3A = arith.constant 0 : i32
      %dma_wait3A_56 = arith.constant 0 : i32
      %dma_wait3A_57 = tpu.memref_slice %arg7[%dma_wait3A, %dma_wait3A_56] : memref<16x128xi32, #tpu.memory_space<vmem>> -> memref<1x128xi32, #tpu.memory_space<vmem>>
      %dma_wait3A_58 = tpu.memref_squeeze %dma_wait3A_57 : memref<1x128xi32, #tpu.memory_space<vmem>> -> memref<128xi32, #tpu.memory_space<vmem>>
      %dma_wait3A_59 = arith.constant 0 : i32
      %dma_wait3A_60 = arith.constant 0 : i32
      %dma_wait3A_61 = tpu.memref_slice %arg4[%dma_wait3A_59, %dma_wait3A_60] : memref<10240x32xf32, #tpu.memory_space<hbm>> -> memref<10240x32xf32, #tpu.memory_space<hbm>>
      tpu.wait_indirect_dma semaphore(%arg14 : memref<!tpu.dma_semaphore, #tpu.memory_space<semaphore_mem>>) src(%dma_wait3A_61 : memref<10240x32xf32, #tpu.memory_space<hbm>>) dst(%arg9 : memref<128x32xf32, #tpu.memory_space<vmem>>)
      %dma_start3A_62 = arith.constant 0 : i32
      %dma_start3A_63 = arith.constant 0 : i32
      %dma_start3A_64 = tpu.memref_slice %arg8[%dma_start3A_62, %dma_start3A_63] : memref<16x128xi32, #tpu.memory_space<vmem>> -> memref<1x128xi32, #tpu.memory_space<vmem>>
      %dma_start3A_65 = tpu.memref_squeeze %dma_start3A_64 : memref<1x128xi32, #tpu.memory_space<vmem>> -> memref<128xi32, #tpu.memory_space<vmem>>
      %dma_start3A_66 = arith.constant 0 : i32
      %dma_start3A_67 = arith.constant 0 : i32
      %dma_start3A_68 = tpu.memref_slice %arg13[%dma_start3A_66, %dma_start3A_67] : memref<10240x32xf32, #tpu.memory_space<vmem_shared>> -> memref<10240x32xf32, #tpu.memory_space<vmem_shared>>
      tpu.enqueue_indirect_dma source(%arg9 : memref<128x32xf32, #tpu.memory_space<vmem>>) target(%dma_start3A_68 : memref<10240x32xf32, #tpu.memory_space<vmem_shared>>) offsets(%dma_start3A_65 : memref<128xi32, #tpu.memory_space<vmem>>) semaphore(%arg18 : memref<!tpu.dma_semaphore, #tpu.memory_space<semaphore_mem>>) {add = true}
      %dma_start3A_69 = arith.constant 2 : i32
      %dma_start3A_70 = arith.constant 0 : i32
      %dma_start3A_71 = tpu.memref_slice %arg7[%dma_start3A_69, %dma_start3A_70] : memref<16x128xi32, #tpu.memory_space<vmem>> -> memref<1x128xi32, #tpu.memory_space<vmem>>
      %dma_start3A_72 = tpu.memref_squeeze %dma_start3A_71 : memref<1x128xi32, #tpu.memory_space<vmem>> -> memref<128xi32, #tpu.memory_space<vmem>>
      %dma_start3A_73 = arith.constant 0 : i32
      %dma_start3A_74 = arith.constant 0 : i32
      %dma_start3A_75 = tpu.memref_slice %arg4[%dma_start3A_73, %dma_start3A_74] : memref<10240x32xf32, #tpu.memory_space<hbm>> -> memref<10240x32xf32, #tpu.memory_space<hbm>>
      tpu.enqueue_indirect_dma source(%dma_start3A_75 : memref<10240x32xf32, #tpu.memory_space<hbm>>) target(%arg11 : memref<128x32xf32, #tpu.memory_space<vmem>>) offsets(%dma_start3A_72 : memref<128xi32, #tpu.memory_space<vmem>>) semaphore(%arg16 : memref<!tpu.dma_semaphore, #tpu.memory_space<semaphore_mem>>)
      %dma_wait3A_76 = arith.constant 1 : i32
      %dma_wait3A_77 = arith.constant 0 : i32
      %dma_wait3A_78 = tpu.memref_slice %arg7[%dma_wait3A_76, %dma_wait3A_77] : memref<16x128xi32, #tpu.memory_space<vmem>> -> memref<1x128xi32, #tpu.memory_space<vmem>>
      %dma_wait3A_79 = tpu.memref_squeeze %dma_wait3A_78 : memref<1x128xi32, #tpu.memory_space<vmem>> -> memref<128xi32, #tpu.memory_space<vmem>>
      %dma_wait3A_80 = arith.constant 0 : i32
      %dma_wait3A_81 = arith.constant 0 : i32
      %dma_wait3A_82 = tpu.memref_slice %arg4[%dma_wait3A_80, %dma_wait3A_81] : memref<10240x32xf32, #tpu.memory_space<hbm>> -> memref<10240x32xf32, #tpu.memory_space<hbm>>
      tpu.wait_indirect_dma semaphore(%arg15 : memref<!tpu.dma_semaphore, #tpu.memory_space<semaphore_mem>>) src(%dma_wait3A_82 : memref<10240x32xf32, #tpu.memory_space<hbm>>) dst(%arg10 : memref<128x32xf32, #tpu.memory_space<vmem>>)
      %dma_start3A_83 = arith.constant 1 : i32
      %dma_start3A_84 = arith.constant 0 : i32
      %dma_start3A_85 = tpu.memref_slice %arg8[%dma_start3A_83, %dma_start3A_84] : memref<16x128xi32, #tpu.memory_space<vmem>> -> memref<1x128xi32, #tpu.memory_space<vmem>>
      %dma_start3A_86 = tpu.memref_squeeze %dma_start3A_85 : memref<1x128xi32, #tpu.memory_space<vmem>> -> memref<128xi32, #tpu.memory_space<vmem>>
      %dma_start3A_87 = arith.constant 0 : i32
      %dma_start3A_88 = arith.constant 0 : i32
      %dma_start3A_89 = tpu.memref_slice %arg13[%dma_start3A_87, %dma_start3A_88] : memref<10240x32xf32, #tpu.memory_space<vmem_shared>> -> memref<10240x32xf32, #tpu.memory_space<vmem_shared>>
      tpu.enqueue_indirect_dma source(%arg10 : memref<128x32xf32, #tpu.memory_space<vmem>>) target(%dma_start3A_89 : memref<10240x32xf32, #tpu.memory_space<vmem_shared>>) offsets(%dma_start3A_86 : memref<128xi32, #tpu.memory_space<vmem>>) semaphore(%arg19 : memref<!tpu.dma_semaphore, #tpu.memory_space<semaphore_mem>>) {add = true}
      %dma_start3A_90 = arith.constant 3 : i32
      %dma_start3A_91 = arith.constant 0 : i32
      %dma_start3A_92 = tpu.memref_slice %arg7[%dma_start3A_90, %dma_start3A_91] : memref<16x128xi32, #tpu.memory_space<vmem>> -> memref<1x128xi32, #tpu.memory_space<vmem>>
      %dma_start3A_93 = tpu.memref_squeeze %dma_start3A_92 : memref<1x128xi32, #tpu.memory_space<vmem>> -> memref<128xi32, #tpu.memory_space<vmem>>
      %dma_start3A_94 = arith.constant 0 : i32
      %dma_start3A_95 = arith.constant 0 : i32
      %dma_start3A_96 = tpu.memref_slice %arg4[%dma_start3A_94, %dma_start3A_95] : memref<10240x32xf32, #tpu.memory_space<hbm>> -> memref<10240x32xf32, #tpu.memory_space<hbm>>
      tpu.enqueue_indirect_dma source(%dma_start3A_96 : memref<10240x32xf32, #tpu.memory_space<hbm>>) target(%arg12 : memref<128x32xf32, #tpu.memory_space<vmem>>) offsets(%dma_start3A_93 : memref<128xi32, #tpu.memory_space<vmem>>) semaphore(%arg17 : memref<!tpu.dma_semaphore, #tpu.memory_space<semaphore_mem>>)
      %dma_wait3A_97 = arith.constant 2 : i32
      %dma_wait3A_98 = arith.constant 0 : i32
      %dma_wait3A_99 = tpu.memref_slice %arg7[%dma_wait3A_97, %dma_wait3A_98] : memref<16x128xi32, #tpu.memory_space<vmem>> -> memref<1x128xi32, #tpu.memory_space<vmem>>
      %dma_wait3A_100 = tpu.memref_squeeze %dma_wait3A_99 : memref<1x128xi32, #tpu.memory_space<vmem>> -> memref<128xi32, #tpu.memory_space<vmem>>
      %dma_wait3A_101 = arith.constant 0 : i32
      %dma_wait3A_102 = arith.constant 0 : i32
      %dma_wait3A_103 = tpu.memref_slice %arg4[%dma_wait3A_101, %dma_wait3A_102] : memref<10240x32xf32, #tpu.memory_space<hbm>> -> memref<10240x32xf32, #tpu.memory_space<hbm>>
      tpu.wait_indirect_dma semaphore(%arg16 : memref<!tpu.dma_semaphore, #tpu.memory_space<semaphore_mem>>) src(%dma_wait3A_103 : memref<10240x32xf32, #tpu.memory_space<hbm>>) dst(%arg11 : memref<128x32xf32, #tpu.memory_space<vmem>>)
      %dma_start3A_104 = arith.constant 2 : i32
      %dma_start3A_105 = arith.constant 0 : i32
      %dma_start3A_106 = tpu.memref_slice %arg8[%dma_start3A_104, %dma_start3A_105] : memref<16x128xi32, #tpu.memory_space<vmem>> -> memref<1x128xi32, #tpu.memory_space<vmem>>
      %dma_start3A_107 = tpu.memref_squeeze %dma_start3A_106 : memref<1x128xi32, #tpu.memory_space<vmem>> -> memref<128xi32, #tpu.memory_space<vmem>>
      %dma_start3A_108 = arith.constant 0 : i32
      %dma_start3A_109 = arith.constant 0 : i32
      %dma_start3A_110 = tpu.memref_slice %arg13[%dma_start3A_108, %dma_start3A_109] : memref<10240x32xf32, #tpu.memory_space<vmem_shared>> -> memref<10240x32xf32, #tpu.memory_space<vmem_shared>>
      tpu.enqueue_indirect_dma source(%arg11 : memref<128x32xf32, #tpu.memory_space<vmem>>) target(%dma_start3A_110 : memref<10240x32xf32, #tpu.memory_space<vmem_shared>>) offsets(%dma_start3A_107 : memref<128xi32, #tpu.memory_space<vmem>>) semaphore(%arg20 : memref<!tpu.dma_semaphore, #tpu.memory_space<semaphore_mem>>) {add = true}
      %dma_wait3A_111 = arith.constant 0 : i32
      %dma_wait3A_112 = arith.constant 0 : i32
      %dma_wait3A_113 = tpu.memref_slice %arg8[%dma_wait3A_111, %dma_wait3A_112] : memref<16x128xi32, #tpu.memory_space<vmem>> -> memref<1x128xi32, #tpu.memory_space<vmem>>
      %dma_wait3A_114 = tpu.memref_squeeze %dma_wait3A_113 : memref<1x128xi32, #tpu.memory_space<vmem>> -> memref<128xi32, #tpu.memory_space<vmem>>
      %dma_wait3A_115 = arith.constant 0 : i32
      %dma_wait3A_116 = arith.constant 0 : i32
      %dma_wait3A_117 = tpu.memref_slice %arg13[%dma_wait3A_115, %dma_wait3A_116] : memref<10240x32xf32, #tpu.memory_space<vmem_shared>> -> memref<10240x32xf32, #tpu.memory_space<vmem_shared>>
      tpu.wait_indirect_dma semaphore(%arg18 : memref<!tpu.dma_semaphore, #tpu.memory_space<semaphore_mem>>) src(%arg9 : memref<128x32xf32, #tpu.memory_space<vmem>>) dst(%dma_wait3A_117 : memref<10240x32xf32, #tpu.memory_space<vmem_shared>>)
      %dma_start3A_118 = arith.constant 4 : i32
      %dma_start3A_119 = arith.constant 0 : i32
      %dma_start3A_120 = tpu.memref_slice %arg7[%dma_start3A_118, %dma_start3A_119] : memref<16x128xi32, #tpu.memory_space<vmem>> -> memref<1x128xi32, #tpu.memory_space<vmem>>
      %dma_start3A_121 = tpu.memref_squeeze %dma_start3A_120 : memref<1x128xi32, #tpu.memory_space<vmem>> -> memref<128xi32, #tpu.memory_space<vmem>>
      %dma_start3A_122 = arith.constant 0 : i32
      %dma_start3A_123 = arith.constant 0 : i32
      %dma_start3A_124 = tpu.memref_slice %arg4[%dma_start3A_122, %dma_start3A_123] : memref<10240x32xf32, #tpu.memory_space<hbm>> -> memref<10240x32xf32, #tpu.memory_space<hbm>>
      tpu.enqueue_indirect_dma source(%dma_start3A_124 : memref<10240x32xf32, #tpu.memory_space<hbm>>) target(%arg9 : memref<128x32xf32, #tpu.memory_space<vmem>>) offsets(%dma_start3A_121 : memref<128xi32, #tpu.memory_space<vmem>>) semaphore(%arg14 : memref<!tpu.dma_semaphore, #tpu.memory_space<semaphore_mem>>)
      %dma_wait3A_125 = arith.constant 3 : i32
      %dma_wait3A_126 = arith.constant 0 : i32
      %dma_wait3A_127 = tpu.memref_slice %arg7[%dma_wait3A_125, %dma_wait3A_126] : memref<16x128xi32, #tpu.memory_space<vmem>> -> memref<1x128xi32, #tpu.memory_space<vmem>>
      %dma_wait3A_128 = tpu.memref_squeeze %dma_wait3A_127 : memref<1x128xi32, #tpu.memory_space<vmem>> -> memref<128xi32, #tpu.memory_space<vmem>>
      %dma_wait3A_129 = arith.constant 0 : i32
      %dma_wait3A_130 = arith.constant 0 : i32
      %dma_wait3A_131 = tpu.memref_slice %arg4[%dma_wait3A_129, %dma_wait3A_130] : memref<10240x32xf32, #tpu.memory_space<hbm>> -> memref<10240x32xf32, #tpu.memory_space<hbm>>
      tpu.wait_indirect_dma semaphore(%arg17 : memref<!tpu.dma_semaphore, #tpu.memory_space<semaphore_mem>>) src(%dma_wait3A_131 : memref<10240x32xf32, #tpu.memory_space<hbm>>) dst(%arg12 : memref<128x32xf32, #tpu.memory_space<vmem>>)
      %dma_start3A_132 = arith.constant 3 : i32
      %dma_start3A_133 = arith.constant 0 : i32
      %dma_start3A_134 = tpu.memref_slice %arg8[%dma_start3A_132, %dma_start3A_133] : memref<16x128xi32, #tpu.memory_space<vmem>> -> memref<1x128xi32, #tpu.memory_space<vmem>>
      %dma_start3A_135 = tpu.memref_squeeze %dma_start3A_134 : memref<1x128xi32, #tpu.memory_space<vmem>> -> memref<128xi32, #tpu.memory_space<vmem>>
      %dma_start3A_136 = arith.constant 0 : i32
      %dma_start3A_137 = arith.constant 0 : i32
      %dma_start3A_138 = tpu.memref_slice %arg13[%dma_start3A_136, %dma_start3A_137] : memref<10240x32xf32, #tpu.memory_space<vmem_shared>> -> memref<10240x32xf32, #tpu.memory_space<vmem_shared>>
      tpu.enqueue_indirect_dma source(%arg12 : memref<128x32xf32, #tpu.memory_space<vmem>>) target(%dma_start3A_138 : memref<10240x32xf32, #tpu.memory_space<vmem_shared>>) offsets(%dma_start3A_135 : memref<128xi32, #tpu.memory_space<vmem>>) semaphore(%arg21 : memref<!tpu.dma_semaphore, #tpu.memory_space<semaphore_mem>>) {add = true}
      %dma_wait3A_139 = arith.constant 1 : i32
      %dma_wait3A_140 = arith.constant 0 : i32
      %dma_wait3A_141 = tpu.memref_slice %arg8[%dma_wait3A_139, %dma_wait3A_140] : memref<16x128xi32, #tpu.memory_space<vmem>> -> memref<1x128xi32, #tpu.memory_space<vmem>>
      %dma_wait3A_142 = tpu.memref_squeeze %dma_wait3A_141 : memref<1x128xi32, #tpu.memory_space<vmem>> -> memref<128xi32, #tpu.memory_space<vmem>>
      %dma_wait3A_143 = arith.constant 0 : i32
      %dma_wait3A_144 = arith.constant 0 : i32
      %dma_wait3A_145 = tpu.memref_slice %arg13[%dma_wait3A_143, %dma_wait3A_144] : memref<10240x32xf32, #tpu.memory_space<vmem_shared>> -> memref<10240x32xf32, #tpu.memory_space<vmem_shared>>
      tpu.wait_indirect_dma semaphore(%arg19 : memref<!tpu.dma_semaphore, #tpu.memory_space<semaphore_mem>>) src(%arg10 : memref<128x32xf32, #tpu.memory_space<vmem>>) dst(%dma_wait3A_145 : memref<10240x32xf32, #tpu.memory_space<vmem_shared>>)
      %dma_start3A_146 = arith.constant 5 : i32
      %dma_start3A_147 = arith.constant 0 : i32
      %dma_start3A_148 = tpu.memref_slice %arg7[%dma_start3A_146, %dma_start3A_147] : memref<16x128xi32, #tpu.memory_space<vmem>> -> memref<1x128xi32, #tpu.memory_space<vmem>>
      %dma_start3A_149 = tpu.memref_squeeze %dma_start3A_148 : memref<1x128xi32, #tpu.memory_space<vmem>> -> memref<128xi32, #tpu.memory_space<vmem>>
      %dma_start3A_150 = arith.constant 0 : i32
      %dma_start3A_151 = arith.constant 0 : i32
      %dma_start3A_152 = tpu.memref_slice %arg4[%dma_start3A_150, %dma_start3A_151] : memref<10240x32xf32, #tpu.memory_space<hbm>> -> memref<10240x32xf32, #tpu.memory_space<hbm>>
      tpu.enqueue_indirect_dma source(%dma_start3A_152 : memref<10240x32xf32, #tpu.memory_space<hbm>>) target(%arg10 : memref<128x32xf32, #tpu.memory_space<vmem>>) offsets(%dma_start3A_149 : memref<128xi32, #tpu.memory_space<vmem>>) semaphore(%arg15 : memref<!tpu.dma_semaphore, #tpu.memory_space<semaphore_mem>>)
      %dma_wait3A_153 = arith.constant 4 : i32
      %dma_wait3A_154 = arith.constant 0 : i32
      %dma_wait3A_155 = tpu.memref_slice %arg7[%dma_wait3A_153, %dma_wait3A_154] : memref<16x128xi32, #tpu.memory_space<vmem>> -> memref<1x128xi32, #tpu.memory_space<vmem>>
      %dma_wait3A_156 = tpu.memref_squeeze %dma_wait3A_155 : memref<1x128xi32, #tpu.memory_space<vmem>> -> memref<128xi32, #tpu.memory_space<vmem>>
      %dma_wait3A_157 = arith.constant 0 : i32
      %dma_wait3A_158 = arith.constant 0 : i32
      %dma_wait3A_159 = tpu.memref_slice %arg4[%dma_wait3A_157, %dma_wait3A_158] : memref<10240x32xf32, #tpu.memory_space<hbm>> -> memref<10240x32xf32, #tpu.memory_space<hbm>>
      tpu.wait_indirect_dma semaphore(%arg14 : memref<!tpu.dma_semaphore, #tpu.memory_space<semaphore_mem>>) src(%dma_wait3A_159 : memref<10240x32xf32, #tpu.memory_space<hbm>>) dst(%arg9 : memref<128x32xf32, #tpu.memory_space<vmem>>)
      %dma_start3A_160 = arith.constant 4 : i32
      %dma_start3A_161 = arith.constant 0 : i32
      %dma_start3A_162 = tpu.memref_slice %arg8[%dma_start3A_160, %dma_start3A_161] : memref<16x128xi32, #tpu.memory_space<vmem>> -> memref<1x128xi32, #tpu.memory_space<vmem>>
      %dma_start3A_163 = tpu.memref_squeeze %dma_start3A_162 : memref<1x128xi32, #tpu.memory_space<vmem>> -> memref<128xi32, #tpu.memory_space<vmem>>
      %dma_start3A_164 = arith.constant 0 : i32
      %dma_start3A_165 = arith.constant 0 : i32
      %dma_start3A_166 = tpu.memref_slice %arg13[%dma_start3A_164, %dma_start3A_165] : memref<10240x32xf32, #tpu.memory_space<vmem_shared>> -> memref<10240x32xf32, #tpu.memory_space<vmem_shared>>
      tpu.enqueue_indirect_dma source(%arg9 : memref<128x32xf32, #tpu.memory_space<vmem>>) target(%dma_start3A_166 : memref<10240x32xf32, #tpu.memory_space<vmem_shared>>) offsets(%dma_start3A_163 : memref<128xi32, #tpu.memory_space<vmem>>) semaphore(%arg18 : memref<!tpu.dma_semaphore, #tpu.memory_space<semaphore_mem>>) {add = true}
      %dma_wait3A_167 = arith.constant 2 : i32
      %dma_wait3A_168 = arith.constant 0 : i32
      %dma_wait3A_169 = tpu.memref_slice %arg8[%dma_wait3A_167, %dma_wait3A_168] : memref<16x128xi32, #tpu.memory_space<vmem>> -> memref<1x128xi32, #tpu.memory_space<vmem>>
      %dma_wait3A_170 = tpu.memref_squeeze %dma_wait3A_169 : memref<1x128xi32, #tpu.memory_space<vmem>> -> memref<128xi32, #tpu.memory_space<vmem>>
      %dma_wait3A_171 = arith.constant 0 : i32
      %dma_wait3A_172 = arith.constant 0 : i32
      %dma_wait3A_173 = tpu.memref_slice %arg13[%dma_wait3A_171, %dma_wait3A_172] : memref<10240x32xf32, #tpu.memory_space<vmem_shared>> -> memref<10240x32xf32, #tpu.memory_space<vmem_shared>>
      tpu.wait_indirect_dma semaphore(%arg20 : memref<!tpu.dma_semaphore, #tpu.memory_space<semaphore_mem>>) src(%arg11 : memref<128x32xf32, #tpu.memory_space<vmem>>) dst(%dma_wait3A_173 : memref<10240x32xf32, #tpu.memory_space<vmem_shared>>)
      %dma_start3A_174 = arith.constant 6 : i32
      %dma_start3A_175 = arith.constant 0 : i32
      %dma_start3A_176 = tpu.memref_slice %arg7[%dma_start3A_174, %dma_start3A_175] : memref<16x128xi32, #tpu.memory_space<vmem>> -> memref<1x128xi32, #tpu.memory_space<vmem>>
      %dma_start3A_177 = tpu.memref_squeeze %dma_start3A_176 : memref<1x128xi32, #tpu.memory_space<vmem>> -> memref<128xi32, #tpu.memory_space<vmem>>
      %dma_start3A_178 = arith.constant 0 : i32
      %dma_start3A_179 = arith.constant 0 : i32
      %dma_start3A_180 = tpu.memref_slice %arg4[%dma_start3A_178, %dma_start3A_179] : memref<10240x32xf32, #tpu.memory_space<hbm>> -> memref<10240x32xf32, #tpu.memory_space<hbm>>
      tpu.enqueue_indirect_dma source(%dma_start3A_180 : memref<10240x32xf32, #tpu.memory_space<hbm>>) target(%arg11 : memref<128x32xf32, #tpu.memory_space<vmem>>) offsets(%dma_start3A_177 : memref<128xi32, #tpu.memory_space<vmem>>) semaphore(%arg16 : memref<!tpu.dma_semaphore, #tpu.memory_space<semaphore_mem>>)
      %dma_wait3A_181 = arith.constant 5 : i32
      %dma_wait3A_182 = arith.constant 0 : i32
      %dma_wait3A_183 = tpu.memref_slice %arg7[%dma_wait3A_181, %dma_wait3A_182] : memref<16x128xi32, #tpu.memory_space<vmem>> -> memref<1x128xi32, #tpu.memory_space<vmem>>
      %dma_wait3A_184 = tpu.memref_squeeze %dma_wait3A_183 : memref<1x128xi32, #tpu.memory_space<vmem>> -> memref<128xi32, #tpu.memory_space<vmem>>
      %dma_wait3A_185 = arith.constant 0 : i32
      %dma_wait3A_186 = arith.constant 0 : i32
      %dma_wait3A_187 = tpu.memref_slice %arg4[%dma_wait3A_185, %dma_wait3A_186] : memref<10240x32xf32, #tpu.memory_space<hbm>> -> memref<10240x32xf32, #tpu.memory_space<hbm>>
      tpu.wait_indirect_dma semaphore(%arg15 : memref<!tpu.dma_semaphore, #tpu.memory_space<semaphore_mem>>) src(%dma_wait3A_187 : memref<10240x32xf32, #tpu.memory_space<hbm>>) dst(%arg10 : memref<128x32xf32, #tpu.memory_space<vmem>>)
      %dma_start3A_188 = arith.constant 5 : i32
      %dma_start3A_189 = arith.constant 0 : i32
      %dma_start3A_190 = tpu.memref_slice %arg8[%dma_start3A_188, %dma_start3A_189] : memref<16x128xi32, #tpu.memory_space<vmem>> -> memref<1x128xi32, #tpu.memory_space<vmem>>
      %dma_start3A_191 = tpu.memref_squeeze %dma_start3A_190 : memref<1x128xi32, #tpu.memory_space<vmem>> -> memref<128xi32, #tpu.memory_space<vmem>>
      %dma_start3A_192 = arith.constant 0 : i32
      %dma_start3A_193 = arith.constant 0 : i32
      %dma_start3A_194 = tpu.memref_slice %arg13[%dma_start3A_192, %dma_start3A_193] : memref<10240x32xf32, #tpu.memory_space<vmem_shared>> -> memref<10240x32xf32, #tpu.memory_space<vmem_shared>>
      tpu.enqueue_indirect_dma source(%arg10 : memref<128x32xf32, #tpu.memory_space<vmem>>) target(%dma_start3A_194 : memref<10240x32xf32, #tpu.memory_space<vmem_shared>>) offsets(%dma_start3A_191 : memref<128xi32, #tpu.memory_space<vmem>>) semaphore(%arg19 : memref<!tpu.dma_semaphore, #tpu.memory_space<semaphore_mem>>) {add = true}
      %dma_wait3A_195 = arith.constant 3 : i32
      %dma_wait3A_196 = arith.constant 0 : i32
      %dma_wait3A_197 = tpu.memref_slice %arg8[%dma_wait3A_195, %dma_wait3A_196] : memref<16x128xi32, #tpu.memory_space<vmem>> -> memref<1x128xi32, #tpu.memory_space<vmem>>
      %dma_wait3A_198 = tpu.memref_squeeze %dma_wait3A_197 : memref<1x128xi32, #tpu.memory_space<vmem>> -> memref<128xi32, #tpu.memory_space<vmem>>
      %dma_wait3A_199 = arith.constant 0 : i32
      %dma_wait3A_200 = arith.constant 0 : i32
      %dma_wait3A_201 = tpu.memref_slice %arg13[%dma_wait3A_199, %dma_wait3A_200] : memref<10240x32xf32, #tpu.memory_space<vmem_shared>> -> memref<10240x32xf32, #tpu.memory_space<vmem_shared>>
      tpu.wait_indirect_dma semaphore(%arg21 : memref<!tpu.dma_semaphore, #tpu.memory_space<semaphore_mem>>) src(%arg12 : memref<128x32xf32, #tpu.memory_space<vmem>>) dst(%dma_wait3A_201 : memref<10240x32xf32, #tpu.memory_space<vmem_shared>>)
      %dma_start3A_202 = arith.constant 7 : i32
      %dma_start3A_203 = arith.constant 0 : i32
      %dma_start3A_204 = tpu.memref_slice %arg7[%dma_start3A_202, %dma_start3A_203] : memref<16x128xi32, #tpu.memory_space<vmem>> -> memref<1x128xi32, #tpu.memory_space<vmem>>
      %dma_start3A_205 = tpu.memref_squeeze %dma_start3A_204 : memref<1x128xi32, #tpu.memory_space<vmem>> -> memref<128xi32, #tpu.memory_space<vmem>>
      %dma_start3A_206 = arith.constant 0 : i32
      %dma_start3A_207 = arith.constant 0 : i32
      %dma_start3A_208 = tpu.memref_slice %arg4[%dma_start3A_206, %dma_start3A_207] : memref<10240x32xf32, #tpu.memory_space<hbm>> -> memref<10240x32xf32, #tpu.memory_space<hbm>>
      tpu.enqueue_indirect_dma source(%dma_start3A_208 : memref<10240x32xf32, #tpu.memory_space<hbm>>) target(%arg12 : memref<128x32xf32, #tpu.memory_space<vmem>>) offsets(%dma_start3A_205 : memref<128xi32, #tpu.memory_space<vmem>>) semaphore(%arg17 : memref<!tpu.dma_semaphore, #tpu.memory_space<semaphore_mem>>)
      %dma_wait3A_209 = arith.constant 6 : i32
      %dma_wait3A_210 = arith.constant 0 : i32
      %dma_wait3A_211 = tpu.memref_slice %arg7[%dma_wait3A_209, %dma_wait3A_210] : memref<16x128xi32, #tpu.memory_space<vmem>> -> memref<1x128xi32, #tpu.memory_space<vmem>>
      %dma_wait3A_212 = tpu.memref_squeeze %dma_wait3A_211 : memref<1x128xi32, #tpu.memory_space<vmem>> -> memref<128xi32, #tpu.memory_space<vmem>>
      %dma_wait3A_213 = arith.constant 0 : i32
      %dma_wait3A_214 = arith.constant 0 : i32
      %dma_wait3A_215 = tpu.memref_slice %arg4[%dma_wait3A_213, %dma_wait3A_214] : memref<10240x32xf32, #tpu.memory_space<hbm>> -> memref<10240x32xf32, #tpu.memory_space<hbm>>
      tpu.wait_indirect_dma semaphore(%arg16 : memref<!tpu.dma_semaphore, #tpu.memory_space<semaphore_mem>>) src(%dma_wait3A_215 : memref<10240x32xf32, #tpu.memory_space<hbm>>) dst(%arg11 : memref<128x32xf32, #tpu.memory_space<vmem>>)
      %dma_start3A_216 = arith.constant 6 : i32
      %dma_start3A_217 = arith.constant 0 : i32
      %dma_start3A_218 = tpu.memref_slice %arg8[%dma_start3A_216, %dma_start3A_217] : memref<16x128xi32, #tpu.memory_space<vmem>> -> memref<1x128xi32, #tpu.memory_space<vmem>>
      %dma_start3A_219 = tpu.memref_squeeze %dma_start3A_218 : memref<1x128xi32, #tpu.memory_space<vmem>> -> memref<128xi32, #tpu.memory_space<vmem>>
      %dma_start3A_220 = arith.constant 0 : i32
      %dma_start3A_221 = arith.constant 0 : i32
      %dma_start3A_222 = tpu.memref_slice %arg13[%dma_start3A_220, %dma_start3A_221] : memref<10240x32xf32, #tpu.memory_space<vmem_shared>> -> memref<10240x32xf32, #tpu.memory_space<vmem_shared>>
      tpu.enqueue_indirect_dma source(%arg11 : memref<128x32xf32, #tpu.memory_space<vmem>>) target(%dma_start3A_222 : memref<10240x32xf32, #tpu.memory_space<vmem_shared>>) offsets(%dma_start3A_219 : memref<128xi32, #tpu.memory_space<vmem>>) semaphore(%arg20 : memref<!tpu.dma_semaphore, #tpu.memory_space<semaphore_mem>>) {add = true}
      %dma_wait3A_223 = arith.constant 4 : i32
      %dma_wait3A_224 = arith.constant 0 : i32
      %dma_wait3A_225 = tpu.memref_slice %arg8[%dma_wait3A_223, %dma_wait3A_224] : memref<16x128xi32, #tpu.memory_space<vmem>> -> memref<1x128xi32, #tpu.memory_space<vmem>>
      %dma_wait3A_226 = tpu.memref_squeeze %dma_wait3A_225 : memref<1x128xi32, #tpu.memory_space<vmem>> -> memref<128xi32, #tpu.memory_space<vmem>>
      %dma_wait3A_227 = arith.constant 0 : i32
      %dma_wait3A_228 = arith.constant 0 : i32
      %dma_wait3A_229 = tpu.memref_slice %arg13[%dma_wait3A_227, %dma_wait3A_228] : memref<10240x32xf32, #tpu.memory_space<vmem_shared>> -> memref<10240x32xf32, #tpu.memory_space<vmem_shared>>
      tpu.wait_indirect_dma semaphore(%arg18 : memref<!tpu.dma_semaphore, #tpu.memory_space<semaphore_mem>>) src(%arg9 : memref<128x32xf32, #tpu.memory_space<vmem>>) dst(%dma_wait3A_229 : memref<10240x32xf32, #tpu.memory_space<vmem_shared>>)
      %dma_start3A_230 = arith.constant 8 : i32
      %dma_start3A_231 = arith.constant 0 : i32
      %dma_start3A_232 = tpu.memref_slice %arg7[%dma_start3A_230, %dma_start3A_231] : memref<16x128xi32, #tpu.memory_space<vmem>> -> memref<1x128xi32, #tpu.memory_space<vmem>>
      %dma_start3A_233 = tpu.memref_squeeze %dma_start3A_232 : memref<1x128xi32, #tpu.memory_space<vmem>> -> memref<128xi32, #tpu.memory_space<vmem>>
      %dma_start3A_234 = arith.constant 0 : i32
      %dma_start3A_235 = arith.constant 0 : i32
      %dma_start3A_236 = tpu.memref_slice %arg4[%dma_start3A_234, %dma_start3A_235] : memref<10240x32xf32, #tpu.memory_space<hbm>> -> memref<10240x32xf32, #tpu.memory_space<hbm>>
      tpu.enqueue_indirect_dma source(%dma_start3A_236 : memref<10240x32xf32, #tpu.memory_space<hbm>>) target(%arg9 : memref<128x32xf32, #tpu.memory_space<vmem>>) offsets(%dma_start3A_233 : memref<128xi32, #tpu.memory_space<vmem>>) semaphore(%arg14 : memref<!tpu.dma_semaphore, #tpu.memory_space<semaphore_mem>>)
      %dma_wait3A_237 = arith.constant 7 : i32
      %dma_wait3A_238 = arith.constant 0 : i32
      %dma_wait3A_239 = tpu.memref_slice %arg7[%dma_wait3A_237, %dma_wait3A_238] : memref<16x128xi32, #tpu.memory_space<vmem>> -> memref<1x128xi32, #tpu.memory_space<vmem>>
      %dma_wait3A_240 = tpu.memref_squeeze %dma_wait3A_239 : memref<1x128xi32, #tpu.memory_space<vmem>> -> memref<128xi32, #tpu.memory_space<vmem>>
      %dma_wait3A_241 = arith.constant 0 : i32
      %dma_wait3A_242 = arith.constant 0 : i32
      %dma_wait3A_243 = tpu.memref_slice %arg4[%dma_wait3A_241, %dma_wait3A_242] : memref<10240x32xf32, #tpu.memory_space<hbm>> -> memref<10240x32xf32, #tpu.memory_space<hbm>>
      tpu.wait_indirect_dma semaphore(%arg17 : memref<!tpu.dma_semaphore, #tpu.memory_space<semaphore_mem>>) src(%dma_wait3A_243 : memref<10240x32xf32, #tpu.memory_space<hbm>>) dst(%arg12 : memref<128x32xf32, #tpu.memory_space<vmem>>)
      %dma_start3A_244 = arith.constant 7 : i32
      %dma_start3A_245 = arith.constant 0 : i32
      %dma_start3A_246 = tpu.memref_slice %arg8[%dma_start3A_244, %dma_start3A_245] : memref<16x128xi32, #tpu.memory_space<vmem>> -> memref<1x128xi32, #tpu.memory_space<vmem>>
      %dma_start3A_247 = tpu.memref_squeeze %dma_start3A_246 : memref<1x128xi32, #tpu.memory_space<vmem>> -> memref<128xi32, #tpu.memory_space<vmem>>
      %dma_start3A_248 = arith.constant 0 : i32
      %dma_start3A_249 = arith.constant 0 : i32
      %dma_start3A_250 = tpu.memref_slice %arg13[%dma_start3A_248, %dma_start3A_249] : memref<10240x32xf32, #tpu.memory_space<vmem_shared>> -> memref<10240x32xf32, #tpu.memory_space<vmem_shared>>
      tpu.enqueue_indirect_dma source(%arg12 : memref<128x32xf32, #tpu.memory_space<vmem>>) target(%dma_start3A_250 : memref<10240x32xf32, #tpu.memory_space<vmem_shared>>) offsets(%dma_start3A_247 : memref<128xi32, #tpu.memory_space<vmem>>) semaphore(%arg21 : memref<!tpu.dma_semaphore, #tpu.memory_space<semaphore_mem>>) {add = true}
      %dma_wait3A_251 = arith.constant 5 : i32
      %dma_wait3A_252 = arith.constant 0 : i32
      %dma_wait3A_253 = tpu.memref_slice %arg8[%dma_wait3A_251, %dma_wait3A_252] : memref<16x128xi32, #tpu.memory_space<vmem>> -> memref<1x128xi32, #tpu.memory_space<vmem>>
      %dma_wait3A_254 = tpu.memref_squeeze %dma_wait3A_253 : memref<1x128xi32, #tpu.memory_space<vmem>> -> memref<128xi32, #tpu.memory_space<vmem>>
      %dma_wait3A_255 = arith.constant 0 : i32
      %dma_wait3A_256 = arith.constant 0 : i32
      %dma_wait3A_257 = tpu.memref_slice %arg13[%dma_wait3A_255, %dma_wait3A_256] : memref<10240x32xf32, #tpu.memory_space<vmem_shared>> -> memref<10240x32xf32, #tpu.memory_space<vmem_shared>>
      tpu.wait_indirect_dma semaphore(%arg19 : memref<!tpu.dma_semaphore, #tpu.memory_space<semaphore_mem>>) src(%arg10 : memref<128x32xf32, #tpu.memory_space<vmem>>) dst(%dma_wait3A_257 : memref<10240x32xf32, #tpu.memory_space<vmem_shared>>)
      %dma_start3A_258 = arith.constant 9 : i32
      %dma_start3A_259 = arith.constant 0 : i32
      %dma_start3A_260 = tpu.memref_slice %arg7[%dma_start3A_258, %dma_start3A_259] : memref<16x128xi32, #tpu.memory_space<vmem>> -> memref<1x128xi32, #tpu.memory_space<vmem>>
      %dma_start3A_261 = tpu.memref_squeeze %dma_start3A_260 : memref<1x128xi32, #tpu.memory_space<vmem>> -> memref<128xi32, #tpu.memory_space<vmem>>
      %dma_start3A_262 = arith.constant 0 : i32
      %dma_start3A_263 = arith.constant 0 : i32
      %dma_start3A_264 = tpu.memref_slice %arg4[%dma_start3A_262, %dma_start3A_263] : memref<10240x32xf32, #tpu.memory_space<hbm>> -> memref<10240x32xf32, #tpu.memory_space<hbm>>
      tpu.enqueue_indirect_dma source(%dma_start3A_264 : memref<10240x32xf32, #tpu.memory_space<hbm>>) target(%arg10 : memref<128x32xf32, #tpu.memory_space<vmem>>) offsets(%dma_start3A_261 : memref<128xi32, #tpu.memory_space<vmem>>) semaphore(%arg15 : memref<!tpu.dma_semaphore, #tpu.memory_space<semaphore_mem>>)
      %dma_wait3A_265 = arith.constant 8 : i32
      %dma_wait3A_266 = arith.constant 0 : i32
      %dma_wait3A_267 = tpu.memref_slice %arg7[%dma_wait3A_265, %dma_wait3A_266] : memref<16x128xi32, #tpu.memory_space<vmem>> -> memref<1x128xi32, #tpu.memory_space<vmem>>
      %dma_wait3A_268 = tpu.memref_squeeze %dma_wait3A_267 : memref<1x128xi32, #tpu.memory_space<vmem>> -> memref<128xi32, #tpu.memory_space<vmem>>
      %dma_wait3A_269 = arith.constant 0 : i32
      %dma_wait3A_270 = arith.constant 0 : i32
      %dma_wait3A_271 = tpu.memref_slice %arg4[%dma_wait3A_269, %dma_wait3A_270] : memref<10240x32xf32, #tpu.memory_space<hbm>> -> memref<10240x32xf32, #tpu.memory_space<hbm>>
      tpu.wait_indirect_dma semaphore(%arg14 : memref<!tpu.dma_semaphore, #tpu.memory_space<semaphore_mem>>) src(%dma_wait3A_271 : memref<10240x32xf32, #tpu.memory_space<hbm>>) dst(%arg9 : memref<128x32xf32, #tpu.memory_space<vmem>>)
      %dma_start3A_272 = arith.constant 8 : i32
      %dma_start3A_273 = arith.constant 0 : i32
      %dma_start3A_274 = tpu.memref_slice %arg8[%dma_start3A_272, %dma_start3A_273] : memref<16x128xi32, #tpu.memory_space<vmem>> -> memref<1x128xi32, #tpu.memory_space<vmem>>
      %dma_start3A_275 = tpu.memref_squeeze %dma_start3A_274 : memref<1x128xi32, #tpu.memory_space<vmem>> -> memref<128xi32, #tpu.memory_space<vmem>>
      %dma_start3A_276 = arith.constant 0 : i32
      %dma_start3A_277 = arith.constant 0 : i32
      %dma_start3A_278 = tpu.memref_slice %arg13[%dma_start3A_276, %dma_start3A_277] : memref<10240x32xf32, #tpu.memory_space<vmem_shared>> -> memref<10240x32xf32, #tpu.memory_space<vmem_shared>>
      tpu.enqueue_indirect_dma source(%arg9 : memref<128x32xf32, #tpu.memory_space<vmem>>) target(%dma_start3A_278 : memref<10240x32xf32, #tpu.memory_space<vmem_shared>>) offsets(%dma_start3A_275 : memref<128xi32, #tpu.memory_space<vmem>>) semaphore(%arg18 : memref<!tpu.dma_semaphore, #tpu.memory_space<semaphore_mem>>) {add = true}
      %dma_wait3A_279 = arith.constant 6 : i32
      %dma_wait3A_280 = arith.constant 0 : i32
      %dma_wait3A_281 = tpu.memref_slice %arg8[%dma_wait3A_279, %dma_wait3A_280] : memref<16x128xi32, #tpu.memory_space<vmem>> -> memref<1x128xi32, #tpu.memory_space<vmem>>
      %dma_wait3A_282 = tpu.memref_squeeze %dma_wait3A_281 : memref<1x128xi32, #tpu.memory_space<vmem>> -> memref<128xi32, #tpu.memory_space<vmem>>
      %dma_wait3A_283 = arith.constant 0 : i32
      %dma_wait3A_284 = arith.constant 0 : i32
      %dma_wait3A_285 = tpu.memref_slice %arg13[%dma_wait3A_283, %dma_wait3A_284] : memref<10240x32xf32, #tpu.memory_space<vmem_shared>> -> memref<10240x32xf32, #tpu.memory_space<vmem_shared>>
      tpu.wait_indirect_dma semaphore(%arg20 : memref<!tpu.dma_semaphore, #tpu.memory_space<semaphore_mem>>) src(%arg11 : memref<128x32xf32, #tpu.memory_space<vmem>>) dst(%dma_wait3A_285 : memref<10240x32xf32, #tpu.memory_space<vmem_shared>>)
      %dma_start3A_286 = arith.constant 10 : i32
      %dma_start3A_287 = arith.constant 0 : i32
      %dma_start3A_288 = tpu.memref_slice %arg7[%dma_start3A_286, %dma_start3A_287] : memref<16x128xi32, #tpu.memory_space<vmem>> -> memref<1x128xi32, #tpu.memory_space<vmem>>
      %dma_start3A_289 = tpu.memref_squeeze %dma_start3A_288 : memref<1x128xi32, #tpu.memory_space<vmem>> -> memref<128xi32, #tpu.memory_space<vmem>>
      %dma_start3A_290 = arith.constant 0 : i32
      %dma_start3A_291 = arith.constant 0 : i32
      %dma_start3A_292 = tpu.memref_slice %arg4[%dma_start3A_290, %dma_start3A_291] : memref<10240x32xf32, #tpu.memory_space<hbm>> -> memref<10240x32xf32, #tpu.memory_space<hbm>>
      tpu.enqueue_indirect_dma source(%dma_start3A_292 : memref<10240x32xf32, #tpu.memory_space<hbm>>) target(%arg11 : memref<128x32xf32, #tpu.memory_space<vmem>>) offsets(%dma_start3A_289 : memref<128xi32, #tpu.memory_space<vmem>>) semaphore(%arg16 : memref<!tpu.dma_semaphore, #tpu.memory_space<semaphore_mem>>)
      %dma_wait3A_293 = arith.constant 9 : i32
      %dma_wait3A_294 = arith.constant 0 : i32
      %dma_wait3A_295 = tpu.memref_slice %arg7[%dma_wait3A_293, %dma_wait3A_294] : memref<16x128xi32, #tpu.memory_space<vmem>> -> memref<1x128xi32, #tpu.memory_space<vmem>>
      %dma_wait3A_296 = tpu.memref_squeeze %dma_wait3A_295 : memref<1x128xi32, #tpu.memory_space<vmem>> -> memref<128xi32, #tpu.memory_space<vmem>>
      %dma_wait3A_297 = arith.constant 0 : i32
      %dma_wait3A_298 = arith.constant 0 : i32
      %dma_wait3A_299 = tpu.memref_slice %arg4[%dma_wait3A_297, %dma_wait3A_298] : memref<10240x32xf32, #tpu.memory_space<hbm>> -> memref<10240x32xf32, #tpu.memory_space<hbm>>
      tpu.wait_indirect_dma semaphore(%arg15 : memref<!tpu.dma_semaphore, #tpu.memory_space<semaphore_mem>>) src(%dma_wait3A_299 : memref<10240x32xf32, #tpu.memory_space<hbm>>) dst(%arg10 : memref<128x32xf32, #tpu.memory_space<vmem>>)
      %dma_start3A_300 = arith.constant 9 : i32
      %dma_start3A_301 = arith.constant 0 : i32
      %dma_start3A_302 = tpu.memref_slice %arg8[%dma_start3A_300, %dma_start3A_301] : memref<16x128xi32, #tpu.memory_space<vmem>> -> memref<1x128xi32, #tpu.memory_space<vmem>>
      %dma_start3A_303 = tpu.memref_squeeze %dma_start3A_302 : memref<1x128xi32, #tpu.memory_space<vmem>> -> memref<128xi32, #tpu.memory_space<vmem>>
      %dma_start3A_304 = arith.constant 0 : i32
      %dma_start3A_305 = arith.constant 0 : i32
      %dma_start3A_306 = tpu.memref_slice %arg13[%dma_start3A_304, %dma_start3A_305] : memref<10240x32xf32, #tpu.memory_space<vmem_shared>> -> memref<10240x32xf32, #tpu.memory_space<vmem_shared>>
      tpu.enqueue_indirect_dma source(%arg10 : memref<128x32xf32, #tpu.memory_space<vmem>>) target(%dma_start3A_306 : memref<10240x32xf32, #tpu.memory_space<vmem_shared>>) offsets(%dma_start3A_303 : memref<128xi32, #tpu.memory_space<vmem>>) semaphore(%arg19 : memref<!tpu.dma_semaphore, #tpu.memory_space<semaphore_mem>>) {add = true}
      %dma_wait3A_307 = arith.constant 7 : i32
      %dma_wait3A_308 = arith.constant 0 : i32
      %dma_wait3A_309 = tpu.memref_slice %arg8[%dma_wait3A_307, %dma_wait3A_308] : memref<16x128xi32, #tpu.memory_space<vmem>> -> memref<1x128xi32, #tpu.memory_space<vmem>>
      %dma_wait3A_310 = tpu.memref_squeeze %dma_wait3A_309 : memref<1x128xi32, #tpu.memory_space<vmem>> -> memref<128xi32, #tpu.memory_space<vmem>>
      %dma_wait3A_311 = arith.constant 0 : i32
      %dma_wait3A_312 = arith.constant 0 : i32
      %dma_wait3A_313 = tpu.memref_slice %arg13[%dma_wait3A_311, %dma_wait3A_312] : memref<10240x32xf32, #tpu.memory_space<vmem_shared>> -> memref<10240x32xf32, #tpu.memory_space<vmem_shared>>
      tpu.wait_indirect_dma semaphore(%arg21 : memref<!tpu.dma_semaphore, #tpu.memory_space<semaphore_mem>>) src(%arg12 : memref<128x32xf32, #tpu.memory_space<vmem>>) dst(%dma_wait3A_313 : memref<10240x32xf32, #tpu.memory_space<vmem_shared>>)
      %dma_start3A_314 = arith.constant 11 : i32
      %dma_start3A_315 = arith.constant 0 : i32
      %dma_start3A_316 = tpu.memref_slice %arg7[%dma_start3A_314, %dma_start3A_315] : memref<16x128xi32, #tpu.memory_space<vmem>> -> memref<1x128xi32, #tpu.memory_space<vmem>>
      %dma_start3A_317 = tpu.memref_squeeze %dma_start3A_316 : memref<1x128xi32, #tpu.memory_space<vmem>> -> memref<128xi32, #tpu.memory_space<vmem>>
      %dma_start3A_318 = arith.constant 0 : i32
      %dma_start3A_319 = arith.constant 0 : i32
      %dma_start3A_320 = tpu.memref_slice %arg4[%dma_start3A_318, %dma_start3A_319] : memref<10240x32xf32, #tpu.memory_space<hbm>> -> memref<10240x32xf32, #tpu.memory_space<hbm>>
      tpu.enqueue_indirect_dma source(%dma_start3A_320 : memref<10240x32xf32, #tpu.memory_space<hbm>>) target(%arg12 : memref<128x32xf32, #tpu.memory_space<vmem>>) offsets(%dma_start3A_317 : memref<128xi32, #tpu.memory_space<vmem>>) semaphore(%arg17 : memref<!tpu.dma_semaphore, #tpu.memory_space<semaphore_mem>>)
      %dma_wait3A_321 = arith.constant 10 : i32
      %dma_wait3A_322 = arith.constant 0 : i32
      %dma_wait3A_323 = tpu.memref_slice %arg7[%dma_wait3A_321, %dma_wait3A_322] : memref<16x128xi32, #tpu.memory_space<vmem>> -> memref<1x128xi32, #tpu.memory_space<vmem>>
      %dma_wait3A_324 = tpu.memref_squeeze %dma_wait3A_323 : memref<1x128xi32, #tpu.memory_space<vmem>> -> memref<128xi32, #tpu.memory_space<vmem>>
      %dma_wait3A_325 = arith.constant 0 : i32
      %dma_wait3A_326 = arith.constant 0 : i32
      %dma_wait3A_327 = tpu.memref_slice %arg4[%dma_wait3A_325, %dma_wait3A_326] : memref<10240x32xf32, #tpu.memory_space<hbm>> -> memref<10240x32xf32, #tpu.memory_space<hbm>>
      tpu.wait_indirect_dma semaphore(%arg16 : memref<!tpu.dma_semaphore, #tpu.memory_space<semaphore_mem>>) src(%dma_wait3A_327 : memref<10240x32xf32, #tpu.memory_space<hbm>>) dst(%arg11 : memref<128x32xf32, #tpu.memory_space<vmem>>)
      %dma_start3A_328 = arith.constant 10 : i32
      %dma_start3A_329 = arith.constant 0 : i32
      %dma_start3A_330 = tpu.memref_slice %arg8[%dma_start3A_328, %dma_start3A_329] : memref<16x128xi32, #tpu.memory_space<vmem>> -> memref<1x128xi32, #tpu.memory_space<vmem>>
      %dma_start3A_331 = tpu.memref_squeeze %dma_start3A_330 : memref<1x128xi32, #tpu.memory_space<vmem>> -> memref<128xi32, #tpu.memory_space<vmem>>
      %dma_start3A_332 = arith.constant 0 : i32
      %dma_start3A_333 = arith.constant 0 : i32
      %dma_start3A_334 = tpu.memref_slice %arg13[%dma_start3A_332, %dma_start3A_333] : memref<10240x32xf32, #tpu.memory_space<vmem_shared>> -> memref<10240x32xf32, #tpu.memory_space<vmem_shared>>
      tpu.enqueue_indirect_dma source(%arg11 : memref<128x32xf32, #tpu.memory_space<vmem>>) target(%dma_start3A_334 : memref<10240x32xf32, #tpu.memory_space<vmem_shared>>) offsets(%dma_start3A_331 : memref<128xi32, #tpu.memory_space<vmem>>) semaphore(%arg20 : memref<!tpu.dma_semaphore, #tpu.memory_space<semaphore_mem>>) {add = true}
      %dma_wait3A_335 = arith.constant 8 : i32
      %dma_wait3A_336 = arith.constant 0 : i32
      %dma_wait3A_337 = tpu.memref_slice %arg8[%dma_wait3A_335, %dma_wait3A_336] : memref<16x128xi32, #tpu.memory_space<vmem>> -> memref<1x128xi32, #tpu.memory_space<vmem>>
      %dma_wait3A_338 = tpu.memref_squeeze %dma_wait3A_337 : memref<1x128xi32, #tpu.memory_space<vmem>> -> memref<128xi32, #tpu.memory_space<vmem>>
      %dma_wait3A_339 = arith.constant 0 : i32
      %dma_wait3A_340 = arith.constant 0 : i32
      %dma_wait3A_341 = tpu.memref_slice %arg13[%dma_wait3A_339, %dma_wait3A_340] : memref<10240x32xf32, #tpu.memory_space<vmem_shared>> -> memref<10240x32xf32, #tpu.memory_space<vmem_shared>>
      tpu.wait_indirect_dma semaphore(%arg18 : memref<!tpu.dma_semaphore, #tpu.memory_space<semaphore_mem>>) src(%arg9 : memref<128x32xf32, #tpu.memory_space<vmem>>) dst(%dma_wait3A_341 : memref<10240x32xf32, #tpu.memory_space<vmem_shared>>)
      %dma_start3A_342 = arith.constant 12 : i32
      %dma_start3A_343 = arith.constant 0 : i32
      %dma_start3A_344 = tpu.memref_slice %arg7[%dma_start3A_342, %dma_start3A_343] : memref<16x128xi32, #tpu.memory_space<vmem>> -> memref<1x128xi32, #tpu.memory_space<vmem>>
      %dma_start3A_345 = tpu.memref_squeeze %dma_start3A_344 : memref<1x128xi32, #tpu.memory_space<vmem>> -> memref<128xi32, #tpu.memory_space<vmem>>
      %dma_start3A_346 = arith.constant 0 : i32
      %dma_start3A_347 = arith.constant 0 : i32
      %dma_start3A_348 = tpu.memref_slice %arg4[%dma_start3A_346, %dma_start3A_347] : memref<10240x32xf32, #tpu.memory_space<hbm>> -> memref<10240x32xf32, #tpu.memory_space<hbm>>
      tpu.enqueue_indirect_dma source(%dma_start3A_348 : memref<10240x32xf32, #tpu.memory_space<hbm>>) target(%arg9 : memref<128x32xf32, #tpu.memory_space<vmem>>) offsets(%dma_start3A_345 : memref<128xi32, #tpu.memory_space<vmem>>) semaphore(%arg14 : memref<!tpu.dma_semaphore, #tpu.memory_space<semaphore_mem>>)
      %dma_wait3A_349 = arith.constant 11 : i32
      %dma_wait3A_350 = arith.constant 0 : i32
      %dma_wait3A_351 = tpu.memref_slice %arg7[%dma_wait3A_349, %dma_wait3A_350] : memref<16x128xi32, #tpu.memory_space<vmem>> -> memref<1x128xi32, #tpu.memory_space<vmem>>
      %dma_wait3A_352 = tpu.memref_squeeze %dma_wait3A_351 : memref<1x128xi32, #tpu.memory_space<vmem>> -> memref<128xi32, #tpu.memory_space<vmem>>
      %dma_wait3A_353 = arith.constant 0 : i32
      %dma_wait3A_354 = arith.constant 0 : i32
      %dma_wait3A_355 = tpu.memref_slice %arg4[%dma_wait3A_353, %dma_wait3A_354] : memref<10240x32xf32, #tpu.memory_space<hbm>> -> memref<10240x32xf32, #tpu.memory_space<hbm>>
      tpu.wait_indirect_dma semaphore(%arg17 : memref<!tpu.dma_semaphore, #tpu.memory_space<semaphore_mem>>) src(%dma_wait3A_355 : memref<10240x32xf32, #tpu.memory_space<hbm>>) dst(%arg12 : memref<128x32xf32, #tpu.memory_space<vmem>>)
      %dma_start3A_356 = arith.constant 11 : i32
      %dma_start3A_357 = arith.constant 0 : i32
      %dma_start3A_358 = tpu.memref_slice %arg8[%dma_start3A_356, %dma_start3A_357] : memref<16x128xi32, #tpu.memory_space<vmem>> -> memref<1x128xi32, #tpu.memory_space<vmem>>
      %dma_start3A_359 = tpu.memref_squeeze %dma_start3A_358 : memref<1x128xi32, #tpu.memory_space<vmem>> -> memref<128xi32, #tpu.memory_space<vmem>>
      %dma_start3A_360 = arith.constant 0 : i32
      %dma_start3A_361 = arith.constant 0 : i32
      %dma_start3A_362 = tpu.memref_slice %arg13[%dma_start3A_360, %dma_start3A_361] : memref<10240x32xf32, #tpu.memory_space<vmem_shared>> -> memref<10240x32xf32, #tpu.memory_space<vmem_shared>>
      tpu.enqueue_indirect_dma source(%arg12 : memref<128x32xf32, #tpu.memory_space<vmem>>) target(%dma_start3A_362 : memref<10240x32xf32, #tpu.memory_space<vmem_shared>>) offsets(%dma_start3A_359 : memref<128xi32, #tpu.memory_space<vmem>>) semaphore(%arg21 : memref<!tpu.dma_semaphore, #tpu.memory_space<semaphore_mem>>) {add = true}
      %dma_wait3A_363 = arith.constant 9 : i32
      %dma_wait3A_364 = arith.constant 0 : i32
      %dma_wait3A_365 = tpu.memref_slice %arg8[%dma_wait3A_363, %dma_wait3A_364] : memref<16x128xi32, #tpu.memory_space<vmem>> -> memref<1x128xi32, #tpu.memory_space<vmem>>
      %dma_wait3A_366 = tpu.memref_squeeze %dma_wait3A_365 : memref<1x128xi32, #tpu.memory_space<vmem>> -> memref<128xi32, #tpu.memory_space<vmem>>
      %dma_wait3A_367 = arith.constant 0 : i32
      %dma_wait3A_368 = arith.constant 0 : i32
      %dma_wait3A_369 = tpu.memref_slice %arg13[%dma_wait3A_367, %dma_wait3A_368] : memref<10240x32xf32, #tpu.memory_space<vmem_shared>> -> memref<10240x32xf32, #tpu.memory_space<vmem_shared>>
      tpu.wait_indirect_dma semaphore(%arg19 : memref<!tpu.dma_semaphore, #tpu.memory_space<semaphore_mem>>) src(%arg10 : memref<128x32xf32, #tpu.memory_space<vmem>>) dst(%dma_wait3A_369 : memref<10240x32xf32, #tpu.memory_space<vmem_shared>>)
      %dma_start3A_370 = arith.constant 13 : i32
      %dma_start3A_371 = arith.constant 0 : i32
      %dma_start3A_372 = tpu.memref_slice %arg7[%dma_start3A_370, %dma_start3A_371] : memref<16x128xi32, #tpu.memory_space<vmem>> -> memref<1x128xi32, #tpu.memory_space<vmem>>
      %dma_start3A_373 = tpu.memref_squeeze %dma_start3A_372 : memref<1x128xi32, #tpu.memory_space<vmem>> -> memref<128xi32, #tpu.memory_space<vmem>>
      %dma_start3A_374 = arith.constant 0 : i32
      %dma_start3A_375 = arith.constant 0 : i32
      %dma_start3A_376 = tpu.memref_slice %arg4[%dma_start3A_374, %dma_start3A_375] : memref<10240x32xf32, #tpu.memory_space<hbm>> -> memref<10240x32xf32, #tpu.memory_space<hbm>>
      tpu.enqueue_indirect_dma source(%dma_start3A_376 : memref<10240x32xf32, #tpu.memory_space<hbm>>) target(%arg10 : memref<128x32xf32, #tpu.memory_space<vmem>>) offsets(%dma_start3A_373 : memref<128xi32, #tpu.memory_space<vmem>>) semaphore(%arg15 : memref<!tpu.dma_semaphore, #tpu.memory_space<semaphore_mem>>)
      %dma_wait3A_377 = arith.constant 12 : i32
      %dma_wait3A_378 = arith.constant 0 : i32
      %dma_wait3A_379 = tpu.memref_slice %arg7[%dma_wait3A_377, %dma_wait3A_378] : memref<16x128xi32, #tpu.memory_space<vmem>> -> memref<1x128xi32, #tpu.memory_space<vmem>>
      %dma_wait3A_380 = tpu.memref_squeeze %dma_wait3A_379 : memref<1x128xi32, #tpu.memory_space<vmem>> -> memref<128xi32, #tpu.memory_space<vmem>>
      %dma_wait3A_381 = arith.constant 0 : i32
      %dma_wait3A_382 = arith.constant 0 : i32
      %dma_wait3A_383 = tpu.memref_slice %arg4[%dma_wait3A_381, %dma_wait3A_382] : memref<10240x32xf32, #tpu.memory_space<hbm>> -> memref<10240x32xf32, #tpu.memory_space<hbm>>
      tpu.wait_indirect_dma semaphore(%arg14 : memref<!tpu.dma_semaphore, #tpu.memory_space<semaphore_mem>>) src(%dma_wait3A_383 : memref<10240x32xf32, #tpu.memory_space<hbm>>) dst(%arg9 : memref<128x32xf32, #tpu.memory_space<vmem>>)
      %dma_start3A_384 = arith.constant 12 : i32
      %dma_start3A_385 = arith.constant 0 : i32
      %dma_start3A_386 = tpu.memref_slice %arg8[%dma_start3A_384, %dma_start3A_385] : memref<16x128xi32, #tpu.memory_space<vmem>> -> memref<1x128xi32, #tpu.memory_space<vmem>>
      %dma_start3A_387 = tpu.memref_squeeze %dma_start3A_386 : memref<1x128xi32, #tpu.memory_space<vmem>> -> memref<128xi32, #tpu.memory_space<vmem>>
      %dma_start3A_388 = arith.constant 0 : i32
      %dma_start3A_389 = arith.constant 0 : i32
      %dma_start3A_390 = tpu.memref_slice %arg13[%dma_start3A_388, %dma_start3A_389] : memref<10240x32xf32, #tpu.memory_space<vmem_shared>> -> memref<10240x32xf32, #tpu.memory_space<vmem_shared>>
      tpu.enqueue_indirect_dma source(%arg9 : memref<128x32xf32, #tpu.memory_space<vmem>>) target(%dma_start3A_390 : memref<10240x32xf32, #tpu.memory_space<vmem_shared>>) offsets(%dma_start3A_387 : memref<128xi32, #tpu.memory_space<vmem>>) semaphore(%arg18 : memref<!tpu.dma_semaphore, #tpu.memory_space<semaphore_mem>>) {add = true}
      %dma_wait3A_391 = arith.constant 10 : i32
      %dma_wait3A_392 = arith.constant 0 : i32
      %dma_wait3A_393 = tpu.memref_slice %arg8[%dma_wait3A_391, %dma_wait3A_392] : memref<16x128xi32, #tpu.memory_space<vmem>> -> memref<1x128xi32, #tpu.memory_space<vmem>>
      %dma_wait3A_394 = tpu.memref_squeeze %dma_wait3A_393 : memref<1x128xi32, #tpu.memory_space<vmem>> -> memref<128xi32, #tpu.memory_space<vmem>>
      %dma_wait3A_395 = arith.constant 0 : i32
      %dma_wait3A_396 = arith.constant 0 : i32
      %dma_wait3A_397 = tpu.memref_slice %arg13[%dma_wait3A_395, %dma_wait3A_396] : memref<10240x32xf32, #tpu.memory_space<vmem_shared>> -> memref<10240x32xf32, #tpu.memory_space<vmem_shared>>
      tpu.wait_indirect_dma semaphore(%arg20 : memref<!tpu.dma_semaphore, #tpu.memory_space<semaphore_mem>>) src(%arg11 : memref<128x32xf32, #tpu.memory_space<vmem>>) dst(%dma_wait3A_397 : memref<10240x32xf32, #tpu.memory_space<vmem_shared>>)
      %dma_start3A_398 = arith.constant 14 : i32
      %dma_start3A_399 = arith.constant 0 : i32
      %dma_start3A_400 = tpu.memref_slice %arg7[%dma_start3A_398, %dma_start3A_399] : memref<16x128xi32, #tpu.memory_space<vmem>> -> memref<1x128xi32, #tpu.memory_space<vmem>>
      %dma_start3A_401 = tpu.memref_squeeze %dma_start3A_400 : memref<1x128xi32, #tpu.memory_space<vmem>> -> memref<128xi32, #tpu.memory_space<vmem>>
      %dma_start3A_402 = arith.constant 0 : i32
      %dma_start3A_403 = arith.constant 0 : i32
      %dma_start3A_404 = tpu.memref_slice %arg4[%dma_start3A_402, %dma_start3A_403] : memref<10240x32xf32, #tpu.memory_space<hbm>> -> memref<10240x32xf32, #tpu.memory_space<hbm>>
      tpu.enqueue_indirect_dma source(%dma_start3A_404 : memref<10240x32xf32, #tpu.memory_space<hbm>>) target(%arg11 : memref<128x32xf32, #tpu.memory_space<vmem>>) offsets(%dma_start3A_401 : memref<128xi32, #tpu.memory_space<vmem>>) semaphore(%arg16 : memref<!tpu.dma_semaphore, #tpu.memory_space<semaphore_mem>>)
      %dma_wait3A_405 = arith.constant 13 : i32
      %dma_wait3A_406 = arith.constant 0 : i32
      %dma_wait3A_407 = tpu.memref_slice %arg7[%dma_wait3A_405, %dma_wait3A_406] : memref<16x128xi32, #tpu.memory_space<vmem>> -> memref<1x128xi32, #tpu.memory_space<vmem>>
      %dma_wait3A_408 = tpu.memref_squeeze %dma_wait3A_407 : memref<1x128xi32, #tpu.memory_space<vmem>> -> memref<128xi32, #tpu.memory_space<vmem>>
      %dma_wait3A_409 = arith.constant 0 : i32
      %dma_wait3A_410 = arith.constant 0 : i32
      %dma_wait3A_411 = tpu.memref_slice %arg4[%dma_wait3A_409, %dma_wait3A_410] : memref<10240x32xf32, #tpu.memory_space<hbm>> -> memref<10240x32xf32, #tpu.memory_space<hbm>>
      tpu.wait_indirect_dma semaphore(%arg15 : memref<!tpu.dma_semaphore, #tpu.memory_space<semaphore_mem>>) src(%dma_wait3A_411 : memref<10240x32xf32, #tpu.memory_space<hbm>>) dst(%arg10 : memref<128x32xf32, #tpu.memory_space<vmem>>)
      %dma_start3A_412 = arith.constant 13 : i32
      %dma_start3A_413 = arith.constant 0 : i32
      %dma_start3A_414 = tpu.memref_slice %arg8[%dma_start3A_412, %dma_start3A_413] : memref<16x128xi32, #tpu.memory_space<vmem>> -> memref<1x128xi32, #tpu.memory_space<vmem>>
      %dma_start3A_415 = tpu.memref_squeeze %dma_start3A_414 : memref<1x128xi32, #tpu.memory_space<vmem>> -> memref<128xi32, #tpu.memory_space<vmem>>
      %dma_start3A_416 = arith.constant 0 : i32
      %dma_start3A_417 = arith.constant 0 : i32
      %dma_start3A_418 = tpu.memref_slice %arg13[%dma_start3A_416, %dma_start3A_417] : memref<10240x32xf32, #tpu.memory_space<vmem_shared>> -> memref<10240x32xf32, #tpu.memory_space<vmem_shared>>
      tpu.enqueue_indirect_dma source(%arg10 : memref<128x32xf32, #tpu.memory_space<vmem>>) target(%dma_start3A_418 : memref<10240x32xf32, #tpu.memory_space<vmem_shared>>) offsets(%dma_start3A_415 : memref<128xi32, #tpu.memory_space<vmem>>) semaphore(%arg19 : memref<!tpu.dma_semaphore, #tpu.memory_space<semaphore_mem>>) {add = true}
      %dma_wait3A_419 = arith.constant 11 : i32
      %dma_wait3A_420 = arith.constant 0 : i32
      %dma_wait3A_421 = tpu.memref_slice %arg8[%dma_wait3A_419, %dma_wait3A_420] : memref<16x128xi32, #tpu.memory_space<vmem>> -> memref<1x128xi32, #tpu.memory_space<vmem>>
      %dma_wait3A_422 = tpu.memref_squeeze %dma_wait3A_421 : memref<1x128xi32, #tpu.memory_space<vmem>> -> memref<128xi32, #tpu.memory_space<vmem>>
      %dma_wait3A_423 = arith.constant 0 : i32
      %dma_wait3A_424 = arith.constant 0 : i32
      %dma_wait3A_425 = tpu.memref_slice %arg13[%dma_wait3A_423, %dma_wait3A_424] : memref<10240x32xf32, #tpu.memory_space<vmem_shared>> -> memref<10240x32xf32, #tpu.memory_space<vmem_shared>>
      tpu.wait_indirect_dma semaphore(%arg21 : memref<!tpu.dma_semaphore, #tpu.memory_space<semaphore_mem>>) src(%arg12 : memref<128x32xf32, #tpu.memory_space<vmem>>) dst(%dma_wait3A_425 : memref<10240x32xf32, #tpu.memory_space<vmem_shared>>)
      %dma_start3A_426 = arith.constant 15 : i32
      %dma_start3A_427 = arith.constant 0 : i32
      %dma_start3A_428 = tpu.memref_slice %arg7[%dma_start3A_426, %dma_start3A_427] : memref<16x128xi32, #tpu.memory_space<vmem>> -> memref<1x128xi32, #tpu.memory_space<vmem>>
      %dma_start3A_429 = tpu.memref_squeeze %dma_start3A_428 : memref<1x128xi32, #tpu.memory_space<vmem>> -> memref<128xi32, #tpu.memory_space<vmem>>
      %dma_start3A_430 = arith.constant 0 : i32
      %dma_start3A_431 = arith.constant 0 : i32
      %dma_start3A_432 = tpu.memref_slice %arg4[%dma_start3A_430, %dma_start3A_431] : memref<10240x32xf32, #tpu.memory_space<hbm>> -> memref<10240x32xf32, #tpu.memory_space<hbm>>
      tpu.enqueue_indirect_dma source(%dma_start3A_432 : memref<10240x32xf32, #tpu.memory_space<hbm>>) target(%arg12 : memref<128x32xf32, #tpu.memory_space<vmem>>) offsets(%dma_start3A_429 : memref<128xi32, #tpu.memory_space<vmem>>) semaphore(%arg17 : memref<!tpu.dma_semaphore, #tpu.memory_space<semaphore_mem>>)
      %dma_wait3A_433 = arith.constant 14 : i32
      %dma_wait3A_434 = arith.constant 0 : i32
      %dma_wait3A_435 = tpu.memref_slice %arg7[%dma_wait3A_433, %dma_wait3A_434] : memref<16x128xi32, #tpu.memory_space<vmem>> -> memref<1x128xi32, #tpu.memory_space<vmem>>
      %dma_wait3A_436 = tpu.memref_squeeze %dma_wait3A_435 : memref<1x128xi32, #tpu.memory_space<vmem>> -> memref<128xi32, #tpu.memory_space<vmem>>
      %dma_wait3A_437 = arith.constant 0 : i32
      %dma_wait3A_438 = arith.constant 0 : i32
      %dma_wait3A_439 = tpu.memref_slice %arg4[%dma_wait3A_437, %dma_wait3A_438] : memref<10240x32xf32, #tpu.memory_space<hbm>> -> memref<10240x32xf32, #tpu.memory_space<hbm>>
      tpu.wait_indirect_dma semaphore(%arg16 : memref<!tpu.dma_semaphore, #tpu.memory_space<semaphore_mem>>) src(%dma_wait3A_439 : memref<10240x32xf32, #tpu.memory_space<hbm>>) dst(%arg11 : memref<128x32xf32, #tpu.memory_space<vmem>>)
      %dma_start3A_440 = arith.constant 14 : i32
      %dma_start3A_441 = arith.constant 0 : i32
      %dma_start3A_442 = tpu.memref_slice %arg8[%dma_start3A_440, %dma_start3A_441] : memref<16x128xi32, #tpu.memory_space<vmem>> -> memref<1x128xi32, #tpu.memory_space<vmem>>
      %dma_start3A_443 = tpu.memref_squeeze %dma_start3A_442 : memref<1x128xi32, #tpu.memory_space<vmem>> -> memref<128xi32, #tpu.memory_space<vmem>>
      %dma_start3A_444 = arith.constant 0 : i32
      %dma_start3A_445 = arith.constant 0 : i32
      %dma_start3A_446 = tpu.memref_slice %arg13[%dma_start3A_444, %dma_start3A_445] : memref<10240x32xf32, #tpu.memory_space<vmem_shared>> -> memref<10240x32xf32, #tpu.memory_space<vmem_shared>>
      tpu.enqueue_indirect_dma source(%arg11 : memref<128x32xf32, #tpu.memory_space<vmem>>) target(%dma_start3A_446 : memref<10240x32xf32, #tpu.memory_space<vmem_shared>>) offsets(%dma_start3A_443 : memref<128xi32, #tpu.memory_space<vmem>>) semaphore(%arg20 : memref<!tpu.dma_semaphore, #tpu.memory_space<semaphore_mem>>) {add = true}
      %dma_wait3A_447 = arith.constant 15 : i32
      %dma_wait3A_448 = arith.constant 0 : i32
      %dma_wait3A_449 = tpu.memref_slice %arg7[%dma_wait3A_447, %dma_wait3A_448] : memref<16x128xi32, #tpu.memory_space<vmem>> -> memref<1x128xi32, #tpu.memory_space<vmem>>
      %dma_wait3A_450 = tpu.memref_squeeze %dma_wait3A_449 : memref<1x128xi32, #tpu.memory_space<vmem>> -> memref<128xi32, #tpu.memory_space<vmem>>
      %dma_wait3A_451 = arith.constant 0 : i32
      %dma_wait3A_452 = arith.constant 0 : i32
      %dma_wait3A_453 = tpu.memref_slice %arg4[%dma_wait3A_451, %dma_wait3A_452] : memref<10240x32xf32, #tpu.memory_space<hbm>> -> memref<10240x32xf32, #tpu.memory_space<hbm>>
      tpu.wait_indirect_dma semaphore(%arg17 : memref<!tpu.dma_semaphore, #tpu.memory_space<semaphore_mem>>) src(%dma_wait3A_453 : memref<10240x32xf32, #tpu.memory_space<hbm>>) dst(%arg12 : memref<128x32xf32, #tpu.memory_space<vmem>>)
      %dma_start3A_454 = arith.constant 15 : i32
      %dma_start3A_455 = arith.constant 0 : i32
      %dma_start3A_456 = tpu.memref_slice %arg8[%dma_start3A_454, %dma_start3A_455] : memref<16x128xi32, #tpu.memory_space<vmem>> -> memref<1x128xi32, #tpu.memory_space<vmem>>
      %dma_start3A_457 = tpu.memref_squeeze %dma_start3A_456 : memref<1x128xi32, #tpu.memory_space<vmem>> -> memref<128xi32, #tpu.memory_space<vmem>>
      %dma_start3A_458 = arith.constant 0 : i32
      %dma_start3A_459 = arith.constant 0 : i32
      %dma_start3A_460 = tpu.memref_slice %arg13[%dma_start3A_458, %dma_start3A_459] : memref<10240x32xf32, #tpu.memory_space<vmem_shared>> -> memref<10240x32xf32, #tpu.memory_space<vmem_shared>>
      tpu.enqueue_indirect_dma source(%arg12 : memref<128x32xf32, #tpu.memory_space<vmem>>) target(%dma_start3A_460 : memref<10240x32xf32, #tpu.memory_space<vmem_shared>>) offsets(%dma_start3A_457 : memref<128xi32, #tpu.memory_space<vmem>>) semaphore(%arg21 : memref<!tpu.dma_semaphore, #tpu.memory_space<semaphore_mem>>) {add = true}
      %dma_wait3A_461 = arith.constant 12 : i32
      %dma_wait3A_462 = arith.constant 0 : i32
      %dma_wait3A_463 = tpu.memref_slice %arg8[%dma_wait3A_461, %dma_wait3A_462] : memref<16x128xi32, #tpu.memory_space<vmem>> -> memref<1x128xi32, #tpu.memory_space<vmem>>
      %dma_wait3A_464 = tpu.memref_squeeze %dma_wait3A_463 : memref<1x128xi32, #tpu.memory_space<vmem>> -> memref<128xi32, #tpu.memory_space<vmem>>
      %dma_wait3A_465 = arith.constant 0 : i32
      %dma_wait3A_466 = arith.constant 0 : i32
      %dma_wait3A_467 = tpu.memref_slice %arg13[%dma_wait3A_465, %dma_wait3A_466] : memref<10240x32xf32, #tpu.memory_space<vmem_shared>> -> memref<10240x32xf32, #tpu.memory_space<vmem_shared>>
      tpu.wait_indirect_dma semaphore(%arg18 : memref<!tpu.dma_semaphore, #tpu.memory_space<semaphore_mem>>) src(%arg9 : memref<128x32xf32, #tpu.memory_space<vmem>>) dst(%dma_wait3A_467 : memref<10240x32xf32, #tpu.memory_space<vmem_shared>>)
      %dma_wait3A_468 = arith.constant 13 : i32
      %dma_wait3A_469 = arith.constant 0 : i32
      %dma_wait3A_470 = tpu.memref_slice %arg8[%dma_wait3A_468, %dma_wait3A_469] : memref<16x128xi32, #tpu.memory_space<vmem>> -> memref<1x128xi32, #tpu.memory_space<vmem>>
      %dma_wait3A_471 = tpu.memref_squeeze %dma_wait3A_470 : memref<1x128xi32, #tpu.memory_space<vmem>> -> memref<128xi32, #tpu.memory_space<vmem>>
      %dma_wait3A_472 = arith.constant 0 : i32
      %dma_wait3A_473 = arith.constant 0 : i32
      %dma_wait3A_474 = tpu.memref_slice %arg13[%dma_wait3A_472, %dma_wait3A_473] : memref<10240x32xf32, #tpu.memory_space<vmem_shared>> -> memref<10240x32xf32, #tpu.memory_space<vmem_shared>>
      tpu.wait_indirect_dma semaphore(%arg19 : memref<!tpu.dma_semaphore, #tpu.memory_space<semaphore_mem>>) src(%arg10 : memref<128x32xf32, #tpu.memory_space<vmem>>) dst(%dma_wait3A_474 : memref<10240x32xf32, #tpu.memory_space<vmem_shared>>)
      %dma_wait3A_475 = arith.constant 14 : i32
      %dma_wait3A_476 = arith.constant 0 : i32
      %dma_wait3A_477 = tpu.memref_slice %arg8[%dma_wait3A_475, %dma_wait3A_476] : memref<16x128xi32, #tpu.memory_space<vmem>> -> memref<1x128xi32, #tpu.memory_space<vmem>>
      %dma_wait3A_478 = tpu.memref_squeeze %dma_wait3A_477 : memref<1x128xi32, #tpu.memory_space<vmem>> -> memref<128xi32, #tpu.memory_space<vmem>>
      %dma_wait3A_479 = arith.constant 0 : i32
      %dma_wait3A_480 = arith.constant 0 : i32
      %dma_wait3A_481 = tpu.memref_slice %arg13[%dma_wait3A_479, %dma_wait3A_480] : memref<10240x32xf32, #tpu.memory_space<vmem_shared>> -> memref<10240x32xf32, #tpu.memory_space<vmem_shared>>
      tpu.wait_indirect_dma semaphore(%arg20 : memref<!tpu.dma_semaphore, #tpu.memory_space<semaphore_mem>>) src(%arg11 : memref<128x32xf32, #tpu.memory_space<vmem>>) dst(%dma_wait3A_481 : memref<10240x32xf32, #tpu.memory_space<vmem_shared>>)
      %dma_wait3A_482 = arith.constant 15 : i32
      %dma_wait3A_483 = arith.constant 0 : i32
      %dma_wait3A_484 = tpu.memref_slice %arg8[%dma_wait3A_482, %dma_wait3A_483] : memref<16x128xi32, #tpu.memory_space<vmem>> -> memref<1x128xi32, #tpu.memory_space<vmem>>
      %dma_wait3A_485 = tpu.memref_squeeze %dma_wait3A_484 : memref<1x128xi32, #tpu.memory_space<vmem>> -> memref<128xi32, #tpu.memory_space<vmem>>
      %dma_wait3A_486 = arith.constant 0 : i32
      %dma_wait3A_487 = arith.constant 0 : i32
      %dma_wait3A_488 = tpu.memref_slice %arg13[%dma_wait3A_486, %dma_wait3A_487] : memref<10240x32xf32, #tpu.memory_space<vmem_shared>> -> memref<10240x32xf32, #tpu.memory_space<vmem_shared>>
      tpu.wait_indirect_dma semaphore(%arg21 : memref<!tpu.dma_semaphore, #tpu.memory_space<semaphore_mem>>) src(%arg12 : memref<128x32xf32, #tpu.memory_space<vmem>>) dst(%dma_wait3A_488 : memref<10240x32xf32, #tpu.memory_space<vmem_shared>>)
    }
    %scan3A_27 = arith.constant 5 : i32
    %barrier3A_28 = arith.constant 0 : index
    tpu.barrier barrier_id(%barrier3A_28)
    %mul3A_29 = arith.constant 640 : i32
    %mul3A_30 = arith.muli %arg1, %mul3A_29 : i32
    %mul3A_31 = arith.constant 10240 : i32
    %mul3A_32 = arith.muli %arg0, %mul3A_31 : i32
    %mul3A_33 = arith.constant 640 : i32
    %mul3A_34 = arith.muli %arg1, %mul3A_33 : i32
    %add3A_35 = arith.addi %mul3A_32, %mul3A_34 : i32
    "tpu.region"() ({
      %run_scoped3A = tpu.sem_alloc : memref<!tpu.dma_semaphore, #tpu.memory_space<semaphore_mem>>
      %dma_start3A = arith.constant 0 : i32
      %dma_start3A_36 = tpu.memref_slice %arg6[%add3A_35, %dma_start3A] : memref<20480x32xf32, #tpu.memory_space<hbm>> -> memref<640x32xf32, #tpu.memory_space<hbm>>
      %dma_start3A_37 = arith.constant 0 : i32
      %dma_start3A_38 = tpu.memref_slice %arg13[%mul3A_30, %dma_start3A_37] : memref<10240x32xf32, #tpu.memory_space<vmem_shared>> -> memref<640x32xf32, #tpu.memory_space<vmem_shared>>
      tpu.enqueue_dma source(%dma_start3A_38 : memref<640x32xf32, #tpu.memory_space<vmem_shared>>) target(%dma_start3A_36 : memref<640x32xf32, #tpu.memory_space<hbm>>) target_semaphore(%run_scoped3A : memref<!tpu.dma_semaphore, #tpu.memory_space<semaphore_mem>>)
      %dma_wait3A = arith.constant 0 : i32
      %dma_wait3A_39 = tpu.memref_slice %arg6[%add3A_35, %dma_wait3A] : memref<20480x32xf32, #tpu.memory_space<hbm>> -> memref<640x32xf32, #tpu.memory_space<hbm>>
      %dma_wait3A_40 = arith.constant 0 : i32
      %dma_wait3A_41 = tpu.memref_slice %arg13[%mul3A_30, %dma_wait3A_40] : memref<10240x32xf32, #tpu.memory_space<vmem_shared>> -> memref<640x32xf32, #tpu.memory_space<vmem_shared>>
      tpu.wait_dma2 semaphore(%run_scoped3A : memref<!tpu.dma_semaphore, #tpu.memory_space<semaphore_mem>>) src(%dma_wait3A_41 : memref<640x32xf32, #tpu.memory_space<vmem_shared>>) dst(%dma_wait3A_39 : memref<640x32xf32, #tpu.memory_space<hbm>>)
      tpu.yield
    }) : () -> ()
    return
  }
}

#map = affine_map<(d0, d1) -> (0)>
#map1 = affine_map<(d0, d1) -> (0, 0)>
module attributes {stable_mosaic.version = 14 : i64} {
  func.func @sc_degree(%arg0: i32, %arg1: i32, %arg2: memref<320000xi32, #tpu.memory_space<hbm>>, %arg3: memref<80x16xf32, #tpu.memory_space<hbm>>, %arg4: memref<10240x16xf32, #tpu.memory_space<hbm>>, %arg5: memref<20480x16xf32, #tpu.memory_space<hbm>>, %arg6: memref<80xi32, #tpu.memory_space<vmem>>, %arg7: memref<80x16xf32, #tpu.memory_space<vmem>>, %arg8: memref<10240x16xf32, #tpu.memory_space<vmem_shared>>) attributes {dimension_semantics = [#tpu.dimension_semantics<core_parallel>, #tpu.dimension_semantics<subcore_parallel>], iteration_bounds = array<i64: 2, 16>, scalar_prefetch = 0 : i64, scratch_operands = 3 : i64, tpu.core_type = #tpu.core_type<sc_vector_subcore>, window_params = [{transform_indices = #map}, {transform_indices = #map1}, {transform_indices = #map1}, {transform_indices = #map1}]} {
    "tpu.region"() ({
      %run_scoped3A = tpu.sem_alloc : memref<!tpu.dma_semaphore, #tpu.memory_space<semaphore_mem>>
      tpu.enqueue_dma source(%arg3 : memref<80x16xf32, #tpu.memory_space<hbm>>) target(%arg7 : memref<80x16xf32, #tpu.memory_space<vmem>>) target_semaphore(%run_scoped3A : memref<!tpu.dma_semaphore, #tpu.memory_space<semaphore_mem>>)
      tpu.wait_dma2 semaphore(%run_scoped3A : memref<!tpu.dma_semaphore, #tpu.memory_space<semaphore_mem>>) src(%arg3 : memref<80x16xf32, #tpu.memory_space<hbm>>) dst(%arg7 : memref<80x16xf32, #tpu.memory_space<vmem>>)
      tpu.yield
    }) : () -> ()
    %mul3A = arith.constant 640 : i32
    %mul3A_0 = arith.muli %arg1, %mul3A : i32
    %mul3A_1 = arith.constant 640 : i32
    %mul3A_2 = arith.muli %arg1, %mul3A_1 : i32
    "tpu.region"() ({
      %run_scoped3A = tpu.sem_alloc : memref<!tpu.dma_semaphore, #tpu.memory_space<semaphore_mem>>
      %dma_start3A = arith.constant 0 : i32
      %dma_start3A_20 = tpu.memref_slice %arg8[%mul3A_2, %dma_start3A] : memref<10240x16xf32, #tpu.memory_space<vmem_shared>> -> memref<640x16xf32, #tpu.memory_space<vmem_shared>>
      %dma_start3A_21 = arith.constant 0 : i32
      %dma_start3A_22 = tpu.memref_slice %arg4[%mul3A_0, %dma_start3A_21] : memref<10240x16xf32, #tpu.memory_space<hbm>> -> memref<640x16xf32, #tpu.memory_space<hbm>>
      tpu.enqueue_dma source(%dma_start3A_22 : memref<640x16xf32, #tpu.memory_space<hbm>>) target(%dma_start3A_20 : memref<640x16xf32, #tpu.memory_space<vmem_shared>>) target_semaphore(%run_scoped3A : memref<!tpu.dma_semaphore, #tpu.memory_space<semaphore_mem>>)
      %dma_wait3A = arith.constant 0 : i32
      %dma_wait3A_23 = tpu.memref_slice %arg8[%mul3A_2, %dma_wait3A] : memref<10240x16xf32, #tpu.memory_space<vmem_shared>> -> memref<640x16xf32, #tpu.memory_space<vmem_shared>>
      %dma_wait3A_24 = arith.constant 0 : i32
      %dma_wait3A_25 = tpu.memref_slice %arg4[%mul3A_0, %dma_wait3A_24] : memref<10240x16xf32, #tpu.memory_space<hbm>> -> memref<640x16xf32, #tpu.memory_space<hbm>>
      tpu.wait_dma2 semaphore(%run_scoped3A : memref<!tpu.dma_semaphore, #tpu.memory_space<semaphore_mem>>) src(%dma_wait3A_25 : memref<640x16xf32, #tpu.memory_space<hbm>>) dst(%dma_wait3A_23 : memref<640x16xf32, #tpu.memory_space<vmem_shared>>)
      tpu.yield
    }) : () -> ()
    %barrier3A = arith.constant 0 : index
    tpu.barrier barrier_id(%barrier3A)
    %mul3A_3 = arith.constant 16 : i32
    %mul3A_4 = arith.muli %arg0, %mul3A_3 : i32
    %add3A = arith.addi %mul3A_4, %arg1 : i32
    %mul3A_5 = arith.constant 10000 : i32
    %mul3A_6 = arith.muli %add3A, %mul3A_5 : i32
    %scan3A = arith.constant 0 : i32
    %scan3A_7 = arith.constant 0 : i32
    %scan3A_8 = arith.constant 125 : i32
    %scan3A_9 = arith.addi %scan3A_7, %scan3A_8 : i32
    %scan3A_10 = arith.constant 1 : i32
    scf.for %scan3A_20 = %scan3A_7 to %scan3A_9 step %scan3A_10  : i32 {
      %mul3A_21 = arith.constant 80 : i32
      %mul3A_22 = arith.muli %scan3A_20, %mul3A_21 : i32
      %add3A_23 = arith.addi %mul3A_6, %mul3A_22 : i32
      "tpu.region"() ({
        %run_scoped3A = tpu.sem_alloc : memref<!tpu.dma_semaphore, #tpu.memory_space<semaphore_mem>>
        %dma_start3A = tpu.memref_slice %arg2[%add3A_23] : memref<320000xi32, #tpu.memory_space<hbm>> -> memref<80xi32, #tpu.memory_space<hbm>>
        %dma_start3A_24 = tpu.memref_slice %arg2[%add3A_23] : memref<320000xi32, #tpu.memory_space<hbm>> -> memref<80xi32, #tpu.memory_space<hbm>>
        tpu.enqueue_dma source(%dma_start3A_24 : memref<80xi32, #tpu.memory_space<hbm>>) target(%arg6 : memref<80xi32, #tpu.memory_space<vmem>>) target_semaphore(%run_scoped3A : memref<!tpu.dma_semaphore, #tpu.memory_space<semaphore_mem>>)
        %dma_wait3A = tpu.memref_slice %arg2[%add3A_23] : memref<320000xi32, #tpu.memory_space<hbm>> -> memref<80xi32, #tpu.memory_space<hbm>>
        %dma_wait3A_25 = tpu.memref_slice %arg2[%add3A_23] : memref<320000xi32, #tpu.memory_space<hbm>> -> memref<80xi32, #tpu.memory_space<hbm>>
        tpu.wait_dma2 semaphore(%run_scoped3A : memref<!tpu.dma_semaphore, #tpu.memory_space<semaphore_mem>>) src(%dma_wait3A_25 : memref<80xi32, #tpu.memory_space<hbm>>) dst(%arg6 : memref<80xi32, #tpu.memory_space<vmem>>)
        tpu.yield
      }) : () -> ()
      "tpu.region"() ({
        %run_scoped3A = tpu.sem_alloc : memref<!tpu.dma_semaphore, #tpu.memory_space<semaphore_mem>>
        %dma_start3A = arith.constant 0 : i32
        %dma_start3A_24 = arith.constant 0 : i32
        %dma_start3A_25 = tpu.memref_slice %arg8[%dma_start3A, %dma_start3A_24] : memref<10240x16xf32, #tpu.memory_space<vmem_shared>> -> memref<10240x16xf32, #tpu.memory_space<vmem_shared>>
        tpu.enqueue_indirect_dma source(%arg7 : memref<80x16xf32, #tpu.memory_space<vmem>>) target(%dma_start3A_25 : memref<10240x16xf32, #tpu.memory_space<vmem_shared>>) offsets(%arg6 : memref<80xi32, #tpu.memory_space<vmem>>) semaphore(%run_scoped3A : memref<!tpu.dma_semaphore, #tpu.memory_space<semaphore_mem>>) {add = true}
        %dma_wait3A = arith.constant 0 : i32
        %dma_wait3A_26 = arith.constant 0 : i32
        %dma_wait3A_27 = tpu.memref_slice %arg8[%dma_wait3A, %dma_wait3A_26] : memref<10240x16xf32, #tpu.memory_space<vmem_shared>> -> memref<10240x16xf32, #tpu.memory_space<vmem_shared>>
        tpu.wait_indirect_dma semaphore(%run_scoped3A : memref<!tpu.dma_semaphore, #tpu.memory_space<semaphore_mem>>) src(%arg7 : memref<80x16xf32, #tpu.memory_space<vmem>>) dst(%dma_wait3A_27 : memref<10240x16xf32, #tpu.memory_space<vmem_shared>>)
        tpu.yield
      }) : () -> ()
    }
    %scan3A_11 = arith.constant 125 : i32
    %barrier3A_12 = arith.constant 0 : index
    tpu.barrier barrier_id(%barrier3A_12)
    %mul3A_13 = arith.constant 640 : i32
    %mul3A_14 = arith.muli %arg1, %mul3A_13 : i32
    %mul3A_15 = arith.constant 10240 : i32
    %mul3A_16 = arith.muli %arg0, %mul3A_15 : i32
    %mul3A_17 = arith.constant 640 : i32
    %mul3A_18 = arith.muli %arg1, %mul3A_17 : i32
    %add3A_19 = arith.addi %mul3A_16, %mul3A_18 : i32
    "tpu.region"() ({
      %run_scoped3A = tpu.sem_alloc : memref<!tpu.dma_semaphore, #tpu.memory_space<semaphore_mem>>
      %dma_start3A = arith.constant 0 : i32
      %dma_start3A_20 = tpu.memref_slice %arg5[%add3A_19, %dma_start3A] : memref<20480x16xf32, #tpu.memory_space<hbm>> -> memref<640x16xf32, #tpu.memory_space<hbm>>
      %dma_start3A_21 = arith.constant 0 : i32
      %dma_start3A_22 = tpu.memref_slice %arg8[%mul3A_14, %dma_start3A_21] : memref<10240x16xf32, #tpu.memory_space<vmem_shared>> -> memref<640x16xf32, #tpu.memory_space<vmem_shared>>
      tpu.enqueue_dma source(%dma_start3A_22 : memref<640x16xf32, #tpu.memory_space<vmem_shared>>) target(%dma_start3A_20 : memref<640x16xf32, #tpu.memory_space<hbm>>) target_semaphore(%run_scoped3A : memref<!tpu.dma_semaphore, #tpu.memory_space<semaphore_mem>>)
      %dma_wait3A = arith.constant 0 : i32
      %dma_wait3A_23 = tpu.memref_slice %arg5[%add3A_19, %dma_wait3A] : memref<20480x16xf32, #tpu.memory_space<hbm>> -> memref<640x16xf32, #tpu.memory_space<hbm>>
      %dma_wait3A_24 = arith.constant 0 : i32
      %dma_wait3A_25 = tpu.memref_slice %arg8[%mul3A_14, %dma_wait3A_24] : memref<10240x16xf32, #tpu.memory_space<vmem_shared>> -> memref<640x16xf32, #tpu.memory_space<vmem_shared>>
      tpu.wait_dma2 semaphore(%run_scoped3A : memref<!tpu.dma_semaphore, #tpu.memory_space<semaphore_mem>>) src(%dma_wait3A_25 : memref<640x16xf32, #tpu.memory_space<vmem_shared>>) dst(%dma_wait3A_23 : memref<640x16xf32, #tpu.memory_space<hbm>>)
      tpu.yield
    }) : () -> ()
    return
  }
}

#map = affine_map<(d0, d1) -> (0, 0)>
module attributes {stable_mosaic.version = 14 : i64} {
  func.func @sc_edge2(%arg0: i32, %arg1: i32, %arg2: memref<2560x128xi32, #tpu.memory_space<hbm>>, %arg3: memref<2560x128xi32, #tpu.memory_space<hbm>>, %arg4: memref<10240x128xf32, #tpu.memory_space<hbm>>, %arg5: memref<10240x128xf32, #tpu.memory_space<hbm>>, %arg6: memref<20480x128xf32, #tpu.memory_space<hbm>>, %arg7: memref<16x128xi32, #tpu.memory_space<vmem>>, %arg8: memref<16x128xi32, #tpu.memory_space<vmem>>, %arg9: memref<128x128xf32, #tpu.memory_space<vmem>>, %arg10: memref<128x128xf32, #tpu.memory_space<vmem>>, %arg11: memref<10240x128xf32, #tpu.memory_space<vmem_shared>>, %arg12: memref<!tpu.dma_semaphore, #tpu.memory_space<semaphore_mem>>, %arg13: memref<!tpu.dma_semaphore, #tpu.memory_space<semaphore_mem>>, %arg14: memref<!tpu.dma_semaphore, #tpu.memory_space<semaphore_mem>>, %arg15: memref<!tpu.dma_semaphore, #tpu.memory_space<semaphore_mem>>) attributes {dimension_semantics = [#tpu.dimension_semantics<core_parallel>, #tpu.dimension_semantics<subcore_parallel>], iteration_bounds = array<i64: 2, 16>, scalar_prefetch = 0 : i64, scratch_operands = 9 : i64, tpu.core_type = #tpu.core_type<sc_vector_subcore>, window_params = [{transform_indices = #map}, {transform_indices = #map}, {transform_indices = #map}, {transform_indices = #map}, {transform_indices = #map}]} {
    %mul3A = arith.constant 640 : i32
    %mul3A_0 = arith.muli %arg1, %mul3A : i32
    %mul3A_1 = arith.constant 640 : i32
    %mul3A_2 = arith.muli %arg1, %mul3A_1 : i32
    "tpu.region"() ({
      %run_scoped3A = tpu.sem_alloc : memref<!tpu.dma_semaphore, #tpu.memory_space<semaphore_mem>>
      %dma_start3A = arith.constant 0 : i32
      %dma_start3A_36 = tpu.memref_slice %arg11[%mul3A_2, %dma_start3A] : memref<10240x128xf32, #tpu.memory_space<vmem_shared>> -> memref<640x128xf32, #tpu.memory_space<vmem_shared>>
      %dma_start3A_37 = arith.constant 0 : i32
      %dma_start3A_38 = tpu.memref_slice %arg5[%mul3A_0, %dma_start3A_37] : memref<10240x128xf32, #tpu.memory_space<hbm>> -> memref<640x128xf32, #tpu.memory_space<hbm>>
      tpu.enqueue_dma source(%dma_start3A_38 : memref<640x128xf32, #tpu.memory_space<hbm>>) target(%dma_start3A_36 : memref<640x128xf32, #tpu.memory_space<vmem_shared>>) target_semaphore(%run_scoped3A : memref<!tpu.dma_semaphore, #tpu.memory_space<semaphore_mem>>)
      %dma_wait3A = arith.constant 0 : i32
      %dma_wait3A_39 = tpu.memref_slice %arg11[%mul3A_2, %dma_wait3A] : memref<10240x128xf32, #tpu.memory_space<vmem_shared>> -> memref<640x128xf32, #tpu.memory_space<vmem_shared>>
      %dma_wait3A_40 = arith.constant 0 : i32
      %dma_wait3A_41 = tpu.memref_slice %arg5[%mul3A_0, %dma_wait3A_40] : memref<10240x128xf32, #tpu.memory_space<hbm>> -> memref<640x128xf32, #tpu.memory_space<hbm>>
      tpu.wait_dma2 semaphore(%run_scoped3A : memref<!tpu.dma_semaphore, #tpu.memory_space<semaphore_mem>>) src(%dma_wait3A_41 : memref<640x128xf32, #tpu.memory_space<hbm>>) dst(%dma_wait3A_39 : memref<640x128xf32, #tpu.memory_space<vmem_shared>>)
      tpu.yield
    }) : () -> ()
    %barrier3A = arith.constant 0 : index
    tpu.barrier barrier_id(%barrier3A)
    %mul3A_3 = arith.constant 163840 : i32
    %mul3A_4 = arith.muli %arg0, %mul3A_3 : i32
    %mul3A_5 = arith.constant 10240 : i32
    %mul3A_6 = arith.muli %arg1, %mul3A_5 : i32
    %add3A = arith.addi %mul3A_4, %mul3A_6 : i32
    %jit3A = arith.constant 128 : i32
    %div3A = arith.divsi %add3A, %jit3A : i32
    %sign3A = arith.constant 0 : i32
    %sign3A_7 = arith.cmpi sgt, %add3A, %sign3A : i32
    %sign3A_8 = arith.extui %sign3A_7 : i1 to i32
    %sign3A_9 = arith.constant 0 : i32
    %sign3A_10 = arith.cmpi slt, %add3A, %sign3A_9 : i32
    %sign3A_11 = arith.extui %sign3A_10 : i1 to i32
    %sign3A_12 = arith.subi %sign3A_8, %sign3A_11 : i32
    %sign3A_13 = arith.constant 0 : i32
    %sign3A_14 = arith.cmpi sgt, %jit3A, %sign3A_13 : i32
    %sign3A_15 = arith.extui %sign3A_14 : i1 to i32
    %sign3A_16 = arith.constant 0 : i32
    %sign3A_17 = arith.cmpi slt, %jit3A, %sign3A_16 : i32
    %sign3A_18 = arith.extui %sign3A_17 : i1 to i32
    %sign3A_19 = arith.subi %sign3A_15, %sign3A_18 : i32
    %ne3A = arith.cmpi ne, %sign3A_12, %sign3A_19 : i32
    %rem3A = arith.remsi %add3A, %jit3A : i32
    %ne3A_20 = arith.constant 0 : i32
    %ne3A_21 = arith.cmpi ne, %rem3A, %ne3A_20 : i32
    %and3A = arith.andi %ne3A, %ne3A_21 : i1
    %sub3A = arith.constant 1 : i32
    %sub3A_22 = arith.subi %div3A, %sub3A : i32
    %select_n3A = arith.select %and3A, %sub3A_22, %div3A : i32
    %scan3A = arith.constant 0 : i32
    %scan3A_23 = arith.constant 0 : i32
    %scan3A_24 = arith.constant 5 : i32
    %scan3A_25 = arith.addi %scan3A_23, %scan3A_24 : i32
    %scan3A_26 = arith.constant 1 : i32
    scf.for %scan3A_36 = %scan3A_23 to %scan3A_25 step %scan3A_26  : i32 {
      %mul3A_37 = arith.constant 16 : i32
      %mul3A_38 = arith.muli %scan3A_36, %mul3A_37 : i32
      %add3A_39 = arith.addi %select_n3A, %mul3A_38 : i32
      "tpu.region"() ({
        %run_scoped3A = tpu.sem_alloc : memref<!tpu.dma_semaphore, #tpu.memory_space<semaphore_mem>>
        %dma_start3A_489 = arith.constant 0 : i32
        %dma_start3A_490 = tpu.memref_slice %arg2[%add3A_39, %dma_start3A_489] : memref<2560x128xi32, #tpu.memory_space<hbm>> -> memref<16x128xi32, #tpu.memory_space<hbm>>
        %dma_start3A_491 = arith.constant 0 : i32
        %dma_start3A_492 = tpu.memref_slice %arg2[%add3A_39, %dma_start3A_491] : memref<2560x128xi32, #tpu.memory_space<hbm>> -> memref<16x128xi32, #tpu.memory_space<hbm>>
        tpu.enqueue_dma source(%dma_start3A_492 : memref<16x128xi32, #tpu.memory_space<hbm>>) target(%arg7 : memref<16x128xi32, #tpu.memory_space<vmem>>) target_semaphore(%run_scoped3A : memref<!tpu.dma_semaphore, #tpu.memory_space<semaphore_mem>>)
        %dma_wait3A_493 = arith.constant 0 : i32
        %dma_wait3A_494 = tpu.memref_slice %arg2[%add3A_39, %dma_wait3A_493] : memref<2560x128xi32, #tpu.memory_space<hbm>> -> memref<16x128xi32, #tpu.memory_space<hbm>>
        %dma_wait3A_495 = arith.constant 0 : i32
        %dma_wait3A_496 = tpu.memref_slice %arg2[%add3A_39, %dma_wait3A_495] : memref<2560x128xi32, #tpu.memory_space<hbm>> -> memref<16x128xi32, #tpu.memory_space<hbm>>
        tpu.wait_dma2 semaphore(%run_scoped3A : memref<!tpu.dma_semaphore, #tpu.memory_space<semaphore_mem>>) src(%dma_wait3A_496 : memref<16x128xi32, #tpu.memory_space<hbm>>) dst(%arg7 : memref<16x128xi32, #tpu.memory_space<vmem>>)
        tpu.yield
      }) : () -> ()
      %mul3A_40 = arith.constant 16 : i32
      %mul3A_41 = arith.muli %scan3A_36, %mul3A_40 : i32
      %add3A_42 = arith.addi %select_n3A, %mul3A_41 : i32
      "tpu.region"() ({
        %run_scoped3A = tpu.sem_alloc : memref<!tpu.dma_semaphore, #tpu.memory_space<semaphore_mem>>
        %dma_start3A_489 = arith.constant 0 : i32
        %dma_start3A_490 = tpu.memref_slice %arg3[%add3A_42, %dma_start3A_489] : memref<2560x128xi32, #tpu.memory_space<hbm>> -> memref<16x128xi32, #tpu.memory_space<hbm>>
        %dma_start3A_491 = arith.constant 0 : i32
        %dma_start3A_492 = tpu.memref_slice %arg3[%add3A_42, %dma_start3A_491] : memref<2560x128xi32, #tpu.memory_space<hbm>> -> memref<16x128xi32, #tpu.memory_space<hbm>>
        tpu.enqueue_dma source(%dma_start3A_492 : memref<16x128xi32, #tpu.memory_space<hbm>>) target(%arg8 : memref<16x128xi32, #tpu.memory_space<vmem>>) target_semaphore(%run_scoped3A : memref<!tpu.dma_semaphore, #tpu.memory_space<semaphore_mem>>)
        %dma_wait3A_493 = arith.constant 0 : i32
        %dma_wait3A_494 = tpu.memref_slice %arg3[%add3A_42, %dma_wait3A_493] : memref<2560x128xi32, #tpu.memory_space<hbm>> -> memref<16x128xi32, #tpu.memory_space<hbm>>
        %dma_wait3A_495 = arith.constant 0 : i32
        %dma_wait3A_496 = tpu.memref_slice %arg3[%add3A_42, %dma_wait3A_495] : memref<2560x128xi32, #tpu.memory_space<hbm>> -> memref<16x128xi32, #tpu.memory_space<hbm>>
        tpu.wait_dma2 semaphore(%run_scoped3A : memref<!tpu.dma_semaphore, #tpu.memory_space<semaphore_mem>>) src(%dma_wait3A_496 : memref<16x128xi32, #tpu.memory_space<hbm>>) dst(%arg8 : memref<16x128xi32, #tpu.memory_space<vmem>>)
        tpu.yield
      }) : () -> ()
      %dma_start3A = arith.constant 0 : i32
      %dma_start3A_43 = arith.constant 0 : i32
      %dma_start3A_44 = tpu.memref_slice %arg7[%dma_start3A, %dma_start3A_43] : memref<16x128xi32, #tpu.memory_space<vmem>> -> memref<1x128xi32, #tpu.memory_space<vmem>>
      %dma_start3A_45 = tpu.memref_squeeze %dma_start3A_44 : memref<1x128xi32, #tpu.memory_space<vmem>> -> memref<128xi32, #tpu.memory_space<vmem>>
      %dma_start3A_46 = arith.constant 0 : i32
      %dma_start3A_47 = arith.constant 0 : i32
      %dma_start3A_48 = tpu.memref_slice %arg4[%dma_start3A_46, %dma_start3A_47] : memref<10240x128xf32, #tpu.memory_space<hbm>> -> memref<10240x128xf32, #tpu.memory_space<hbm>>
      tpu.enqueue_indirect_dma source(%dma_start3A_48 : memref<10240x128xf32, #tpu.memory_space<hbm>>) target(%arg9 : memref<128x128xf32, #tpu.memory_space<vmem>>) offsets(%dma_start3A_45 : memref<128xi32, #tpu.memory_space<vmem>>) semaphore(%arg12 : memref<!tpu.dma_semaphore, #tpu.memory_space<semaphore_mem>>)
      %dma_start3A_49 = arith.constant 1 : i32
      %dma_start3A_50 = arith.constant 0 : i32
      %dma_start3A_51 = tpu.memref_slice %arg7[%dma_start3A_49, %dma_start3A_50] : memref<16x128xi32, #tpu.memory_space<vmem>> -> memref<1x128xi32, #tpu.memory_space<vmem>>
      %dma_start3A_52 = tpu.memref_squeeze %dma_start3A_51 : memref<1x128xi32, #tpu.memory_space<vmem>> -> memref<128xi32, #tpu.memory_space<vmem>>
      %dma_start3A_53 = arith.constant 0 : i32
      %dma_start3A_54 = arith.constant 0 : i32
      %dma_start3A_55 = tpu.memref_slice %arg4[%dma_start3A_53, %dma_start3A_54] : memref<10240x128xf32, #tpu.memory_space<hbm>> -> memref<10240x128xf32, #tpu.memory_space<hbm>>
      tpu.enqueue_indirect_dma source(%dma_start3A_55 : memref<10240x128xf32, #tpu.memory_space<hbm>>) target(%arg10 : memref<128x128xf32, #tpu.memory_space<vmem>>) offsets(%dma_start3A_52 : memref<128xi32, #tpu.memory_space<vmem>>) semaphore(%arg13 : memref<!tpu.dma_semaphore, #tpu.memory_space<semaphore_mem>>)
      %dma_wait3A = arith.constant 0 : i32
      %dma_wait3A_56 = arith.constant 0 : i32
      %dma_wait3A_57 = tpu.memref_slice %arg7[%dma_wait3A, %dma_wait3A_56] : memref<16x128xi32, #tpu.memory_space<vmem>> -> memref<1x128xi32, #tpu.memory_space<vmem>>
      %dma_wait3A_58 = tpu.memref_squeeze %dma_wait3A_57 : memref<1x128xi32, #tpu.memory_space<vmem>> -> memref<128xi32, #tpu.memory_space<vmem>>
      %dma_wait3A_59 = arith.constant 0 : i32
      %dma_wait3A_60 = arith.constant 0 : i32
      %dma_wait3A_61 = tpu.memref_slice %arg4[%dma_wait3A_59, %dma_wait3A_60] : memref<10240x128xf32, #tpu.memory_space<hbm>> -> memref<10240x128xf32, #tpu.memory_space<hbm>>
      tpu.wait_indirect_dma semaphore(%arg12 : memref<!tpu.dma_semaphore, #tpu.memory_space<semaphore_mem>>) src(%dma_wait3A_61 : memref<10240x128xf32, #tpu.memory_space<hbm>>) dst(%arg9 : memref<128x128xf32, #tpu.memory_space<vmem>>)
      %dma_start3A_62 = arith.constant 0 : i32
      %dma_start3A_63 = arith.constant 0 : i32
      %dma_start3A_64 = tpu.memref_slice %arg8[%dma_start3A_62, %dma_start3A_63] : memref<16x128xi32, #tpu.memory_space<vmem>> -> memref<1x128xi32, #tpu.memory_space<vmem>>
      %dma_start3A_65 = tpu.memref_squeeze %dma_start3A_64 : memref<1x128xi32, #tpu.memory_space<vmem>> -> memref<128xi32, #tpu.memory_space<vmem>>
      %dma_start3A_66 = arith.constant 0 : i32
      %dma_start3A_67 = arith.constant 0 : i32
      %dma_start3A_68 = tpu.memref_slice %arg11[%dma_start3A_66, %dma_start3A_67] : memref<10240x128xf32, #tpu.memory_space<vmem_shared>> -> memref<10240x128xf32, #tpu.memory_space<vmem_shared>>
      tpu.enqueue_indirect_dma source(%arg9 : memref<128x128xf32, #tpu.memory_space<vmem>>) target(%dma_start3A_68 : memref<10240x128xf32, #tpu.memory_space<vmem_shared>>) offsets(%dma_start3A_65 : memref<128xi32, #tpu.memory_space<vmem>>) semaphore(%arg14 : memref<!tpu.dma_semaphore, #tpu.memory_space<semaphore_mem>>) {add = true}
      %dma_wait3A_69 = arith.constant 0 : i32
      %dma_wait3A_70 = arith.constant 0 : i32
      %dma_wait3A_71 = tpu.memref_slice %arg8[%dma_wait3A_69, %dma_wait3A_70] : memref<16x128xi32, #tpu.memory_space<vmem>> -> memref<1x128xi32, #tpu.memory_space<vmem>>
      %dma_wait3A_72 = tpu.memref_squeeze %dma_wait3A_71 : memref<1x128xi32, #tpu.memory_space<vmem>> -> memref<128xi32, #tpu.memory_space<vmem>>
      %dma_wait3A_73 = arith.constant 0 : i32
      %dma_wait3A_74 = arith.constant 0 : i32
      %dma_wait3A_75 = tpu.memref_slice %arg11[%dma_wait3A_73, %dma_wait3A_74] : memref<10240x128xf32, #tpu.memory_space<vmem_shared>> -> memref<10240x128xf32, #tpu.memory_space<vmem_shared>>
      tpu.wait_indirect_dma semaphore(%arg14 : memref<!tpu.dma_semaphore, #tpu.memory_space<semaphore_mem>>) src(%arg9 : memref<128x128xf32, #tpu.memory_space<vmem>>) dst(%dma_wait3A_75 : memref<10240x128xf32, #tpu.memory_space<vmem_shared>>)
      %dma_start3A_76 = arith.constant 2 : i32
      %dma_start3A_77 = arith.constant 0 : i32
      %dma_start3A_78 = tpu.memref_slice %arg7[%dma_start3A_76, %dma_start3A_77] : memref<16x128xi32, #tpu.memory_space<vmem>> -> memref<1x128xi32, #tpu.memory_space<vmem>>
      %dma_start3A_79 = tpu.memref_squeeze %dma_start3A_78 : memref<1x128xi32, #tpu.memory_space<vmem>> -> memref<128xi32, #tpu.memory_space<vmem>>
      %dma_start3A_80 = arith.constant 0 : i32
      %dma_start3A_81 = arith.constant 0 : i32
      %dma_start3A_82 = tpu.memref_slice %arg4[%dma_start3A_80, %dma_start3A_81] : memref<10240x128xf32, #tpu.memory_space<hbm>> -> memref<10240x128xf32, #tpu.memory_space<hbm>>
      tpu.enqueue_indirect_dma source(%dma_start3A_82 : memref<10240x128xf32, #tpu.memory_space<hbm>>) target(%arg9 : memref<128x128xf32, #tpu.memory_space<vmem>>) offsets(%dma_start3A_79 : memref<128xi32, #tpu.memory_space<vmem>>) semaphore(%arg12 : memref<!tpu.dma_semaphore, #tpu.memory_space<semaphore_mem>>)
      %dma_wait3A_83 = arith.constant 1 : i32
      %dma_wait3A_84 = arith.constant 0 : i32
      %dma_wait3A_85 = tpu.memref_slice %arg7[%dma_wait3A_83, %dma_wait3A_84] : memref<16x128xi32, #tpu.memory_space<vmem>> -> memref<1x128xi32, #tpu.memory_space<vmem>>
      %dma_wait3A_86 = tpu.memref_squeeze %dma_wait3A_85 : memref<1x128xi32, #tpu.memory_space<vmem>> -> memref<128xi32, #tpu.memory_space<vmem>>
      %dma_wait3A_87 = arith.constant 0 : i32
      %dma_wait3A_88 = arith.constant 0 : i32
      %dma_wait3A_89 = tpu.memref_slice %arg4[%dma_wait3A_87, %dma_wait3A_88] : memref<10240x128xf32, #tpu.memory_space<hbm>> -> memref<10240x128xf32, #tpu.memory_space<hbm>>
      tpu.wait_indirect_dma semaphore(%arg13 : memref<!tpu.dma_semaphore, #tpu.memory_space<semaphore_mem>>) src(%dma_wait3A_89 : memref<10240x128xf32, #tpu.memory_space<hbm>>) dst(%arg10 : memref<128x128xf32, #tpu.memory_space<vmem>>)
      %dma_start3A_90 = arith.constant 1 : i32
      %dma_start3A_91 = arith.constant 0 : i32
      %dma_start3A_92 = tpu.memref_slice %arg8[%dma_start3A_90, %dma_start3A_91] : memref<16x128xi32, #tpu.memory_space<vmem>> -> memref<1x128xi32, #tpu.memory_space<vmem>>
      %dma_start3A_93 = tpu.memref_squeeze %dma_start3A_92 : memref<1x128xi32, #tpu.memory_space<vmem>> -> memref<128xi32, #tpu.memory_space<vmem>>
      %dma_start3A_94 = arith.constant 0 : i32
      %dma_start3A_95 = arith.constant 0 : i32
      %dma_start3A_96 = tpu.memref_slice %arg11[%dma_start3A_94, %dma_start3A_95] : memref<10240x128xf32, #tpu.memory_space<vmem_shared>> -> memref<10240x128xf32, #tpu.memory_space<vmem_shared>>
      tpu.enqueue_indirect_dma source(%arg10 : memref<128x128xf32, #tpu.memory_space<vmem>>) target(%dma_start3A_96 : memref<10240x128xf32, #tpu.memory_space<vmem_shared>>) offsets(%dma_start3A_93 : memref<128xi32, #tpu.memory_space<vmem>>) semaphore(%arg15 : memref<!tpu.dma_semaphore, #tpu.memory_space<semaphore_mem>>) {add = true}
      %dma_wait3A_97 = arith.constant 1 : i32
      %dma_wait3A_98 = arith.constant 0 : i32
      %dma_wait3A_99 = tpu.memref_slice %arg8[%dma_wait3A_97, %dma_wait3A_98] : memref<16x128xi32, #tpu.memory_space<vmem>> -> memref<1x128xi32, #tpu.memory_space<vmem>>
      %dma_wait3A_100 = tpu.memref_squeeze %dma_wait3A_99 : memref<1x128xi32, #tpu.memory_space<vmem>> -> memref<128xi32, #tpu.memory_space<vmem>>
      %dma_wait3A_101 = arith.constant 0 : i32
      %dma_wait3A_102 = arith.constant 0 : i32
      %dma_wait3A_103 = tpu.memref_slice %arg11[%dma_wait3A_101, %dma_wait3A_102] : memref<10240x128xf32, #tpu.memory_space<vmem_shared>> -> memref<10240x128xf32, #tpu.memory_space<vmem_shared>>
      tpu.wait_indirect_dma semaphore(%arg15 : memref<!tpu.dma_semaphore, #tpu.memory_space<semaphore_mem>>) src(%arg10 : memref<128x128xf32, #tpu.memory_space<vmem>>) dst(%dma_wait3A_103 : memref<10240x128xf32, #tpu.memory_space<vmem_shared>>)
      %dma_start3A_104 = arith.constant 3 : i32
      %dma_start3A_105 = arith.constant 0 : i32
      %dma_start3A_106 = tpu.memref_slice %arg7[%dma_start3A_104, %dma_start3A_105] : memref<16x128xi32, #tpu.memory_space<vmem>> -> memref<1x128xi32, #tpu.memory_space<vmem>>
      %dma_start3A_107 = tpu.memref_squeeze %dma_start3A_106 : memref<1x128xi32, #tpu.memory_space<vmem>> -> memref<128xi32, #tpu.memory_space<vmem>>
      %dma_start3A_108 = arith.constant 0 : i32
      %dma_start3A_109 = arith.constant 0 : i32
      %dma_start3A_110 = tpu.memref_slice %arg4[%dma_start3A_108, %dma_start3A_109] : memref<10240x128xf32, #tpu.memory_space<hbm>> -> memref<10240x128xf32, #tpu.memory_space<hbm>>
      tpu.enqueue_indirect_dma source(%dma_start3A_110 : memref<10240x128xf32, #tpu.memory_space<hbm>>) target(%arg10 : memref<128x128xf32, #tpu.memory_space<vmem>>) offsets(%dma_start3A_107 : memref<128xi32, #tpu.memory_space<vmem>>) semaphore(%arg13 : memref<!tpu.dma_semaphore, #tpu.memory_space<semaphore_mem>>)
      %dma_wait3A_111 = arith.constant 2 : i32
      %dma_wait3A_112 = arith.constant 0 : i32
      %dma_wait3A_113 = tpu.memref_slice %arg7[%dma_wait3A_111, %dma_wait3A_112] : memref<16x128xi32, #tpu.memory_space<vmem>> -> memref<1x128xi32, #tpu.memory_space<vmem>>
      %dma_wait3A_114 = tpu.memref_squeeze %dma_wait3A_113 : memref<1x128xi32, #tpu.memory_space<vmem>> -> memref<128xi32, #tpu.memory_space<vmem>>
      %dma_wait3A_115 = arith.constant 0 : i32
      %dma_wait3A_116 = arith.constant 0 : i32
      %dma_wait3A_117 = tpu.memref_slice %arg4[%dma_wait3A_115, %dma_wait3A_116] : memref<10240x128xf32, #tpu.memory_space<hbm>> -> memref<10240x128xf32, #tpu.memory_space<hbm>>
      tpu.wait_indirect_dma semaphore(%arg12 : memref<!tpu.dma_semaphore, #tpu.memory_space<semaphore_mem>>) src(%dma_wait3A_117 : memref<10240x128xf32, #tpu.memory_space<hbm>>) dst(%arg9 : memref<128x128xf32, #tpu.memory_space<vmem>>)
      %dma_start3A_118 = arith.constant 2 : i32
      %dma_start3A_119 = arith.constant 0 : i32
      %dma_start3A_120 = tpu.memref_slice %arg8[%dma_start3A_118, %dma_start3A_119] : memref<16x128xi32, #tpu.memory_space<vmem>> -> memref<1x128xi32, #tpu.memory_space<vmem>>
      %dma_start3A_121 = tpu.memref_squeeze %dma_start3A_120 : memref<1x128xi32, #tpu.memory_space<vmem>> -> memref<128xi32, #tpu.memory_space<vmem>>
      %dma_start3A_122 = arith.constant 0 : i32
      %dma_start3A_123 = arith.constant 0 : i32
      %dma_start3A_124 = tpu.memref_slice %arg11[%dma_start3A_122, %dma_start3A_123] : memref<10240x128xf32, #tpu.memory_space<vmem_shared>> -> memref<10240x128xf32, #tpu.memory_space<vmem_shared>>
      tpu.enqueue_indirect_dma source(%arg9 : memref<128x128xf32, #tpu.memory_space<vmem>>) target(%dma_start3A_124 : memref<10240x128xf32, #tpu.memory_space<vmem_shared>>) offsets(%dma_start3A_121 : memref<128xi32, #tpu.memory_space<vmem>>) semaphore(%arg14 : memref<!tpu.dma_semaphore, #tpu.memory_space<semaphore_mem>>) {add = true}
      %dma_wait3A_125 = arith.constant 2 : i32
      %dma_wait3A_126 = arith.constant 0 : i32
      %dma_wait3A_127 = tpu.memref_slice %arg8[%dma_wait3A_125, %dma_wait3A_126] : memref<16x128xi32, #tpu.memory_space<vmem>> -> memref<1x128xi32, #tpu.memory_space<vmem>>
      %dma_wait3A_128 = tpu.memref_squeeze %dma_wait3A_127 : memref<1x128xi32, #tpu.memory_space<vmem>> -> memref<128xi32, #tpu.memory_space<vmem>>
      %dma_wait3A_129 = arith.constant 0 : i32
      %dma_wait3A_130 = arith.constant 0 : i32
      %dma_wait3A_131 = tpu.memref_slice %arg11[%dma_wait3A_129, %dma_wait3A_130] : memref<10240x128xf32, #tpu.memory_space<vmem_shared>> -> memref<10240x128xf32, #tpu.memory_space<vmem_shared>>
      tpu.wait_indirect_dma semaphore(%arg14 : memref<!tpu.dma_semaphore, #tpu.memory_space<semaphore_mem>>) src(%arg9 : memref<128x128xf32, #tpu.memory_space<vmem>>) dst(%dma_wait3A_131 : memref<10240x128xf32, #tpu.memory_space<vmem_shared>>)
      %dma_start3A_132 = arith.constant 4 : i32
      %dma_start3A_133 = arith.constant 0 : i32
      %dma_start3A_134 = tpu.memref_slice %arg7[%dma_start3A_132, %dma_start3A_133] : memref<16x128xi32, #tpu.memory_space<vmem>> -> memref<1x128xi32, #tpu.memory_space<vmem>>
      %dma_start3A_135 = tpu.memref_squeeze %dma_start3A_134 : memref<1x128xi32, #tpu.memory_space<vmem>> -> memref<128xi32, #tpu.memory_space<vmem>>
      %dma_start3A_136 = arith.constant 0 : i32
      %dma_start3A_137 = arith.constant 0 : i32
      %dma_start3A_138 = tpu.memref_slice %arg4[%dma_start3A_136, %dma_start3A_137] : memref<10240x128xf32, #tpu.memory_space<hbm>> -> memref<10240x128xf32, #tpu.memory_space<hbm>>
      tpu.enqueue_indirect_dma source(%dma_start3A_138 : memref<10240x128xf32, #tpu.memory_space<hbm>>) target(%arg9 : memref<128x128xf32, #tpu.memory_space<vmem>>) offsets(%dma_start3A_135 : memref<128xi32, #tpu.memory_space<vmem>>) semaphore(%arg12 : memref<!tpu.dma_semaphore, #tpu.memory_space<semaphore_mem>>)
      %dma_wait3A_139 = arith.constant 3 : i32
      %dma_wait3A_140 = arith.constant 0 : i32
      %dma_wait3A_141 = tpu.memref_slice %arg7[%dma_wait3A_139, %dma_wait3A_140] : memref<16x128xi32, #tpu.memory_space<vmem>> -> memref<1x128xi32, #tpu.memory_space<vmem>>
      %dma_wait3A_142 = tpu.memref_squeeze %dma_wait3A_141 : memref<1x128xi32, #tpu.memory_space<vmem>> -> memref<128xi32, #tpu.memory_space<vmem>>
      %dma_wait3A_143 = arith.constant 0 : i32
      %dma_wait3A_144 = arith.constant 0 : i32
      %dma_wait3A_145 = tpu.memref_slice %arg4[%dma_wait3A_143, %dma_wait3A_144] : memref<10240x128xf32, #tpu.memory_space<hbm>> -> memref<10240x128xf32, #tpu.memory_space<hbm>>
      tpu.wait_indirect_dma semaphore(%arg13 : memref<!tpu.dma_semaphore, #tpu.memory_space<semaphore_mem>>) src(%dma_wait3A_145 : memref<10240x128xf32, #tpu.memory_space<hbm>>) dst(%arg10 : memref<128x128xf32, #tpu.memory_space<vmem>>)
      %dma_start3A_146 = arith.constant 3 : i32
      %dma_start3A_147 = arith.constant 0 : i32
      %dma_start3A_148 = tpu.memref_slice %arg8[%dma_start3A_146, %dma_start3A_147] : memref<16x128xi32, #tpu.memory_space<vmem>> -> memref<1x128xi32, #tpu.memory_space<vmem>>
      %dma_start3A_149 = tpu.memref_squeeze %dma_start3A_148 : memref<1x128xi32, #tpu.memory_space<vmem>> -> memref<128xi32, #tpu.memory_space<vmem>>
      %dma_start3A_150 = arith.constant 0 : i32
      %dma_start3A_151 = arith.constant 0 : i32
      %dma_start3A_152 = tpu.memref_slice %arg11[%dma_start3A_150, %dma_start3A_151] : memref<10240x128xf32, #tpu.memory_space<vmem_shared>> -> memref<10240x128xf32, #tpu.memory_space<vmem_shared>>
      tpu.enqueue_indirect_dma source(%arg10 : memref<128x128xf32, #tpu.memory_space<vmem>>) target(%dma_start3A_152 : memref<10240x128xf32, #tpu.memory_space<vmem_shared>>) offsets(%dma_start3A_149 : memref<128xi32, #tpu.memory_space<vmem>>) semaphore(%arg15 : memref<!tpu.dma_semaphore, #tpu.memory_space<semaphore_mem>>) {add = true}
      %dma_wait3A_153 = arith.constant 3 : i32
      %dma_wait3A_154 = arith.constant 0 : i32
      %dma_wait3A_155 = tpu.memref_slice %arg8[%dma_wait3A_153, %dma_wait3A_154] : memref<16x128xi32, #tpu.memory_space<vmem>> -> memref<1x128xi32, #tpu.memory_space<vmem>>
      %dma_wait3A_156 = tpu.memref_squeeze %dma_wait3A_155 : memref<1x128xi32, #tpu.memory_space<vmem>> -> memref<128xi32, #tpu.memory_space<vmem>>
      %dma_wait3A_157 = arith.constant 0 : i32
      %dma_wait3A_158 = arith.constant 0 : i32
      %dma_wait3A_159 = tpu.memref_slice %arg11[%dma_wait3A_157, %dma_wait3A_158] : memref<10240x128xf32, #tpu.memory_space<vmem_shared>> -> memref<10240x128xf32, #tpu.memory_space<vmem_shared>>
      tpu.wait_indirect_dma semaphore(%arg15 : memref<!tpu.dma_semaphore, #tpu.memory_space<semaphore_mem>>) src(%arg10 : memref<128x128xf32, #tpu.memory_space<vmem>>) dst(%dma_wait3A_159 : memref<10240x128xf32, #tpu.memory_space<vmem_shared>>)
      %dma_start3A_160 = arith.constant 5 : i32
      %dma_start3A_161 = arith.constant 0 : i32
      %dma_start3A_162 = tpu.memref_slice %arg7[%dma_start3A_160, %dma_start3A_161] : memref<16x128xi32, #tpu.memory_space<vmem>> -> memref<1x128xi32, #tpu.memory_space<vmem>>
      %dma_start3A_163 = tpu.memref_squeeze %dma_start3A_162 : memref<1x128xi32, #tpu.memory_space<vmem>> -> memref<128xi32, #tpu.memory_space<vmem>>
      %dma_start3A_164 = arith.constant 0 : i32
      %dma_start3A_165 = arith.constant 0 : i32
      %dma_start3A_166 = tpu.memref_slice %arg4[%dma_start3A_164, %dma_start3A_165] : memref<10240x128xf32, #tpu.memory_space<hbm>> -> memref<10240x128xf32, #tpu.memory_space<hbm>>
      tpu.enqueue_indirect_dma source(%dma_start3A_166 : memref<10240x128xf32, #tpu.memory_space<hbm>>) target(%arg10 : memref<128x128xf32, #tpu.memory_space<vmem>>) offsets(%dma_start3A_163 : memref<128xi32, #tpu.memory_space<vmem>>) semaphore(%arg13 : memref<!tpu.dma_semaphore, #tpu.memory_space<semaphore_mem>>)
      %dma_wait3A_167 = arith.constant 4 : i32
      %dma_wait3A_168 = arith.constant 0 : i32
      %dma_wait3A_169 = tpu.memref_slice %arg7[%dma_wait3A_167, %dma_wait3A_168] : memref<16x128xi32, #tpu.memory_space<vmem>> -> memref<1x128xi32, #tpu.memory_space<vmem>>
      %dma_wait3A_170 = tpu.memref_squeeze %dma_wait3A_169 : memref<1x128xi32, #tpu.memory_space<vmem>> -> memref<128xi32, #tpu.memory_space<vmem>>
      %dma_wait3A_171 = arith.constant 0 : i32
      %dma_wait3A_172 = arith.constant 0 : i32
      %dma_wait3A_173 = tpu.memref_slice %arg4[%dma_wait3A_171, %dma_wait3A_172] : memref<10240x128xf32, #tpu.memory_space<hbm>> -> memref<10240x128xf32, #tpu.memory_space<hbm>>
      tpu.wait_indirect_dma semaphore(%arg12 : memref<!tpu.dma_semaphore, #tpu.memory_space<semaphore_mem>>) src(%dma_wait3A_173 : memref<10240x128xf32, #tpu.memory_space<hbm>>) dst(%arg9 : memref<128x128xf32, #tpu.memory_space<vmem>>)
      %dma_start3A_174 = arith.constant 4 : i32
      %dma_start3A_175 = arith.constant 0 : i32
      %dma_start3A_176 = tpu.memref_slice %arg8[%dma_start3A_174, %dma_start3A_175] : memref<16x128xi32, #tpu.memory_space<vmem>> -> memref<1x128xi32, #tpu.memory_space<vmem>>
      %dma_start3A_177 = tpu.memref_squeeze %dma_start3A_176 : memref<1x128xi32, #tpu.memory_space<vmem>> -> memref<128xi32, #tpu.memory_space<vmem>>
      %dma_start3A_178 = arith.constant 0 : i32
      %dma_start3A_179 = arith.constant 0 : i32
      %dma_start3A_180 = tpu.memref_slice %arg11[%dma_start3A_178, %dma_start3A_179] : memref<10240x128xf32, #tpu.memory_space<vmem_shared>> -> memref<10240x128xf32, #tpu.memory_space<vmem_shared>>
      tpu.enqueue_indirect_dma source(%arg9 : memref<128x128xf32, #tpu.memory_space<vmem>>) target(%dma_start3A_180 : memref<10240x128xf32, #tpu.memory_space<vmem_shared>>) offsets(%dma_start3A_177 : memref<128xi32, #tpu.memory_space<vmem>>) semaphore(%arg14 : memref<!tpu.dma_semaphore, #tpu.memory_space<semaphore_mem>>) {add = true}
      %dma_wait3A_181 = arith.constant 4 : i32
      %dma_wait3A_182 = arith.constant 0 : i32
      %dma_wait3A_183 = tpu.memref_slice %arg8[%dma_wait3A_181, %dma_wait3A_182] : memref<16x128xi32, #tpu.memory_space<vmem>> -> memref<1x128xi32, #tpu.memory_space<vmem>>
      %dma_wait3A_184 = tpu.memref_squeeze %dma_wait3A_183 : memref<1x128xi32, #tpu.memory_space<vmem>> -> memref<128xi32, #tpu.memory_space<vmem>>
      %dma_wait3A_185 = arith.constant 0 : i32
      %dma_wait3A_186 = arith.constant 0 : i32
      %dma_wait3A_187 = tpu.memref_slice %arg11[%dma_wait3A_185, %dma_wait3A_186] : memref<10240x128xf32, #tpu.memory_space<vmem_shared>> -> memref<10240x128xf32, #tpu.memory_space<vmem_shared>>
      tpu.wait_indirect_dma semaphore(%arg14 : memref<!tpu.dma_semaphore, #tpu.memory_space<semaphore_mem>>) src(%arg9 : memref<128x128xf32, #tpu.memory_space<vmem>>) dst(%dma_wait3A_187 : memref<10240x128xf32, #tpu.memory_space<vmem_shared>>)
      %dma_start3A_188 = arith.constant 6 : i32
      %dma_start3A_189 = arith.constant 0 : i32
      %dma_start3A_190 = tpu.memref_slice %arg7[%dma_start3A_188, %dma_start3A_189] : memref<16x128xi32, #tpu.memory_space<vmem>> -> memref<1x128xi32, #tpu.memory_space<vmem>>
      %dma_start3A_191 = tpu.memref_squeeze %dma_start3A_190 : memref<1x128xi32, #tpu.memory_space<vmem>> -> memref<128xi32, #tpu.memory_space<vmem>>
      %dma_start3A_192 = arith.constant 0 : i32
      %dma_start3A_193 = arith.constant 0 : i32
      %dma_start3A_194 = tpu.memref_slice %arg4[%dma_start3A_192, %dma_start3A_193] : memref<10240x128xf32, #tpu.memory_space<hbm>> -> memref<10240x128xf32, #tpu.memory_space<hbm>>
      tpu.enqueue_indirect_dma source(%dma_start3A_194 : memref<10240x128xf32, #tpu.memory_space<hbm>>) target(%arg9 : memref<128x128xf32, #tpu.memory_space<vmem>>) offsets(%dma_start3A_191 : memref<128xi32, #tpu.memory_space<vmem>>) semaphore(%arg12 : memref<!tpu.dma_semaphore, #tpu.memory_space<semaphore_mem>>)
      %dma_wait3A_195 = arith.constant 5 : i32
      %dma_wait3A_196 = arith.constant 0 : i32
      %dma_wait3A_197 = tpu.memref_slice %arg7[%dma_wait3A_195, %dma_wait3A_196] : memref<16x128xi32, #tpu.memory_space<vmem>> -> memref<1x128xi32, #tpu.memory_space<vmem>>
      %dma_wait3A_198 = tpu.memref_squeeze %dma_wait3A_197 : memref<1x128xi32, #tpu.memory_space<vmem>> -> memref<128xi32, #tpu.memory_space<vmem>>
      %dma_wait3A_199 = arith.constant 0 : i32
      %dma_wait3A_200 = arith.constant 0 : i32
      %dma_wait3A_201 = tpu.memref_slice %arg4[%dma_wait3A_199, %dma_wait3A_200] : memref<10240x128xf32, #tpu.memory_space<hbm>> -> memref<10240x128xf32, #tpu.memory_space<hbm>>
      tpu.wait_indirect_dma semaphore(%arg13 : memref<!tpu.dma_semaphore, #tpu.memory_space<semaphore_mem>>) src(%dma_wait3A_201 : memref<10240x128xf32, #tpu.memory_space<hbm>>) dst(%arg10 : memref<128x128xf32, #tpu.memory_space<vmem>>)
      %dma_start3A_202 = arith.constant 5 : i32
      %dma_start3A_203 = arith.constant 0 : i32
      %dma_start3A_204 = tpu.memref_slice %arg8[%dma_start3A_202, %dma_start3A_203] : memref<16x128xi32, #tpu.memory_space<vmem>> -> memref<1x128xi32, #tpu.memory_space<vmem>>
      %dma_start3A_205 = tpu.memref_squeeze %dma_start3A_204 : memref<1x128xi32, #tpu.memory_space<vmem>> -> memref<128xi32, #tpu.memory_space<vmem>>
      %dma_start3A_206 = arith.constant 0 : i32
      %dma_start3A_207 = arith.constant 0 : i32
      %dma_start3A_208 = tpu.memref_slice %arg11[%dma_start3A_206, %dma_start3A_207] : memref<10240x128xf32, #tpu.memory_space<vmem_shared>> -> memref<10240x128xf32, #tpu.memory_space<vmem_shared>>
      tpu.enqueue_indirect_dma source(%arg10 : memref<128x128xf32, #tpu.memory_space<vmem>>) target(%dma_start3A_208 : memref<10240x128xf32, #tpu.memory_space<vmem_shared>>) offsets(%dma_start3A_205 : memref<128xi32, #tpu.memory_space<vmem>>) semaphore(%arg15 : memref<!tpu.dma_semaphore, #tpu.memory_space<semaphore_mem>>) {add = true}
      %dma_wait3A_209 = arith.constant 5 : i32
      %dma_wait3A_210 = arith.constant 0 : i32
      %dma_wait3A_211 = tpu.memref_slice %arg8[%dma_wait3A_209, %dma_wait3A_210] : memref<16x128xi32, #tpu.memory_space<vmem>> -> memref<1x128xi32, #tpu.memory_space<vmem>>
      %dma_wait3A_212 = tpu.memref_squeeze %dma_wait3A_211 : memref<1x128xi32, #tpu.memory_space<vmem>> -> memref<128xi32, #tpu.memory_space<vmem>>
      %dma_wait3A_213 = arith.constant 0 : i32
      %dma_wait3A_214 = arith.constant 0 : i32
      %dma_wait3A_215 = tpu.memref_slice %arg11[%dma_wait3A_213, %dma_wait3A_214] : memref<10240x128xf32, #tpu.memory_space<vmem_shared>> -> memref<10240x128xf32, #tpu.memory_space<vmem_shared>>
      tpu.wait_indirect_dma semaphore(%arg15 : memref<!tpu.dma_semaphore, #tpu.memory_space<semaphore_mem>>) src(%arg10 : memref<128x128xf32, #tpu.memory_space<vmem>>) dst(%dma_wait3A_215 : memref<10240x128xf32, #tpu.memory_space<vmem_shared>>)
      %dma_start3A_216 = arith.constant 7 : i32
      %dma_start3A_217 = arith.constant 0 : i32
      %dma_start3A_218 = tpu.memref_slice %arg7[%dma_start3A_216, %dma_start3A_217] : memref<16x128xi32, #tpu.memory_space<vmem>> -> memref<1x128xi32, #tpu.memory_space<vmem>>
      %dma_start3A_219 = tpu.memref_squeeze %dma_start3A_218 : memref<1x128xi32, #tpu.memory_space<vmem>> -> memref<128xi32, #tpu.memory_space<vmem>>
      %dma_start3A_220 = arith.constant 0 : i32
      %dma_start3A_221 = arith.constant 0 : i32
      %dma_start3A_222 = tpu.memref_slice %arg4[%dma_start3A_220, %dma_start3A_221] : memref<10240x128xf32, #tpu.memory_space<hbm>> -> memref<10240x128xf32, #tpu.memory_space<hbm>>
      tpu.enqueue_indirect_dma source(%dma_start3A_222 : memref<10240x128xf32, #tpu.memory_space<hbm>>) target(%arg10 : memref<128x128xf32, #tpu.memory_space<vmem>>) offsets(%dma_start3A_219 : memref<128xi32, #tpu.memory_space<vmem>>) semaphore(%arg13 : memref<!tpu.dma_semaphore, #tpu.memory_space<semaphore_mem>>)
      %dma_wait3A_223 = arith.constant 6 : i32
      %dma_wait3A_224 = arith.constant 0 : i32
      %dma_wait3A_225 = tpu.memref_slice %arg7[%dma_wait3A_223, %dma_wait3A_224] : memref<16x128xi32, #tpu.memory_space<vmem>> -> memref<1x128xi32, #tpu.memory_space<vmem>>
      %dma_wait3A_226 = tpu.memref_squeeze %dma_wait3A_225 : memref<1x128xi32, #tpu.memory_space<vmem>> -> memref<128xi32, #tpu.memory_space<vmem>>
      %dma_wait3A_227 = arith.constant 0 : i32
      %dma_wait3A_228 = arith.constant 0 : i32
      %dma_wait3A_229 = tpu.memref_slice %arg4[%dma_wait3A_227, %dma_wait3A_228] : memref<10240x128xf32, #tpu.memory_space<hbm>> -> memref<10240x128xf32, #tpu.memory_space<hbm>>
      tpu.wait_indirect_dma semaphore(%arg12 : memref<!tpu.dma_semaphore, #tpu.memory_space<semaphore_mem>>) src(%dma_wait3A_229 : memref<10240x128xf32, #tpu.memory_space<hbm>>) dst(%arg9 : memref<128x128xf32, #tpu.memory_space<vmem>>)
      %dma_start3A_230 = arith.constant 6 : i32
      %dma_start3A_231 = arith.constant 0 : i32
      %dma_start3A_232 = tpu.memref_slice %arg8[%dma_start3A_230, %dma_start3A_231] : memref<16x128xi32, #tpu.memory_space<vmem>> -> memref<1x128xi32, #tpu.memory_space<vmem>>
      %dma_start3A_233 = tpu.memref_squeeze %dma_start3A_232 : memref<1x128xi32, #tpu.memory_space<vmem>> -> memref<128xi32, #tpu.memory_space<vmem>>
      %dma_start3A_234 = arith.constant 0 : i32
      %dma_start3A_235 = arith.constant 0 : i32
      %dma_start3A_236 = tpu.memref_slice %arg11[%dma_start3A_234, %dma_start3A_235] : memref<10240x128xf32, #tpu.memory_space<vmem_shared>> -> memref<10240x128xf32, #tpu.memory_space<vmem_shared>>
      tpu.enqueue_indirect_dma source(%arg9 : memref<128x128xf32, #tpu.memory_space<vmem>>) target(%dma_start3A_236 : memref<10240x128xf32, #tpu.memory_space<vmem_shared>>) offsets(%dma_start3A_233 : memref<128xi32, #tpu.memory_space<vmem>>) semaphore(%arg14 : memref<!tpu.dma_semaphore, #tpu.memory_space<semaphore_mem>>) {add = true}
      %dma_wait3A_237 = arith.constant 6 : i32
      %dma_wait3A_238 = arith.constant 0 : i32
      %dma_wait3A_239 = tpu.memref_slice %arg8[%dma_wait3A_237, %dma_wait3A_238] : memref<16x128xi32, #tpu.memory_space<vmem>> -> memref<1x128xi32, #tpu.memory_space<vmem>>
      %dma_wait3A_240 = tpu.memref_squeeze %dma_wait3A_239 : memref<1x128xi32, #tpu.memory_space<vmem>> -> memref<128xi32, #tpu.memory_space<vmem>>
      %dma_wait3A_241 = arith.constant 0 : i32
      %dma_wait3A_242 = arith.constant 0 : i32
      %dma_wait3A_243 = tpu.memref_slice %arg11[%dma_wait3A_241, %dma_wait3A_242] : memref<10240x128xf32, #tpu.memory_space<vmem_shared>> -> memref<10240x128xf32, #tpu.memory_space<vmem_shared>>
      tpu.wait_indirect_dma semaphore(%arg14 : memref<!tpu.dma_semaphore, #tpu.memory_space<semaphore_mem>>) src(%arg9 : memref<128x128xf32, #tpu.memory_space<vmem>>) dst(%dma_wait3A_243 : memref<10240x128xf32, #tpu.memory_space<vmem_shared>>)
      %dma_start3A_244 = arith.constant 8 : i32
      %dma_start3A_245 = arith.constant 0 : i32
      %dma_start3A_246 = tpu.memref_slice %arg7[%dma_start3A_244, %dma_start3A_245] : memref<16x128xi32, #tpu.memory_space<vmem>> -> memref<1x128xi32, #tpu.memory_space<vmem>>
      %dma_start3A_247 = tpu.memref_squeeze %dma_start3A_246 : memref<1x128xi32, #tpu.memory_space<vmem>> -> memref<128xi32, #tpu.memory_space<vmem>>
      %dma_start3A_248 = arith.constant 0 : i32
      %dma_start3A_249 = arith.constant 0 : i32
      %dma_start3A_250 = tpu.memref_slice %arg4[%dma_start3A_248, %dma_start3A_249] : memref<10240x128xf32, #tpu.memory_space<hbm>> -> memref<10240x128xf32, #tpu.memory_space<hbm>>
      tpu.enqueue_indirect_dma source(%dma_start3A_250 : memref<10240x128xf32, #tpu.memory_space<hbm>>) target(%arg9 : memref<128x128xf32, #tpu.memory_space<vmem>>) offsets(%dma_start3A_247 : memref<128xi32, #tpu.memory_space<vmem>>) semaphore(%arg12 : memref<!tpu.dma_semaphore, #tpu.memory_space<semaphore_mem>>)
      %dma_wait3A_251 = arith.constant 7 : i32
      %dma_wait3A_252 = arith.constant 0 : i32
      %dma_wait3A_253 = tpu.memref_slice %arg7[%dma_wait3A_251, %dma_wait3A_252] : memref<16x128xi32, #tpu.memory_space<vmem>> -> memref<1x128xi32, #tpu.memory_space<vmem>>
      %dma_wait3A_254 = tpu.memref_squeeze %dma_wait3A_253 : memref<1x128xi32, #tpu.memory_space<vmem>> -> memref<128xi32, #tpu.memory_space<vmem>>
      %dma_wait3A_255 = arith.constant 0 : i32
      %dma_wait3A_256 = arith.constant 0 : i32
      %dma_wait3A_257 = tpu.memref_slice %arg4[%dma_wait3A_255, %dma_wait3A_256] : memref<10240x128xf32, #tpu.memory_space<hbm>> -> memref<10240x128xf32, #tpu.memory_space<hbm>>
      tpu.wait_indirect_dma semaphore(%arg13 : memref<!tpu.dma_semaphore, #tpu.memory_space<semaphore_mem>>) src(%dma_wait3A_257 : memref<10240x128xf32, #tpu.memory_space<hbm>>) dst(%arg10 : memref<128x128xf32, #tpu.memory_space<vmem>>)
      %dma_start3A_258 = arith.constant 7 : i32
      %dma_start3A_259 = arith.constant 0 : i32
      %dma_start3A_260 = tpu.memref_slice %arg8[%dma_start3A_258, %dma_start3A_259] : memref<16x128xi32, #tpu.memory_space<vmem>> -> memref<1x128xi32, #tpu.memory_space<vmem>>
      %dma_start3A_261 = tpu.memref_squeeze %dma_start3A_260 : memref<1x128xi32, #tpu.memory_space<vmem>> -> memref<128xi32, #tpu.memory_space<vmem>>
      %dma_start3A_262 = arith.constant 0 : i32
      %dma_start3A_263 = arith.constant 0 : i32
      %dma_start3A_264 = tpu.memref_slice %arg11[%dma_start3A_262, %dma_start3A_263] : memref<10240x128xf32, #tpu.memory_space<vmem_shared>> -> memref<10240x128xf32, #tpu.memory_space<vmem_shared>>
      tpu.enqueue_indirect_dma source(%arg10 : memref<128x128xf32, #tpu.memory_space<vmem>>) target(%dma_start3A_264 : memref<10240x128xf32, #tpu.memory_space<vmem_shared>>) offsets(%dma_start3A_261 : memref<128xi32, #tpu.memory_space<vmem>>) semaphore(%arg15 : memref<!tpu.dma_semaphore, #tpu.memory_space<semaphore_mem>>) {add = true}
      %dma_wait3A_265 = arith.constant 7 : i32
      %dma_wait3A_266 = arith.constant 0 : i32
      %dma_wait3A_267 = tpu.memref_slice %arg8[%dma_wait3A_265, %dma_wait3A_266] : memref<16x128xi32, #tpu.memory_space<vmem>> -> memref<1x128xi32, #tpu.memory_space<vmem>>
      %dma_wait3A_268 = tpu.memref_squeeze %dma_wait3A_267 : memref<1x128xi32, #tpu.memory_space<vmem>> -> memref<128xi32, #tpu.memory_space<vmem>>
      %dma_wait3A_269 = arith.constant 0 : i32
      %dma_wait3A_270 = arith.constant 0 : i32
      %dma_wait3A_271 = tpu.memref_slice %arg11[%dma_wait3A_269, %dma_wait3A_270] : memref<10240x128xf32, #tpu.memory_space<vmem_shared>> -> memref<10240x128xf32, #tpu.memory_space<vmem_shared>>
      tpu.wait_indirect_dma semaphore(%arg15 : memref<!tpu.dma_semaphore, #tpu.memory_space<semaphore_mem>>) src(%arg10 : memref<128x128xf32, #tpu.memory_space<vmem>>) dst(%dma_wait3A_271 : memref<10240x128xf32, #tpu.memory_space<vmem_shared>>)
      %dma_start3A_272 = arith.constant 9 : i32
      %dma_start3A_273 = arith.constant 0 : i32
      %dma_start3A_274 = tpu.memref_slice %arg7[%dma_start3A_272, %dma_start3A_273] : memref<16x128xi32, #tpu.memory_space<vmem>> -> memref<1x128xi32, #tpu.memory_space<vmem>>
      %dma_start3A_275 = tpu.memref_squeeze %dma_start3A_274 : memref<1x128xi32, #tpu.memory_space<vmem>> -> memref<128xi32, #tpu.memory_space<vmem>>
      %dma_start3A_276 = arith.constant 0 : i32
      %dma_start3A_277 = arith.constant 0 : i32
      %dma_start3A_278 = tpu.memref_slice %arg4[%dma_start3A_276, %dma_start3A_277] : memref<10240x128xf32, #tpu.memory_space<hbm>> -> memref<10240x128xf32, #tpu.memory_space<hbm>>
      tpu.enqueue_indirect_dma source(%dma_start3A_278 : memref<10240x128xf32, #tpu.memory_space<hbm>>) target(%arg10 : memref<128x128xf32, #tpu.memory_space<vmem>>) offsets(%dma_start3A_275 : memref<128xi32, #tpu.memory_space<vmem>>) semaphore(%arg13 : memref<!tpu.dma_semaphore, #tpu.memory_space<semaphore_mem>>)
      %dma_wait3A_279 = arith.constant 8 : i32
      %dma_wait3A_280 = arith.constant 0 : i32
      %dma_wait3A_281 = tpu.memref_slice %arg7[%dma_wait3A_279, %dma_wait3A_280] : memref<16x128xi32, #tpu.memory_space<vmem>> -> memref<1x128xi32, #tpu.memory_space<vmem>>
      %dma_wait3A_282 = tpu.memref_squeeze %dma_wait3A_281 : memref<1x128xi32, #tpu.memory_space<vmem>> -> memref<128xi32, #tpu.memory_space<vmem>>
      %dma_wait3A_283 = arith.constant 0 : i32
      %dma_wait3A_284 = arith.constant 0 : i32
      %dma_wait3A_285 = tpu.memref_slice %arg4[%dma_wait3A_283, %dma_wait3A_284] : memref<10240x128xf32, #tpu.memory_space<hbm>> -> memref<10240x128xf32, #tpu.memory_space<hbm>>
      tpu.wait_indirect_dma semaphore(%arg12 : memref<!tpu.dma_semaphore, #tpu.memory_space<semaphore_mem>>) src(%dma_wait3A_285 : memref<10240x128xf32, #tpu.memory_space<hbm>>) dst(%arg9 : memref<128x128xf32, #tpu.memory_space<vmem>>)
      %dma_start3A_286 = arith.constant 8 : i32
      %dma_start3A_287 = arith.constant 0 : i32
      %dma_start3A_288 = tpu.memref_slice %arg8[%dma_start3A_286, %dma_start3A_287] : memref<16x128xi32, #tpu.memory_space<vmem>> -> memref<1x128xi32, #tpu.memory_space<vmem>>
      %dma_start3A_289 = tpu.memref_squeeze %dma_start3A_288 : memref<1x128xi32, #tpu.memory_space<vmem>> -> memref<128xi32, #tpu.memory_space<vmem>>
      %dma_start3A_290 = arith.constant 0 : i32
      %dma_start3A_291 = arith.constant 0 : i32
      %dma_start3A_292 = tpu.memref_slice %arg11[%dma_start3A_290, %dma_start3A_291] : memref<10240x128xf32, #tpu.memory_space<vmem_shared>> -> memref<10240x128xf32, #tpu.memory_space<vmem_shared>>
      tpu.enqueue_indirect_dma source(%arg9 : memref<128x128xf32, #tpu.memory_space<vmem>>) target(%dma_start3A_292 : memref<10240x128xf32, #tpu.memory_space<vmem_shared>>) offsets(%dma_start3A_289 : memref<128xi32, #tpu.memory_space<vmem>>) semaphore(%arg14 : memref<!tpu.dma_semaphore, #tpu.memory_space<semaphore_mem>>) {add = true}
      %dma_wait3A_293 = arith.constant 8 : i32
      %dma_wait3A_294 = arith.constant 0 : i32
      %dma_wait3A_295 = tpu.memref_slice %arg8[%dma_wait3A_293, %dma_wait3A_294] : memref<16x128xi32, #tpu.memory_space<vmem>> -> memref<1x128xi32, #tpu.memory_space<vmem>>
      %dma_wait3A_296 = tpu.memref_squeeze %dma_wait3A_295 : memref<1x128xi32, #tpu.memory_space<vmem>> -> memref<128xi32, #tpu.memory_space<vmem>>
      %dma_wait3A_297 = arith.constant 0 : i32
      %dma_wait3A_298 = arith.constant 0 : i32
      %dma_wait3A_299 = tpu.memref_slice %arg11[%dma_wait3A_297, %dma_wait3A_298] : memref<10240x128xf32, #tpu.memory_space<vmem_shared>> -> memref<10240x128xf32, #tpu.memory_space<vmem_shared>>
      tpu.wait_indirect_dma semaphore(%arg14 : memref<!tpu.dma_semaphore, #tpu.memory_space<semaphore_mem>>) src(%arg9 : memref<128x128xf32, #tpu.memory_space<vmem>>) dst(%dma_wait3A_299 : memref<10240x128xf32, #tpu.memory_space<vmem_shared>>)
      %dma_start3A_300 = arith.constant 10 : i32
      %dma_start3A_301 = arith.constant 0 : i32
      %dma_start3A_302 = tpu.memref_slice %arg7[%dma_start3A_300, %dma_start3A_301] : memref<16x128xi32, #tpu.memory_space<vmem>> -> memref<1x128xi32, #tpu.memory_space<vmem>>
      %dma_start3A_303 = tpu.memref_squeeze %dma_start3A_302 : memref<1x128xi32, #tpu.memory_space<vmem>> -> memref<128xi32, #tpu.memory_space<vmem>>
      %dma_start3A_304 = arith.constant 0 : i32
      %dma_start3A_305 = arith.constant 0 : i32
      %dma_start3A_306 = tpu.memref_slice %arg4[%dma_start3A_304, %dma_start3A_305] : memref<10240x128xf32, #tpu.memory_space<hbm>> -> memref<10240x128xf32, #tpu.memory_space<hbm>>
      tpu.enqueue_indirect_dma source(%dma_start3A_306 : memref<10240x128xf32, #tpu.memory_space<hbm>>) target(%arg9 : memref<128x128xf32, #tpu.memory_space<vmem>>) offsets(%dma_start3A_303 : memref<128xi32, #tpu.memory_space<vmem>>) semaphore(%arg12 : memref<!tpu.dma_semaphore, #tpu.memory_space<semaphore_mem>>)
      %dma_wait3A_307 = arith.constant 9 : i32
      %dma_wait3A_308 = arith.constant 0 : i32
      %dma_wait3A_309 = tpu.memref_slice %arg7[%dma_wait3A_307, %dma_wait3A_308] : memref<16x128xi32, #tpu.memory_space<vmem>> -> memref<1x128xi32, #tpu.memory_space<vmem>>
      %dma_wait3A_310 = tpu.memref_squeeze %dma_wait3A_309 : memref<1x128xi32, #tpu.memory_space<vmem>> -> memref<128xi32, #tpu.memory_space<vmem>>
      %dma_wait3A_311 = arith.constant 0 : i32
      %dma_wait3A_312 = arith.constant 0 : i32
      %dma_wait3A_313 = tpu.memref_slice %arg4[%dma_wait3A_311, %dma_wait3A_312] : memref<10240x128xf32, #tpu.memory_space<hbm>> -> memref<10240x128xf32, #tpu.memory_space<hbm>>
      tpu.wait_indirect_dma semaphore(%arg13 : memref<!tpu.dma_semaphore, #tpu.memory_space<semaphore_mem>>) src(%dma_wait3A_313 : memref<10240x128xf32, #tpu.memory_space<hbm>>) dst(%arg10 : memref<128x128xf32, #tpu.memory_space<vmem>>)
      %dma_start3A_314 = arith.constant 9 : i32
      %dma_start3A_315 = arith.constant 0 : i32
      %dma_start3A_316 = tpu.memref_slice %arg8[%dma_start3A_314, %dma_start3A_315] : memref<16x128xi32, #tpu.memory_space<vmem>> -> memref<1x128xi32, #tpu.memory_space<vmem>>
      %dma_start3A_317 = tpu.memref_squeeze %dma_start3A_316 : memref<1x128xi32, #tpu.memory_space<vmem>> -> memref<128xi32, #tpu.memory_space<vmem>>
      %dma_start3A_318 = arith.constant 0 : i32
      %dma_start3A_319 = arith.constant 0 : i32
      %dma_start3A_320 = tpu.memref_slice %arg11[%dma_start3A_318, %dma_start3A_319] : memref<10240x128xf32, #tpu.memory_space<vmem_shared>> -> memref<10240x128xf32, #tpu.memory_space<vmem_shared>>
      tpu.enqueue_indirect_dma source(%arg10 : memref<128x128xf32, #tpu.memory_space<vmem>>) target(%dma_start3A_320 : memref<10240x128xf32, #tpu.memory_space<vmem_shared>>) offsets(%dma_start3A_317 : memref<128xi32, #tpu.memory_space<vmem>>) semaphore(%arg15 : memref<!tpu.dma_semaphore, #tpu.memory_space<semaphore_mem>>) {add = true}
      %dma_wait3A_321 = arith.constant 9 : i32
      %dma_wait3A_322 = arith.constant 0 : i32
      %dma_wait3A_323 = tpu.memref_slice %arg8[%dma_wait3A_321, %dma_wait3A_322] : memref<16x128xi32, #tpu.memory_space<vmem>> -> memref<1x128xi32, #tpu.memory_space<vmem>>
      %dma_wait3A_324 = tpu.memref_squeeze %dma_wait3A_323 : memref<1x128xi32, #tpu.memory_space<vmem>> -> memref<128xi32, #tpu.memory_space<vmem>>
      %dma_wait3A_325 = arith.constant 0 : i32
      %dma_wait3A_326 = arith.constant 0 : i32
      %dma_wait3A_327 = tpu.memref_slice %arg11[%dma_wait3A_325, %dma_wait3A_326] : memref<10240x128xf32, #tpu.memory_space<vmem_shared>> -> memref<10240x128xf32, #tpu.memory_space<vmem_shared>>
      tpu.wait_indirect_dma semaphore(%arg15 : memref<!tpu.dma_semaphore, #tpu.memory_space<semaphore_mem>>) src(%arg10 : memref<128x128xf32, #tpu.memory_space<vmem>>) dst(%dma_wait3A_327 : memref<10240x128xf32, #tpu.memory_space<vmem_shared>>)
      %dma_start3A_328 = arith.constant 11 : i32
      %dma_start3A_329 = arith.constant 0 : i32
      %dma_start3A_330 = tpu.memref_slice %arg7[%dma_start3A_328, %dma_start3A_329] : memref<16x128xi32, #tpu.memory_space<vmem>> -> memref<1x128xi32, #tpu.memory_space<vmem>>
      %dma_start3A_331 = tpu.memref_squeeze %dma_start3A_330 : memref<1x128xi32, #tpu.memory_space<vmem>> -> memref<128xi32, #tpu.memory_space<vmem>>
      %dma_start3A_332 = arith.constant 0 : i32
      %dma_start3A_333 = arith.constant 0 : i32
      %dma_start3A_334 = tpu.memref_slice %arg4[%dma_start3A_332, %dma_start3A_333] : memref<10240x128xf32, #tpu.memory_space<hbm>> -> memref<10240x128xf32, #tpu.memory_space<hbm>>
      tpu.enqueue_indirect_dma source(%dma_start3A_334 : memref<10240x128xf32, #tpu.memory_space<hbm>>) target(%arg10 : memref<128x128xf32, #tpu.memory_space<vmem>>) offsets(%dma_start3A_331 : memref<128xi32, #tpu.memory_space<vmem>>) semaphore(%arg13 : memref<!tpu.dma_semaphore, #tpu.memory_space<semaphore_mem>>)
      %dma_wait3A_335 = arith.constant 10 : i32
      %dma_wait3A_336 = arith.constant 0 : i32
      %dma_wait3A_337 = tpu.memref_slice %arg7[%dma_wait3A_335, %dma_wait3A_336] : memref<16x128xi32, #tpu.memory_space<vmem>> -> memref<1x128xi32, #tpu.memory_space<vmem>>
      %dma_wait3A_338 = tpu.memref_squeeze %dma_wait3A_337 : memref<1x128xi32, #tpu.memory_space<vmem>> -> memref<128xi32, #tpu.memory_space<vmem>>
      %dma_wait3A_339 = arith.constant 0 : i32
      %dma_wait3A_340 = arith.constant 0 : i32
      %dma_wait3A_341 = tpu.memref_slice %arg4[%dma_wait3A_339, %dma_wait3A_340] : memref<10240x128xf32, #tpu.memory_space<hbm>> -> memref<10240x128xf32, #tpu.memory_space<hbm>>
      tpu.wait_indirect_dma semaphore(%arg12 : memref<!tpu.dma_semaphore, #tpu.memory_space<semaphore_mem>>) src(%dma_wait3A_341 : memref<10240x128xf32, #tpu.memory_space<hbm>>) dst(%arg9 : memref<128x128xf32, #tpu.memory_space<vmem>>)
      %dma_start3A_342 = arith.constant 10 : i32
      %dma_start3A_343 = arith.constant 0 : i32
      %dma_start3A_344 = tpu.memref_slice %arg8[%dma_start3A_342, %dma_start3A_343] : memref<16x128xi32, #tpu.memory_space<vmem>> -> memref<1x128xi32, #tpu.memory_space<vmem>>
      %dma_start3A_345 = tpu.memref_squeeze %dma_start3A_344 : memref<1x128xi32, #tpu.memory_space<vmem>> -> memref<128xi32, #tpu.memory_space<vmem>>
      %dma_start3A_346 = arith.constant 0 : i32
      %dma_start3A_347 = arith.constant 0 : i32
      %dma_start3A_348 = tpu.memref_slice %arg11[%dma_start3A_346, %dma_start3A_347] : memref<10240x128xf32, #tpu.memory_space<vmem_shared>> -> memref<10240x128xf32, #tpu.memory_space<vmem_shared>>
      tpu.enqueue_indirect_dma source(%arg9 : memref<128x128xf32, #tpu.memory_space<vmem>>) target(%dma_start3A_348 : memref<10240x128xf32, #tpu.memory_space<vmem_shared>>) offsets(%dma_start3A_345 : memref<128xi32, #tpu.memory_space<vmem>>) semaphore(%arg14 : memref<!tpu.dma_semaphore, #tpu.memory_space<semaphore_mem>>) {add = true}
      %dma_wait3A_349 = arith.constant 10 : i32
      %dma_wait3A_350 = arith.constant 0 : i32
      %dma_wait3A_351 = tpu.memref_slice %arg8[%dma_wait3A_349, %dma_wait3A_350] : memref<16x128xi32, #tpu.memory_space<vmem>> -> memref<1x128xi32, #tpu.memory_space<vmem>>
      %dma_wait3A_352 = tpu.memref_squeeze %dma_wait3A_351 : memref<1x128xi32, #tpu.memory_space<vmem>> -> memref<128xi32, #tpu.memory_space<vmem>>
      %dma_wait3A_353 = arith.constant 0 : i32
      %dma_wait3A_354 = arith.constant 0 : i32
      %dma_wait3A_355 = tpu.memref_slice %arg11[%dma_wait3A_353, %dma_wait3A_354] : memref<10240x128xf32, #tpu.memory_space<vmem_shared>> -> memref<10240x128xf32, #tpu.memory_space<vmem_shared>>
      tpu.wait_indirect_dma semaphore(%arg14 : memref<!tpu.dma_semaphore, #tpu.memory_space<semaphore_mem>>) src(%arg9 : memref<128x128xf32, #tpu.memory_space<vmem>>) dst(%dma_wait3A_355 : memref<10240x128xf32, #tpu.memory_space<vmem_shared>>)
      %dma_start3A_356 = arith.constant 12 : i32
      %dma_start3A_357 = arith.constant 0 : i32
      %dma_start3A_358 = tpu.memref_slice %arg7[%dma_start3A_356, %dma_start3A_357] : memref<16x128xi32, #tpu.memory_space<vmem>> -> memref<1x128xi32, #tpu.memory_space<vmem>>
      %dma_start3A_359 = tpu.memref_squeeze %dma_start3A_358 : memref<1x128xi32, #tpu.memory_space<vmem>> -> memref<128xi32, #tpu.memory_space<vmem>>
      %dma_start3A_360 = arith.constant 0 : i32
      %dma_start3A_361 = arith.constant 0 : i32
      %dma_start3A_362 = tpu.memref_slice %arg4[%dma_start3A_360, %dma_start3A_361] : memref<10240x128xf32, #tpu.memory_space<hbm>> -> memref<10240x128xf32, #tpu.memory_space<hbm>>
      tpu.enqueue_indirect_dma source(%dma_start3A_362 : memref<10240x128xf32, #tpu.memory_space<hbm>>) target(%arg9 : memref<128x128xf32, #tpu.memory_space<vmem>>) offsets(%dma_start3A_359 : memref<128xi32, #tpu.memory_space<vmem>>) semaphore(%arg12 : memref<!tpu.dma_semaphore, #tpu.memory_space<semaphore_mem>>)
      %dma_wait3A_363 = arith.constant 11 : i32
      %dma_wait3A_364 = arith.constant 0 : i32
      %dma_wait3A_365 = tpu.memref_slice %arg7[%dma_wait3A_363, %dma_wait3A_364] : memref<16x128xi32, #tpu.memory_space<vmem>> -> memref<1x128xi32, #tpu.memory_space<vmem>>
      %dma_wait3A_366 = tpu.memref_squeeze %dma_wait3A_365 : memref<1x128xi32, #tpu.memory_space<vmem>> -> memref<128xi32, #tpu.memory_space<vmem>>
      %dma_wait3A_367 = arith.constant 0 : i32
      %dma_wait3A_368 = arith.constant 0 : i32
      %dma_wait3A_369 = tpu.memref_slice %arg4[%dma_wait3A_367, %dma_wait3A_368] : memref<10240x128xf32, #tpu.memory_space<hbm>> -> memref<10240x128xf32, #tpu.memory_space<hbm>>
      tpu.wait_indirect_dma semaphore(%arg13 : memref<!tpu.dma_semaphore, #tpu.memory_space<semaphore_mem>>) src(%dma_wait3A_369 : memref<10240x128xf32, #tpu.memory_space<hbm>>) dst(%arg10 : memref<128x128xf32, #tpu.memory_space<vmem>>)
      %dma_start3A_370 = arith.constant 11 : i32
      %dma_start3A_371 = arith.constant 0 : i32
      %dma_start3A_372 = tpu.memref_slice %arg8[%dma_start3A_370, %dma_start3A_371] : memref<16x128xi32, #tpu.memory_space<vmem>> -> memref<1x128xi32, #tpu.memory_space<vmem>>
      %dma_start3A_373 = tpu.memref_squeeze %dma_start3A_372 : memref<1x128xi32, #tpu.memory_space<vmem>> -> memref<128xi32, #tpu.memory_space<vmem>>
      %dma_start3A_374 = arith.constant 0 : i32
      %dma_start3A_375 = arith.constant 0 : i32
      %dma_start3A_376 = tpu.memref_slice %arg11[%dma_start3A_374, %dma_start3A_375] : memref<10240x128xf32, #tpu.memory_space<vmem_shared>> -> memref<10240x128xf32, #tpu.memory_space<vmem_shared>>
      tpu.enqueue_indirect_dma source(%arg10 : memref<128x128xf32, #tpu.memory_space<vmem>>) target(%dma_start3A_376 : memref<10240x128xf32, #tpu.memory_space<vmem_shared>>) offsets(%dma_start3A_373 : memref<128xi32, #tpu.memory_space<vmem>>) semaphore(%arg15 : memref<!tpu.dma_semaphore, #tpu.memory_space<semaphore_mem>>) {add = true}
      %dma_wait3A_377 = arith.constant 11 : i32
      %dma_wait3A_378 = arith.constant 0 : i32
      %dma_wait3A_379 = tpu.memref_slice %arg8[%dma_wait3A_377, %dma_wait3A_378] : memref<16x128xi32, #tpu.memory_space<vmem>> -> memref<1x128xi32, #tpu.memory_space<vmem>>
      %dma_wait3A_380 = tpu.memref_squeeze %dma_wait3A_379 : memref<1x128xi32, #tpu.memory_space<vmem>> -> memref<128xi32, #tpu.memory_space<vmem>>
      %dma_wait3A_381 = arith.constant 0 : i32
      %dma_wait3A_382 = arith.constant 0 : i32
      %dma_wait3A_383 = tpu.memref_slice %arg11[%dma_wait3A_381, %dma_wait3A_382] : memref<10240x128xf32, #tpu.memory_space<vmem_shared>> -> memref<10240x128xf32, #tpu.memory_space<vmem_shared>>
      tpu.wait_indirect_dma semaphore(%arg15 : memref<!tpu.dma_semaphore, #tpu.memory_space<semaphore_mem>>) src(%arg10 : memref<128x128xf32, #tpu.memory_space<vmem>>) dst(%dma_wait3A_383 : memref<10240x128xf32, #tpu.memory_space<vmem_shared>>)
      %dma_start3A_384 = arith.constant 13 : i32
      %dma_start3A_385 = arith.constant 0 : i32
      %dma_start3A_386 = tpu.memref_slice %arg7[%dma_start3A_384, %dma_start3A_385] : memref<16x128xi32, #tpu.memory_space<vmem>> -> memref<1x128xi32, #tpu.memory_space<vmem>>
      %dma_start3A_387 = tpu.memref_squeeze %dma_start3A_386 : memref<1x128xi32, #tpu.memory_space<vmem>> -> memref<128xi32, #tpu.memory_space<vmem>>
      %dma_start3A_388 = arith.constant 0 : i32
      %dma_start3A_389 = arith.constant 0 : i32
      %dma_start3A_390 = tpu.memref_slice %arg4[%dma_start3A_388, %dma_start3A_389] : memref<10240x128xf32, #tpu.memory_space<hbm>> -> memref<10240x128xf32, #tpu.memory_space<hbm>>
      tpu.enqueue_indirect_dma source(%dma_start3A_390 : memref<10240x128xf32, #tpu.memory_space<hbm>>) target(%arg10 : memref<128x128xf32, #tpu.memory_space<vmem>>) offsets(%dma_start3A_387 : memref<128xi32, #tpu.memory_space<vmem>>) semaphore(%arg13 : memref<!tpu.dma_semaphore, #tpu.memory_space<semaphore_mem>>)
      %dma_wait3A_391 = arith.constant 12 : i32
      %dma_wait3A_392 = arith.constant 0 : i32
      %dma_wait3A_393 = tpu.memref_slice %arg7[%dma_wait3A_391, %dma_wait3A_392] : memref<16x128xi32, #tpu.memory_space<vmem>> -> memref<1x128xi32, #tpu.memory_space<vmem>>
      %dma_wait3A_394 = tpu.memref_squeeze %dma_wait3A_393 : memref<1x128xi32, #tpu.memory_space<vmem>> -> memref<128xi32, #tpu.memory_space<vmem>>
      %dma_wait3A_395 = arith.constant 0 : i32
      %dma_wait3A_396 = arith.constant 0 : i32
      %dma_wait3A_397 = tpu.memref_slice %arg4[%dma_wait3A_395, %dma_wait3A_396] : memref<10240x128xf32, #tpu.memory_space<hbm>> -> memref<10240x128xf32, #tpu.memory_space<hbm>>
      tpu.wait_indirect_dma semaphore(%arg12 : memref<!tpu.dma_semaphore, #tpu.memory_space<semaphore_mem>>) src(%dma_wait3A_397 : memref<10240x128xf32, #tpu.memory_space<hbm>>) dst(%arg9 : memref<128x128xf32, #tpu.memory_space<vmem>>)
      %dma_start3A_398 = arith.constant 12 : i32
      %dma_start3A_399 = arith.constant 0 : i32
      %dma_start3A_400 = tpu.memref_slice %arg8[%dma_start3A_398, %dma_start3A_399] : memref<16x128xi32, #tpu.memory_space<vmem>> -> memref<1x128xi32, #tpu.memory_space<vmem>>
      %dma_start3A_401 = tpu.memref_squeeze %dma_start3A_400 : memref<1x128xi32, #tpu.memory_space<vmem>> -> memref<128xi32, #tpu.memory_space<vmem>>
      %dma_start3A_402 = arith.constant 0 : i32
      %dma_start3A_403 = arith.constant 0 : i32
      %dma_start3A_404 = tpu.memref_slice %arg11[%dma_start3A_402, %dma_start3A_403] : memref<10240x128xf32, #tpu.memory_space<vmem_shared>> -> memref<10240x128xf32, #tpu.memory_space<vmem_shared>>
      tpu.enqueue_indirect_dma source(%arg9 : memref<128x128xf32, #tpu.memory_space<vmem>>) target(%dma_start3A_404 : memref<10240x128xf32, #tpu.memory_space<vmem_shared>>) offsets(%dma_start3A_401 : memref<128xi32, #tpu.memory_space<vmem>>) semaphore(%arg14 : memref<!tpu.dma_semaphore, #tpu.memory_space<semaphore_mem>>) {add = true}
      %dma_wait3A_405 = arith.constant 12 : i32
      %dma_wait3A_406 = arith.constant 0 : i32
      %dma_wait3A_407 = tpu.memref_slice %arg8[%dma_wait3A_405, %dma_wait3A_406] : memref<16x128xi32, #tpu.memory_space<vmem>> -> memref<1x128xi32, #tpu.memory_space<vmem>>
      %dma_wait3A_408 = tpu.memref_squeeze %dma_wait3A_407 : memref<1x128xi32, #tpu.memory_space<vmem>> -> memref<128xi32, #tpu.memory_space<vmem>>
      %dma_wait3A_409 = arith.constant 0 : i32
      %dma_wait3A_410 = arith.constant 0 : i32
      %dma_wait3A_411 = tpu.memref_slice %arg11[%dma_wait3A_409, %dma_wait3A_410] : memref<10240x128xf32, #tpu.memory_space<vmem_shared>> -> memref<10240x128xf32, #tpu.memory_space<vmem_shared>>
      tpu.wait_indirect_dma semaphore(%arg14 : memref<!tpu.dma_semaphore, #tpu.memory_space<semaphore_mem>>) src(%arg9 : memref<128x128xf32, #tpu.memory_space<vmem>>) dst(%dma_wait3A_411 : memref<10240x128xf32, #tpu.memory_space<vmem_shared>>)
      %dma_start3A_412 = arith.constant 14 : i32
      %dma_start3A_413 = arith.constant 0 : i32
      %dma_start3A_414 = tpu.memref_slice %arg7[%dma_start3A_412, %dma_start3A_413] : memref<16x128xi32, #tpu.memory_space<vmem>> -> memref<1x128xi32, #tpu.memory_space<vmem>>
      %dma_start3A_415 = tpu.memref_squeeze %dma_start3A_414 : memref<1x128xi32, #tpu.memory_space<vmem>> -> memref<128xi32, #tpu.memory_space<vmem>>
      %dma_start3A_416 = arith.constant 0 : i32
      %dma_start3A_417 = arith.constant 0 : i32
      %dma_start3A_418 = tpu.memref_slice %arg4[%dma_start3A_416, %dma_start3A_417] : memref<10240x128xf32, #tpu.memory_space<hbm>> -> memref<10240x128xf32, #tpu.memory_space<hbm>>
      tpu.enqueue_indirect_dma source(%dma_start3A_418 : memref<10240x128xf32, #tpu.memory_space<hbm>>) target(%arg9 : memref<128x128xf32, #tpu.memory_space<vmem>>) offsets(%dma_start3A_415 : memref<128xi32, #tpu.memory_space<vmem>>) semaphore(%arg12 : memref<!tpu.dma_semaphore, #tpu.memory_space<semaphore_mem>>)
      %dma_wait3A_419 = arith.constant 13 : i32
      %dma_wait3A_420 = arith.constant 0 : i32
      %dma_wait3A_421 = tpu.memref_slice %arg7[%dma_wait3A_419, %dma_wait3A_420] : memref<16x128xi32, #tpu.memory_space<vmem>> -> memref<1x128xi32, #tpu.memory_space<vmem>>
      %dma_wait3A_422 = tpu.memref_squeeze %dma_wait3A_421 : memref<1x128xi32, #tpu.memory_space<vmem>> -> memref<128xi32, #tpu.memory_space<vmem>>
      %dma_wait3A_423 = arith.constant 0 : i32
      %dma_wait3A_424 = arith.constant 0 : i32
      %dma_wait3A_425 = tpu.memref_slice %arg4[%dma_wait3A_423, %dma_wait3A_424] : memref<10240x128xf32, #tpu.memory_space<hbm>> -> memref<10240x128xf32, #tpu.memory_space<hbm>>
      tpu.wait_indirect_dma semaphore(%arg13 : memref<!tpu.dma_semaphore, #tpu.memory_space<semaphore_mem>>) src(%dma_wait3A_425 : memref<10240x128xf32, #tpu.memory_space<hbm>>) dst(%arg10 : memref<128x128xf32, #tpu.memory_space<vmem>>)
      %dma_start3A_426 = arith.constant 13 : i32
      %dma_start3A_427 = arith.constant 0 : i32
      %dma_start3A_428 = tpu.memref_slice %arg8[%dma_start3A_426, %dma_start3A_427] : memref<16x128xi32, #tpu.memory_space<vmem>> -> memref<1x128xi32, #tpu.memory_space<vmem>>
      %dma_start3A_429 = tpu.memref_squeeze %dma_start3A_428 : memref<1x128xi32, #tpu.memory_space<vmem>> -> memref<128xi32, #tpu.memory_space<vmem>>
      %dma_start3A_430 = arith.constant 0 : i32
      %dma_start3A_431 = arith.constant 0 : i32
      %dma_start3A_432 = tpu.memref_slice %arg11[%dma_start3A_430, %dma_start3A_431] : memref<10240x128xf32, #tpu.memory_space<vmem_shared>> -> memref<10240x128xf32, #tpu.memory_space<vmem_shared>>
      tpu.enqueue_indirect_dma source(%arg10 : memref<128x128xf32, #tpu.memory_space<vmem>>) target(%dma_start3A_432 : memref<10240x128xf32, #tpu.memory_space<vmem_shared>>) offsets(%dma_start3A_429 : memref<128xi32, #tpu.memory_space<vmem>>) semaphore(%arg15 : memref<!tpu.dma_semaphore, #tpu.memory_space<semaphore_mem>>) {add = true}
      %dma_wait3A_433 = arith.constant 13 : i32
      %dma_wait3A_434 = arith.constant 0 : i32
      %dma_wait3A_435 = tpu.memref_slice %arg8[%dma_wait3A_433, %dma_wait3A_434] : memref<16x128xi32, #tpu.memory_space<vmem>> -> memref<1x128xi32, #tpu.memory_space<vmem>>
      %dma_wait3A_436 = tpu.memref_squeeze %dma_wait3A_435 : memref<1x128xi32, #tpu.memory_space<vmem>> -> memref<128xi32, #tpu.memory_space<vmem>>
      %dma_wait3A_437 = arith.constant 0 : i32
      %dma_wait3A_438 = arith.constant 0 : i32
      %dma_wait3A_439 = tpu.memref_slice %arg11[%dma_wait3A_437, %dma_wait3A_438] : memref<10240x128xf32, #tpu.memory_space<vmem_shared>> -> memref<10240x128xf32, #tpu.memory_space<vmem_shared>>
      tpu.wait_indirect_dma semaphore(%arg15 : memref<!tpu.dma_semaphore, #tpu.memory_space<semaphore_mem>>) src(%arg10 : memref<128x128xf32, #tpu.memory_space<vmem>>) dst(%dma_wait3A_439 : memref<10240x128xf32, #tpu.memory_space<vmem_shared>>)
      %dma_start3A_440 = arith.constant 15 : i32
      %dma_start3A_441 = arith.constant 0 : i32
      %dma_start3A_442 = tpu.memref_slice %arg7[%dma_start3A_440, %dma_start3A_441] : memref<16x128xi32, #tpu.memory_space<vmem>> -> memref<1x128xi32, #tpu.memory_space<vmem>>
      %dma_start3A_443 = tpu.memref_squeeze %dma_start3A_442 : memref<1x128xi32, #tpu.memory_space<vmem>> -> memref<128xi32, #tpu.memory_space<vmem>>
      %dma_start3A_444 = arith.constant 0 : i32
      %dma_start3A_445 = arith.constant 0 : i32
      %dma_start3A_446 = tpu.memref_slice %arg4[%dma_start3A_444, %dma_start3A_445] : memref<10240x128xf32, #tpu.memory_space<hbm>> -> memref<10240x128xf32, #tpu.memory_space<hbm>>
      tpu.enqueue_indirect_dma source(%dma_start3A_446 : memref<10240x128xf32, #tpu.memory_space<hbm>>) target(%arg10 : memref<128x128xf32, #tpu.memory_space<vmem>>) offsets(%dma_start3A_443 : memref<128xi32, #tpu.memory_space<vmem>>) semaphore(%arg13 : memref<!tpu.dma_semaphore, #tpu.memory_space<semaphore_mem>>)
      %dma_wait3A_447 = arith.constant 14 : i32
      %dma_wait3A_448 = arith.constant 0 : i32
      %dma_wait3A_449 = tpu.memref_slice %arg7[%dma_wait3A_447, %dma_wait3A_448] : memref<16x128xi32, #tpu.memory_space<vmem>> -> memref<1x128xi32, #tpu.memory_space<vmem>>
      %dma_wait3A_450 = tpu.memref_squeeze %dma_wait3A_449 : memref<1x128xi32, #tpu.memory_space<vmem>> -> memref<128xi32, #tpu.memory_space<vmem>>
      %dma_wait3A_451 = arith.constant 0 : i32
      %dma_wait3A_452 = arith.constant 0 : i32
      %dma_wait3A_453 = tpu.memref_slice %arg4[%dma_wait3A_451, %dma_wait3A_452] : memref<10240x128xf32, #tpu.memory_space<hbm>> -> memref<10240x128xf32, #tpu.memory_space<hbm>>
      tpu.wait_indirect_dma semaphore(%arg12 : memref<!tpu.dma_semaphore, #tpu.memory_space<semaphore_mem>>) src(%dma_wait3A_453 : memref<10240x128xf32, #tpu.memory_space<hbm>>) dst(%arg9 : memref<128x128xf32, #tpu.memory_space<vmem>>)
      %dma_start3A_454 = arith.constant 14 : i32
      %dma_start3A_455 = arith.constant 0 : i32
      %dma_start3A_456 = tpu.memref_slice %arg8[%dma_start3A_454, %dma_start3A_455] : memref<16x128xi32, #tpu.memory_space<vmem>> -> memref<1x128xi32, #tpu.memory_space<vmem>>
      %dma_start3A_457 = tpu.memref_squeeze %dma_start3A_456 : memref<1x128xi32, #tpu.memory_space<vmem>> -> memref<128xi32, #tpu.memory_space<vmem>>
      %dma_start3A_458 = arith.constant 0 : i32
      %dma_start3A_459 = arith.constant 0 : i32
      %dma_start3A_460 = tpu.memref_slice %arg11[%dma_start3A_458, %dma_start3A_459] : memref<10240x128xf32, #tpu.memory_space<vmem_shared>> -> memref<10240x128xf32, #tpu.memory_space<vmem_shared>>
      tpu.enqueue_indirect_dma source(%arg9 : memref<128x128xf32, #tpu.memory_space<vmem>>) target(%dma_start3A_460 : memref<10240x128xf32, #tpu.memory_space<vmem_shared>>) offsets(%dma_start3A_457 : memref<128xi32, #tpu.memory_space<vmem>>) semaphore(%arg14 : memref<!tpu.dma_semaphore, #tpu.memory_space<semaphore_mem>>) {add = true}
      %dma_wait3A_461 = arith.constant 15 : i32
      %dma_wait3A_462 = arith.constant 0 : i32
      %dma_wait3A_463 = tpu.memref_slice %arg7[%dma_wait3A_461, %dma_wait3A_462] : memref<16x128xi32, #tpu.memory_space<vmem>> -> memref<1x128xi32, #tpu.memory_space<vmem>>
      %dma_wait3A_464 = tpu.memref_squeeze %dma_wait3A_463 : memref<1x128xi32, #tpu.memory_space<vmem>> -> memref<128xi32, #tpu.memory_space<vmem>>
      %dma_wait3A_465 = arith.constant 0 : i32
      %dma_wait3A_466 = arith.constant 0 : i32
      %dma_wait3A_467 = tpu.memref_slice %arg4[%dma_wait3A_465, %dma_wait3A_466] : memref<10240x128xf32, #tpu.memory_space<hbm>> -> memref<10240x128xf32, #tpu.memory_space<hbm>>
      tpu.wait_indirect_dma semaphore(%arg13 : memref<!tpu.dma_semaphore, #tpu.memory_space<semaphore_mem>>) src(%dma_wait3A_467 : memref<10240x128xf32, #tpu.memory_space<hbm>>) dst(%arg10 : memref<128x128xf32, #tpu.memory_space<vmem>>)
      %dma_start3A_468 = arith.constant 15 : i32
      %dma_start3A_469 = arith.constant 0 : i32
      %dma_start3A_470 = tpu.memref_slice %arg8[%dma_start3A_468, %dma_start3A_469] : memref<16x128xi32, #tpu.memory_space<vmem>> -> memref<1x128xi32, #tpu.memory_space<vmem>>
      %dma_start3A_471 = tpu.memref_squeeze %dma_start3A_470 : memref<1x128xi32, #tpu.memory_space<vmem>> -> memref<128xi32, #tpu.memory_space<vmem>>
      %dma_start3A_472 = arith.constant 0 : i32
      %dma_start3A_473 = arith.constant 0 : i32
      %dma_start3A_474 = tpu.memref_slice %arg11[%dma_start3A_472, %dma_start3A_473] : memref<10240x128xf32, #tpu.memory_space<vmem_shared>> -> memref<10240x128xf32, #tpu.memory_space<vmem_shared>>
      tpu.enqueue_indirect_dma source(%arg10 : memref<128x128xf32, #tpu.memory_space<vmem>>) target(%dma_start3A_474 : memref<10240x128xf32, #tpu.memory_space<vmem_shared>>) offsets(%dma_start3A_471 : memref<128xi32, #tpu.memory_space<vmem>>) semaphore(%arg15 : memref<!tpu.dma_semaphore, #tpu.memory_space<semaphore_mem>>) {add = true}
      %dma_wait3A_475 = arith.constant 14 : i32
      %dma_wait3A_476 = arith.constant 0 : i32
      %dma_wait3A_477 = tpu.memref_slice %arg8[%dma_wait3A_475, %dma_wait3A_476] : memref<16x128xi32, #tpu.memory_space<vmem>> -> memref<1x128xi32, #tpu.memory_space<vmem>>
      %dma_wait3A_478 = tpu.memref_squeeze %dma_wait3A_477 : memref<1x128xi32, #tpu.memory_space<vmem>> -> memref<128xi32, #tpu.memory_space<vmem>>
      %dma_wait3A_479 = arith.constant 0 : i32
      %dma_wait3A_480 = arith.constant 0 : i32
      %dma_wait3A_481 = tpu.memref_slice %arg11[%dma_wait3A_479, %dma_wait3A_480] : memref<10240x128xf32, #tpu.memory_space<vmem_shared>> -> memref<10240x128xf32, #tpu.memory_space<vmem_shared>>
      tpu.wait_indirect_dma semaphore(%arg14 : memref<!tpu.dma_semaphore, #tpu.memory_space<semaphore_mem>>) src(%arg9 : memref<128x128xf32, #tpu.memory_space<vmem>>) dst(%dma_wait3A_481 : memref<10240x128xf32, #tpu.memory_space<vmem_shared>>)
      %dma_wait3A_482 = arith.constant 15 : i32
      %dma_wait3A_483 = arith.constant 0 : i32
      %dma_wait3A_484 = tpu.memref_slice %arg8[%dma_wait3A_482, %dma_wait3A_483] : memref<16x128xi32, #tpu.memory_space<vmem>> -> memref<1x128xi32, #tpu.memory_space<vmem>>
      %dma_wait3A_485 = tpu.memref_squeeze %dma_wait3A_484 : memref<1x128xi32, #tpu.memory_space<vmem>> -> memref<128xi32, #tpu.memory_space<vmem>>
      %dma_wait3A_486 = arith.constant 0 : i32
      %dma_wait3A_487 = arith.constant 0 : i32
      %dma_wait3A_488 = tpu.memref_slice %arg11[%dma_wait3A_486, %dma_wait3A_487] : memref<10240x128xf32, #tpu.memory_space<vmem_shared>> -> memref<10240x128xf32, #tpu.memory_space<vmem_shared>>
      tpu.wait_indirect_dma semaphore(%arg15 : memref<!tpu.dma_semaphore, #tpu.memory_space<semaphore_mem>>) src(%arg10 : memref<128x128xf32, #tpu.memory_space<vmem>>) dst(%dma_wait3A_488 : memref<10240x128xf32, #tpu.memory_space<vmem_shared>>)
    }
    %scan3A_27 = arith.constant 5 : i32
    %barrier3A_28 = arith.constant 0 : index
    tpu.barrier barrier_id(%barrier3A_28)
    %mul3A_29 = arith.constant 640 : i32
    %mul3A_30 = arith.muli %arg1, %mul3A_29 : i32
    %mul3A_31 = arith.constant 10240 : i32
    %mul3A_32 = arith.muli %arg0, %mul3A_31 : i32
    %mul3A_33 = arith.constant 640 : i32
    %mul3A_34 = arith.muli %arg1, %mul3A_33 : i32
    %add3A_35 = arith.addi %mul3A_32, %mul3A_34 : i32
    "tpu.region"() ({
      %run_scoped3A = tpu.sem_alloc : memref<!tpu.dma_semaphore, #tpu.memory_space<semaphore_mem>>
      %dma_start3A = arith.constant 0 : i32
      %dma_start3A_36 = tpu.memref_slice %arg6[%add3A_35, %dma_start3A] : memref<20480x128xf32, #tpu.memory_space<hbm>> -> memref<640x128xf32, #tpu.memory_space<hbm>>
      %dma_start3A_37 = arith.constant 0 : i32
      %dma_start3A_38 = tpu.memref_slice %arg11[%mul3A_30, %dma_start3A_37] : memref<10240x128xf32, #tpu.memory_space<vmem_shared>> -> memref<640x128xf32, #tpu.memory_space<vmem_shared>>
      tpu.enqueue_dma source(%dma_start3A_38 : memref<640x128xf32, #tpu.memory_space<vmem_shared>>) target(%dma_start3A_36 : memref<640x128xf32, #tpu.memory_space<hbm>>) target_semaphore(%run_scoped3A : memref<!tpu.dma_semaphore, #tpu.memory_space<semaphore_mem>>)
      %dma_wait3A = arith.constant 0 : i32
      %dma_wait3A_39 = tpu.memref_slice %arg6[%add3A_35, %dma_wait3A] : memref<20480x128xf32, #tpu.memory_space<hbm>> -> memref<640x128xf32, #tpu.memory_space<hbm>>
      %dma_wait3A_40 = arith.constant 0 : i32
      %dma_wait3A_41 = tpu.memref_slice %arg11[%mul3A_30, %dma_wait3A_40] : memref<10240x128xf32, #tpu.memory_space<vmem_shared>> -> memref<640x128xf32, #tpu.memory_space<vmem_shared>>
      tpu.wait_dma2 semaphore(%run_scoped3A : memref<!tpu.dma_semaphore, #tpu.memory_space<semaphore_mem>>) src(%dma_wait3A_41 : memref<640x128xf32, #tpu.memory_space<vmem_shared>>) dst(%dma_wait3A_39 : memref<640x128xf32, #tpu.memory_space<hbm>>)
      tpu.yield
    }) : () -> ()
    return
  }
}

#map = affine_map<(d0, d1) -> (0, 0)>
module attributes {stable_mosaic.version = 14 : i64} {
  func.func @sc_edge1(%arg0: i32, %arg1: i32, %arg2: memref<2560x128xi32, #tpu.memory_space<hbm>>, %arg3: memref<2560x128xi32, #tpu.memory_space<hbm>>, %arg4: memref<10240x128xf32, #tpu.memory_space<hbm>>, %arg5: memref<10240x128xf32, #tpu.memory_space<hbm>>, %arg6: memref<20480x128xf32, #tpu.memory_space<hbm>>, %arg7: memref<16x128xi32, #tpu.memory_space<vmem>>, %arg8: memref<16x128xi32, #tpu.memory_space<vmem>>, %arg9: memref<128x128xf32, #tpu.memory_space<vmem>>, %arg10: memref<128x128xf32, #tpu.memory_space<vmem>>, %arg11: memref<10240x128xf32, #tpu.memory_space<vmem_shared>>, %arg12: memref<!tpu.dma_semaphore, #tpu.memory_space<semaphore_mem>>, %arg13: memref<!tpu.dma_semaphore, #tpu.memory_space<semaphore_mem>>, %arg14: memref<!tpu.dma_semaphore, #tpu.memory_space<semaphore_mem>>, %arg15: memref<!tpu.dma_semaphore, #tpu.memory_space<semaphore_mem>>) attributes {dimension_semantics = [#tpu.dimension_semantics<core_parallel>, #tpu.dimension_semantics<subcore_parallel>], iteration_bounds = array<i64: 2, 16>, scalar_prefetch = 0 : i64, scratch_operands = 9 : i64, tpu.core_type = #tpu.core_type<sc_vector_subcore>, window_params = [{transform_indices = #map}, {transform_indices = #map}, {transform_indices = #map}, {transform_indices = #map}, {transform_indices = #map}]} {
    %mul3A = arith.constant 640 : i32
    %mul3A_0 = arith.muli %arg1, %mul3A : i32
    %mul3A_1 = arith.constant 640 : i32
    %mul3A_2 = arith.muli %arg1, %mul3A_1 : i32
    "tpu.region"() ({
      %run_scoped3A = tpu.sem_alloc : memref<!tpu.dma_semaphore, #tpu.memory_space<semaphore_mem>>
      %dma_start3A = arith.constant 0 : i32
      %dma_start3A_36 = tpu.memref_slice %arg11[%mul3A_2, %dma_start3A] : memref<10240x128xf32, #tpu.memory_space<vmem_shared>> -> memref<640x128xf32, #tpu.memory_space<vmem_shared>>
      %dma_start3A_37 = arith.constant 0 : i32
      %dma_start3A_38 = tpu.memref_slice %arg5[%mul3A_0, %dma_start3A_37] : memref<10240x128xf32, #tpu.memory_space<hbm>> -> memref<640x128xf32, #tpu.memory_space<hbm>>
      tpu.enqueue_dma source(%dma_start3A_38 : memref<640x128xf32, #tpu.memory_space<hbm>>) target(%dma_start3A_36 : memref<640x128xf32, #tpu.memory_space<vmem_shared>>) target_semaphore(%run_scoped3A : memref<!tpu.dma_semaphore, #tpu.memory_space<semaphore_mem>>)
      %dma_wait3A = arith.constant 0 : i32
      %dma_wait3A_39 = tpu.memref_slice %arg11[%mul3A_2, %dma_wait3A] : memref<10240x128xf32, #tpu.memory_space<vmem_shared>> -> memref<640x128xf32, #tpu.memory_space<vmem_shared>>
      %dma_wait3A_40 = arith.constant 0 : i32
      %dma_wait3A_41 = tpu.memref_slice %arg5[%mul3A_0, %dma_wait3A_40] : memref<10240x128xf32, #tpu.memory_space<hbm>> -> memref<640x128xf32, #tpu.memory_space<hbm>>
      tpu.wait_dma2 semaphore(%run_scoped3A : memref<!tpu.dma_semaphore, #tpu.memory_space<semaphore_mem>>) src(%dma_wait3A_41 : memref<640x128xf32, #tpu.memory_space<hbm>>) dst(%dma_wait3A_39 : memref<640x128xf32, #tpu.memory_space<vmem_shared>>)
      tpu.yield
    }) : () -> ()
    %barrier3A = arith.constant 0 : index
    tpu.barrier barrier_id(%barrier3A)
    %mul3A_3 = arith.constant 163840 : i32
    %mul3A_4 = arith.muli %arg0, %mul3A_3 : i32
    %mul3A_5 = arith.constant 10240 : i32
    %mul3A_6 = arith.muli %arg1, %mul3A_5 : i32
    %add3A = arith.addi %mul3A_4, %mul3A_6 : i32
    %jit3A = arith.constant 128 : i32
    %div3A = arith.divsi %add3A, %jit3A : i32
    %sign3A = arith.constant 0 : i32
    %sign3A_7 = arith.cmpi sgt, %add3A, %sign3A : i32
    %sign3A_8 = arith.extui %sign3A_7 : i1 to i32
    %sign3A_9 = arith.constant 0 : i32
    %sign3A_10 = arith.cmpi slt, %add3A, %sign3A_9 : i32
    %sign3A_11 = arith.extui %sign3A_10 : i1 to i32
    %sign3A_12 = arith.subi %sign3A_8, %sign3A_11 : i32
    %sign3A_13 = arith.constant 0 : i32
    %sign3A_14 = arith.cmpi sgt, %jit3A, %sign3A_13 : i32
    %sign3A_15 = arith.extui %sign3A_14 : i1 to i32
    %sign3A_16 = arith.constant 0 : i32
    %sign3A_17 = arith.cmpi slt, %jit3A, %sign3A_16 : i32
    %sign3A_18 = arith.extui %sign3A_17 : i1 to i32
    %sign3A_19 = arith.subi %sign3A_15, %sign3A_18 : i32
    %ne3A = arith.cmpi ne, %sign3A_12, %sign3A_19 : i32
    %rem3A = arith.remsi %add3A, %jit3A : i32
    %ne3A_20 = arith.constant 0 : i32
    %ne3A_21 = arith.cmpi ne, %rem3A, %ne3A_20 : i32
    %and3A = arith.andi %ne3A, %ne3A_21 : i1
    %sub3A = arith.constant 1 : i32
    %sub3A_22 = arith.subi %div3A, %sub3A : i32
    %select_n3A = arith.select %and3A, %sub3A_22, %div3A : i32
    %scan3A = arith.constant 0 : i32
    %scan3A_23 = arith.constant 0 : i32
    %scan3A_24 = arith.constant 5 : i32
    %scan3A_25 = arith.addi %scan3A_23, %scan3A_24 : i32
    %scan3A_26 = arith.constant 1 : i32
    scf.for %scan3A_36 = %scan3A_23 to %scan3A_25 step %scan3A_26  : i32 {
      %mul3A_37 = arith.constant 16 : i32
      %mul3A_38 = arith.muli %scan3A_36, %mul3A_37 : i32
      %add3A_39 = arith.addi %select_n3A, %mul3A_38 : i32
      "tpu.region"() ({
        %run_scoped3A = tpu.sem_alloc : memref<!tpu.dma_semaphore, #tpu.memory_space<semaphore_mem>>
        %dma_start3A_489 = arith.constant 0 : i32
        %dma_start3A_490 = tpu.memref_slice %arg2[%add3A_39, %dma_start3A_489] : memref<2560x128xi32, #tpu.memory_space<hbm>> -> memref<16x128xi32, #tpu.memory_space<hbm>>
        %dma_start3A_491 = arith.constant 0 : i32
        %dma_start3A_492 = tpu.memref_slice %arg2[%add3A_39, %dma_start3A_491] : memref<2560x128xi32, #tpu.memory_space<hbm>> -> memref<16x128xi32, #tpu.memory_space<hbm>>
        tpu.enqueue_dma source(%dma_start3A_492 : memref<16x128xi32, #tpu.memory_space<hbm>>) target(%arg7 : memref<16x128xi32, #tpu.memory_space<vmem>>) target_semaphore(%run_scoped3A : memref<!tpu.dma_semaphore, #tpu.memory_space<semaphore_mem>>)
        %dma_wait3A_493 = arith.constant 0 : i32
        %dma_wait3A_494 = tpu.memref_slice %arg2[%add3A_39, %dma_wait3A_493] : memref<2560x128xi32, #tpu.memory_space<hbm>> -> memref<16x128xi32, #tpu.memory_space<hbm>>
        %dma_wait3A_495 = arith.constant 0 : i32
        %dma_wait3A_496 = tpu.memref_slice %arg2[%add3A_39, %dma_wait3A_495] : memref<2560x128xi32, #tpu.memory_space<hbm>> -> memref<16x128xi32, #tpu.memory_space<hbm>>
        tpu.wait_dma2 semaphore(%run_scoped3A : memref<!tpu.dma_semaphore, #tpu.memory_space<semaphore_mem>>) src(%dma_wait3A_496 : memref<16x128xi32, #tpu.memory_space<hbm>>) dst(%arg7 : memref<16x128xi32, #tpu.memory_space<vmem>>)
        tpu.yield
      }) : () -> ()
      %mul3A_40 = arith.constant 16 : i32
      %mul3A_41 = arith.muli %scan3A_36, %mul3A_40 : i32
      %add3A_42 = arith.addi %select_n3A, %mul3A_41 : i32
      "tpu.region"() ({
        %run_scoped3A = tpu.sem_alloc : memref<!tpu.dma_semaphore, #tpu.memory_space<semaphore_mem>>
        %dma_start3A_489 = arith.constant 0 : i32
        %dma_start3A_490 = tpu.memref_slice %arg3[%add3A_42, %dma_start3A_489] : memref<2560x128xi32, #tpu.memory_space<hbm>> -> memref<16x128xi32, #tpu.memory_space<hbm>>
        %dma_start3A_491 = arith.constant 0 : i32
        %dma_start3A_492 = tpu.memref_slice %arg3[%add3A_42, %dma_start3A_491] : memref<2560x128xi32, #tpu.memory_space<hbm>> -> memref<16x128xi32, #tpu.memory_space<hbm>>
        tpu.enqueue_dma source(%dma_start3A_492 : memref<16x128xi32, #tpu.memory_space<hbm>>) target(%arg8 : memref<16x128xi32, #tpu.memory_space<vmem>>) target_semaphore(%run_scoped3A : memref<!tpu.dma_semaphore, #tpu.memory_space<semaphore_mem>>)
        %dma_wait3A_493 = arith.constant 0 : i32
        %dma_wait3A_494 = tpu.memref_slice %arg3[%add3A_42, %dma_wait3A_493] : memref<2560x128xi32, #tpu.memory_space<hbm>> -> memref<16x128xi32, #tpu.memory_space<hbm>>
        %dma_wait3A_495 = arith.constant 0 : i32
        %dma_wait3A_496 = tpu.memref_slice %arg3[%add3A_42, %dma_wait3A_495] : memref<2560x128xi32, #tpu.memory_space<hbm>> -> memref<16x128xi32, #tpu.memory_space<hbm>>
        tpu.wait_dma2 semaphore(%run_scoped3A : memref<!tpu.dma_semaphore, #tpu.memory_space<semaphore_mem>>) src(%dma_wait3A_496 : memref<16x128xi32, #tpu.memory_space<hbm>>) dst(%arg8 : memref<16x128xi32, #tpu.memory_space<vmem>>)
        tpu.yield
      }) : () -> ()
      %dma_start3A = arith.constant 0 : i32
      %dma_start3A_43 = arith.constant 0 : i32
      %dma_start3A_44 = tpu.memref_slice %arg7[%dma_start3A, %dma_start3A_43] : memref<16x128xi32, #tpu.memory_space<vmem>> -> memref<1x128xi32, #tpu.memory_space<vmem>>
      %dma_start3A_45 = tpu.memref_squeeze %dma_start3A_44 : memref<1x128xi32, #tpu.memory_space<vmem>> -> memref<128xi32, #tpu.memory_space<vmem>>
      %dma_start3A_46 = arith.constant 0 : i32
      %dma_start3A_47 = arith.constant 0 : i32
      %dma_start3A_48 = tpu.memref_slice %arg4[%dma_start3A_46, %dma_start3A_47] : memref<10240x128xf32, #tpu.memory_space<hbm>> -> memref<10240x128xf32, #tpu.memory_space<hbm>>
      tpu.enqueue_indirect_dma source(%dma_start3A_48 : memref<10240x128xf32, #tpu.memory_space<hbm>>) target(%arg9 : memref<128x128xf32, #tpu.memory_space<vmem>>) offsets(%dma_start3A_45 : memref<128xi32, #tpu.memory_space<vmem>>) semaphore(%arg12 : memref<!tpu.dma_semaphore, #tpu.memory_space<semaphore_mem>>)
      %dma_start3A_49 = arith.constant 1 : i32
      %dma_start3A_50 = arith.constant 0 : i32
      %dma_start3A_51 = tpu.memref_slice %arg7[%dma_start3A_49, %dma_start3A_50] : memref<16x128xi32, #tpu.memory_space<vmem>> -> memref<1x128xi32, #tpu.memory_space<vmem>>
      %dma_start3A_52 = tpu.memref_squeeze %dma_start3A_51 : memref<1x128xi32, #tpu.memory_space<vmem>> -> memref<128xi32, #tpu.memory_space<vmem>>
      %dma_start3A_53 = arith.constant 0 : i32
      %dma_start3A_54 = arith.constant 0 : i32
      %dma_start3A_55 = tpu.memref_slice %arg4[%dma_start3A_53, %dma_start3A_54] : memref<10240x128xf32, #tpu.memory_space<hbm>> -> memref<10240x128xf32, #tpu.memory_space<hbm>>
      tpu.enqueue_indirect_dma source(%dma_start3A_55 : memref<10240x128xf32, #tpu.memory_space<hbm>>) target(%arg10 : memref<128x128xf32, #tpu.memory_space<vmem>>) offsets(%dma_start3A_52 : memref<128xi32, #tpu.memory_space<vmem>>) semaphore(%arg13 : memref<!tpu.dma_semaphore, #tpu.memory_space<semaphore_mem>>)
      %dma_wait3A = arith.constant 0 : i32
      %dma_wait3A_56 = arith.constant 0 : i32
      %dma_wait3A_57 = tpu.memref_slice %arg7[%dma_wait3A, %dma_wait3A_56] : memref<16x128xi32, #tpu.memory_space<vmem>> -> memref<1x128xi32, #tpu.memory_space<vmem>>
      %dma_wait3A_58 = tpu.memref_squeeze %dma_wait3A_57 : memref<1x128xi32, #tpu.memory_space<vmem>> -> memref<128xi32, #tpu.memory_space<vmem>>
      %dma_wait3A_59 = arith.constant 0 : i32
      %dma_wait3A_60 = arith.constant 0 : i32
      %dma_wait3A_61 = tpu.memref_slice %arg4[%dma_wait3A_59, %dma_wait3A_60] : memref<10240x128xf32, #tpu.memory_space<hbm>> -> memref<10240x128xf32, #tpu.memory_space<hbm>>
      tpu.wait_indirect_dma semaphore(%arg12 : memref<!tpu.dma_semaphore, #tpu.memory_space<semaphore_mem>>) src(%dma_wait3A_61 : memref<10240x128xf32, #tpu.memory_space<hbm>>) dst(%arg9 : memref<128x128xf32, #tpu.memory_space<vmem>>)
      %dma_start3A_62 = arith.constant 0 : i32
      %dma_start3A_63 = arith.constant 0 : i32
      %dma_start3A_64 = tpu.memref_slice %arg8[%dma_start3A_62, %dma_start3A_63] : memref<16x128xi32, #tpu.memory_space<vmem>> -> memref<1x128xi32, #tpu.memory_space<vmem>>
      %dma_start3A_65 = tpu.memref_squeeze %dma_start3A_64 : memref<1x128xi32, #tpu.memory_space<vmem>> -> memref<128xi32, #tpu.memory_space<vmem>>
      %dma_start3A_66 = arith.constant 0 : i32
      %dma_start3A_67 = arith.constant 0 : i32
      %dma_start3A_68 = tpu.memref_slice %arg11[%dma_start3A_66, %dma_start3A_67] : memref<10240x128xf32, #tpu.memory_space<vmem_shared>> -> memref<10240x128xf32, #tpu.memory_space<vmem_shared>>
      tpu.enqueue_indirect_dma source(%arg9 : memref<128x128xf32, #tpu.memory_space<vmem>>) target(%dma_start3A_68 : memref<10240x128xf32, #tpu.memory_space<vmem_shared>>) offsets(%dma_start3A_65 : memref<128xi32, #tpu.memory_space<vmem>>) semaphore(%arg14 : memref<!tpu.dma_semaphore, #tpu.memory_space<semaphore_mem>>) {add = true}
      %dma_wait3A_69 = arith.constant 0 : i32
      %dma_wait3A_70 = arith.constant 0 : i32
      %dma_wait3A_71 = tpu.memref_slice %arg8[%dma_wait3A_69, %dma_wait3A_70] : memref<16x128xi32, #tpu.memory_space<vmem>> -> memref<1x128xi32, #tpu.memory_space<vmem>>
      %dma_wait3A_72 = tpu.memref_squeeze %dma_wait3A_71 : memref<1x128xi32, #tpu.memory_space<vmem>> -> memref<128xi32, #tpu.memory_space<vmem>>
      %dma_wait3A_73 = arith.constant 0 : i32
      %dma_wait3A_74 = arith.constant 0 : i32
      %dma_wait3A_75 = tpu.memref_slice %arg11[%dma_wait3A_73, %dma_wait3A_74] : memref<10240x128xf32, #tpu.memory_space<vmem_shared>> -> memref<10240x128xf32, #tpu.memory_space<vmem_shared>>
      tpu.wait_indirect_dma semaphore(%arg14 : memref<!tpu.dma_semaphore, #tpu.memory_space<semaphore_mem>>) src(%arg9 : memref<128x128xf32, #tpu.memory_space<vmem>>) dst(%dma_wait3A_75 : memref<10240x128xf32, #tpu.memory_space<vmem_shared>>)
      %dma_start3A_76 = arith.constant 2 : i32
      %dma_start3A_77 = arith.constant 0 : i32
      %dma_start3A_78 = tpu.memref_slice %arg7[%dma_start3A_76, %dma_start3A_77] : memref<16x128xi32, #tpu.memory_space<vmem>> -> memref<1x128xi32, #tpu.memory_space<vmem>>
      %dma_start3A_79 = tpu.memref_squeeze %dma_start3A_78 : memref<1x128xi32, #tpu.memory_space<vmem>> -> memref<128xi32, #tpu.memory_space<vmem>>
      %dma_start3A_80 = arith.constant 0 : i32
      %dma_start3A_81 = arith.constant 0 : i32
      %dma_start3A_82 = tpu.memref_slice %arg4[%dma_start3A_80, %dma_start3A_81] : memref<10240x128xf32, #tpu.memory_space<hbm>> -> memref<10240x128xf32, #tpu.memory_space<hbm>>
      tpu.enqueue_indirect_dma source(%dma_start3A_82 : memref<10240x128xf32, #tpu.memory_space<hbm>>) target(%arg9 : memref<128x128xf32, #tpu.memory_space<vmem>>) offsets(%dma_start3A_79 : memref<128xi32, #tpu.memory_space<vmem>>) semaphore(%arg12 : memref<!tpu.dma_semaphore, #tpu.memory_space<semaphore_mem>>)
      %dma_wait3A_83 = arith.constant 1 : i32
      %dma_wait3A_84 = arith.constant 0 : i32
      %dma_wait3A_85 = tpu.memref_slice %arg7[%dma_wait3A_83, %dma_wait3A_84] : memref<16x128xi32, #tpu.memory_space<vmem>> -> memref<1x128xi32, #tpu.memory_space<vmem>>
      %dma_wait3A_86 = tpu.memref_squeeze %dma_wait3A_85 : memref<1x128xi32, #tpu.memory_space<vmem>> -> memref<128xi32, #tpu.memory_space<vmem>>
      %dma_wait3A_87 = arith.constant 0 : i32
      %dma_wait3A_88 = arith.constant 0 : i32
      %dma_wait3A_89 = tpu.memref_slice %arg4[%dma_wait3A_87, %dma_wait3A_88] : memref<10240x128xf32, #tpu.memory_space<hbm>> -> memref<10240x128xf32, #tpu.memory_space<hbm>>
      tpu.wait_indirect_dma semaphore(%arg13 : memref<!tpu.dma_semaphore, #tpu.memory_space<semaphore_mem>>) src(%dma_wait3A_89 : memref<10240x128xf32, #tpu.memory_space<hbm>>) dst(%arg10 : memref<128x128xf32, #tpu.memory_space<vmem>>)
      %dma_start3A_90 = arith.constant 1 : i32
      %dma_start3A_91 = arith.constant 0 : i32
      %dma_start3A_92 = tpu.memref_slice %arg8[%dma_start3A_90, %dma_start3A_91] : memref<16x128xi32, #tpu.memory_space<vmem>> -> memref<1x128xi32, #tpu.memory_space<vmem>>
      %dma_start3A_93 = tpu.memref_squeeze %dma_start3A_92 : memref<1x128xi32, #tpu.memory_space<vmem>> -> memref<128xi32, #tpu.memory_space<vmem>>
      %dma_start3A_94 = arith.constant 0 : i32
      %dma_start3A_95 = arith.constant 0 : i32
      %dma_start3A_96 = tpu.memref_slice %arg11[%dma_start3A_94, %dma_start3A_95] : memref<10240x128xf32, #tpu.memory_space<vmem_shared>> -> memref<10240x128xf32, #tpu.memory_space<vmem_shared>>
      tpu.enqueue_indirect_dma source(%arg10 : memref<128x128xf32, #tpu.memory_space<vmem>>) target(%dma_start3A_96 : memref<10240x128xf32, #tpu.memory_space<vmem_shared>>) offsets(%dma_start3A_93 : memref<128xi32, #tpu.memory_space<vmem>>) semaphore(%arg15 : memref<!tpu.dma_semaphore, #tpu.memory_space<semaphore_mem>>) {add = true}
      %dma_wait3A_97 = arith.constant 1 : i32
      %dma_wait3A_98 = arith.constant 0 : i32
      %dma_wait3A_99 = tpu.memref_slice %arg8[%dma_wait3A_97, %dma_wait3A_98] : memref<16x128xi32, #tpu.memory_space<vmem>> -> memref<1x128xi32, #tpu.memory_space<vmem>>
      %dma_wait3A_100 = tpu.memref_squeeze %dma_wait3A_99 : memref<1x128xi32, #tpu.memory_space<vmem>> -> memref<128xi32, #tpu.memory_space<vmem>>
      %dma_wait3A_101 = arith.constant 0 : i32
      %dma_wait3A_102 = arith.constant 0 : i32
      %dma_wait3A_103 = tpu.memref_slice %arg11[%dma_wait3A_101, %dma_wait3A_102] : memref<10240x128xf32, #tpu.memory_space<vmem_shared>> -> memref<10240x128xf32, #tpu.memory_space<vmem_shared>>
      tpu.wait_indirect_dma semaphore(%arg15 : memref<!tpu.dma_semaphore, #tpu.memory_space<semaphore_mem>>) src(%arg10 : memref<128x128xf32, #tpu.memory_space<vmem>>) dst(%dma_wait3A_103 : memref<10240x128xf32, #tpu.memory_space<vmem_shared>>)
      %dma_start3A_104 = arith.constant 3 : i32
      %dma_start3A_105 = arith.constant 0 : i32
      %dma_start3A_106 = tpu.memref_slice %arg7[%dma_start3A_104, %dma_start3A_105] : memref<16x128xi32, #tpu.memory_space<vmem>> -> memref<1x128xi32, #tpu.memory_space<vmem>>
      %dma_start3A_107 = tpu.memref_squeeze %dma_start3A_106 : memref<1x128xi32, #tpu.memory_space<vmem>> -> memref<128xi32, #tpu.memory_space<vmem>>
      %dma_start3A_108 = arith.constant 0 : i32
      %dma_start3A_109 = arith.constant 0 : i32
      %dma_start3A_110 = tpu.memref_slice %arg4[%dma_start3A_108, %dma_start3A_109] : memref<10240x128xf32, #tpu.memory_space<hbm>> -> memref<10240x128xf32, #tpu.memory_space<hbm>>
      tpu.enqueue_indirect_dma source(%dma_start3A_110 : memref<10240x128xf32, #tpu.memory_space<hbm>>) target(%arg10 : memref<128x128xf32, #tpu.memory_space<vmem>>) offsets(%dma_start3A_107 : memref<128xi32, #tpu.memory_space<vmem>>) semaphore(%arg13 : memref<!tpu.dma_semaphore, #tpu.memory_space<semaphore_mem>>)
      %dma_wait3A_111 = arith.constant 2 : i32
      %dma_wait3A_112 = arith.constant 0 : i32
      %dma_wait3A_113 = tpu.memref_slice %arg7[%dma_wait3A_111, %dma_wait3A_112] : memref<16x128xi32, #tpu.memory_space<vmem>> -> memref<1x128xi32, #tpu.memory_space<vmem>>
      %dma_wait3A_114 = tpu.memref_squeeze %dma_wait3A_113 : memref<1x128xi32, #tpu.memory_space<vmem>> -> memref<128xi32, #tpu.memory_space<vmem>>
      %dma_wait3A_115 = arith.constant 0 : i32
      %dma_wait3A_116 = arith.constant 0 : i32
      %dma_wait3A_117 = tpu.memref_slice %arg4[%dma_wait3A_115, %dma_wait3A_116] : memref<10240x128xf32, #tpu.memory_space<hbm>> -> memref<10240x128xf32, #tpu.memory_space<hbm>>
      tpu.wait_indirect_dma semaphore(%arg12 : memref<!tpu.dma_semaphore, #tpu.memory_space<semaphore_mem>>) src(%dma_wait3A_117 : memref<10240x128xf32, #tpu.memory_space<hbm>>) dst(%arg9 : memref<128x128xf32, #tpu.memory_space<vmem>>)
      %dma_start3A_118 = arith.constant 2 : i32
      %dma_start3A_119 = arith.constant 0 : i32
      %dma_start3A_120 = tpu.memref_slice %arg8[%dma_start3A_118, %dma_start3A_119] : memref<16x128xi32, #tpu.memory_space<vmem>> -> memref<1x128xi32, #tpu.memory_space<vmem>>
      %dma_start3A_121 = tpu.memref_squeeze %dma_start3A_120 : memref<1x128xi32, #tpu.memory_space<vmem>> -> memref<128xi32, #tpu.memory_space<vmem>>
      %dma_start3A_122 = arith.constant 0 : i32
      %dma_start3A_123 = arith.constant 0 : i32
      %dma_start3A_124 = tpu.memref_slice %arg11[%dma_start3A_122, %dma_start3A_123] : memref<10240x128xf32, #tpu.memory_space<vmem_shared>> -> memref<10240x128xf32, #tpu.memory_space<vmem_shared>>
      tpu.enqueue_indirect_dma source(%arg9 : memref<128x128xf32, #tpu.memory_space<vmem>>) target(%dma_start3A_124 : memref<10240x128xf32, #tpu.memory_space<vmem_shared>>) offsets(%dma_start3A_121 : memref<128xi32, #tpu.memory_space<vmem>>) semaphore(%arg14 : memref<!tpu.dma_semaphore, #tpu.memory_space<semaphore_mem>>) {add = true}
      %dma_wait3A_125 = arith.constant 2 : i32
      %dma_wait3A_126 = arith.constant 0 : i32
      %dma_wait3A_127 = tpu.memref_slice %arg8[%dma_wait3A_125, %dma_wait3A_126] : memref<16x128xi32, #tpu.memory_space<vmem>> -> memref<1x128xi32, #tpu.memory_space<vmem>>
      %dma_wait3A_128 = tpu.memref_squeeze %dma_wait3A_127 : memref<1x128xi32, #tpu.memory_space<vmem>> -> memref<128xi32, #tpu.memory_space<vmem>>
      %dma_wait3A_129 = arith.constant 0 : i32
      %dma_wait3A_130 = arith.constant 0 : i32
      %dma_wait3A_131 = tpu.memref_slice %arg11[%dma_wait3A_129, %dma_wait3A_130] : memref<10240x128xf32, #tpu.memory_space<vmem_shared>> -> memref<10240x128xf32, #tpu.memory_space<vmem_shared>>
      tpu.wait_indirect_dma semaphore(%arg14 : memref<!tpu.dma_semaphore, #tpu.memory_space<semaphore_mem>>) src(%arg9 : memref<128x128xf32, #tpu.memory_space<vmem>>) dst(%dma_wait3A_131 : memref<10240x128xf32, #tpu.memory_space<vmem_shared>>)
      %dma_start3A_132 = arith.constant 4 : i32
      %dma_start3A_133 = arith.constant 0 : i32
      %dma_start3A_134 = tpu.memref_slice %arg7[%dma_start3A_132, %dma_start3A_133] : memref<16x128xi32, #tpu.memory_space<vmem>> -> memref<1x128xi32, #tpu.memory_space<vmem>>
      %dma_start3A_135 = tpu.memref_squeeze %dma_start3A_134 : memref<1x128xi32, #tpu.memory_space<vmem>> -> memref<128xi32, #tpu.memory_space<vmem>>
      %dma_start3A_136 = arith.constant 0 : i32
      %dma_start3A_137 = arith.constant 0 : i32
      %dma_start3A_138 = tpu.memref_slice %arg4[%dma_start3A_136, %dma_start3A_137] : memref<10240x128xf32, #tpu.memory_space<hbm>> -> memref<10240x128xf32, #tpu.memory_space<hbm>>
      tpu.enqueue_indirect_dma source(%dma_start3A_138 : memref<10240x128xf32, #tpu.memory_space<hbm>>) target(%arg9 : memref<128x128xf32, #tpu.memory_space<vmem>>) offsets(%dma_start3A_135 : memref<128xi32, #tpu.memory_space<vmem>>) semaphore(%arg12 : memref<!tpu.dma_semaphore, #tpu.memory_space<semaphore_mem>>)
      %dma_wait3A_139 = arith.constant 3 : i32
      %dma_wait3A_140 = arith.constant 0 : i32
      %dma_wait3A_141 = tpu.memref_slice %arg7[%dma_wait3A_139, %dma_wait3A_140] : memref<16x128xi32, #tpu.memory_space<vmem>> -> memref<1x128xi32, #tpu.memory_space<vmem>>
      %dma_wait3A_142 = tpu.memref_squeeze %dma_wait3A_141 : memref<1x128xi32, #tpu.memory_space<vmem>> -> memref<128xi32, #tpu.memory_space<vmem>>
      %dma_wait3A_143 = arith.constant 0 : i32
      %dma_wait3A_144 = arith.constant 0 : i32
      %dma_wait3A_145 = tpu.memref_slice %arg4[%dma_wait3A_143, %dma_wait3A_144] : memref<10240x128xf32, #tpu.memory_space<hbm>> -> memref<10240x128xf32, #tpu.memory_space<hbm>>
      tpu.wait_indirect_dma semaphore(%arg13 : memref<!tpu.dma_semaphore, #tpu.memory_space<semaphore_mem>>) src(%dma_wait3A_145 : memref<10240x128xf32, #tpu.memory_space<hbm>>) dst(%arg10 : memref<128x128xf32, #tpu.memory_space<vmem>>)
      %dma_start3A_146 = arith.constant 3 : i32
      %dma_start3A_147 = arith.constant 0 : i32
      %dma_start3A_148 = tpu.memref_slice %arg8[%dma_start3A_146, %dma_start3A_147] : memref<16x128xi32, #tpu.memory_space<vmem>> -> memref<1x128xi32, #tpu.memory_space<vmem>>
      %dma_start3A_149 = tpu.memref_squeeze %dma_start3A_148 : memref<1x128xi32, #tpu.memory_space<vmem>> -> memref<128xi32, #tpu.memory_space<vmem>>
      %dma_start3A_150 = arith.constant 0 : i32
      %dma_start3A_151 = arith.constant 0 : i32
      %dma_start3A_152 = tpu.memref_slice %arg11[%dma_start3A_150, %dma_start3A_151] : memref<10240x128xf32, #tpu.memory_space<vmem_shared>> -> memref<10240x128xf32, #tpu.memory_space<vmem_shared>>
      tpu.enqueue_indirect_dma source(%arg10 : memref<128x128xf32, #tpu.memory_space<vmem>>) target(%dma_start3A_152 : memref<10240x128xf32, #tpu.memory_space<vmem_shared>>) offsets(%dma_start3A_149 : memref<128xi32, #tpu.memory_space<vmem>>) semaphore(%arg15 : memref<!tpu.dma_semaphore, #tpu.memory_space<semaphore_mem>>) {add = true}
      %dma_wait3A_153 = arith.constant 3 : i32
      %dma_wait3A_154 = arith.constant 0 : i32
      %dma_wait3A_155 = tpu.memref_slice %arg8[%dma_wait3A_153, %dma_wait3A_154] : memref<16x128xi32, #tpu.memory_space<vmem>> -> memref<1x128xi32, #tpu.memory_space<vmem>>
      %dma_wait3A_156 = tpu.memref_squeeze %dma_wait3A_155 : memref<1x128xi32, #tpu.memory_space<vmem>> -> memref<128xi32, #tpu.memory_space<vmem>>
      %dma_wait3A_157 = arith.constant 0 : i32
      %dma_wait3A_158 = arith.constant 0 : i32
      %dma_wait3A_159 = tpu.memref_slice %arg11[%dma_wait3A_157, %dma_wait3A_158] : memref<10240x128xf32, #tpu.memory_space<vmem_shared>> -> memref<10240x128xf32, #tpu.memory_space<vmem_shared>>
      tpu.wait_indirect_dma semaphore(%arg15 : memref<!tpu.dma_semaphore, #tpu.memory_space<semaphore_mem>>) src(%arg10 : memref<128x128xf32, #tpu.memory_space<vmem>>) dst(%dma_wait3A_159 : memref<10240x128xf32, #tpu.memory_space<vmem_shared>>)
      %dma_start3A_160 = arith.constant 5 : i32
      %dma_start3A_161 = arith.constant 0 : i32
      %dma_start3A_162 = tpu.memref_slice %arg7[%dma_start3A_160, %dma_start3A_161] : memref<16x128xi32, #tpu.memory_space<vmem>> -> memref<1x128xi32, #tpu.memory_space<vmem>>
      %dma_start3A_163 = tpu.memref_squeeze %dma_start3A_162 : memref<1x128xi32, #tpu.memory_space<vmem>> -> memref<128xi32, #tpu.memory_space<vmem>>
      %dma_start3A_164 = arith.constant 0 : i32
      %dma_start3A_165 = arith.constant 0 : i32
      %dma_start3A_166 = tpu.memref_slice %arg4[%dma_start3A_164, %dma_start3A_165] : memref<10240x128xf32, #tpu.memory_space<hbm>> -> memref<10240x128xf32, #tpu.memory_space<hbm>>
      tpu.enqueue_indirect_dma source(%dma_start3A_166 : memref<10240x128xf32, #tpu.memory_space<hbm>>) target(%arg10 : memref<128x128xf32, #tpu.memory_space<vmem>>) offsets(%dma_start3A_163 : memref<128xi32, #tpu.memory_space<vmem>>) semaphore(%arg13 : memref<!tpu.dma_semaphore, #tpu.memory_space<semaphore_mem>>)
      %dma_wait3A_167 = arith.constant 4 : i32
      %dma_wait3A_168 = arith.constant 0 : i32
      %dma_wait3A_169 = tpu.memref_slice %arg7[%dma_wait3A_167, %dma_wait3A_168] : memref<16x128xi32, #tpu.memory_space<vmem>> -> memref<1x128xi32, #tpu.memory_space<vmem>>
      %dma_wait3A_170 = tpu.memref_squeeze %dma_wait3A_169 : memref<1x128xi32, #tpu.memory_space<vmem>> -> memref<128xi32, #tpu.memory_space<vmem>>
      %dma_wait3A_171 = arith.constant 0 : i32
      %dma_wait3A_172 = arith.constant 0 : i32
      %dma_wait3A_173 = tpu.memref_slice %arg4[%dma_wait3A_171, %dma_wait3A_172] : memref<10240x128xf32, #tpu.memory_space<hbm>> -> memref<10240x128xf32, #tpu.memory_space<hbm>>
      tpu.wait_indirect_dma semaphore(%arg12 : memref<!tpu.dma_semaphore, #tpu.memory_space<semaphore_mem>>) src(%dma_wait3A_173 : memref<10240x128xf32, #tpu.memory_space<hbm>>) dst(%arg9 : memref<128x128xf32, #tpu.memory_space<vmem>>)
      %dma_start3A_174 = arith.constant 4 : i32
      %dma_start3A_175 = arith.constant 0 : i32
      %dma_start3A_176 = tpu.memref_slice %arg8[%dma_start3A_174, %dma_start3A_175] : memref<16x128xi32, #tpu.memory_space<vmem>> -> memref<1x128xi32, #tpu.memory_space<vmem>>
      %dma_start3A_177 = tpu.memref_squeeze %dma_start3A_176 : memref<1x128xi32, #tpu.memory_space<vmem>> -> memref<128xi32, #tpu.memory_space<vmem>>
      %dma_start3A_178 = arith.constant 0 : i32
      %dma_start3A_179 = arith.constant 0 : i32
      %dma_start3A_180 = tpu.memref_slice %arg11[%dma_start3A_178, %dma_start3A_179] : memref<10240x128xf32, #tpu.memory_space<vmem_shared>> -> memref<10240x128xf32, #tpu.memory_space<vmem_shared>>
      tpu.enqueue_indirect_dma source(%arg9 : memref<128x128xf32, #tpu.memory_space<vmem>>) target(%dma_start3A_180 : memref<10240x128xf32, #tpu.memory_space<vmem_shared>>) offsets(%dma_start3A_177 : memref<128xi32, #tpu.memory_space<vmem>>) semaphore(%arg14 : memref<!tpu.dma_semaphore, #tpu.memory_space<semaphore_mem>>) {add = true}
      %dma_wait3A_181 = arith.constant 4 : i32
      %dma_wait3A_182 = arith.constant 0 : i32
      %dma_wait3A_183 = tpu.memref_slice %arg8[%dma_wait3A_181, %dma_wait3A_182] : memref<16x128xi32, #tpu.memory_space<vmem>> -> memref<1x128xi32, #tpu.memory_space<vmem>>
      %dma_wait3A_184 = tpu.memref_squeeze %dma_wait3A_183 : memref<1x128xi32, #tpu.memory_space<vmem>> -> memref<128xi32, #tpu.memory_space<vmem>>
      %dma_wait3A_185 = arith.constant 0 : i32
      %dma_wait3A_186 = arith.constant 0 : i32
      %dma_wait3A_187 = tpu.memref_slice %arg11[%dma_wait3A_185, %dma_wait3A_186] : memref<10240x128xf32, #tpu.memory_space<vmem_shared>> -> memref<10240x128xf32, #tpu.memory_space<vmem_shared>>
      tpu.wait_indirect_dma semaphore(%arg14 : memref<!tpu.dma_semaphore, #tpu.memory_space<semaphore_mem>>) src(%arg9 : memref<128x128xf32, #tpu.memory_space<vmem>>) dst(%dma_wait3A_187 : memref<10240x128xf32, #tpu.memory_space<vmem_shared>>)
      %dma_start3A_188 = arith.constant 6 : i32
      %dma_start3A_189 = arith.constant 0 : i32
      %dma_start3A_190 = tpu.memref_slice %arg7[%dma_start3A_188, %dma_start3A_189] : memref<16x128xi32, #tpu.memory_space<vmem>> -> memref<1x128xi32, #tpu.memory_space<vmem>>
      %dma_start3A_191 = tpu.memref_squeeze %dma_start3A_190 : memref<1x128xi32, #tpu.memory_space<vmem>> -> memref<128xi32, #tpu.memory_space<vmem>>
      %dma_start3A_192 = arith.constant 0 : i32
      %dma_start3A_193 = arith.constant 0 : i32
      %dma_start3A_194 = tpu.memref_slice %arg4[%dma_start3A_192, %dma_start3A_193] : memref<10240x128xf32, #tpu.memory_space<hbm>> -> memref<10240x128xf32, #tpu.memory_space<hbm>>
      tpu.enqueue_indirect_dma source(%dma_start3A_194 : memref<10240x128xf32, #tpu.memory_space<hbm>>) target(%arg9 : memref<128x128xf32, #tpu.memory_space<vmem>>) offsets(%dma_start3A_191 : memref<128xi32, #tpu.memory_space<vmem>>) semaphore(%arg12 : memref<!tpu.dma_semaphore, #tpu.memory_space<semaphore_mem>>)
      %dma_wait3A_195 = arith.constant 5 : i32
      %dma_wait3A_196 = arith.constant 0 : i32
      %dma_wait3A_197 = tpu.memref_slice %arg7[%dma_wait3A_195, %dma_wait3A_196] : memref<16x128xi32, #tpu.memory_space<vmem>> -> memref<1x128xi32, #tpu.memory_space<vmem>>
      %dma_wait3A_198 = tpu.memref_squeeze %dma_wait3A_197 : memref<1x128xi32, #tpu.memory_space<vmem>> -> memref<128xi32, #tpu.memory_space<vmem>>
      %dma_wait3A_199 = arith.constant 0 : i32
      %dma_wait3A_200 = arith.constant 0 : i32
      %dma_wait3A_201 = tpu.memref_slice %arg4[%dma_wait3A_199, %dma_wait3A_200] : memref<10240x128xf32, #tpu.memory_space<hbm>> -> memref<10240x128xf32, #tpu.memory_space<hbm>>
      tpu.wait_indirect_dma semaphore(%arg13 : memref<!tpu.dma_semaphore, #tpu.memory_space<semaphore_mem>>) src(%dma_wait3A_201 : memref<10240x128xf32, #tpu.memory_space<hbm>>) dst(%arg10 : memref<128x128xf32, #tpu.memory_space<vmem>>)
      %dma_start3A_202 = arith.constant 5 : i32
      %dma_start3A_203 = arith.constant 0 : i32
      %dma_start3A_204 = tpu.memref_slice %arg8[%dma_start3A_202, %dma_start3A_203] : memref<16x128xi32, #tpu.memory_space<vmem>> -> memref<1x128xi32, #tpu.memory_space<vmem>>
      %dma_start3A_205 = tpu.memref_squeeze %dma_start3A_204 : memref<1x128xi32, #tpu.memory_space<vmem>> -> memref<128xi32, #tpu.memory_space<vmem>>
      %dma_start3A_206 = arith.constant 0 : i32
      %dma_start3A_207 = arith.constant 0 : i32
      %dma_start3A_208 = tpu.memref_slice %arg11[%dma_start3A_206, %dma_start3A_207] : memref<10240x128xf32, #tpu.memory_space<vmem_shared>> -> memref<10240x128xf32, #tpu.memory_space<vmem_shared>>
      tpu.enqueue_indirect_dma source(%arg10 : memref<128x128xf32, #tpu.memory_space<vmem>>) target(%dma_start3A_208 : memref<10240x128xf32, #tpu.memory_space<vmem_shared>>) offsets(%dma_start3A_205 : memref<128xi32, #tpu.memory_space<vmem>>) semaphore(%arg15 : memref<!tpu.dma_semaphore, #tpu.memory_space<semaphore_mem>>) {add = true}
      %dma_wait3A_209 = arith.constant 5 : i32
      %dma_wait3A_210 = arith.constant 0 : i32
      %dma_wait3A_211 = tpu.memref_slice %arg8[%dma_wait3A_209, %dma_wait3A_210] : memref<16x128xi32, #tpu.memory_space<vmem>> -> memref<1x128xi32, #tpu.memory_space<vmem>>
      %dma_wait3A_212 = tpu.memref_squeeze %dma_wait3A_211 : memref<1x128xi32, #tpu.memory_space<vmem>> -> memref<128xi32, #tpu.memory_space<vmem>>
      %dma_wait3A_213 = arith.constant 0 : i32
      %dma_wait3A_214 = arith.constant 0 : i32
      %dma_wait3A_215 = tpu.memref_slice %arg11[%dma_wait3A_213, %dma_wait3A_214] : memref<10240x128xf32, #tpu.memory_space<vmem_shared>> -> memref<10240x128xf32, #tpu.memory_space<vmem_shared>>
      tpu.wait_indirect_dma semaphore(%arg15 : memref<!tpu.dma_semaphore, #tpu.memory_space<semaphore_mem>>) src(%arg10 : memref<128x128xf32, #tpu.memory_space<vmem>>) dst(%dma_wait3A_215 : memref<10240x128xf32, #tpu.memory_space<vmem_shared>>)
      %dma_start3A_216 = arith.constant 7 : i32
      %dma_start3A_217 = arith.constant 0 : i32
      %dma_start3A_218 = tpu.memref_slice %arg7[%dma_start3A_216, %dma_start3A_217] : memref<16x128xi32, #tpu.memory_space<vmem>> -> memref<1x128xi32, #tpu.memory_space<vmem>>
      %dma_start3A_219 = tpu.memref_squeeze %dma_start3A_218 : memref<1x128xi32, #tpu.memory_space<vmem>> -> memref<128xi32, #tpu.memory_space<vmem>>
      %dma_start3A_220 = arith.constant 0 : i32
      %dma_start3A_221 = arith.constant 0 : i32
      %dma_start3A_222 = tpu.memref_slice %arg4[%dma_start3A_220, %dma_start3A_221] : memref<10240x128xf32, #tpu.memory_space<hbm>> -> memref<10240x128xf32, #tpu.memory_space<hbm>>
      tpu.enqueue_indirect_dma source(%dma_start3A_222 : memref<10240x128xf32, #tpu.memory_space<hbm>>) target(%arg10 : memref<128x128xf32, #tpu.memory_space<vmem>>) offsets(%dma_start3A_219 : memref<128xi32, #tpu.memory_space<vmem>>) semaphore(%arg13 : memref<!tpu.dma_semaphore, #tpu.memory_space<semaphore_mem>>)
      %dma_wait3A_223 = arith.constant 6 : i32
      %dma_wait3A_224 = arith.constant 0 : i32
      %dma_wait3A_225 = tpu.memref_slice %arg7[%dma_wait3A_223, %dma_wait3A_224] : memref<16x128xi32, #tpu.memory_space<vmem>> -> memref<1x128xi32, #tpu.memory_space<vmem>>
      %dma_wait3A_226 = tpu.memref_squeeze %dma_wait3A_225 : memref<1x128xi32, #tpu.memory_space<vmem>> -> memref<128xi32, #tpu.memory_space<vmem>>
      %dma_wait3A_227 = arith.constant 0 : i32
      %dma_wait3A_228 = arith.constant 0 : i32
      %dma_wait3A_229 = tpu.memref_slice %arg4[%dma_wait3A_227, %dma_wait3A_228] : memref<10240x128xf32, #tpu.memory_space<hbm>> -> memref<10240x128xf32, #tpu.memory_space<hbm>>
      tpu.wait_indirect_dma semaphore(%arg12 : memref<!tpu.dma_semaphore, #tpu.memory_space<semaphore_mem>>) src(%dma_wait3A_229 : memref<10240x128xf32, #tpu.memory_space<hbm>>) dst(%arg9 : memref<128x128xf32, #tpu.memory_space<vmem>>)
      %dma_start3A_230 = arith.constant 6 : i32
      %dma_start3A_231 = arith.constant 0 : i32
      %dma_start3A_232 = tpu.memref_slice %arg8[%dma_start3A_230, %dma_start3A_231] : memref<16x128xi32, #tpu.memory_space<vmem>> -> memref<1x128xi32, #tpu.memory_space<vmem>>
      %dma_start3A_233 = tpu.memref_squeeze %dma_start3A_232 : memref<1x128xi32, #tpu.memory_space<vmem>> -> memref<128xi32, #tpu.memory_space<vmem>>
      %dma_start3A_234 = arith.constant 0 : i32
      %dma_start3A_235 = arith.constant 0 : i32
      %dma_start3A_236 = tpu.memref_slice %arg11[%dma_start3A_234, %dma_start3A_235] : memref<10240x128xf32, #tpu.memory_space<vmem_shared>> -> memref<10240x128xf32, #tpu.memory_space<vmem_shared>>
      tpu.enqueue_indirect_dma source(%arg9 : memref<128x128xf32, #tpu.memory_space<vmem>>) target(%dma_start3A_236 : memref<10240x128xf32, #tpu.memory_space<vmem_shared>>) offsets(%dma_start3A_233 : memref<128xi32, #tpu.memory_space<vmem>>) semaphore(%arg14 : memref<!tpu.dma_semaphore, #tpu.memory_space<semaphore_mem>>) {add = true}
      %dma_wait3A_237 = arith.constant 6 : i32
      %dma_wait3A_238 = arith.constant 0 : i32
      %dma_wait3A_239 = tpu.memref_slice %arg8[%dma_wait3A_237, %dma_wait3A_238] : memref<16x128xi32, #tpu.memory_space<vmem>> -> memref<1x128xi32, #tpu.memory_space<vmem>>
      %dma_wait3A_240 = tpu.memref_squeeze %dma_wait3A_239 : memref<1x128xi32, #tpu.memory_space<vmem>> -> memref<128xi32, #tpu.memory_space<vmem>>
      %dma_wait3A_241 = arith.constant 0 : i32
      %dma_wait3A_242 = arith.constant 0 : i32
      %dma_wait3A_243 = tpu.memref_slice %arg11[%dma_wait3A_241, %dma_wait3A_242] : memref<10240x128xf32, #tpu.memory_space<vmem_shared>> -> memref<10240x128xf32, #tpu.memory_space<vmem_shared>>
      tpu.wait_indirect_dma semaphore(%arg14 : memref<!tpu.dma_semaphore, #tpu.memory_space<semaphore_mem>>) src(%arg9 : memref<128x128xf32, #tpu.memory_space<vmem>>) dst(%dma_wait3A_243 : memref<10240x128xf32, #tpu.memory_space<vmem_shared>>)
      %dma_start3A_244 = arith.constant 8 : i32
      %dma_start3A_245 = arith.constant 0 : i32
      %dma_start3A_246 = tpu.memref_slice %arg7[%dma_start3A_244, %dma_start3A_245] : memref<16x128xi32, #tpu.memory_space<vmem>> -> memref<1x128xi32, #tpu.memory_space<vmem>>
      %dma_start3A_247 = tpu.memref_squeeze %dma_start3A_246 : memref<1x128xi32, #tpu.memory_space<vmem>> -> memref<128xi32, #tpu.memory_space<vmem>>
      %dma_start3A_248 = arith.constant 0 : i32
      %dma_start3A_249 = arith.constant 0 : i32
      %dma_start3A_250 = tpu.memref_slice %arg4[%dma_start3A_248, %dma_start3A_249] : memref<10240x128xf32, #tpu.memory_space<hbm>> -> memref<10240x128xf32, #tpu.memory_space<hbm>>
      tpu.enqueue_indirect_dma source(%dma_start3A_250 : memref<10240x128xf32, #tpu.memory_space<hbm>>) target(%arg9 : memref<128x128xf32, #tpu.memory_space<vmem>>) offsets(%dma_start3A_247 : memref<128xi32, #tpu.memory_space<vmem>>) semaphore(%arg12 : memref<!tpu.dma_semaphore, #tpu.memory_space<semaphore_mem>>)
      %dma_wait3A_251 = arith.constant 7 : i32
      %dma_wait3A_252 = arith.constant 0 : i32
      %dma_wait3A_253 = tpu.memref_slice %arg7[%dma_wait3A_251, %dma_wait3A_252] : memref<16x128xi32, #tpu.memory_space<vmem>> -> memref<1x128xi32, #tpu.memory_space<vmem>>
      %dma_wait3A_254 = tpu.memref_squeeze %dma_wait3A_253 : memref<1x128xi32, #tpu.memory_space<vmem>> -> memref<128xi32, #tpu.memory_space<vmem>>
      %dma_wait3A_255 = arith.constant 0 : i32
      %dma_wait3A_256 = arith.constant 0 : i32
      %dma_wait3A_257 = tpu.memref_slice %arg4[%dma_wait3A_255, %dma_wait3A_256] : memref<10240x128xf32, #tpu.memory_space<hbm>> -> memref<10240x128xf32, #tpu.memory_space<hbm>>
      tpu.wait_indirect_dma semaphore(%arg13 : memref<!tpu.dma_semaphore, #tpu.memory_space<semaphore_mem>>) src(%dma_wait3A_257 : memref<10240x128xf32, #tpu.memory_space<hbm>>) dst(%arg10 : memref<128x128xf32, #tpu.memory_space<vmem>>)
      %dma_start3A_258 = arith.constant 7 : i32
      %dma_start3A_259 = arith.constant 0 : i32
      %dma_start3A_260 = tpu.memref_slice %arg8[%dma_start3A_258, %dma_start3A_259] : memref<16x128xi32, #tpu.memory_space<vmem>> -> memref<1x128xi32, #tpu.memory_space<vmem>>
      %dma_start3A_261 = tpu.memref_squeeze %dma_start3A_260 : memref<1x128xi32, #tpu.memory_space<vmem>> -> memref<128xi32, #tpu.memory_space<vmem>>
      %dma_start3A_262 = arith.constant 0 : i32
      %dma_start3A_263 = arith.constant 0 : i32
      %dma_start3A_264 = tpu.memref_slice %arg11[%dma_start3A_262, %dma_start3A_263] : memref<10240x128xf32, #tpu.memory_space<vmem_shared>> -> memref<10240x128xf32, #tpu.memory_space<vmem_shared>>
      tpu.enqueue_indirect_dma source(%arg10 : memref<128x128xf32, #tpu.memory_space<vmem>>) target(%dma_start3A_264 : memref<10240x128xf32, #tpu.memory_space<vmem_shared>>) offsets(%dma_start3A_261 : memref<128xi32, #tpu.memory_space<vmem>>) semaphore(%arg15 : memref<!tpu.dma_semaphore, #tpu.memory_space<semaphore_mem>>) {add = true}
      %dma_wait3A_265 = arith.constant 7 : i32
      %dma_wait3A_266 = arith.constant 0 : i32
      %dma_wait3A_267 = tpu.memref_slice %arg8[%dma_wait3A_265, %dma_wait3A_266] : memref<16x128xi32, #tpu.memory_space<vmem>> -> memref<1x128xi32, #tpu.memory_space<vmem>>
      %dma_wait3A_268 = tpu.memref_squeeze %dma_wait3A_267 : memref<1x128xi32, #tpu.memory_space<vmem>> -> memref<128xi32, #tpu.memory_space<vmem>>
      %dma_wait3A_269 = arith.constant 0 : i32
      %dma_wait3A_270 = arith.constant 0 : i32
      %dma_wait3A_271 = tpu.memref_slice %arg11[%dma_wait3A_269, %dma_wait3A_270] : memref<10240x128xf32, #tpu.memory_space<vmem_shared>> -> memref<10240x128xf32, #tpu.memory_space<vmem_shared>>
      tpu.wait_indirect_dma semaphore(%arg15 : memref<!tpu.dma_semaphore, #tpu.memory_space<semaphore_mem>>) src(%arg10 : memref<128x128xf32, #tpu.memory_space<vmem>>) dst(%dma_wait3A_271 : memref<10240x128xf32, #tpu.memory_space<vmem_shared>>)
      %dma_start3A_272 = arith.constant 9 : i32
      %dma_start3A_273 = arith.constant 0 : i32
      %dma_start3A_274 = tpu.memref_slice %arg7[%dma_start3A_272, %dma_start3A_273] : memref<16x128xi32, #tpu.memory_space<vmem>> -> memref<1x128xi32, #tpu.memory_space<vmem>>
      %dma_start3A_275 = tpu.memref_squeeze %dma_start3A_274 : memref<1x128xi32, #tpu.memory_space<vmem>> -> memref<128xi32, #tpu.memory_space<vmem>>
      %dma_start3A_276 = arith.constant 0 : i32
      %dma_start3A_277 = arith.constant 0 : i32
      %dma_start3A_278 = tpu.memref_slice %arg4[%dma_start3A_276, %dma_start3A_277] : memref<10240x128xf32, #tpu.memory_space<hbm>> -> memref<10240x128xf32, #tpu.memory_space<hbm>>
      tpu.enqueue_indirect_dma source(%dma_start3A_278 : memref<10240x128xf32, #tpu.memory_space<hbm>>) target(%arg10 : memref<128x128xf32, #tpu.memory_space<vmem>>) offsets(%dma_start3A_275 : memref<128xi32, #tpu.memory_space<vmem>>) semaphore(%arg13 : memref<!tpu.dma_semaphore, #tpu.memory_space<semaphore_mem>>)
      %dma_wait3A_279 = arith.constant 8 : i32
      %dma_wait3A_280 = arith.constant 0 : i32
      %dma_wait3A_281 = tpu.memref_slice %arg7[%dma_wait3A_279, %dma_wait3A_280] : memref<16x128xi32, #tpu.memory_space<vmem>> -> memref<1x128xi32, #tpu.memory_space<vmem>>
      %dma_wait3A_282 = tpu.memref_squeeze %dma_wait3A_281 : memref<1x128xi32, #tpu.memory_space<vmem>> -> memref<128xi32, #tpu.memory_space<vmem>>
      %dma_wait3A_283 = arith.constant 0 : i32
      %dma_wait3A_284 = arith.constant 0 : i32
      %dma_wait3A_285 = tpu.memref_slice %arg4[%dma_wait3A_283, %dma_wait3A_284] : memref<10240x128xf32, #tpu.memory_space<hbm>> -> memref<10240x128xf32, #tpu.memory_space<hbm>>
      tpu.wait_indirect_dma semaphore(%arg12 : memref<!tpu.dma_semaphore, #tpu.memory_space<semaphore_mem>>) src(%dma_wait3A_285 : memref<10240x128xf32, #tpu.memory_space<hbm>>) dst(%arg9 : memref<128x128xf32, #tpu.memory_space<vmem>>)
      %dma_start3A_286 = arith.constant 8 : i32
      %dma_start3A_287 = arith.constant 0 : i32
      %dma_start3A_288 = tpu.memref_slice %arg8[%dma_start3A_286, %dma_start3A_287] : memref<16x128xi32, #tpu.memory_space<vmem>> -> memref<1x128xi32, #tpu.memory_space<vmem>>
      %dma_start3A_289 = tpu.memref_squeeze %dma_start3A_288 : memref<1x128xi32, #tpu.memory_space<vmem>> -> memref<128xi32, #tpu.memory_space<vmem>>
      %dma_start3A_290 = arith.constant 0 : i32
      %dma_start3A_291 = arith.constant 0 : i32
      %dma_start3A_292 = tpu.memref_slice %arg11[%dma_start3A_290, %dma_start3A_291] : memref<10240x128xf32, #tpu.memory_space<vmem_shared>> -> memref<10240x128xf32, #tpu.memory_space<vmem_shared>>
      tpu.enqueue_indirect_dma source(%arg9 : memref<128x128xf32, #tpu.memory_space<vmem>>) target(%dma_start3A_292 : memref<10240x128xf32, #tpu.memory_space<vmem_shared>>) offsets(%dma_start3A_289 : memref<128xi32, #tpu.memory_space<vmem>>) semaphore(%arg14 : memref<!tpu.dma_semaphore, #tpu.memory_space<semaphore_mem>>) {add = true}
      %dma_wait3A_293 = arith.constant 8 : i32
      %dma_wait3A_294 = arith.constant 0 : i32
      %dma_wait3A_295 = tpu.memref_slice %arg8[%dma_wait3A_293, %dma_wait3A_294] : memref<16x128xi32, #tpu.memory_space<vmem>> -> memref<1x128xi32, #tpu.memory_space<vmem>>
      %dma_wait3A_296 = tpu.memref_squeeze %dma_wait3A_295 : memref<1x128xi32, #tpu.memory_space<vmem>> -> memref<128xi32, #tpu.memory_space<vmem>>
      %dma_wait3A_297 = arith.constant 0 : i32
      %dma_wait3A_298 = arith.constant 0 : i32
      %dma_wait3A_299 = tpu.memref_slice %arg11[%dma_wait3A_297, %dma_wait3A_298] : memref<10240x128xf32, #tpu.memory_space<vmem_shared>> -> memref<10240x128xf32, #tpu.memory_space<vmem_shared>>
      tpu.wait_indirect_dma semaphore(%arg14 : memref<!tpu.dma_semaphore, #tpu.memory_space<semaphore_mem>>) src(%arg9 : memref<128x128xf32, #tpu.memory_space<vmem>>) dst(%dma_wait3A_299 : memref<10240x128xf32, #tpu.memory_space<vmem_shared>>)
      %dma_start3A_300 = arith.constant 10 : i32
      %dma_start3A_301 = arith.constant 0 : i32
      %dma_start3A_302 = tpu.memref_slice %arg7[%dma_start3A_300, %dma_start3A_301] : memref<16x128xi32, #tpu.memory_space<vmem>> -> memref<1x128xi32, #tpu.memory_space<vmem>>
      %dma_start3A_303 = tpu.memref_squeeze %dma_start3A_302 : memref<1x128xi32, #tpu.memory_space<vmem>> -> memref<128xi32, #tpu.memory_space<vmem>>
      %dma_start3A_304 = arith.constant 0 : i32
      %dma_start3A_305 = arith.constant 0 : i32
      %dma_start3A_306 = tpu.memref_slice %arg4[%dma_start3A_304, %dma_start3A_305] : memref<10240x128xf32, #tpu.memory_space<hbm>> -> memref<10240x128xf32, #tpu.memory_space<hbm>>
      tpu.enqueue_indirect_dma source(%dma_start3A_306 : memref<10240x128xf32, #tpu.memory_space<hbm>>) target(%arg9 : memref<128x128xf32, #tpu.memory_space<vmem>>) offsets(%dma_start3A_303 : memref<128xi32, #tpu.memory_space<vmem>>) semaphore(%arg12 : memref<!tpu.dma_semaphore, #tpu.memory_space<semaphore_mem>>)
      %dma_wait3A_307 = arith.constant 9 : i32
      %dma_wait3A_308 = arith.constant 0 : i32
      %dma_wait3A_309 = tpu.memref_slice %arg7[%dma_wait3A_307, %dma_wait3A_308] : memref<16x128xi32, #tpu.memory_space<vmem>> -> memref<1x128xi32, #tpu.memory_space<vmem>>
      %dma_wait3A_310 = tpu.memref_squeeze %dma_wait3A_309 : memref<1x128xi32, #tpu.memory_space<vmem>> -> memref<128xi32, #tpu.memory_space<vmem>>
      %dma_wait3A_311 = arith.constant 0 : i32
      %dma_wait3A_312 = arith.constant 0 : i32
      %dma_wait3A_313 = tpu.memref_slice %arg4[%dma_wait3A_311, %dma_wait3A_312] : memref<10240x128xf32, #tpu.memory_space<hbm>> -> memref<10240x128xf32, #tpu.memory_space<hbm>>
      tpu.wait_indirect_dma semaphore(%arg13 : memref<!tpu.dma_semaphore, #tpu.memory_space<semaphore_mem>>) src(%dma_wait3A_313 : memref<10240x128xf32, #tpu.memory_space<hbm>>) dst(%arg10 : memref<128x128xf32, #tpu.memory_space<vmem>>)
      %dma_start3A_314 = arith.constant 9 : i32
      %dma_start3A_315 = arith.constant 0 : i32
      %dma_start3A_316 = tpu.memref_slice %arg8[%dma_start3A_314, %dma_start3A_315] : memref<16x128xi32, #tpu.memory_space<vmem>> -> memref<1x128xi32, #tpu.memory_space<vmem>>
      %dma_start3A_317 = tpu.memref_squeeze %dma_start3A_316 : memref<1x128xi32, #tpu.memory_space<vmem>> -> memref<128xi32, #tpu.memory_space<vmem>>
      %dma_start3A_318 = arith.constant 0 : i32
      %dma_start3A_319 = arith.constant 0 : i32
      %dma_start3A_320 = tpu.memref_slice %arg11[%dma_start3A_318, %dma_start3A_319] : memref<10240x128xf32, #tpu.memory_space<vmem_shared>> -> memref<10240x128xf32, #tpu.memory_space<vmem_shared>>
      tpu.enqueue_indirect_dma source(%arg10 : memref<128x128xf32, #tpu.memory_space<vmem>>) target(%dma_start3A_320 : memref<10240x128xf32, #tpu.memory_space<vmem_shared>>) offsets(%dma_start3A_317 : memref<128xi32, #tpu.memory_space<vmem>>) semaphore(%arg15 : memref<!tpu.dma_semaphore, #tpu.memory_space<semaphore_mem>>) {add = true}
      %dma_wait3A_321 = arith.constant 9 : i32
      %dma_wait3A_322 = arith.constant 0 : i32
      %dma_wait3A_323 = tpu.memref_slice %arg8[%dma_wait3A_321, %dma_wait3A_322] : memref<16x128xi32, #tpu.memory_space<vmem>> -> memref<1x128xi32, #tpu.memory_space<vmem>>
      %dma_wait3A_324 = tpu.memref_squeeze %dma_wait3A_323 : memref<1x128xi32, #tpu.memory_space<vmem>> -> memref<128xi32, #tpu.memory_space<vmem>>
      %dma_wait3A_325 = arith.constant 0 : i32
      %dma_wait3A_326 = arith.constant 0 : i32
      %dma_wait3A_327 = tpu.memref_slice %arg11[%dma_wait3A_325, %dma_wait3A_326] : memref<10240x128xf32, #tpu.memory_space<vmem_shared>> -> memref<10240x128xf32, #tpu.memory_space<vmem_shared>>
      tpu.wait_indirect_dma semaphore(%arg15 : memref<!tpu.dma_semaphore, #tpu.memory_space<semaphore_mem>>) src(%arg10 : memref<128x128xf32, #tpu.memory_space<vmem>>) dst(%dma_wait3A_327 : memref<10240x128xf32, #tpu.memory_space<vmem_shared>>)
      %dma_start3A_328 = arith.constant 11 : i32
      %dma_start3A_329 = arith.constant 0 : i32
      %dma_start3A_330 = tpu.memref_slice %arg7[%dma_start3A_328, %dma_start3A_329] : memref<16x128xi32, #tpu.memory_space<vmem>> -> memref<1x128xi32, #tpu.memory_space<vmem>>
      %dma_start3A_331 = tpu.memref_squeeze %dma_start3A_330 : memref<1x128xi32, #tpu.memory_space<vmem>> -> memref<128xi32, #tpu.memory_space<vmem>>
      %dma_start3A_332 = arith.constant 0 : i32
      %dma_start3A_333 = arith.constant 0 : i32
      %dma_start3A_334 = tpu.memref_slice %arg4[%dma_start3A_332, %dma_start3A_333] : memref<10240x128xf32, #tpu.memory_space<hbm>> -> memref<10240x128xf32, #tpu.memory_space<hbm>>
      tpu.enqueue_indirect_dma source(%dma_start3A_334 : memref<10240x128xf32, #tpu.memory_space<hbm>>) target(%arg10 : memref<128x128xf32, #tpu.memory_space<vmem>>) offsets(%dma_start3A_331 : memref<128xi32, #tpu.memory_space<vmem>>) semaphore(%arg13 : memref<!tpu.dma_semaphore, #tpu.memory_space<semaphore_mem>>)
      %dma_wait3A_335 = arith.constant 10 : i32
      %dma_wait3A_336 = arith.constant 0 : i32
      %dma_wait3A_337 = tpu.memref_slice %arg7[%dma_wait3A_335, %dma_wait3A_336] : memref<16x128xi32, #tpu.memory_space<vmem>> -> memref<1x128xi32, #tpu.memory_space<vmem>>
      %dma_wait3A_338 = tpu.memref_squeeze %dma_wait3A_337 : memref<1x128xi32, #tpu.memory_space<vmem>> -> memref<128xi32, #tpu.memory_space<vmem>>
      %dma_wait3A_339 = arith.constant 0 : i32
      %dma_wait3A_340 = arith.constant 0 : i32
      %dma_wait3A_341 = tpu.memref_slice %arg4[%dma_wait3A_339, %dma_wait3A_340] : memref<10240x128xf32, #tpu.memory_space<hbm>> -> memref<10240x128xf32, #tpu.memory_space<hbm>>
      tpu.wait_indirect_dma semaphore(%arg12 : memref<!tpu.dma_semaphore, #tpu.memory_space<semaphore_mem>>) src(%dma_wait3A_341 : memref<10240x128xf32, #tpu.memory_space<hbm>>) dst(%arg9 : memref<128x128xf32, #tpu.memory_space<vmem>>)
      %dma_start3A_342 = arith.constant 10 : i32
      %dma_start3A_343 = arith.constant 0 : i32
      %dma_start3A_344 = tpu.memref_slice %arg8[%dma_start3A_342, %dma_start3A_343] : memref<16x128xi32, #tpu.memory_space<vmem>> -> memref<1x128xi32, #tpu.memory_space<vmem>>
      %dma_start3A_345 = tpu.memref_squeeze %dma_start3A_344 : memref<1x128xi32, #tpu.memory_space<vmem>> -> memref<128xi32, #tpu.memory_space<vmem>>
      %dma_start3A_346 = arith.constant 0 : i32
      %dma_start3A_347 = arith.constant 0 : i32
      %dma_start3A_348 = tpu.memref_slice %arg11[%dma_start3A_346, %dma_start3A_347] : memref<10240x128xf32, #tpu.memory_space<vmem_shared>> -> memref<10240x128xf32, #tpu.memory_space<vmem_shared>>
      tpu.enqueue_indirect_dma source(%arg9 : memref<128x128xf32, #tpu.memory_space<vmem>>) target(%dma_start3A_348 : memref<10240x128xf32, #tpu.memory_space<vmem_shared>>) offsets(%dma_start3A_345 : memref<128xi32, #tpu.memory_space<vmem>>) semaphore(%arg14 : memref<!tpu.dma_semaphore, #tpu.memory_space<semaphore_mem>>) {add = true}
      %dma_wait3A_349 = arith.constant 10 : i32
      %dma_wait3A_350 = arith.constant 0 : i32
      %dma_wait3A_351 = tpu.memref_slice %arg8[%dma_wait3A_349, %dma_wait3A_350] : memref<16x128xi32, #tpu.memory_space<vmem>> -> memref<1x128xi32, #tpu.memory_space<vmem>>
      %dma_wait3A_352 = tpu.memref_squeeze %dma_wait3A_351 : memref<1x128xi32, #tpu.memory_space<vmem>> -> memref<128xi32, #tpu.memory_space<vmem>>
      %dma_wait3A_353 = arith.constant 0 : i32
      %dma_wait3A_354 = arith.constant 0 : i32
      %dma_wait3A_355 = tpu.memref_slice %arg11[%dma_wait3A_353, %dma_wait3A_354] : memref<10240x128xf32, #tpu.memory_space<vmem_shared>> -> memref<10240x128xf32, #tpu.memory_space<vmem_shared>>
      tpu.wait_indirect_dma semaphore(%arg14 : memref<!tpu.dma_semaphore, #tpu.memory_space<semaphore_mem>>) src(%arg9 : memref<128x128xf32, #tpu.memory_space<vmem>>) dst(%dma_wait3A_355 : memref<10240x128xf32, #tpu.memory_space<vmem_shared>>)
      %dma_start3A_356 = arith.constant 12 : i32
      %dma_start3A_357 = arith.constant 0 : i32
      %dma_start3A_358 = tpu.memref_slice %arg7[%dma_start3A_356, %dma_start3A_357] : memref<16x128xi32, #tpu.memory_space<vmem>> -> memref<1x128xi32, #tpu.memory_space<vmem>>
      %dma_start3A_359 = tpu.memref_squeeze %dma_start3A_358 : memref<1x128xi32, #tpu.memory_space<vmem>> -> memref<128xi32, #tpu.memory_space<vmem>>
      %dma_start3A_360 = arith.constant 0 : i32
      %dma_start3A_361 = arith.constant 0 : i32
      %dma_start3A_362 = tpu.memref_slice %arg4[%dma_start3A_360, %dma_start3A_361] : memref<10240x128xf32, #tpu.memory_space<hbm>> -> memref<10240x128xf32, #tpu.memory_space<hbm>>
      tpu.enqueue_indirect_dma source(%dma_start3A_362 : memref<10240x128xf32, #tpu.memory_space<hbm>>) target(%arg9 : memref<128x128xf32, #tpu.memory_space<vmem>>) offsets(%dma_start3A_359 : memref<128xi32, #tpu.memory_space<vmem>>) semaphore(%arg12 : memref<!tpu.dma_semaphore, #tpu.memory_space<semaphore_mem>>)
      %dma_wait3A_363 = arith.constant 11 : i32
      %dma_wait3A_364 = arith.constant 0 : i32
      %dma_wait3A_365 = tpu.memref_slice %arg7[%dma_wait3A_363, %dma_wait3A_364] : memref<16x128xi32, #tpu.memory_space<vmem>> -> memref<1x128xi32, #tpu.memory_space<vmem>>
      %dma_wait3A_366 = tpu.memref_squeeze %dma_wait3A_365 : memref<1x128xi32, #tpu.memory_space<vmem>> -> memref<128xi32, #tpu.memory_space<vmem>>
      %dma_wait3A_367 = arith.constant 0 : i32
      %dma_wait3A_368 = arith.constant 0 : i32
      %dma_wait3A_369 = tpu.memref_slice %arg4[%dma_wait3A_367, %dma_wait3A_368] : memref<10240x128xf32, #tpu.memory_space<hbm>> -> memref<10240x128xf32, #tpu.memory_space<hbm>>
      tpu.wait_indirect_dma semaphore(%arg13 : memref<!tpu.dma_semaphore, #tpu.memory_space<semaphore_mem>>) src(%dma_wait3A_369 : memref<10240x128xf32, #tpu.memory_space<hbm>>) dst(%arg10 : memref<128x128xf32, #tpu.memory_space<vmem>>)
      %dma_start3A_370 = arith.constant 11 : i32
      %dma_start3A_371 = arith.constant 0 : i32
      %dma_start3A_372 = tpu.memref_slice %arg8[%dma_start3A_370, %dma_start3A_371] : memref<16x128xi32, #tpu.memory_space<vmem>> -> memref<1x128xi32, #tpu.memory_space<vmem>>
      %dma_start3A_373 = tpu.memref_squeeze %dma_start3A_372 : memref<1x128xi32, #tpu.memory_space<vmem>> -> memref<128xi32, #tpu.memory_space<vmem>>
      %dma_start3A_374 = arith.constant 0 : i32
      %dma_start3A_375 = arith.constant 0 : i32
      %dma_start3A_376 = tpu.memref_slice %arg11[%dma_start3A_374, %dma_start3A_375] : memref<10240x128xf32, #tpu.memory_space<vmem_shared>> -> memref<10240x128xf32, #tpu.memory_space<vmem_shared>>
      tpu.enqueue_indirect_dma source(%arg10 : memref<128x128xf32, #tpu.memory_space<vmem>>) target(%dma_start3A_376 : memref<10240x128xf32, #tpu.memory_space<vmem_shared>>) offsets(%dma_start3A_373 : memref<128xi32, #tpu.memory_space<vmem>>) semaphore(%arg15 : memref<!tpu.dma_semaphore, #tpu.memory_space<semaphore_mem>>) {add = true}
      %dma_wait3A_377 = arith.constant 11 : i32
      %dma_wait3A_378 = arith.constant 0 : i32
      %dma_wait3A_379 = tpu.memref_slice %arg8[%dma_wait3A_377, %dma_wait3A_378] : memref<16x128xi32, #tpu.memory_space<vmem>> -> memref<1x128xi32, #tpu.memory_space<vmem>>
      %dma_wait3A_380 = tpu.memref_squeeze %dma_wait3A_379 : memref<1x128xi32, #tpu.memory_space<vmem>> -> memref<128xi32, #tpu.memory_space<vmem>>
      %dma_wait3A_381 = arith.constant 0 : i32
      %dma_wait3A_382 = arith.constant 0 : i32
      %dma_wait3A_383 = tpu.memref_slice %arg11[%dma_wait3A_381, %dma_wait3A_382] : memref<10240x128xf32, #tpu.memory_space<vmem_shared>> -> memref<10240x128xf32, #tpu.memory_space<vmem_shared>>
      tpu.wait_indirect_dma semaphore(%arg15 : memref<!tpu.dma_semaphore, #tpu.memory_space<semaphore_mem>>) src(%arg10 : memref<128x128xf32, #tpu.memory_space<vmem>>) dst(%dma_wait3A_383 : memref<10240x128xf32, #tpu.memory_space<vmem_shared>>)
      %dma_start3A_384 = arith.constant 13 : i32
      %dma_start3A_385 = arith.constant 0 : i32
      %dma_start3A_386 = tpu.memref_slice %arg7[%dma_start3A_384, %dma_start3A_385] : memref<16x128xi32, #tpu.memory_space<vmem>> -> memref<1x128xi32, #tpu.memory_space<vmem>>
      %dma_start3A_387 = tpu.memref_squeeze %dma_start3A_386 : memref<1x128xi32, #tpu.memory_space<vmem>> -> memref<128xi32, #tpu.memory_space<vmem>>
      %dma_start3A_388 = arith.constant 0 : i32
      %dma_start3A_389 = arith.constant 0 : i32
      %dma_start3A_390 = tpu.memref_slice %arg4[%dma_start3A_388, %dma_start3A_389] : memref<10240x128xf32, #tpu.memory_space<hbm>> -> memref<10240x128xf32, #tpu.memory_space<hbm>>
      tpu.enqueue_indirect_dma source(%dma_start3A_390 : memref<10240x128xf32, #tpu.memory_space<hbm>>) target(%arg10 : memref<128x128xf32, #tpu.memory_space<vmem>>) offsets(%dma_start3A_387 : memref<128xi32, #tpu.memory_space<vmem>>) semaphore(%arg13 : memref<!tpu.dma_semaphore, #tpu.memory_space<semaphore_mem>>)
      %dma_wait3A_391 = arith.constant 12 : i32
      %dma_wait3A_392 = arith.constant 0 : i32
      %dma_wait3A_393 = tpu.memref_slice %arg7[%dma_wait3A_391, %dma_wait3A_392] : memref<16x128xi32, #tpu.memory_space<vmem>> -> memref<1x128xi32, #tpu.memory_space<vmem>>
      %dma_wait3A_394 = tpu.memref_squeeze %dma_wait3A_393 : memref<1x128xi32, #tpu.memory_space<vmem>> -> memref<128xi32, #tpu.memory_space<vmem>>
      %dma_wait3A_395 = arith.constant 0 : i32
      %dma_wait3A_396 = arith.constant 0 : i32
      %dma_wait3A_397 = tpu.memref_slice %arg4[%dma_wait3A_395, %dma_wait3A_396] : memref<10240x128xf32, #tpu.memory_space<hbm>> -> memref<10240x128xf32, #tpu.memory_space<hbm>>
      tpu.wait_indirect_dma semaphore(%arg12 : memref<!tpu.dma_semaphore, #tpu.memory_space<semaphore_mem>>) src(%dma_wait3A_397 : memref<10240x128xf32, #tpu.memory_space<hbm>>) dst(%arg9 : memref<128x128xf32, #tpu.memory_space<vmem>>)
      %dma_start3A_398 = arith.constant 12 : i32
      %dma_start3A_399 = arith.constant 0 : i32
      %dma_start3A_400 = tpu.memref_slice %arg8[%dma_start3A_398, %dma_start3A_399] : memref<16x128xi32, #tpu.memory_space<vmem>> -> memref<1x128xi32, #tpu.memory_space<vmem>>
      %dma_start3A_401 = tpu.memref_squeeze %dma_start3A_400 : memref<1x128xi32, #tpu.memory_space<vmem>> -> memref<128xi32, #tpu.memory_space<vmem>>
      %dma_start3A_402 = arith.constant 0 : i32
      %dma_start3A_403 = arith.constant 0 : i32
      %dma_start3A_404 = tpu.memref_slice %arg11[%dma_start3A_402, %dma_start3A_403] : memref<10240x128xf32, #tpu.memory_space<vmem_shared>> -> memref<10240x128xf32, #tpu.memory_space<vmem_shared>>
      tpu.enqueue_indirect_dma source(%arg9 : memref<128x128xf32, #tpu.memory_space<vmem>>) target(%dma_start3A_404 : memref<10240x128xf32, #tpu.memory_space<vmem_shared>>) offsets(%dma_start3A_401 : memref<128xi32, #tpu.memory_space<vmem>>) semaphore(%arg14 : memref<!tpu.dma_semaphore, #tpu.memory_space<semaphore_mem>>) {add = true}
      %dma_wait3A_405 = arith.constant 12 : i32
      %dma_wait3A_406 = arith.constant 0 : i32
      %dma_wait3A_407 = tpu.memref_slice %arg8[%dma_wait3A_405, %dma_wait3A_406] : memref<16x128xi32, #tpu.memory_space<vmem>> -> memref<1x128xi32, #tpu.memory_space<vmem>>
      %dma_wait3A_408 = tpu.memref_squeeze %dma_wait3A_407 : memref<1x128xi32, #tpu.memory_space<vmem>> -> memref<128xi32, #tpu.memory_space<vmem>>
      %dma_wait3A_409 = arith.constant 0 : i32
      %dma_wait3A_410 = arith.constant 0 : i32
      %dma_wait3A_411 = tpu.memref_slice %arg11[%dma_wait3A_409, %dma_wait3A_410] : memref<10240x128xf32, #tpu.memory_space<vmem_shared>> -> memref<10240x128xf32, #tpu.memory_space<vmem_shared>>
      tpu.wait_indirect_dma semaphore(%arg14 : memref<!tpu.dma_semaphore, #tpu.memory_space<semaphore_mem>>) src(%arg9 : memref<128x128xf32, #tpu.memory_space<vmem>>) dst(%dma_wait3A_411 : memref<10240x128xf32, #tpu.memory_space<vmem_shared>>)
      %dma_start3A_412 = arith.constant 14 : i32
      %dma_start3A_413 = arith.constant 0 : i32
      %dma_start3A_414 = tpu.memref_slice %arg7[%dma_start3A_412, %dma_start3A_413] : memref<16x128xi32, #tpu.memory_space<vmem>> -> memref<1x128xi32, #tpu.memory_space<vmem>>
      %dma_start3A_415 = tpu.memref_squeeze %dma_start3A_414 : memref<1x128xi32, #tpu.memory_space<vmem>> -> memref<128xi32, #tpu.memory_space<vmem>>
      %dma_start3A_416 = arith.constant 0 : i32
      %dma_start3A_417 = arith.constant 0 : i32
      %dma_start3A_418 = tpu.memref_slice %arg4[%dma_start3A_416, %dma_start3A_417] : memref<10240x128xf32, #tpu.memory_space<hbm>> -> memref<10240x128xf32, #tpu.memory_space<hbm>>
      tpu.enqueue_indirect_dma source(%dma_start3A_418 : memref<10240x128xf32, #tpu.memory_space<hbm>>) target(%arg9 : memref<128x128xf32, #tpu.memory_space<vmem>>) offsets(%dma_start3A_415 : memref<128xi32, #tpu.memory_space<vmem>>) semaphore(%arg12 : memref<!tpu.dma_semaphore, #tpu.memory_space<semaphore_mem>>)
      %dma_wait3A_419 = arith.constant 13 : i32
      %dma_wait3A_420 = arith.constant 0 : i32
      %dma_wait3A_421 = tpu.memref_slice %arg7[%dma_wait3A_419, %dma_wait3A_420] : memref<16x128xi32, #tpu.memory_space<vmem>> -> memref<1x128xi32, #tpu.memory_space<vmem>>
      %dma_wait3A_422 = tpu.memref_squeeze %dma_wait3A_421 : memref<1x128xi32, #tpu.memory_space<vmem>> -> memref<128xi32, #tpu.memory_space<vmem>>
      %dma_wait3A_423 = arith.constant 0 : i32
      %dma_wait3A_424 = arith.constant 0 : i32
      %dma_wait3A_425 = tpu.memref_slice %arg4[%dma_wait3A_423, %dma_wait3A_424] : memref<10240x128xf32, #tpu.memory_space<hbm>> -> memref<10240x128xf32, #tpu.memory_space<hbm>>
      tpu.wait_indirect_dma semaphore(%arg13 : memref<!tpu.dma_semaphore, #tpu.memory_space<semaphore_mem>>) src(%dma_wait3A_425 : memref<10240x128xf32, #tpu.memory_space<hbm>>) dst(%arg10 : memref<128x128xf32, #tpu.memory_space<vmem>>)
      %dma_start3A_426 = arith.constant 13 : i32
      %dma_start3A_427 = arith.constant 0 : i32
      %dma_start3A_428 = tpu.memref_slice %arg8[%dma_start3A_426, %dma_start3A_427] : memref<16x128xi32, #tpu.memory_space<vmem>> -> memref<1x128xi32, #tpu.memory_space<vmem>>
      %dma_start3A_429 = tpu.memref_squeeze %dma_start3A_428 : memref<1x128xi32, #tpu.memory_space<vmem>> -> memref<128xi32, #tpu.memory_space<vmem>>
      %dma_start3A_430 = arith.constant 0 : i32
      %dma_start3A_431 = arith.constant 0 : i32
      %dma_start3A_432 = tpu.memref_slice %arg11[%dma_start3A_430, %dma_start3A_431] : memref<10240x128xf32, #tpu.memory_space<vmem_shared>> -> memref<10240x128xf32, #tpu.memory_space<vmem_shared>>
      tpu.enqueue_indirect_dma source(%arg10 : memref<128x128xf32, #tpu.memory_space<vmem>>) target(%dma_start3A_432 : memref<10240x128xf32, #tpu.memory_space<vmem_shared>>) offsets(%dma_start3A_429 : memref<128xi32, #tpu.memory_space<vmem>>) semaphore(%arg15 : memref<!tpu.dma_semaphore, #tpu.memory_space<semaphore_mem>>) {add = true}
      %dma_wait3A_433 = arith.constant 13 : i32
      %dma_wait3A_434 = arith.constant 0 : i32
      %dma_wait3A_435 = tpu.memref_slice %arg8[%dma_wait3A_433, %dma_wait3A_434] : memref<16x128xi32, #tpu.memory_space<vmem>> -> memref<1x128xi32, #tpu.memory_space<vmem>>
      %dma_wait3A_436 = tpu.memref_squeeze %dma_wait3A_435 : memref<1x128xi32, #tpu.memory_space<vmem>> -> memref<128xi32, #tpu.memory_space<vmem>>
      %dma_wait3A_437 = arith.constant 0 : i32
      %dma_wait3A_438 = arith.constant 0 : i32
      %dma_wait3A_439 = tpu.memref_slice %arg11[%dma_wait3A_437, %dma_wait3A_438] : memref<10240x128xf32, #tpu.memory_space<vmem_shared>> -> memref<10240x128xf32, #tpu.memory_space<vmem_shared>>
      tpu.wait_indirect_dma semaphore(%arg15 : memref<!tpu.dma_semaphore, #tpu.memory_space<semaphore_mem>>) src(%arg10 : memref<128x128xf32, #tpu.memory_space<vmem>>) dst(%dma_wait3A_439 : memref<10240x128xf32, #tpu.memory_space<vmem_shared>>)
      %dma_start3A_440 = arith.constant 15 : i32
      %dma_start3A_441 = arith.constant 0 : i32
      %dma_start3A_442 = tpu.memref_slice %arg7[%dma_start3A_440, %dma_start3A_441] : memref<16x128xi32, #tpu.memory_space<vmem>> -> memref<1x128xi32, #tpu.memory_space<vmem>>
      %dma_start3A_443 = tpu.memref_squeeze %dma_start3A_442 : memref<1x128xi32, #tpu.memory_space<vmem>> -> memref<128xi32, #tpu.memory_space<vmem>>
      %dma_start3A_444 = arith.constant 0 : i32
      %dma_start3A_445 = arith.constant 0 : i32
      %dma_start3A_446 = tpu.memref_slice %arg4[%dma_start3A_444, %dma_start3A_445] : memref<10240x128xf32, #tpu.memory_space<hbm>> -> memref<10240x128xf32, #tpu.memory_space<hbm>>
      tpu.enqueue_indirect_dma source(%dma_start3A_446 : memref<10240x128xf32, #tpu.memory_space<hbm>>) target(%arg10 : memref<128x128xf32, #tpu.memory_space<vmem>>) offsets(%dma_start3A_443 : memref<128xi32, #tpu.memory_space<vmem>>) semaphore(%arg13 : memref<!tpu.dma_semaphore, #tpu.memory_space<semaphore_mem>>)
      %dma_wait3A_447 = arith.constant 14 : i32
      %dma_wait3A_448 = arith.constant 0 : i32
      %dma_wait3A_449 = tpu.memref_slice %arg7[%dma_wait3A_447, %dma_wait3A_448] : memref<16x128xi32, #tpu.memory_space<vmem>> -> memref<1x128xi32, #tpu.memory_space<vmem>>
      %dma_wait3A_450 = tpu.memref_squeeze %dma_wait3A_449 : memref<1x128xi32, #tpu.memory_space<vmem>> -> memref<128xi32, #tpu.memory_space<vmem>>
      %dma_wait3A_451 = arith.constant 0 : i32
      %dma_wait3A_452 = arith.constant 0 : i32
      %dma_wait3A_453 = tpu.memref_slice %arg4[%dma_wait3A_451, %dma_wait3A_452] : memref<10240x128xf32, #tpu.memory_space<hbm>> -> memref<10240x128xf32, #tpu.memory_space<hbm>>
      tpu.wait_indirect_dma semaphore(%arg12 : memref<!tpu.dma_semaphore, #tpu.memory_space<semaphore_mem>>) src(%dma_wait3A_453 : memref<10240x128xf32, #tpu.memory_space<hbm>>) dst(%arg9 : memref<128x128xf32, #tpu.memory_space<vmem>>)
      %dma_start3A_454 = arith.constant 14 : i32
      %dma_start3A_455 = arith.constant 0 : i32
      %dma_start3A_456 = tpu.memref_slice %arg8[%dma_start3A_454, %dma_start3A_455] : memref<16x128xi32, #tpu.memory_space<vmem>> -> memref<1x128xi32, #tpu.memory_space<vmem>>
      %dma_start3A_457 = tpu.memref_squeeze %dma_start3A_456 : memref<1x128xi32, #tpu.memory_space<vmem>> -> memref<128xi32, #tpu.memory_space<vmem>>
      %dma_start3A_458 = arith.constant 0 : i32
      %dma_start3A_459 = arith.constant 0 : i32
      %dma_start3A_460 = tpu.memref_slice %arg11[%dma_start3A_458, %dma_start3A_459] : memref<10240x128xf32, #tpu.memory_space<vmem_shared>> -> memref<10240x128xf32, #tpu.memory_space<vmem_shared>>
      tpu.enqueue_indirect_dma source(%arg9 : memref<128x128xf32, #tpu.memory_space<vmem>>) target(%dma_start3A_460 : memref<10240x128xf32, #tpu.memory_space<vmem_shared>>) offsets(%dma_start3A_457 : memref<128xi32, #tpu.memory_space<vmem>>) semaphore(%arg14 : memref<!tpu.dma_semaphore, #tpu.memory_space<semaphore_mem>>) {add = true}
      %dma_wait3A_461 = arith.constant 15 : i32
      %dma_wait3A_462 = arith.constant 0 : i32
      %dma_wait3A_463 = tpu.memref_slice %arg7[%dma_wait3A_461, %dma_wait3A_462] : memref<16x128xi32, #tpu.memory_space<vmem>> -> memref<1x128xi32, #tpu.memory_space<vmem>>
      %dma_wait3A_464 = tpu.memref_squeeze %dma_wait3A_463 : memref<1x128xi32, #tpu.memory_space<vmem>> -> memref<128xi32, #tpu.memory_space<vmem>>
      %dma_wait3A_465 = arith.constant 0 : i32
      %dma_wait3A_466 = arith.constant 0 : i32
      %dma_wait3A_467 = tpu.memref_slice %arg4[%dma_wait3A_465, %dma_wait3A_466] : memref<10240x128xf32, #tpu.memory_space<hbm>> -> memref<10240x128xf32, #tpu.memory_space<hbm>>
      tpu.wait_indirect_dma semaphore(%arg13 : memref<!tpu.dma_semaphore, #tpu.memory_space<semaphore_mem>>) src(%dma_wait3A_467 : memref<10240x128xf32, #tpu.memory_space<hbm>>) dst(%arg10 : memref<128x128xf32, #tpu.memory_space<vmem>>)
      %dma_start3A_468 = arith.constant 15 : i32
      %dma_start3A_469 = arith.constant 0 : i32
      %dma_start3A_470 = tpu.memref_slice %arg8[%dma_start3A_468, %dma_start3A_469] : memref<16x128xi32, #tpu.memory_space<vmem>> -> memref<1x128xi32, #tpu.memory_space<vmem>>
      %dma_start3A_471 = tpu.memref_squeeze %dma_start3A_470 : memref<1x128xi32, #tpu.memory_space<vmem>> -> memref<128xi32, #tpu.memory_space<vmem>>
      %dma_start3A_472 = arith.constant 0 : i32
      %dma_start3A_473 = arith.constant 0 : i32
      %dma_start3A_474 = tpu.memref_slice %arg11[%dma_start3A_472, %dma_start3A_473] : memref<10240x128xf32, #tpu.memory_space<vmem_shared>> -> memref<10240x128xf32, #tpu.memory_space<vmem_shared>>
      tpu.enqueue_indirect_dma source(%arg10 : memref<128x128xf32, #tpu.memory_space<vmem>>) target(%dma_start3A_474 : memref<10240x128xf32, #tpu.memory_space<vmem_shared>>) offsets(%dma_start3A_471 : memref<128xi32, #tpu.memory_space<vmem>>) semaphore(%arg15 : memref<!tpu.dma_semaphore, #tpu.memory_space<semaphore_mem>>) {add = true}
      %dma_wait3A_475 = arith.constant 14 : i32
      %dma_wait3A_476 = arith.constant 0 : i32
      %dma_wait3A_477 = tpu.memref_slice %arg8[%dma_wait3A_475, %dma_wait3A_476] : memref<16x128xi32, #tpu.memory_space<vmem>> -> memref<1x128xi32, #tpu.memory_space<vmem>>
      %dma_wait3A_478 = tpu.memref_squeeze %dma_wait3A_477 : memref<1x128xi32, #tpu.memory_space<vmem>> -> memref<128xi32, #tpu.memory_space<vmem>>
      %dma_wait3A_479 = arith.constant 0 : i32
      %dma_wait3A_480 = arith.constant 0 : i32
      %dma_wait3A_481 = tpu.memref_slice %arg11[%dma_wait3A_479, %dma_wait3A_480] : memref<10240x128xf32, #tpu.memory_space<vmem_shared>> -> memref<10240x128xf32, #tpu.memory_space<vmem_shared>>
      tpu.wait_indirect_dma semaphore(%arg14 : memref<!tpu.dma_semaphore, #tpu.memory_space<semaphore_mem>>) src(%arg9 : memref<128x128xf32, #tpu.memory_space<vmem>>) dst(%dma_wait3A_481 : memref<10240x128xf32, #tpu.memory_space<vmem_shared>>)
      %dma_wait3A_482 = arith.constant 15 : i32
      %dma_wait3A_483 = arith.constant 0 : i32
      %dma_wait3A_484 = tpu.memref_slice %arg8[%dma_wait3A_482, %dma_wait3A_483] : memref<16x128xi32, #tpu.memory_space<vmem>> -> memref<1x128xi32, #tpu.memory_space<vmem>>
      %dma_wait3A_485 = tpu.memref_squeeze %dma_wait3A_484 : memref<1x128xi32, #tpu.memory_space<vmem>> -> memref<128xi32, #tpu.memory_space<vmem>>
      %dma_wait3A_486 = arith.constant 0 : i32
      %dma_wait3A_487 = arith.constant 0 : i32
      %dma_wait3A_488 = tpu.memref_slice %arg11[%dma_wait3A_486, %dma_wait3A_487] : memref<10240x128xf32, #tpu.memory_space<vmem_shared>> -> memref<10240x128xf32, #tpu.memory_space<vmem_shared>>
      tpu.wait_indirect_dma semaphore(%arg15 : memref<!tpu.dma_semaphore, #tpu.memory_space<semaphore_mem>>) src(%arg10 : memref<128x128xf32, #tpu.memory_space<vmem>>) dst(%dma_wait3A_488 : memref<10240x128xf32, #tpu.memory_space<vmem_shared>>)
    }
    %scan3A_27 = arith.constant 5 : i32
    %barrier3A_28 = arith.constant 0 : index
    tpu.barrier barrier_id(%barrier3A_28)
    %mul3A_29 = arith.constant 640 : i32
    %mul3A_30 = arith.muli %arg1, %mul3A_29 : i32
    %mul3A_31 = arith.constant 10240 : i32
    %mul3A_32 = arith.muli %arg0, %mul3A_31 : i32
    %mul3A_33 = arith.constant 640 : i32
    %mul3A_34 = arith.muli %arg1, %mul3A_33 : i32
    %add3A_35 = arith.addi %mul3A_32, %mul3A_34 : i32
    "tpu.region"() ({
      %run_scoped3A = tpu.sem_alloc : memref<!tpu.dma_semaphore, #tpu.memory_space<semaphore_mem>>
      %dma_start3A = arith.constant 0 : i32
      %dma_start3A_36 = tpu.memref_slice %arg6[%add3A_35, %dma_start3A] : memref<20480x128xf32, #tpu.memory_space<hbm>> -> memref<640x128xf32, #tpu.memory_space<hbm>>
      %dma_start3A_37 = arith.constant 0 : i32
      %dma_start3A_38 = tpu.memref_slice %arg11[%mul3A_30, %dma_start3A_37] : memref<10240x128xf32, #tpu.memory_space<vmem_shared>> -> memref<640x128xf32, #tpu.memory_space<vmem_shared>>
      tpu.enqueue_dma source(%dma_start3A_38 : memref<640x128xf32, #tpu.memory_space<vmem_shared>>) target(%dma_start3A_36 : memref<640x128xf32, #tpu.memory_space<hbm>>) target_semaphore(%run_scoped3A : memref<!tpu.dma_semaphore, #tpu.memory_space<semaphore_mem>>)
      %dma_wait3A = arith.constant 0 : i32
      %dma_wait3A_39 = tpu.memref_slice %arg6[%add3A_35, %dma_wait3A] : memref<20480x128xf32, #tpu.memory_space<hbm>> -> memref<640x128xf32, #tpu.memory_space<hbm>>
      %dma_wait3A_40 = arith.constant 0 : i32
      %dma_wait3A_41 = tpu.memref_slice %arg11[%mul3A_30, %dma_wait3A_40] : memref<10240x128xf32, #tpu.memory_space<vmem_shared>> -> memref<640x128xf32, #tpu.memory_space<vmem_shared>>
      tpu.wait_dma2 semaphore(%run_scoped3A : memref<!tpu.dma_semaphore, #tpu.memory_space<semaphore_mem>>) src(%dma_wait3A_41 : memref<640x128xf32, #tpu.memory_space<vmem_shared>>) dst(%dma_wait3A_39 : memref<640x128xf32, #tpu.memory_space<hbm>>)
      tpu.yield
    }) : () -> ()
    return
  }
}

module attributes {stable_mosaic.version = 14 : i64} {
  func.func @tc_scale(%arg0: i32, %arg1: memref<512x128xf32, #tpu.memory_space<vmem>>, %arg2: memref<2x512x16xf32, #tpu.memory_space<vmem>>, %arg3: memref<512x128xf32, #tpu.memory_space<vmem>>) attributes {dimension_semantics = [#tpu.dimension_semantics<arbitrary>], iteration_bounds = array<i64: 20>, scalar_prefetch = 0 : i64, scratch_operands = 0 : i64, tpu.core_type = #tpu.core_type<tc>, window_params = [{transform_indices = @transform_0, window_bounds = array<i64: 512, 128>}, {transform_indices = @transform_1, window_bounds = array<i64: 2, 512, 16>}, {transform_indices = @transform_2, window_bounds = array<i64: 512, 128>}]} {
    %get3A = arith.constant 0 : index
    %get3A_0 = arith.constant 0 : index
    %get3A_1 = vector.load %arg1[%get3A, %get3A_0] : memref<512x128xf32, #tpu.memory_space<vmem>>, vector<512x128xf32>
    %get3A_2 = arith.constant 0 : index
    %get3A_3 = arith.constant 0 : index
    %get3A_4 = arith.constant 0 : index
    %get3A_5 = vector.load %arg2[%get3A_2, %get3A_3, %get3A_4] : memref<2x512x16xf32, #tpu.memory_space<vmem>>, vector<1x512x1xf32>
    %get3A_6 = vector.shape_cast %get3A_5 : vector<1x512x1xf32> to vector<512xf32>
    %get3A_7 = arith.constant 1 : index
    %get3A_8 = arith.constant 0 : index
    %get3A_9 = arith.constant 0 : index
    %get3A_10 = vector.load %arg2[%get3A_7, %get3A_8, %get3A_9] : memref<2x512x16xf32, #tpu.memory_space<vmem>>, vector<1x512x1xf32>
    %get3A_11 = vector.shape_cast %get3A_10 : vector<1x512x1xf32> to vector<512xf32>
    %add3A = arith.addf %get3A_6, %get3A_11 : vector<512xf32>
    %add3A_12 = arith.constant 1.000000e+00 : f32
    %add3A_13 = vector.broadcast %add3A_12 : f32 to vector<512xf32>
    %add3A_14 = arith.addf %add3A, %add3A_13 : vector<512xf32>
    %rsqrt3A = math.rsqrt %add3A_14 : vector<512xf32>
    %broadcast_in_dim3A = vector.shape_cast %rsqrt3A : vector<512xf32> to vector<512x1xf32>
    %mul3A = vector.broadcast %broadcast_in_dim3A : vector<512x1xf32> to vector<512x128xf32>
    %mul3A_15 = arith.mulf %get3A_1, %mul3A : vector<512x128xf32>
    %swap3A = arith.constant 0 : index
    %swap3A_16 = arith.constant 0 : index
    %swap3A_17 = vector.load %arg3[%swap3A, %swap3A_16] : memref<512x128xf32, #tpu.memory_space<vmem>>, vector<512x128xf32>
    tpu.vector_store %arg3[%swap3A, %swap3A_16], %mul3A_15 {strides = array<i32>} : memref<512x128xf32, #tpu.memory_space<vmem>>, vector<512x128xf32>,
    return
  }
  func.func @transform_0(%arg0: i32) -> (i32, i32) {
    %c0_i32 = arith.constant 0 : i32
    %c0_i32_0 = arith.constant 0 : i32
    return %arg0, %c0_i32 : i32, i32
  }
  func.func @transform_1(%arg0: i32) -> (i32, i32, i32) {
    %c0_i32 = arith.constant 0 : i32
    %c0_i32_0 = arith.constant 0 : i32
    %c0_i32_1 = arith.constant 0 : i32
    return %c0_i32, %arg0, %c0_i32_0 : i32, i32, i32
  }
  func.func @transform_2(%arg0: i32) -> (i32, i32) {
    %c0_i32 = arith.constant 0 : i32
    %c0_i32_0 = arith.constant 0 : i32
    return %arg0, %c0_i32 : i32, i32
  }
}

module attributes {stable_mosaic.version = 14 : i64} {
  func.func @tc_l1(%arg0: i32, %arg1: memref<2x512x128xf32, #tpu.memory_space<vmem>>, %arg2: memref<512x128xf32, #tpu.memory_space<vmem>>, %arg3: memref<2x512x16xf32, #tpu.memory_space<vmem>>, %arg4: memref<1x256xf32, #tpu.memory_space<vmem>>, %arg5: memref<128x256xf32, #tpu.memory_space<vmem>>, %arg6: memref<256x128xf32, #tpu.memory_space<vmem>>, %arg7: memref<512x128xf32, #tpu.memory_space<vmem>>) attributes {dimension_semantics = [#tpu.dimension_semantics<arbitrary>], iteration_bounds = array<i64: 20>, scalar_prefetch = 0 : i64, scratch_operands = 0 : i64, tpu.core_type = #tpu.core_type<tc>, window_params = [{transform_indices = @transform_0, window_bounds = array<i64: 2, 512, 128>}, {transform_indices = @transform_1, window_bounds = array<i64: 512, 128>}, {transform_indices = @transform_2, window_bounds = array<i64: 2, 512, 16>}, {pipeline_mode = #tpu.pipeline_mode<synchronous>, transform_indices = @transform_3, window_bounds = array<i64: 1, 256>}, {pipeline_mode = #tpu.pipeline_mode<synchronous>, transform_indices = @transform_4, window_bounds = array<i64: 128, 256>}, {pipeline_mode = #tpu.pipeline_mode<synchronous>, transform_indices = @transform_5, window_bounds = array<i64: 256, 128>}, {transform_indices = @transform_6, window_bounds = array<i64: 512, 128>}]} {
    %get3A = arith.constant 0 : index
    %get3A_0 = arith.constant 0 : index
    %get3A_1 = arith.constant 0 : index
    %get3A_2 = vector.load %arg3[%get3A, %get3A_0, %get3A_1] : memref<2x512x16xf32, #tpu.memory_space<vmem>>, vector<1x512x1xf32>
    %get3A_3 = vector.shape_cast %get3A_2 : vector<1x512x1xf32> to vector<512xf32>
    %get3A_4 = arith.constant 1 : index
    %get3A_5 = arith.constant 0 : index
    %get3A_6 = arith.constant 0 : index
    %get3A_7 = vector.load %arg3[%get3A_4, %get3A_5, %get3A_6] : memref<2x512x16xf32, #tpu.memory_space<vmem>>, vector<1x512x1xf32>
    %get3A_8 = vector.shape_cast %get3A_7 : vector<1x512x1xf32> to vector<512xf32>
    %add3A = arith.addf %get3A_3, %get3A_8 : vector<512xf32>
    %add3A_9 = arith.constant 1.000000e+00 : f32
    %add3A_10 = vector.broadcast %add3A_9 : f32 to vector<512xf32>
    %add3A_11 = arith.addf %add3A, %add3A_10 : vector<512xf32>
    %rsqrt3A = math.rsqrt %add3A_11 : vector<512xf32>
    %broadcast_in_dim3A = vector.shape_cast %rsqrt3A : vector<512xf32> to vector<512x1xf32>
    %get3A_12 = arith.constant 0 : index
    %get3A_13 = arith.constant 0 : index
    %get3A_14 = arith.constant 0 : index
    %get3A_15 = vector.load %arg1[%get3A_12, %get3A_13, %get3A_14] : memref<2x512x128xf32, #tpu.memory_space<vmem>>, vector<1x512x128xf32>
    %get3A_16 = vector.shape_cast %get3A_15 : vector<1x512x128xf32> to vector<512x128xf32>
    %get3A_17 = arith.constant 1 : index
    %get3A_18 = arith.constant 0 : index
    %get3A_19 = arith.constant 0 : index
    %get3A_20 = vector.load %arg1[%get3A_17, %get3A_18, %get3A_19] : memref<2x512x128xf32, #tpu.memory_space<vmem>>, vector<1x512x128xf32>
    %get3A_21 = vector.shape_cast %get3A_20 : vector<1x512x128xf32> to vector<512x128xf32>
    %add3A_22 = arith.addf %get3A_16, %get3A_21 : vector<512x128xf32>
    %get3A_23 = arith.constant 0 : index
    %get3A_24 = arith.constant 0 : index
    %get3A_25 = vector.load %arg2[%get3A_23, %get3A_24] : memref<512x128xf32, #tpu.memory_space<vmem>>, vector<512x128xf32>
    %add3A_26 = arith.addf %add3A_22, %get3A_25 : vector<512x128xf32>
    %mul3A = vector.broadcast %broadcast_in_dim3A : vector<512x1xf32> to vector<512x128xf32>
    %mul3A_27 = arith.mulf %mul3A, %add3A_26 : vector<512x128xf32>
    %get3A_28 = arith.constant 0 : index
    %get3A_29 = arith.constant 0 : index
    %get3A_30 = vector.load %arg5[%get3A_28, %get3A_29] : memref<128x256xf32, #tpu.memory_space<vmem>>, vector<128x256xf32>
    %dot_general3A = arith.constant dense<0.000000e+00> : vector<512x256xf32>
    %dot_general3A_31 = tpu.matmul %mul3A_27, %get3A_30, %dot_general3A {dimension_numbers = #tpu.dot_dimension_numbers<[1], [0], [0], [1], [0, 0, 1, 1], [], []>, precision = #tpu.contract_precision<fp32>, transpose_lhs_hint = false} : vector<512x128xf32>, vector<128x256xf32>, vector<512x256xf32> -> vector<512x256xf32>
    %get3A_32 = arith.constant 0 : index
    %get3A_33 = arith.constant 0 : index
    %get3A_34 = vector.load %arg4[%get3A_32, %get3A_33] : memref<1x256xf32, #tpu.memory_space<vmem>>, vector<1x256xf32>
    %get3A_35 = vector.shape_cast %get3A_34 : vector<1x256xf32> to vector<256xf32>
    %broadcast_in_dim3A_36 = vector.shape_cast %get3A_35 : vector<256xf32> to vector<1x256xf32>
    %add3A_37 = vector.broadcast %broadcast_in_dim3A_36 : vector<1x256xf32> to vector<512x256xf32>
    %add3A_38 = arith.addf %dot_general3A_31, %add3A_37 : vector<512x256xf32>
    %max3A = arith.constant 0.000000e+00 : f32
    %max3A_39 = vector.broadcast %max3A : f32 to vector<512x256xf32>
    %max3A_40 = arith.maximumf %add3A_38, %max3A_39 : vector<512x256xf32>
    %get3A_41 = arith.constant 0 : index
    %get3A_42 = arith.constant 0 : index
    %get3A_43 = vector.load %arg6[%get3A_41, %get3A_42] : memref<256x128xf32, #tpu.memory_space<vmem>>, vector<256x128xf32>
    %convert_element_type3A = arith.truncf %max3A_40 : vector<512x256xf32> to vector<512x256xbf16>
    %convert_element_type3A_44 = arith.truncf %get3A_43 : vector<256x128xf32> to vector<256x128xbf16>
    %dot_general3A_45 = arith.constant dense<0.000000e+00> : vector<512x128xf32>
    %dot_general3A_46 = tpu.matmul %convert_element_type3A, %convert_element_type3A_44, %dot_general3A_45 {dimension_numbers = #tpu.dot_dimension_numbers<[1], [0], [0], [1], [0, 0, 1, 1], [], []>, transpose_lhs_hint = false} : vector<512x256xbf16>, vector<256x128xbf16>, vector<512x128xf32> -> vector<512x128xf32>
    %mul3A_47 = vector.broadcast %broadcast_in_dim3A : vector<512x1xf32> to vector<512x128xf32>
    %mul3A_48 = arith.mulf %dot_general3A_46, %mul3A_47 : vector<512x128xf32>
    %iota3A = tpu.iota {dimensions = array<i32: 0>} : vector<512x1xi32>
    %mul3A_49 = arith.constant 512 : i32
    %mul3A_50 = arith.muli %arg0, %mul3A_49 : i32
    %add3A_51 = vector.broadcast %mul3A_50 : i32 to vector<512x1xi32>
    %add3A_52 = arith.addi %iota3A, %add3A_51 : vector<512x1xi32>
    %lt3A = arith.constant 10000 : i32
    %lt3A_53 = vector.broadcast %lt3A : i32 to vector<512x1xi32>
    %lt3A_54 = arith.cmpi slt, %add3A_52, %lt3A_53 : vector<512x1xi32>
    %jit3A = arith.constant 0.000000e+00 : f32
    %broadcast_in_dim3A_55 = vector.shape_cast %lt3A_54 : vector<512x1xi1> to vector<512x1xi1>
    %broadcast_in_dim3A_56 = vector.broadcast %broadcast_in_dim3A_55 : vector<512x1xi1> to vector<512x128xi1>
    %broadcast_in_dim3A_57 = vector.broadcast %jit3A : f32 to vector<512x128xf32>
    %select_n3A = arith.select %broadcast_in_dim3A_56, %mul3A_48, %broadcast_in_dim3A_57 : vector<512x128xi1>, vector<512x128xf32>
    %swap3A = arith.constant 0 : index
    %swap3A_58 = arith.constant 0 : index
    %swap3A_59 = vector.load %arg7[%swap3A, %swap3A_58] : memref<512x128xf32, #tpu.memory_space<vmem>>, vector<512x128xf32>
    tpu.vector_store %arg7[%swap3A, %swap3A_58], %select_n3A {strides = array<i32>} : memref<512x128xf32, #tpu.memory_space<vmem>>, vector<512x128xf32>,
    return
  }
  func.func @transform_0(%arg0: i32) -> (i32, i32, i32) {
    %c0_i32 = arith.constant 0 : i32
    %c0_i32_0 = arith.constant 0 : i32
    %c0_i32_1 = arith.constant 0 : i32
    return %c0_i32, %arg0, %c0_i32_0 : i32, i32, i32
  }
  func.func @transform_1(%arg0: i32) -> (i32, i32) {
    %c0_i32 = arith.constant 0 : i32
    %c0_i32_0 = arith.constant 0 : i32
    return %arg0, %c0_i32 : i32, i32
  }
  func.func @transform_2(%arg0: i32) -> (i32, i32, i32) {
    %c0_i32 = arith.constant 0 : i32
    %c0_i32_0 = arith.constant 0 : i32
    %c0_i32_1 = arith.constant 0 : i32
    return %c0_i32, %arg0, %c0_i32_0 : i32, i32, i32
  }
  func.func @transform_3(%arg0: i32) -> (i32, i32) {
    %c0_i32 = arith.constant 0 : i32
    %c0_i32_0 = arith.constant 0 : i32
    %c0_i32_1 = arith.constant 0 : i32
    return %c0_i32, %c0_i32_0 : i32, i32
  }
  func.func @transform_4(%arg0: i32) -> (i32, i32) {
    %c0_i32 = arith.constant 0 : i32
    %c0_i32_0 = arith.constant 0 : i32
    %c0_i32_1 = arith.constant 0 : i32
    return %c0_i32, %c0_i32_0 : i32, i32
  }
  func.func @transform_5(%arg0: i32) -> (i32, i32) {
    %c0_i32 = arith.constant 0 : i32
    %c0_i32_0 = arith.constant 0 : i32
    %c0_i32_1 = arith.constant 0 : i32
    return %c0_i32, %c0_i32_0 : i32, i32
  }
  func.func @transform_6(%arg0: i32) -> (i32, i32) {
    %c0_i32 = arith.constant 0 : i32
    %c0_i32_0 = arith.constant 0 : i32
    return %arg0, %c0_i32 : i32, i32
  }
}

module attributes {stable_mosaic.version = 14 : i64} {
  func.func @tc_mm3(%arg0: i32, %arg1: memref<2x512x128xf32, #tpu.memory_space<vmem>>, %arg2: memref<512x128xf32, #tpu.memory_space<vmem>>, %arg3: memref<2x512x16xf32, #tpu.memory_space<vmem>>, %arg4: memref<1x128xf32, #tpu.memory_space<vmem>>, %arg5: memref<128x32xf32, #tpu.memory_space<vmem>>, %arg6: memref<512x32xf32, #tpu.memory_space<vmem>>) attributes {dimension_semantics = [#tpu.dimension_semantics<arbitrary>], iteration_bounds = array<i64: 20>, scalar_prefetch = 0 : i64, scratch_operands = 0 : i64, tpu.core_type = #tpu.core_type<tc>, window_params = [{transform_indices = @transform_0, window_bounds = array<i64: 2, 512, 128>}, {transform_indices = @transform_1, window_bounds = array<i64: 512, 128>}, {transform_indices = @transform_2, window_bounds = array<i64: 2, 512, 16>}, {pipeline_mode = #tpu.pipeline_mode<synchronous>, transform_indices = @transform_3, window_bounds = array<i64: 1, 128>}, {pipeline_mode = #tpu.pipeline_mode<synchronous>, transform_indices = @transform_4, window_bounds = array<i64: 128, 32>}, {transform_indices = @transform_5, window_bounds = array<i64: 512, 32>}]} {
    %get3A = arith.constant 0 : index
    %get3A_0 = arith.constant 0 : index
    %get3A_1 = arith.constant 0 : index
    %get3A_2 = vector.load %arg3[%get3A, %get3A_0, %get3A_1] : memref<2x512x16xf32, #tpu.memory_space<vmem>>, vector<1x512x1xf32>
    %get3A_3 = vector.shape_cast %get3A_2 : vector<1x512x1xf32> to vector<512xf32>
    %get3A_4 = arith.constant 1 : index
    %get3A_5 = arith.constant 0 : index
    %get3A_6 = arith.constant 0 : index
    %get3A_7 = vector.load %arg3[%get3A_4, %get3A_5, %get3A_6] : memref<2x512x16xf32, #tpu.memory_space<vmem>>, vector<1x512x1xf32>
    %get3A_8 = vector.shape_cast %get3A_7 : vector<1x512x1xf32> to vector<512xf32>
    %add3A = arith.addf %get3A_3, %get3A_8 : vector<512xf32>
    %add3A_9 = arith.constant 1.000000e+00 : f32
    %add3A_10 = vector.broadcast %add3A_9 : f32 to vector<512xf32>
    %add3A_11 = arith.addf %add3A, %add3A_10 : vector<512xf32>
    %rsqrt3A = math.rsqrt %add3A_11 : vector<512xf32>
    %broadcast_in_dim3A = vector.shape_cast %rsqrt3A : vector<512xf32> to vector<512x1xf32>
    %get3A_12 = arith.constant 0 : index
    %get3A_13 = arith.constant 0 : index
    %get3A_14 = arith.constant 0 : index
    %get3A_15 = vector.load %arg1[%get3A_12, %get3A_13, %get3A_14] : memref<2x512x128xf32, #tpu.memory_space<vmem>>, vector<1x512x128xf32>
    %get3A_16 = vector.shape_cast %get3A_15 : vector<1x512x128xf32> to vector<512x128xf32>
    %get3A_17 = arith.constant 1 : index
    %get3A_18 = arith.constant 0 : index
    %get3A_19 = arith.constant 0 : index
    %get3A_20 = vector.load %arg1[%get3A_17, %get3A_18, %get3A_19] : memref<2x512x128xf32, #tpu.memory_space<vmem>>, vector<1x512x128xf32>
    %get3A_21 = vector.shape_cast %get3A_20 : vector<1x512x128xf32> to vector<512x128xf32>
    %add3A_22 = arith.addf %get3A_16, %get3A_21 : vector<512x128xf32>
    %get3A_23 = arith.constant 0 : index
    %get3A_24 = arith.constant 0 : index
    %get3A_25 = vector.load %arg2[%get3A_23, %get3A_24] : memref<512x128xf32, #tpu.memory_space<vmem>>, vector<512x128xf32>
    %add3A_26 = arith.addf %add3A_22, %get3A_25 : vector<512x128xf32>
    %mul3A = vector.broadcast %broadcast_in_dim3A : vector<512x1xf32> to vector<512x128xf32>
    %mul3A_27 = arith.mulf %mul3A, %add3A_26 : vector<512x128xf32>
    %get3A_28 = arith.constant 0 : index
    %get3A_29 = arith.constant 0 : index
    %get3A_30 = vector.load %arg4[%get3A_28, %get3A_29] : memref<1x128xf32, #tpu.memory_space<vmem>>, vector<1x128xf32>
    %get3A_31 = vector.shape_cast %get3A_30 : vector<1x128xf32> to vector<128xf32>
    %broadcast_in_dim3A_32 = vector.shape_cast %get3A_31 : vector<128xf32> to vector<1x128xf32>
    %add3A_33 = vector.broadcast %broadcast_in_dim3A_32 : vector<1x128xf32> to vector<512x128xf32>
    %add3A_34 = arith.addf %mul3A_27, %add3A_33 : vector<512x128xf32>
    %get3A_35 = arith.constant 0 : index
    %get3A_36 = arith.constant 0 : index
    %get3A_37 = vector.load %arg5[%get3A_35, %get3A_36] : memref<128x32xf32, #tpu.memory_space<vmem>>, vector<128x32xf32>
    %dot_general3A = arith.constant dense<0.000000e+00> : vector<512x32xf32>
    %dot_general3A_38 = tpu.matmul %add3A_34, %get3A_37, %dot_general3A {dimension_numbers = #tpu.dot_dimension_numbers<[1], [0], [0], [1], [0, 0, 1, 1], [], []>, precision = #tpu.contract_precision<fp32>, transpose_lhs_hint = false} : vector<512x128xf32>, vector<128x32xf32>, vector<512x32xf32> -> vector<512x32xf32>
    %iota3A = tpu.iota {dimensions = array<i32: 0>} : vector<512x1xi32>
    %mul3A_39 = arith.constant 512 : i32
    %mul3A_40 = arith.muli %arg0, %mul3A_39 : i32
    %add3A_41 = vector.broadcast %mul3A_40 : i32 to vector<512x1xi32>
    %add3A_42 = arith.addi %iota3A, %add3A_41 : vector<512x1xi32>
    %lt3A = arith.constant 10000 : i32
    %lt3A_43 = vector.broadcast %lt3A : i32 to vector<512x1xi32>
    %lt3A_44 = arith.cmpi slt, %add3A_42, %lt3A_43 : vector<512x1xi32>
    %mul3A_45 = vector.broadcast %broadcast_in_dim3A : vector<512x1xf32> to vector<512x32xf32>
    %mul3A_46 = arith.mulf %dot_general3A_38, %mul3A_45 : vector<512x32xf32>
    %jit3A = arith.constant 0.000000e+00 : f32
    %broadcast_in_dim3A_47 = vector.shape_cast %lt3A_44 : vector<512x1xi1> to vector<512x1xi1>
    %broadcast_in_dim3A_48 = vector.broadcast %broadcast_in_dim3A_47 : vector<512x1xi1> to vector<512x32xi1>
    %broadcast_in_dim3A_49 = vector.broadcast %jit3A : f32 to vector<512x32xf32>
    %select_n3A = arith.select %broadcast_in_dim3A_48, %mul3A_46, %broadcast_in_dim3A_49 : vector<512x32xi1>, vector<512x32xf32>
    %swap3A = arith.constant 0 : index
    %swap3A_50 = arith.constant 0 : index
    %swap3A_51 = vector.load %arg6[%swap3A, %swap3A_50] : memref<512x32xf32, #tpu.memory_space<vmem>>, vector<512x32xf32>
    tpu.vector_store %arg6[%swap3A, %swap3A_50], %select_n3A {strides = array<i32>} : memref<512x32xf32, #tpu.memory_space<vmem>>, vector<512x32xf32>,
    return
  }
  func.func @transform_0(%arg0: i32) -> (i32, i32, i32) {
    %c0_i32 = arith.constant 0 : i32
    %c0_i32_0 = arith.constant 0 : i32
    %c0_i32_1 = arith.constant 0 : i32
    return %c0_i32, %arg0, %c0_i32_0 : i32, i32, i32
  }
  func.func @transform_1(%arg0: i32) -> (i32, i32) {
    %c0_i32 = arith.constant 0 : i32
    %c0_i32_0 = arith.constant 0 : i32
    return %arg0, %c0_i32 : i32, i32
  }
  func.func @transform_2(%arg0: i32) -> (i32, i32, i32) {
    %c0_i32 = arith.constant 0 : i32
    %c0_i32_0 = arith.constant 0 : i32
    %c0_i32_1 = arith.constant 0 : i32
    return %c0_i32, %arg0, %c0_i32_0 : i32, i32, i32
  }
  func.func @transform_3(%arg0: i32) -> (i32, i32) {
    %c0_i32 = arith.constant 0 : i32
    %c0_i32_0 = arith.constant 0 : i32
    %c0_i32_1 = arith.constant 0 : i32
    return %c0_i32, %c0_i32_0 : i32, i32
  }
  func.func @transform_4(%arg0: i32) -> (i32, i32) {
    %c0_i32 = arith.constant 0 : i32
    %c0_i32_0 = arith.constant 0 : i32
    %c0_i32_1 = arith.constant 0 : i32
    return %c0_i32, %c0_i32_0 : i32, i32
  }
  func.func @transform_5(%arg0: i32) -> (i32, i32) {
    %c0_i32 = arith.constant 0 : i32
    %c0_i32_0 = arith.constant 0 : i32
    return %arg0, %c0_i32 : i32, i32
  }
}

module attributes {stable_mosaic.version = 14 : i64} {
  func.func @tc_readout(%arg0: memref<2x10240x32xf32, #tpu.memory_space<vmem>>, %arg1: memref<10240x32xf32, #tpu.memory_space<vmem>>, %arg2: memref<2x10240x16xf32, #tpu.memory_space<vmem>>, %arg3: memref<1x32xf32, #tpu.memory_space<vmem>>, %arg4: memref<1x128xf32, #tpu.memory_space<vmem>>, %arg5: memref<1x128xf32, #tpu.memory_space<vmem>>, %arg6: memref<64x256xf32, #tpu.memory_space<vmem>>, %arg7: memref<1x256xf32, #tpu.memory_space<vmem>>, %arg8: memref<256x128xf32, #tpu.memory_space<vmem>>, %arg9: memref<1x128xf32, #tpu.memory_space<vmem>>, %arg10: memref<128x32xf32, #tpu.memory_space<vmem>>, %arg11: memref<1x32xf32, #tpu.memory_space<vmem>>, %arg12: memref<32x1xf32, #tpu.memory_space<vmem>>, %arg13: memref<1x1xf32, #tpu.memory_space<vmem>>, %arg14: memref<1x1xf32, #tpu.memory_space<vmem>>) attributes {dimension_semantics = [], scalar_prefetch = 0 : i64, scratch_operands = 0 : i64, tpu.core_type = #tpu.core_type<tc>} {
    %get3A = arith.constant 0 : index
    %get3A_0 = arith.constant 0 : index
    %get3A_1 = arith.constant 0 : index
    %get3A_2 = vector.load %arg2[%get3A, %get3A_0, %get3A_1] : memref<2x10240x16xf32, #tpu.memory_space<vmem>>, vector<1x10240x1xf32>
    %get3A_3 = vector.shape_cast %get3A_2 : vector<1x10240x1xf32> to vector<10240xf32>
    %get3A_4 = arith.constant 1 : index
    %get3A_5 = arith.constant 0 : index
    %get3A_6 = arith.constant 0 : index
    %get3A_7 = vector.load %arg2[%get3A_4, %get3A_5, %get3A_6] : memref<2x10240x16xf32, #tpu.memory_space<vmem>>, vector<1x10240x1xf32>
    %get3A_8 = vector.shape_cast %get3A_7 : vector<1x10240x1xf32> to vector<10240xf32>
    %add3A = arith.addf %get3A_3, %get3A_8 : vector<10240xf32>
    %add3A_9 = arith.constant 1.000000e+00 : f32
    %add3A_10 = vector.broadcast %add3A_9 : f32 to vector<10240xf32>
    %add3A_11 = arith.addf %add3A, %add3A_10 : vector<10240xf32>
    %rsqrt3A = math.rsqrt %add3A_11 : vector<10240xf32>
    %broadcast_in_dim3A = vector.shape_cast %rsqrt3A : vector<10240xf32> to vector<10240x1xf32>
    %get3A_12 = arith.constant 0 : index
    %get3A_13 = arith.constant 0 : index
    %get3A_14 = arith.constant 0 : index
    %get3A_15 = vector.load %arg0[%get3A_12, %get3A_13, %get3A_14] : memref<2x10240x32xf32, #tpu.memory_space<vmem>>, vector<1x10240x32xf32>
    %get3A_16 = vector.shape_cast %get3A_15 : vector<1x10240x32xf32> to vector<10240x32xf32>
    %get3A_17 = arith.constant 1 : index
    %get3A_18 = arith.constant 0 : index
    %get3A_19 = arith.constant 0 : index
    %get3A_20 = vector.load %arg0[%get3A_17, %get3A_18, %get3A_19] : memref<2x10240x32xf32, #tpu.memory_space<vmem>>, vector<1x10240x32xf32>
    %get3A_21 = vector.shape_cast %get3A_20 : vector<1x10240x32xf32> to vector<10240x32xf32>
    %add3A_22 = arith.addf %get3A_16, %get3A_21 : vector<10240x32xf32>
    %get3A_23 = arith.constant 0 : index
    %get3A_24 = arith.constant 0 : index
    %get3A_25 = vector.load %arg1[%get3A_23, %get3A_24] : memref<10240x32xf32, #tpu.memory_space<vmem>>, vector<10240x32xf32>
    %add3A_26 = arith.addf %add3A_22, %get3A_25 : vector<10240x32xf32>
    %mul3A = vector.broadcast %broadcast_in_dim3A : vector<10240x1xf32> to vector<10240x32xf32>
    %mul3A_27 = arith.mulf %mul3A, %add3A_26 : vector<10240x32xf32>
    %get3A_28 = arith.constant 0 : index
    %get3A_29 = arith.constant 0 : index
    %get3A_30 = vector.load %arg3[%get3A_28, %get3A_29] : memref<1x32xf32, #tpu.memory_space<vmem>>, vector<1x32xf32>
    %get3A_31 = vector.shape_cast %get3A_30 : vector<1x32xf32> to vector<32xf32>
    %broadcast_in_dim3A_32 = vector.shape_cast %get3A_31 : vector<32xf32> to vector<1x32xf32>
    %add3A_33 = vector.broadcast %broadcast_in_dim3A_32 : vector<1x32xf32> to vector<10240x32xf32>
    %add3A_34 = arith.addf %mul3A_27, %add3A_33 : vector<10240x32xf32>
    %get3A_35 = arith.constant 0 : index
    %get3A_36 = arith.constant 0 : index
    %get3A_37 = vector.load %arg4[%get3A_35, %get3A_36] : memref<1x128xf32, #tpu.memory_space<vmem>>, vector<1x128xf32>
    %get3A_38 = arith.constant 0 : index
    %get3A_39 = arith.constant 0 : index
    %get3A_40 = vector.load %arg5[%get3A_38, %get3A_39] : memref<1x128xf32, #tpu.memory_space<vmem>>, vector<1x128xf32>
    %add3A_41 = arith.addf %get3A_37, %get3A_40 : vector<1x128xf32>
    %slice3A = vector.extract_strided_slice %add3A_41 {offsets = [0, 0], sizes = [1, 32], strides = [1, 1]} : vector<1x128xf32> to vector<1x32xf32>
    %logistic3A = arith.negf %slice3A : vector<1x32xf32>
    %logistic3A_42 = math.exp %logistic3A : vector<1x32xf32>
    %logistic3A_43 = arith.constant 1.000000e+00 : f32
    %logistic3A_44 = vector.broadcast %logistic3A_43 : f32 to vector<1x32xf32>
    %logistic3A_45 = arith.addf %logistic3A_44, %logistic3A_42 : vector<1x32xf32>
    %logistic3A_46 = arith.divf %logistic3A_44, %logistic3A_45 : vector<1x32xf32>
    %slice3A_47 = vector.extract_strided_slice %add3A_41 {offsets = [0, 64], sizes = [1, 32], strides = [1, 1]} : vector<1x128xf32> to vector<1x32xf32>
    %tanh3A = math.tanh %slice3A_47 : vector<1x32xf32>
    %mul3A_48 = arith.mulf %logistic3A_46, %tanh3A : vector<1x32xf32>
    %slice3A_49 = vector.extract_strided_slice %add3A_41 {offsets = [0, 96], sizes = [1, 32], strides = [1, 1]} : vector<1x128xf32> to vector<1x32xf32>
    %logistic3A_50 = arith.negf %slice3A_49 : vector<1x32xf32>
    %logistic3A_51 = math.exp %logistic3A_50 : vector<1x32xf32>
    %logistic3A_52 = arith.constant 1.000000e+00 : f32
    %logistic3A_53 = vector.broadcast %logistic3A_52 : f32 to vector<1x32xf32>
    %logistic3A_54 = arith.addf %logistic3A_53, %logistic3A_51 : vector<1x32xf32>
    %logistic3A_55 = arith.divf %logistic3A_53, %logistic3A_54 : vector<1x32xf32>
    %tanh3A_56 = math.tanh %mul3A_48 : vector<1x32xf32>
    %mul3A_57 = arith.mulf %logistic3A_55, %tanh3A_56 : vector<1x32xf32>
    %mul3A_58 = vector.broadcast %mul3A_57 : vector<1x32xf32> to vector<10240x32xf32>
    %mul3A_59 = arith.mulf %add3A_34, %mul3A_58 : vector<10240x32xf32>
    %reduce_sum3A = arith.constant dense<0.000000e+00> : vector<10240xf32>
    %reduce_sum3A_60 = vector.multi_reduction <add>, %mul3A_59, %reduce_sum3A [1] : vector<10240x32xf32> to vector<10240xf32>
    %broadcast_in_dim3A_61 = vector.shape_cast %reduce_sum3A_60 : vector<10240xf32> to vector<10240x1xf32>
    %iota3A = tpu.iota {dimensions = array<i32: 0>} : vector<10240x1xi32>
    %lt3A = arith.constant 10000 : i32
    %lt3A_62 = vector.broadcast %lt3A : i32 to vector<10240x1xi32>
    %lt3A_63 = arith.cmpi slt, %iota3A, %lt3A_62 : vector<10240x1xi32>
    %jit3A = arith.constant -1.000000e+30 : f32
    %broadcast_in_dim3A_64 = vector.broadcast %jit3A : f32 to vector<10240x1xf32>
    %select_n3A = arith.select %lt3A_63, %broadcast_in_dim3A_61, %broadcast_in_dim3A_64 : vector<10240x1xi1>, vector<10240x1xf32>
    %reduce_max3A = vector.shape_cast %select_n3A : vector<10240x1xf32> to vector<1x10240x1xf32>
    %reduce_max3A_65 = arith.constant dense<0xFF800000> : vector<1xf32>
    %reduce_max3A_66 = vector.multi_reduction <maximumf>, %reduce_max3A, %reduce_max3A_65 [1, 2] : vector<1x10240x1xf32> to vector<1xf32>
    %reduce_max3A_67 = vector.shape_cast %reduce_max3A_66 : vector<1xf32> to vector<1x1x1xf32>
    %reduce_max3A_68 = vector.extract %reduce_max3A_67[0, 0, 0] : f32 from vector<1x1x1xf32>
    %sub3A = vector.broadcast %reduce_max3A_68 : f32 to vector<10240x1xf32>
    %sub3A_69 = arith.subf %select_n3A, %sub3A : vector<10240x1xf32>
    %exp3A = math.exp %sub3A_69 : vector<10240x1xf32>
    %mul3A_70 = vector.broadcast %exp3A : vector<10240x1xf32> to vector<10240x32xf32>
    %mul3A_71 = arith.mulf %mul3A_70, %add3A_34 : vector<10240x32xf32>
    %reduce_sum3A_72 = arith.constant dense<0.000000e+00> : vector<32xf32>
    %reduce_sum3A_73 = vector.multi_reduction <add>, %mul3A_71, %reduce_sum3A_72 [0] : vector<10240x32xf32> to vector<32xf32>
    %broadcast_in_dim3A_74 = vector.shape_cast %reduce_sum3A_73 : vector<32xf32> to vector<1x32xf32>
    %reduce_sum3A_75 = vector.shape_cast %exp3A : vector<10240x1xf32> to vector<1x10240x1xf32>
    %reduce_sum3A_76 = arith.constant dense<0.000000e+00> : vector<1xf32>
    %reduce_sum3A_77 = vector.multi_reduction <add>, %reduce_sum3A_75, %reduce_sum3A_76 [1, 2] : vector<1x10240x1xf32> to vector<1xf32>
    %reduce_sum3A_78 = vector.shape_cast %reduce_sum3A_77 : vector<1xf32> to vector<1x1x1xf32>
    %reduce_sum3A_79 = vector.extract %reduce_sum3A_78[0, 0, 0] : f32 from vector<1x1x1xf32>
    %div3A = vector.broadcast %reduce_sum3A_79 : f32 to vector<1x32xf32>
    %div3A_80 = arith.divf %broadcast_in_dim3A_74, %div3A : vector<1x32xf32>
    %concatenate3A = tpu.concatenate %mul3A_57, %div3A_80 in 1 : vector<1x32xf32>, vector<1x32xf32> -> vector<1x64xf32>
    %get3A_81 = arith.constant 0 : index
    %get3A_82 = arith.constant 0 : index
    %get3A_83 = vector.load %arg6[%get3A_81, %get3A_82] : memref<64x256xf32, #tpu.memory_space<vmem>>, vector<64x256xf32>
    %dot_general3A = arith.constant dense<0.000000e+00> : vector<1x256xf32>
    %dot_general3A_84 = tpu.matmul %concatenate3A, %get3A_83, %dot_general3A {dimension_numbers = #tpu.dot_dimension_numbers<[1], [0], [0], [1], [0, 0, 1, 1], [], []>, precision = #tpu.contract_precision<fp32>, transpose_lhs_hint = false} : vector<1x64xf32>, vector<64x256xf32>, vector<1x256xf32> -> vector<1x256xf32>
    %get3A_85 = arith.constant 0 : index
    %get3A_86 = arith.constant 0 : index
    %get3A_87 = vector.load %arg7[%get3A_85, %get3A_86] : memref<1x256xf32, #tpu.memory_space<vmem>>, vector<1x256xf32>
    %add3A_88 = arith.addf %dot_general3A_84, %get3A_87 : vector<1x256xf32>
    %max3A = arith.constant 0.000000e+00 : f32
    %max3A_89 = vector.broadcast %max3A : f32 to vector<1x256xf32>
    %max3A_90 = arith.maximumf %add3A_88, %max3A_89 : vector<1x256xf32>
    %get3A_91 = arith.constant 0 : index
    %get3A_92 = arith.constant 0 : index
    %get3A_93 = vector.load %arg8[%get3A_91, %get3A_92] : memref<256x128xf32, #tpu.memory_space<vmem>>, vector<256x128xf32>
    %convert_element_type3A = arith.truncf %max3A_90 : vector<1x256xf32> to vector<1x256xbf16>
    %convert_element_type3A_94 = arith.truncf %get3A_93 : vector<256x128xf32> to vector<256x128xbf16>
    %dot_general3A_95 = arith.constant dense<0.000000e+00> : vector<1x128xf32>
    %dot_general3A_96 = tpu.matmul %convert_element_type3A, %convert_element_type3A_94, %dot_general3A_95 {dimension_numbers = #tpu.dot_dimension_numbers<[1], [0], [0], [1], [0, 0, 1, 1], [], []>, transpose_lhs_hint = false} : vector<1x256xbf16>, vector<256x128xbf16>, vector<1x128xf32> -> vector<1x128xf32>
    %get3A_97 = arith.constant 0 : index
    %get3A_98 = arith.constant 0 : index
    %get3A_99 = vector.load %arg9[%get3A_97, %get3A_98] : memref<1x128xf32, #tpu.memory_space<vmem>>, vector<1x128xf32>
    %add3A_100 = arith.addf %dot_general3A_96, %get3A_99 : vector<1x128xf32>
    %get3A_101 = arith.constant 0 : index
    %get3A_102 = arith.constant 0 : index
    %get3A_103 = vector.load %arg10[%get3A_101, %get3A_102] : memref<128x32xf32, #tpu.memory_space<vmem>>, vector<128x32xf32>
    %dot_general3A_104 = arith.constant dense<0.000000e+00> : vector<1x32xf32>
    %dot_general3A_105 = tpu.matmul %add3A_100, %get3A_103, %dot_general3A_104 {dimension_numbers = #tpu.dot_dimension_numbers<[1], [0], [0], [1], [0, 0, 1, 1], [], []>, precision = #tpu.contract_precision<fp32>, transpose_lhs_hint = false} : vector<1x128xf32>, vector<128x32xf32>, vector<1x32xf32> -> vector<1x32xf32>
    %get3A_106 = arith.constant 0 : index
    %get3A_107 = arith.constant 0 : index
    %get3A_108 = vector.load %arg11[%get3A_106, %get3A_107] : memref<1x32xf32, #tpu.memory_space<vmem>>, vector<1x32xf32>
    %add3A_109 = arith.addf %dot_general3A_105, %get3A_108 : vector<1x32xf32>
    %get3A_110 = arith.constant 0 : index
    %get3A_111 = arith.constant 0 : index
    %get3A_112 = vector.load %arg12[%get3A_110, %get3A_111] : memref<32x1xf32, #tpu.memory_space<vmem>>, vector<32x1xf32>
    %dot_general3A_113 = arith.constant dense<0.000000e+00> : vector<1x1xf32>
    %dot_general3A_114 = tpu.matmul %add3A_109, %get3A_112, %dot_general3A_113 {dimension_numbers = #tpu.dot_dimension_numbers<[1], [0], [0], [1], [0, 0, 1, 1], [], []>, precision = #tpu.contract_precision<fp32>, transpose_lhs_hint = false} : vector<1x32xf32>, vector<32x1xf32>, vector<1x1xf32> -> vector<1x1xf32>
    %get3A_115 = arith.constant 0 : index
    %get3A_116 = arith.constant 0 : index
    %get3A_117 = vector.load %arg13[%get3A_115, %get3A_116] : memref<1x1xf32, #tpu.memory_space<vmem>>, vector<1x1xf32>
    %add3A_118 = arith.addf %dot_general3A_114, %get3A_117 : vector<1x1xf32>
    %swap3A = arith.constant 0 : index
    %swap3A_119 = arith.constant 0 : index
    %swap3A_120 = vector.load %arg14[%swap3A, %swap3A_119] : memref<1x1xf32, #tpu.memory_space<vmem>>, vector<1x1xf32>
    tpu.vector_store %arg14[%swap3A, %swap3A_119], %add3A_118 {strides = array<i32>} : memref<1x1xf32, #tpu.memory_space<vmem>>, vector<1x1xf32>,
    return
  }
}

</mosaic_0001>

<sc_bundles>
// kernel: sc_degree.3.cloned.1.call-start
scs
__scs_entry_jumppad:
0x0: {  	(pc) =	sbr.rel $0x88, $3  }
0x1: {  	(tag) =	ssettag $0x0;
	lr =	simm.s32 $0x1  }
0x2: {  	[smem:$0x3F8F] =	sst lr;
	_ =	strace $0xD0000000  }
0x3: {  	_ = 	snop  }
0x4: {  	_ = 	snop  }
0x5: {  	_ = 	snop  }
0x6: {  	_ = 	snop  }
0x7: {  	_ = 	snop  }
__scs_overlays_trampoline_lowered:
0x8: {  	[smem:$0x3F9E] =	sst s0  }
0x9: {  	[smem:$0x3F9F] =	sst s1  }
0xa: {  	[smem:$0x3FA0] =	sst s2  }
0xb: {  	[smem:$0x3FA1] =	sst s3  }
0xc: {  	[smem:$0x3FA2] =	sst s4  }
0xd: {  	[smem:$0x3FA3] =	sst s5  }
0xe: {  	[smem:$0x3FA4] =	sst s6  }
0xf: {  	[smem:$0x3FA5] =	sst s7  }
0x10: {  	[smem:$0x3FA6] =	sst s8  }
0x11: {  	[smem:$0x3FA7] =	sst s9;
	s0 =	simm.s32 @!p0 $0x0  }
0x12: {  	s1 =	sld [smem:$0x3F8D];
	s0 =	simm.s32 @p0 $0x1  }
0x13: {  	[smem:$0x3FA8] =	sst s0;
	s0 =	simm.s32 @!p1 $0x0  }
0x14: {  	s2 =	sld [smem:$0x3F8C];
	s0 =	simm.s32 @p1 $0x1  }
0x15: {  	[smem:$0x3FA9] =	sst s0;
	s0 =	simm.s32 @!p2 $0x0  }
0x16: {  	s3 =	sld [smem:$0x3FDB];
	s0 =	simm.s32 @p2 $0x1  }
0x17: {  	s4 =	simm.s32 $0x1BF5;
	[smem:$0x3FAB] =	sst s0  }
0x18: {  	s0 =	sld [smem:$0x3F8E];
	_ =	swait.ge [sflag:s4], $0x0  }
0x19: {  	s7 =	sld [smem:$0x3F8F]  }
0x1a: {  	s8 =	sadd.s32 $0xFFFFE003, lr  }
0x1b: {  	s9 =	sadd.s32 $0xFFFFFEF7, lr;
	s5 =	simm.s32 $0xFFFFFFFF;
	p2 =	slt.u32 s8, $0xFFFFF086  }
0x1c: {  	p1 =	slt.u32 s9, $0xF7A;
	s5 =	simm.s32 @!p2 $0x0  }
0x1d: {  	s5 =	simm.s32 @p1 $0x1;
	p0 =	seq.s32 s7, s2  }
0x1e: {  	s7 =	smul.u32 @!p0 $0xF7A, s2;
	p2 =	seq.s32 @!p0 s5, $0x0  }
0x1f: {  	s9 =	smul.u32 $0xF7A, s1;
	s8 =	simm.s32 @!p0 $0x1BF5;
	p2 =	por !p2, p0  }
0x20: {  	[sflag:s8] =	ssyncset.s32 @!p0 $0xFFFFF086;
	s6 =	sadd.s32 @!p0 s3, s7;
	s7 =	simm.s32 @!p0 $0x108  }
0x21: {  	s3 =	sadd.s32 s3, s9;
	s6 =	sadd.s32 @!p0 $0x88, s6;
	s7 =	simm.s32 @p2 $0x1082  }
0x22: {  	[simem:s7], [sflag:s8] =	dma.local @!p0 [hbm:s6], $0xF7A  }
0x23: {  	s9 =	sor.u32 $0xD0000000, s2;
	s6 =	simm.s32 $0x108;
	_ =	swait.ge @!p0 [sflag:s8], $0x0  }
0x24: {  	s3 =	sadd.s32 $0x88, s3;
	s6 =	simm.s32 @!p1 $0x1082;
	[sflag:s4] =	ssyncset.s32 $0xFFFFF086  }
0x25: {  	[simem:s6], [sflag:s4] =	dma.local [hbm:s3], $0xF7A  }
0x26: {  	[smem:$0x3F8F] =	sst s1;
	(tag) =	ssettag s2;
	_ =	strace s9  }
0x27: {  	s1 =	sld [smem:$0x3F9F]  }
0x28: {  	s2 =	sld [smem:$0x3FA0]  }
0x29: {  	s4 =	sld [smem:$0x3FA2]  }
0x2a: {  	p0 =	seq.s32 s5, $0x0;
	s5 =	sld [smem:$0x3FA3]  }
0x2b: {  	s6 =	sld [smem:$0x3FA4]  }
0x2c: {  	s7 =	sld [smem:$0x3FA5]  }
0x2d: {  	s3 =	simm.s32 $0x108;
	s8 =	sld [smem:$0x3FA6]  }
0x2e: {  	s3 =	simm.s32 @!p0 $0x1082;
	s9 =	sld [smem:$0x3FA7]  }
0x2f: {  	lr =	sadd.s32 s0, s3;
	s0 =	sld [smem:$0x3F9E]  }
0x30: {  	s3 =	sld [smem:$0x3FA1]  }
0x31: {  	[smem:$0x3FAA] =	sst s10  }
0x32: {  	s10 =	sld [smem:$0x3FA8];
	_ =	sdelay $0x3  }
0x33: {  	p0 =	seq.s32 s10, $0x1;
	s10 =	sld [smem:$0x3FAA];
	_ =	sdelay $0x3  }
0x34: {  	[smem:$0x3FAA] =	sst s10  }
0x35: {  	s10 =	sld [smem:$0x3FA9];
	_ =	sdelay $0x3  }
0x36: {  	p1 =	seq.s32 s10, $0x1;
	s10 =	sld [smem:$0x3FAA];
	_ =	sdelay $0x3  }
0x37: {  	[smem:$0x3FAA] =	sst s10  }
0x38: {  	s10 =	sld [smem:$0x3FAB]  }
0x39: {  	_ = 	snop;
	(pc) =	sbr.ind lr, $3  }
0x3a: {  	_ = 	snop  }
0x3b: {  	_ = 	snop  }
0x3c: {  	p2 =	seq.s32 s10, $0x1;
	s10 =	sld [smem:$0x3FAA]  }
0x3d: {  	_ =	shalt  }
0x3e: {  	_ =	shalt  }
0x3f: {  	_ =	shalt  }
0x40: {  	_ =	shalt  }
0x41: {  	_ =	shalt  }
0x42: {  	_ =	shalt  }
0x43: {  	_ =	shalt  }
0x44: {  	_ =	shalt  }
0x45: {  	_ =	shalt  }
0x46: {  	_ =	shalt  }
0x47: {  	_ =	shalt  }
0x48: {  	_ =	shalt  }
0x49: {  	_ =	shalt  }
0x4a: {  	_ =	shalt  }
0x4b: {  	_ =	shalt  }
0x4c: {  	_ =	shalt  }
0x4d: {  	_ =	shalt  }
0x4e: {  	_ =	shalt  }
0x4f: {  	_ =	shalt  }
0x50: {  	_ =	shalt  }
0x51: {  	_ =	shalt  }
0x52: {  	_ =	shalt  }
0x53: {  	_ =	shalt  }
0x54: {  	_ =	shalt  }
0x55: {  	_ =	shalt  }
0x56: {  	_ =	shalt  }
0x57: {  	_ =	shalt  }
0x58: {  	_ =	shalt  }
0x59: {  	_ =	shalt  }
0x5a: {  	_ =	shalt  }
0x5b: {  	_ =	shalt  }
0x5c: {  	_ =	shalt  }
0x5d: {  	_ =	shalt  }
0x5e: {  	_ =	shalt  }
0x5f: {  	_ =	shalt  }
0x60: {  	_ =	shalt  }
0x61: {  	_ =	shalt  }
0x62: {  	_ =	shalt  }
0x63: {  	_ =	shalt  }
0x64: {  	_ =	shalt  }
0x65: {  	_ =	shalt  }
0x66: {  	_ =	shalt  }
0x67: {  	_ =	shalt  }
0x68: {  	_ =	shalt  }
0x69: {  	_ =	shalt  }
0x6a: {  	_ =	shalt  }
0x6b: {  	_ =	shalt  }
0x6c: {  	_ =	shalt  }
0x6d: {  	_ =	shalt  }
0x6e: {  	_ =	shalt  }
0x6f: {  	_ =	shalt  }
0x70: {  	_ =	shalt  }
0x71: {  	_ =	shalt  }
0x72: {  	_ =	shalt  }
0x73: {  	_ =	shalt  }
0x74: {  	_ =	shalt  }
0x75: {  	_ =	shalt  }
0x76: {  	_ =	shalt  }
0x77: {  	_ =	shalt  }
0x78: {  	_ =	shalt  }
0x79: {  	_ =	shalt  }
0x7a: {  	_ =	shalt  }
0x7b: {  	_ =	shalt  }
0x7c: {  	_ =	shalt  }
0x7d: {  	_ =	shalt  }
0x7e: {  	_ =	shalt  }
0x7f: {  	_ =	shalt  }
0x80: {  	_ =	shalt  }
0x81: {  	_ =	shalt  }
0x82: {  	_ =	shalt  }
0x83: {  	_ =	shalt  }
0x84: {  	_ =	shalt  }
0x85: {  	_ =	shalt  }
0x86: {  	_ =	shalt  }
0x87: {  	_ =	shalt  }
.Lfunc_end0:
.L_simem_size_0:
called_computation_lowered:
.L_overlay_start_0:
0x88: {  	s2 =	sld [smem:$0x3FD9]  }
0x89: {  	s3 =	sld [smem:$0x3FFE];
	_ =	sdelay $0x1  }
0x8a: {  	s1 =	srdreg.scid  }
0x8b: {  	s0 =	sand.u32 $0x1, s1  }
0x8c: {  	s16 =	sshll.u32 s0, $0xA;
	s2 =	sadd.s32 s3, s2  }
0x8d: {  	s2 =	sadd.s32 s2, s16  }
0x8e: {  	[smem:$0x3FB6] =	sst s2  }
0x8f: {  	_ = 	snop  }
0x90: {  	(tm) =	ssettm $0x1  }
0x91: {  	s17 =	sld [smem:$0x3FFB];
	_ =	sdelay $0x3  }
0x92: {  	_ =	strace s17  }
0x93: {  	s2 =	sld [smem:$0x3FFC];
	_ =	sdelay $0x3  }
0x94: {  	_ =	strace s2  }
0x95: {  	s2 =	sld [smem:$0x3FFD];
	_ =	sdelay $0x3  }
0x96: {  	_ =	strace s2  }
0x97: {  	_ =	strace $0x8FFFFFFF  }
0x98: {  	s18 =	sld [smem:$0x3FDB];
	_ =	sdelay $0x1  }
0x99: {  	s19 =	simm.s32 $_scs_section_size  }
0x9a: {  	s4 =	simm.s32 $_size__tile_overlayer_lowered;
	s5 =	simm.s32 $_tile_overlayer_lowered  }
0x9b: {  	s22 =	simm.s32 $0x1BFF;
	s21 =	sshll.u32 s5, $0x1;
	s2 =	sadd.s32 s19, s18  }
0x9c: {  	s6 =	simm.s32 $0x0;
	s20 =	sshll.u32 s4, $0x1;
	s4 =	sadd.s32 s21, s2  }
0x9d: {  	[timem:s6], [sflag:s22] =	dma.local [hbm:s4], s20  }
0x9e: {  	_ =	swait.ge [sflag:s22], s20  }
0x9f: {  	s3 =	ssub.s32 $0x0, s20;
	[sflag:s22] =	ssyncset.done $0x0  }
0xa0: {  	[sflag:s22] =	ssyncadd.s32 s3;
	_ =	sdelay $0x1  }
0xa1: {  	s23 =	simm.s32 $0x1B8B  }
0xa2: {  	_ =	swait.ge [sflag:s23], $0x1  }
0xa3: {  	[sflag:s23] =	ssyncset.done $0x0  }
0xa4: {  	s25 =	simm.s32 $0x1B8E;
	s24 =	sld [smem:$0x3FFE];
	[sflag:s23] =	ssyncadd.s32 $0xFFFFFFFF  }
0xa5: {  	s26 =	simm.s32 $execute0_lowered;
	[smem:$0x3FD2] =	sst s25  }
0xa6: {  	s4 =	sshll.u32 s26, $0x1;
	_ =	strace $0x80000046;
	[dreg:$0x1] =	wrdreg $0xFFFFFFFF  }
0xa7: {  	s28 =	simm.s32 $_size_execute0_lowered;
	s2 =	sadd.s32 s2, s4;
	[dreg:$0x0] =	wrdreg $0x0  }
0xa8: {  	s4 =	sshll.u32 s28, $0x1;
	[dreg:$0x2] =	wrdreg s2  }
0xa9: {  	[dreg:$0x3] =	wrdreg s4  }
0xaa: {  	[dreg:$0x4] =	wrdreg $0xC0  }
0xab: {  	_ =	task [dreg:s6], $0x5FFFF  }
0xac: {  	[dreg:$0x1] =	wrdreg $0xFFFFFFFF  }
0xad: {  	[dreg:$0x0] =	wrdreg $0x60  }
0xae: {  	[dreg:$0x2] =	wrdreg s24  }
0xaf: {  	[dreg:$0x3] =	wrdreg $0x5500  }
0xb0: {  	[dreg:$0x4] =	wrdreg $0x9  }
0xb1: {  	_ =	task.clear_ibuf [dreg:s6], $0x5FFFF;
	_ =	strace $0x90000046  }
0xb2: {  	s29 =	simm.s32 $0x9;
	_ =	strace $0x80000048  }
0xb3: {  	_ =	swait.ge [sflag:s29], $0x1  }
0xb4: {  	[sflag:s29] =	ssyncadd.s32 $0xFFFFFFFF  }
0xb5: {  	_ =	strace $0x90000048  }
0xb6: {  	_ =	sfence  }
0xb7: {  	s30 =	sld [smem:$0x0];
	_ =	sdelay $0x2  }
0xb8: {  	s31 =	sshll.u32 s1, $0xD;
	s1 =	sshrl.u32 s1, $0x2  }
0xb9: {  	s3 =	sand.u32 $0x4000, s31;
	s1 =	sadd.s32 s1, s30  }
0xba: {  	s0 =	sor.u32 s3, s0;
	s1 =	sshll.u32 s1, $0x11  }
0xbb: {  	s0 =	sor.u32 s1, s0  }
0xbc: {  	s0 =	sadd.s32 $0x8F2B, s0  }
0xbd: {  	[sflag:s0] =	ssyncadd.remote.s32 $0x1  }
0xbe: {  	_ =	sfence.sel $0xFFFF  }
0xbf: {  	[dreg:$0x0] =	wrdreg $0xFFFFFFFF;
	(pc) =	sbr.abs _section_cstart, $3  }
0xc0: {  	[dreg:$0x1] =	wrdreg $0xFFFFFFFF  }
0xc1: {  	_ =	task.clear_ibuf [dreg:s6], $0x2FFFF;
	_ =	strace $0x9FFFFFFF  }
0xc2: {  	(tm) =	ssettm $0x7FFFFFFF  }
0xc3: {  	_ =	shalt  }
tec
execute0_lowered:
.L_overlay_start_1:
0x0: {  	(tag) =	ssettag $0x1  }
0x1: {  	s0 =	srdreg.scid  }
0x2: {  	s5 =	rddreg [dreg:$0x0];
	s6 =	sand.u32 $0x1, s0  }
0x3: {  	s0 =	stileid.u32;
	s4 =	smul.u32 $0x27100, s6  }
0x4: {  	s2 =	rddreg [dreg:$0x1];
	s7 =	smul.u32 $0x2710, s0  }
0x5: {  	s1 =	rddreg [dreg:$0x2];
	s8 =	smul.u32 $0x2800, s0  }
0x6: {  	s3 =	simm.s32 $0x0;
	s13 =	simm.s32 $0x0;
	s26 =	smul.u32 $0x500, s0  }
0x7: {  	[smem:$0x7FF] =	sst s3;
	s9 =	smul.u32 $0x5000, s6;
	s6 =	ssub.s32 $0x2, s6  }
0x8: {  	_ =	strace $0x80000047;
	s31 =	sshll.u32 s0, $0x6;
	s29 =	sshrl.u32 s6, $0x1  }
0x9: {  	s4 =	sadd.s32 s7, s4;
	s11 =	sshrl.u32 s8, $0x3;
	s7 =	sadd.s32 s26, s9  }
0xa: {  	s30 =	ssub.s32 s6, s29;
	s12 =	sadd.s32 s8, s2;
	s9 =	simm.s32 $0x50  }
0xb: {  	s4 =	sshrl.u32 s4, $0x3;
	s28 =	sadd.s32 s11, s5;
	s7 =	sadd.s32 s7, s5  }
0xc: {  	s11 =	sor.u32 $0x1C01, s31;
	s12 =	sshrl.u32 s12, $0x3;
	s10 =	sadd.s32 s4, s5  }
0xd: {  	s4 =	sadd.s32 $0x13200, s5;
	s5 =	sadd.s32 $0xE200, s28;
	s6 =	sadd.s32 $0x13400, s7  }
0xe: {  	s7 =	smax.u32 s30, $0x1;
	s8 =	sadd.s32 $0x4400, s10;
	s10 =	simm.s32 $0x1  }
.LBB2_1:
0xf: {  	[tilespmem:s9], [sflag:$0x1] =	stream.linear.gather [hbm4b:s4+s3], $0x500, $0x38;
	[tilespmem:$0x2D50] =	vst v63  }
0x10: {  	_ =	swait.ge [sflag:s10], $0x500  }
0x11: {  	[sflag:s10] =	ssyncset.done $0x0  }
0x12: {  	[sflag:s10] =	ssyncadd.s32 $0xFFFFFB00  }
0x13: {  	[spmem:s12], [sflag:s11] =	dma.local [hbm:s5], $0x500  }
0x14: {  	_ =	swait.ge [sflag:s10], $0x500  }
0x15: {  	[sflag:s10] =	ssyncset.done $0x0  }
0x16: {  	[sflag:s10] =	ssyncadd.s32 $0xFFFFFB00  }
0x17: {  	s14 =	sadd.s32 $0x0, s8;
	[bflag:$0x0] =	sbarrier.arrive $0xFFFF  }
0x18: {  	[tilespmem:s3], [sflag:$0x1] =	stream.linear.gather [hbm4b:s14+s3], $0x50, $0x38;
	[tilespmem:$0x2D50] =	vst v63  }
0x19: {  	_ =	swait.ge [sflag:s10], $0x50  }
0x1a: {  	[sflag:s10] =	ssyncset.done $0x0  }
0x1b: {  	[sflag:s10] =	ssyncadd.s32 $0xFFFFFFB0  }
0x1c: {  	[spmem:s2] =	stream.indirect.scatter.add.f32 [tilespmem:s9], [sflag:$0x1], $0x10, s3, s9, $0xb8;
	[tilespmem:$0x2D50] =	vst v63  }
0x1d: {  	_ =	swait.ge [sflag:s10], $0x500  }
0x1e: {  	s15 =	simm.s32 $0x14;
	s14 =	simm.s32 $0xA;
	[sflag:s10] =	ssyncset.done $0x0  }
.LBB2_2:
0x1f: {  	s16 =	sadd.s32 s14, s8  }
0x20: {  	[sflag:s10] =	ssyncadd.s32 $0xFFFFFB00;
	s14 =	smov.u32 s15;
	s17 =	sadd.s32 $0xA, s15  }
0x21: {  	[tilespmem:s3], [sflag:$0x1] =	stream.linear.gather [hbm4b:s16+s3], $0x50, $0x38;
	[tilespmem:$0x2D50] =	vst v63  }
0x22: {  	p0 =	sne.s32 s15, $0x4D8;
	_ =	swait.ge [sflag:s10], $0x50  }
.Ltmp0:
0x23: {  	[sflag:s10] =	ssyncset.done $0x0;
	(pc) =	sbr.rel @p0 .LBB2_2-.Ltmp0, $4  }
0x24: {  	[sflag:s10] =	ssyncadd.s32 $0xFFFFFFB0  }
0x25: {  	[spmem:s2] =	stream.indirect.scatter.add.f32 [tilespmem:s9], [sflag:$0x1], $0x10, s3, s9, $0xb8;
	[tilespmem:$0x2D50] =	vst v63  }
0x26: {  	_ =	swait.ge [sflag:s10], $0x500  }
0x27: {  	s15 =	smov.u32 s17;
	[sflag:s10] =	ssyncset.done $0x0  }
0x28: {  	s14 =	sadd.s32 s14, s8;
	[sflag:s10] =	ssyncadd.s32 $0xFFFFFB00  }
0x29: {  	[tilespmem:s3], [sflag:$0x1] =	stream.linear.gather [hbm4b:s14+s3], $0x50, $0x38;
	[tilespmem:$0x2D50] =	vst v63  }
0x2a: {  	_ =	swait.ge [sflag:s10], $0x50  }
0x2b: {  	[sflag:s10] =	ssyncset.done $0x0  }
0x2c: {  	[sflag:s10] =	ssyncadd.s32 $0xFFFFFFB0  }
0x2d: {  	[spmem:s2] =	stream.indirect.scatter.add.f32 [tilespmem:s9], [sflag:$0x1], $0x10, s3, s9, $0xb8;
	[tilespmem:$0x2D50] =	vst v63  }
0x2e: {  	_ =	swait.ge [sflag:s10], $0x500  }
0x2f: {  	s13 =	sadd.s32 $0x1, s13;
	[sflag:s10] =	ssyncset.done $0x0  }
0x30: {  	p0 =	sne.s32 s13, s7;
	[sflag:s10] =	ssyncadd.s32 $0xFFFFFB00  }
.Ltmp1:
0x31: {  	[bflag:$0x0] =	sbarrier.arrive $0xFFFF;
	(pc) =	sbr.rel @p0 .LBB2_1-.Ltmp1, $4  }
0x32: {  	[hbm:s6], [sflag:s11] =	dma.local [spmem:s12], $0x500  }
0x33: {  	_ =	swait.ge [sflag:s10], $0x500  }
0x34: {  	[sflag:s10] =	ssyncset.done $0x0  }
0x35: {  	[sflag:s10] =	ssyncadd.s32 $0xFFFFFB00  }
0x36: {  	_ =	sfence.sel $0x180000  }
0x37: {  	[bflag:$0x0] =	sbarrier.arrive $0xFFFF  }
0x38: {  	p0 =	sne.s32 s0, $0x0;
	_ =	strace $0x90000047  }
0x39: {  	s0 =	sadd.s32 @!p0 $0x100000, s1;
	[bflag:$0x2] =	sbarrier.arrive $0xFFFF  }
0x3a: {  	[sflag:s0] =	ssyncadd.tile.s32 @!p0 $0x1;
	_ =	shalt  }
.Lfunc_end2:
_tile_overlayer_lowered:
.L_overlay_start_2:
0x3b: {  	(tag) =	ssettag $0x2  }
0x3c: {  	s0 =	rddreg [dreg:$0x0];
	s2 =	stileid.u32  }
0x3d: {  	s1 =	rddreg [dreg:$0x1];
	p0 =	sne.s32 s2, $0x0  }
0x3e: {  	s3 =	rddreg [dreg:$0x2];
	[bflag:$0x3] =	sbarrier.arrive $0xFFFF;
	s2 =	simm.s32 @!p0 $0x1C01  }
0x3f: {  	[timem:s3], [sflag:s2] =	dma.local @!p0 [hbm:s0], s1  }
0x40: {  	s0 =	simm.s32 @!p0 $0x1  }
0x41: {  	_ =	swait.ge @!p0 [sflag:s0], s1  }
0x42: {  	s1 =	ssub.s32 @!p0 $0x0, s1;
	[sflag:s0] =	ssyncset.done @!p0 $0x0  }
0x43: {  	[sflag:s0] =	ssyncadd.s32 @!p0 s1  }
0x44: {  	[bflag:$0x3] =	sbarrier.arrive $0xFFFF  }
0x45: {  	_ =	shalt  }

// kernel: sc_edge1.3.cloned.1.call-start
scs
__scs_entry_jumppad:
0x0: {  	(pc) =	sbr.rel $0x88, $3  }
0x1: {  	(tag) =	ssettag $0x0;
	lr =	simm.s32 $0x1  }
0x2: {  	[smem:$0x3F8F] =	sst lr;
	_ =	strace $0xD0000000  }
0x3: {  	_ = 	snop  }
0x4: {  	_ = 	snop  }
0x5: {  	_ = 	snop  }
0x6: {  	_ = 	snop  }
0x7: {  	_ = 	snop  }
__scs_overlays_trampoline_lowered:
0x8: {  	[smem:$0x3F9E] =	sst s0  }
0x9: {  	[smem:$0x3F9F] =	sst s1  }
0xa: {  	[smem:$0x3FA0] =	sst s2  }
0xb: {  	[smem:$0x3FA1] =	sst s3  }
0xc: {  	[smem:$0x3FA2] =	sst s4  }
0xd: {  	[smem:$0x3FA3] =	sst s5  }
0xe: {  	[smem:$0x3FA4] =	sst s6  }
0xf: {  	[smem:$0x3FA5] =	sst s7  }
0x10: {  	[smem:$0x3FA6] =	sst s8  }
0x11: {  	[smem:$0x3FA7] =	sst s9;
	s0 =	simm.s32 @!p0 $0x0  }
0x12: {  	s1 =	sld [smem:$0x3F8D];
	s0 =	simm.s32 @p0 $0x1  }
0x13: {  	[smem:$0x3FA8] =	sst s0;
	s0 =	simm.s32 @!p1 $0x0  }
0x14: {  	s2 =	sld [smem:$0x3F8C];
	s0 =	simm.s32 @p1 $0x1  }
0x15: {  	[smem:$0x3FA9] =	sst s0;
	s0 =	simm.s32 @!p2 $0x0  }
0x16: {  	s3 =	sld [smem:$0x3FDB];
	s0 =	simm.s32 @p2 $0x1  }
0x17: {  	s4 =	simm.s32 $0x1BF5;
	[smem:$0x3FAB] =	sst s0  }
0x18: {  	s0 =	sld [smem:$0x3F8E];
	_ =	swait.ge [sflag:s4], $0x0  }
0x19: {  	s7 =	sld [smem:$0x3F8F]  }
0x1a: {  	s8 =	sadd.s32 $0xFFFFE003, lr  }
0x1b: {  	s9 =	sadd.s32 $0xFFFFFEF7, lr;
	s5 =	simm.s32 $0xFFFFFFFF;
	p2 =	slt.u32 s8, $0xFFFFF086  }
0x1c: {  	p1 =	slt.u32 s9, $0xF7A;
	s5 =	simm.s32 @!p2 $0x0  }
0x1d: {  	s5 =	simm.s32 @p1 $0x1;
	p0 =	seq.s32 s7, s2  }
0x1e: {  	s7 =	smul.u32 @!p0 $0xF7A, s2;
	p2 =	seq.s32 @!p0 s5, $0x0  }
0x1f: {  	s9 =	smul.u32 $0xF7A, s1;
	s8 =	simm.s32 @!p0 $0x1BF5;
	p2 =	por !p2, p0  }
0x20: {  	[sflag:s8] =	ssyncset.s32 @!p0 $0xFFFFF086;
	s6 =	sadd.s32 @!p0 s3, s7;
	s7 =	simm.s32 @!p0 $0x108  }
0x21: {  	s3 =	sadd.s32 s3, s9;
	s6 =	sadd.s32 @!p0 $0x88, s6;
	s7 =	simm.s32 @p2 $0x1082  }
0x22: {  	[simem:s7], [sflag:s8] =	dma.local @!p0 [hbm:s6], $0xF7A  }
0x23: {  	s9 =	sor.u32 $0xD0000000, s2;
	s6 =	simm.s32 $0x108;
	_ =	swait.ge @!p0 [sflag:s8], $0x0  }
0x24: {  	s3 =	sadd.s32 $0x88, s3;
	s6 =	simm.s32 @!p1 $0x1082;
	[sflag:s4] =	ssyncset.s32 $0xFFFFF086  }
0x25: {  	[simem:s6], [sflag:s4] =	dma.local [hbm:s3], $0xF7A  }
0x26: {  	[smem:$0x3F8F] =	sst s1;
	(tag) =	ssettag s2;
	_ =	strace s9  }
0x27: {  	s1 =	sld [smem:$0x3F9F]  }
0x28: {  	s2 =	sld [smem:$0x3FA0]  }
0x29: {  	s4 =	sld [smem:$0x3FA2]  }
0x2a: {  	p0 =	seq.s32 s5, $0x0;
	s5 =	sld [smem:$0x3FA3]  }
0x2b: {  	s6 =	sld [smem:$0x3FA4]  }
0x2c: {  	s7 =	sld [smem:$0x3FA5]  }
0x2d: {  	s3 =	simm.s32 $0x108;
	s8 =	sld [smem:$0x3FA6]  }
0x2e: {  	s3 =	simm.s32 @!p0 $0x1082;
	s9 =	sld [smem:$0x3FA7]  }
0x2f: {  	lr =	sadd.s32 s0, s3;
	s0 =	sld [smem:$0x3F9E]  }
0x30: {  	s3 =	sld [smem:$0x3FA1]  }
0x31: {  	[smem:$0x3FAA] =	sst s10  }
0x32: {  	s10 =	sld [smem:$0x3FA8];
	_ =	sdelay $0x3  }
0x33: {  	p0 =	seq.s32 s10, $0x1;
	s10 =	sld [smem:$0x3FAA];
	_ =	sdelay $0x3  }
0x34: {  	[smem:$0x3FAA] =	sst s10  }
0x35: {  	s10 =	sld [smem:$0x3FA9];
	_ =	sdelay $0x3  }
0x36: {  	p1 =	seq.s32 s10, $0x1;
	s10 =	sld [smem:$0x3FAA];
	_ =	sdelay $0x3  }
0x37: {  	[smem:$0x3FAA] =	sst s10  }
0x38: {  	s10 =	sld [smem:$0x3FAB]  }
0x39: {  	_ = 	snop;
	(pc) =	sbr.ind lr, $3  }
0x3a: {  	_ = 	snop  }
0x3b: {  	_ = 	snop  }
0x3c: {  	p2 =	seq.s32 s10, $0x1;
	s10 =	sld [smem:$0x3FAA]  }
0x3d: {  	_ =	shalt  }
0x3e: {  	_ =	shalt  }
0x3f: {  	_ =	shalt  }
0x40: {  	_ =	shalt  }
0x41: {  	_ =	shalt  }
0x42: {  	_ =	shalt  }
0x43: {  	_ =	shalt  }
0x44: {  	_ =	shalt  }
0x45: {  	_ =	shalt  }
0x46: {  	_ =	shalt  }
0x47: {  	_ =	shalt  }
0x48: {  	_ =	shalt  }
0x49: {  	_ =	shalt  }
0x4a: {  	_ =	shalt  }
0x4b: {  	_ =	shalt  }
0x4c: {  	_ =	shalt  }
0x4d: {  	_ =	shalt  }
0x4e: {  	_ =	shalt  }
0x4f: {  	_ =	shalt  }
0x50: {  	_ =	shalt  }
0x51: {  	_ =	shalt  }
0x52: {  	_ =	shalt  }
0x53: {  	_ =	shalt  }
0x54: {  	_ =	shalt  }
0x55: {  	_ =	shalt  }
0x56: {  	_ =	shalt  }
0x57: {  	_ =	shalt  }
0x58: {  	_ =	shalt  }
0x59: {  	_ =	shalt  }
0x5a: {  	_ =	shalt  }
0x5b: {  	_ =	shalt  }
0x5c: {  	_ =	shalt  }
0x5d: {  	_ =	shalt  }
0x5e: {  	_ =	shalt  }
0x5f: {  	_ =	shalt  }
0x60: {  	_ =	shalt  }
0x61: {  	_ =	shalt  }
0x62: {  	_ =	shalt  }
0x63: {  	_ =	shalt  }
0x64: {  	_ =	shalt  }
0x65: {  	_ =	shalt  }
0x66: {  	_ =	shalt  }
0x67: {  	_ =	shalt  }
0x68: {  	_ =	shalt  }
0x69: {  	_ =	shalt  }
0x6a: {  	_ =	shalt  }
0x6b: {  	_ =	shalt  }
0x6c: {  	_ =	shalt  }
0x6d: {  	_ =	shalt  }
0x6e: {  	_ =	shalt  }
0x6f: {  	_ =	shalt  }
0x70: {  	_ =	shalt  }
0x71: {  	_ =	shalt  }
0x72: {  	_ =	shalt  }
0x73: {  	_ =	shalt  }
0x74: {  	_ =	shalt  }
0x75: {  	_ =	shalt  }
0x76: {  	_ =	shalt  }
0x77: {  	_ =	shalt  }
0x78: {  	_ =	shalt  }
0x79: {  	_ =	shalt  }
0x7a: {  	_ =	shalt  }
0x7b: {  	_ =	shalt  }
0x7c: {  	_ =	shalt  }
0x7d: {  	_ =	shalt  }
0x7e: {  	_ =	shalt  }
0x7f: {  	_ =	shalt  }
0x80: {  	_ =	shalt  }
0x81: {  	_ =	shalt  }
0x82: {  	_ =	shalt  }
0x83: {  	_ =	shalt  }
0x84: {  	_ =	shalt  }
0x85: {  	_ =	shalt  }
0x86: {  	_ =	shalt  }
0x87: {  	_ =	shalt  }
.Lfunc_end0:
.L_simem_size_0:
called_computation.1_lowered:
.L_overlay_start_0:
0x88: {  	s2 =	sld [smem:$0x3FD9]  }
0x89: {  	s3 =	sld [smem:$0x3FFE];
	_ =	sdelay $0x1  }
0x8a: {  	s1 =	srdreg.scid  }
0x8b: {  	s0 =	sand.u32 $0x1, s1  }
0x8c: {  	s16 =	sshll.u32 s0, $0xA;
	s2 =	sadd.s32 s3, s2  }
0x8d: {  	s2 =	sadd.s32 s2, s16  }
0x8e: {  	[smem:$0x3FB6] =	sst s2  }
0x8f: {  	_ = 	snop  }
0x90: {  	(tm) =	ssettm $0x1  }
0x91: {  	s17 =	sld [smem:$0x3FFB];
	_ =	sdelay $0x3  }
0x92: {  	_ =	strace s17  }
0x93: {  	s2 =	sld [smem:$0x3FFC];
	_ =	sdelay $0x3  }
0x94: {  	_ =	strace s2  }
0x95: {  	s2 =	sld [smem:$0x3FFD];
	_ =	sdelay $0x3  }
0x96: {  	_ =	strace s2  }
0x97: {  	_ =	strace $0x8FFFFFFF  }
0x98: {  	s18 =	sld [smem:$0x3FDB];
	_ =	sdelay $0x1  }
0x99: {  	s19 =	simm.s32 $_scs_section_size  }
0x9a: {  	s4 =	simm.s32 $_size__tile_overlayer_lowered;
	s5 =	simm.s32 $_tile_overlayer_lowered  }
0x9b: {  	s22 =	simm.s32 $0x1BFF;
	s21 =	sshll.u32 s5, $0x1;
	s2 =	sadd.s32 s19, s18  }
0x9c: {  	s6 =	simm.s32 $0x0;
	s20 =	sshll.u32 s4, $0x1;
	s4 =	sadd.s32 s21, s2  }
0x9d: {  	[timem:s6], [sflag:s22] =	dma.local [hbm:s4], s20  }
0x9e: {  	_ =	swait.ge [sflag:s22], s20  }
0x9f: {  	s3 =	ssub.s32 $0x0, s20;
	[sflag:s22] =	ssyncset.done $0x0  }
0xa0: {  	[sflag:s22] =	ssyncadd.s32 s3;
	_ =	sdelay $0x1  }
0xa1: {  	s23 =	simm.s32 $0x1B8B  }
0xa2: {  	_ =	swait.ge [sflag:s23], $0x1  }
0xa3: {  	[sflag:s23] =	ssyncset.done $0x0  }
0xa4: {  	s25 =	simm.s32 $0x1B8E;
	s24 =	sld [smem:$0x3FFE];
	[sflag:s23] =	ssyncadd.s32 $0xFFFFFFFF  }
0xa5: {  	s26 =	simm.s32 $execute0_lowered;
	[smem:$0x3FD2] =	sst s25  }
0xa6: {  	s4 =	sshll.u32 s26, $0x1;
	_ =	strace $0x80000049;
	[dreg:$0x1] =	wrdreg $0xFFFFFFFF  }
0xa7: {  	s28 =	simm.s32 $_size_execute0_lowered;
	s2 =	sadd.s32 s2, s4;
	[dreg:$0x0] =	wrdreg $0x0  }
0xa8: {  	s4 =	sshll.u32 s28, $0x1;
	[dreg:$0x2] =	wrdreg s2  }
0xa9: {  	[dreg:$0x3] =	wrdreg s4  }
0xaa: {  	[dreg:$0x4] =	wrdreg $0xC0  }
0xab: {  	_ =	task [dreg:s6], $0x5FFFF  }
0xac: {  	[dreg:$0x1] =	wrdreg $0xFFFFFFFF  }
0xad: {  	[dreg:$0x0] =	wrdreg $0x60  }
0xae: {  	[dreg:$0x2] =	wrdreg s24  }
0xaf: {  	[dreg:$0x3] =	wrdreg $0x90000  }
0xb0: {  	[dreg:$0x4] =	wrdreg $0x9  }
0xb1: {  	_ =	task.clear_ibuf [dreg:s6], $0x5FFFF;
	_ =	strace $0x90000049  }
0xb2: {  	s29 =	simm.s32 $0x9;
	_ =	strace $0x8000004B  }
0xb3: {  	_ =	swait.ge [sflag:s29], $0x1  }
0xb4: {  	[sflag:s29] =	ssyncadd.s32 $0xFFFFFFFF  }
0xb5: {  	_ =	strace $0x9000004B  }
0xb6: {  	_ =	sfence  }
0xb7: {  	s30 =	sld [smem:$0x0];
	_ =	sdelay $0x2  }
0xb8: {  	s31 =	sshll.u32 s1, $0xD;
	s1 =	sshrl.u32 s1, $0x2  }
0xb9: {  	s3 =	sand.u32 $0x4000, s31;
	s1 =	sadd.s32 s1, s30  }
0xba: {  	s0 =	sor.u32 s3, s0;
	s1 =	sshll.u32 s1, $0x11  }
0xbb: {  	s0 =	sor.u32 s1, s0  }
0xbc: {  	s0 =	sadd.s32 $0x8F2B, s0  }
0xbd: {  	[sflag:s0] =	ssyncadd.remote.s32 $0x1  }
0xbe: {  	_ =	sfence.sel $0xFFFF  }
0xbf: {  	[dreg:$0x0] =	wrdreg $0xFFFFFFFF;
	(pc) =	sbr.abs _section_cstart, $3  }
0xc0: {  	[dreg:$0x1] =	wrdreg $0xFFFFFFFF  }
0xc1: {  	_ =	task.clear_ibuf [dreg:s6], $0x2FFFF;
	_ =	strace $0x9FFFFFFF  }
0xc2: {  	(tm) =	ssettm $0x7FFFFFFF  }
0xc3: {  	_ =	shalt  }
tec
execute0_lowered:
.L_overlay_start_1:
0x0: {  	(tag) =	ssettag $0x1  }
0x1: {  	s0 =	srdreg.scid  }
0x2: {  	s10 =	stileid.u32;
	s1 =	rddreg [dreg:$0x0]  }
0x3: {  	s2 =	rddreg [dreg:$0x1];
	s3 =	simm.s32 $0x0;
	s12 =	simm.s32 $0x100  }
0x4: {  	s14 =	simm.s32 $0x880;
	s15 =	simm.s32 $0x180;
	s16 =	simm.s32 $0x900  }
0x5: {  	s17 =	simm.s32 $0x200;
	s18 =	simm.s32 $0x980;
	[smem:$0x7FF] =	sst s3  }
0x6: {  	s19 =	simm.s32 $0x280;
	_ =	strace $0x8000004A;
	[dreg:$0x5] =	wrdreg s12  }
0x7: {  	s20 =	simm.s32 $0xA00;
	s21 =	simm.s32 $0x300;
	[dreg:$0x6] =	wrdreg s14  }
0x8: {  	s22 =	simm.s32 $0xA80;
	s23 =	simm.s32 $0x380;
	[dreg:$0x7] =	wrdreg s15  }
0x9: {  	s24 =	simm.s32 $0xB00;
	s25 =	simm.s32 $0x400;
	[dreg:$0x8] =	wrdreg s16  }
0xa: {  	s28 =	simm.s32 $0x680;
	s29 =	simm.s32 $0xE00;
	[dreg:$0x9] =	wrdreg s17  }
0xb: {  	s30 =	simm.s32 $0x700;
	s31 =	simm.s32 $0xE80;
	[dreg:$0xa] =	wrdreg s18  }
0xc: {  	s0 =	sand.u32 $0x1, s0;
	s4 =	smul.u32 $0x2800, s10;
	[dreg:$0xb] =	wrdreg s19  }
0xd: {  	s6 =	smul.u32 $0x14000, s10;
	s13 =	sshll.u32 s10, $0x6;
	[dreg:$0xc] =	wrdreg s20  }
0xe: {  	s10 =	simm.s32 $0x5;
	s5 =	smul.u32 $0x28000, s0;
	[dreg:$0xd] =	wrdreg s21  }
0xf: {  	s0 =	ssub.s32 $0x2, s0;
	s12 =	simm.s32 $0x80;
	[dreg:$0xe] =	wrdreg s22  }
0x10: {  	s14 =	simm.s32 $0x5000;
	s15 =	simm.s32 $0x1;
	[dreg:$0xf] =	wrdreg s23  }
0x11: {  	s16 =	simm.s32 $0x3;
	[dreg:$0x10] =	wrdreg s24;
	s17 =	simm.s32 $0x2  }
0x12: {  	[dreg:$0x11] =	wrdreg s25;
	s18 =	simm.s32 $0x4;
	s19 =	simm.s32 $0x480  }
0x13: {  	s20 =	simm.s32 $0xC00;
	s21 =	simm.s32 $0x500;
	s22 =	simm.s32 $0xC80  }
0x14: {  	s23 =	simm.s32 $0x580;
	s24 =	simm.s32 $0xD00;
	s25 =	simm.s32 $0x600  }
0x15: {  	s8 =	sshrl.u32 s6, $0x3;
	s9 =	sshrl.u32 s0, $0x1;
	s6 =	sadd.s32 s6, s2  }
0x16: {  	s5 =	sadd.s32 s4, s5;
	s8 =	sadd.s32 s8, s1;
	s0 =	ssub.s32 s0, s9  }
0x17: {  	s4 =	sshrl.u32 s5, $0x3;
	s11 =	sadd.s32 $0xA9400, s8;
	s0 =	smax.u32 s0, $0x1  }
0x18: {  	s8 =	sshrl.u32 s6, $0x3;
	s7 =	sadd.s32 s4, s1;
	[dreg:$0x13] =	wrdreg s11  }
0x19: {  	s4 =	sadd.s32 $0x81400, s1;
	s1 =	sadd.s32 s5, s1;
	[dreg:$0x16] =	wrdreg s0  }
0x1a: {  	s11 =	simm.s32 $0x800;
	[dreg:$0x17] =	wrdreg s8;
	s26 =	sadd.s32 $0x1D400, s7  }
0x1b: {  	s0 =	simm.s32 $0xF00;
	s9 =	sadd.s32 $0x27400, s7;
	[dreg:$0x3] =	wrdreg s26  }
0x1c: {  	s5 =	simm.s32 $0xF80;
	s1 =	sadd.s32 $0xD1400, s1;
	[dreg:$0x4] =	wrdreg s9  }
0x1d: {  	s7 =	sor.u32 $0x1C05, s13;
	s13 =	simm.s32 $0x1000;
	[dreg:$0x15] =	wrdreg s1  }
0x1e: {  	s26 =	simm.s32 $0xB80;
	s1 =	simm.s32 $0x780;
	[dreg:$0x14] =	wrdreg s7  }
0x1f: {  	s9 =	simm.s32 $0x0;
	[dreg:$0x12] =	wrdreg s26;
	s26 =	simm.s32 $0xD80  }
.LBB2_1:
0x20: {  	[dreg:$0x18] =	wrdreg s9  }
0x21: {  	s6 =	rddreg [dreg:$0x13]  }
0x22: {  	[spmem:s8], [sflag:s7] =	dma.local [hbm:s6], $0x2800  }
0x23: {  	_ =	swait.ge [sflag:s10], $0x2800  }
0x24: {  	[sflag:s10] =	ssyncset.done $0x0  }
0x25: {  	[sflag:s10] =	ssyncadd.s32 $0xFFFFD800  }
0x26: {  	[bflag:$0x0] =	sbarrier.arrive $0xFFFF  }
0x27: {  	s9 =	rddreg [dreg:$0x4]  }
0x28: {  	s6 =	sadd.s32 $0x0, s9  }
0x29: {  	[tilespmem:s3], [sflag:$0x5] =	stream.linear.gather [hbm4b:s6+s3], $0x800, $0x38;
	[tilespmem:$0x1D000] =	vst v63  }
0x2a: {  	_ =	swait.ge [sflag:s10], $0x800  }
0x2b: {  	s7 =	rddreg [dreg:$0x3];
	[sflag:s10] =	ssyncset.done $0x0  }
0x2c: {  	[sflag:s10] =	ssyncadd.s32 $0xFFFFF800;
	s6 =	sadd.s32 $0x0, s7  }
0x2d: {  	[tilespmem:s11], [sflag:$0x5] =	stream.linear.gather [hbm4b:s6+s3], $0x800, $0x38;
	[tilespmem:$0x1D000] =	vst v63  }
0x2e: {  	_ =	swait.ge [sflag:s10], $0x800  }
0x2f: {  	[sflag:s10] =	ssyncset.done $0x0  }
0x30: {  	[sflag:s10] =	ssyncadd.s32 $0xFFFFF800  }
0x31: {  	[tilespmem:s13], [sflag:$0x1] =	stream.indirect.gather [hbm4b:s4+s12], $0x80, s3, s12, $0xb8;
	[tilespmem:$0x1D000] =	vst v63  }
0x32: {  	_ = 	snop  }
0x33: {  	[tilespmem:s14], [sflag:$0x2] =	stream.indirect.gather [hbm4b:s4+s12], $0x80, s12, s12, $0xb8;
	[tilespmem:$0x1D000] =	vst v63  }
0x34: {  	_ =	swait.ge [sflag:s15], $0x4000  }
0x35: {  	[sflag:s15] =	ssyncset.done $0x0  }
0x36: {  	[sflag:s15] =	ssyncadd.s32 $0xFFFFC000  }
0x37: {  	[spmem:s2] =	stream.indirect.scatter.add.f32 [tilespmem:s13], [sflag:$0x3], $0x80, s11, s12, $0xb8;
	[tilespmem:$0x1D000] =	vst v63  }
0x38: {  	_ =	swait.ge [sflag:s16], $0x4000  }
0x39: {  	[sflag:s16] =	ssyncset.done $0x0  }
0x3a: {  	s8 =	rddreg [dreg:$0x5];
	[sflag:s16] =	ssyncadd.s32 $0xFFFFC000  }
0x3b: {  	[tilespmem:s13], [sflag:$0x1] =	stream.indirect.gather [hbm4b:s4+s12], $0x80, s8, s12, $0xb8;
	[tilespmem:$0x1D000] =	vst v63  }
0x3c: {  	_ =	swait.ge [sflag:s17], $0x4000  }
0x3d: {  	[sflag:s17] =	ssyncset.done $0x0  }
0x3e: {  	s9 =	rddreg [dreg:$0x6];
	[sflag:s17] =	ssyncadd.s32 $0xFFFFC000  }
0x3f: {  	[spmem:s2] =	stream.indirect.scatter.add.f32 [tilespmem:s14], [sflag:$0x4], $0x80, s9, s12, $0xb8;
	[tilespmem:$0x1D000] =	vst v63  }
0x40: {  	_ =	swait.ge [sflag:s18], $0x4000  }
0x41: {  	[sflag:s18] =	ssyncset.done $0x0  }
0x42: {  	s7 =	rddreg [dreg:$0x7];
	[sflag:s18] =	ssyncadd.s32 $0xFFFFC000  }
0x43: {  	[tilespmem:s14], [sflag:$0x2] =	stream.indirect.gather [hbm4b:s4+s12], $0x80, s7, s12, $0xb8;
	[tilespmem:$0x1D000] =	vst v63  }
0x44: {  	_ =	swait.ge [sflag:s15], $0x4000  }
0x45: {  	[sflag:s15] =	ssyncset.done $0x0  }
0x46: {  	s8 =	rddreg [dreg:$0x8];
	[sflag:s15] =	ssyncadd.s32 $0xFFFFC000  }
0x47: {  	[spmem:s2] =	stream.indirect.scatter.add.f32 [tilespmem:s13], [sflag:$0x3], $0x80, s8, s12, $0xb8;
	[tilespmem:$0x1D000] =	vst v63  }
0x48: {  	_ =	swait.ge [sflag:s16], $0x4000  }
0x49: {  	[sflag:s16] =	ssyncset.done $0x0  }
0x4a: {  	s9 =	rddreg [dreg:$0x9];
	[sflag:s16] =	ssyncadd.s32 $0xFFFFC000  }
0x4b: {  	[tilespmem:s13], [sflag:$0x1] =	stream.indirect.gather [hbm4b:s4+s12], $0x80, s9, s12, $0xb8;
	[tilespmem:$0x1D000] =	vst v63  }
0x4c: {  	_ =	swait.ge [sflag:s17], $0x4000  }
0x4d: {  	[sflag:s17] =	ssyncset.done $0x0  }
0x4e: {  	s7 =	rddreg [dreg:$0xa];
	[sflag:s17] =	ssyncadd.s32 $0xFFFFC000  }
0x4f: {  	[spmem:s2] =	stream.indirect.scatter.add.f32 [tilespmem:s14], [sflag:$0x4], $0x80, s7, s12, $0xb8;
	[tilespmem:$0x1D000] =	vst v63  }
0x50: {  	_ =	swait.ge [sflag:s18], $0x4000  }
0x51: {  	[sflag:s18] =	ssyncset.done $0x0  }
0x52: {  	s8 =	rddreg [dreg:$0xb];
	[sflag:s18] =	ssyncadd.s32 $0xFFFFC000  }
0x53: {  	[tilespmem:s14], [sflag:$0x2] =	stream.indirect.gather [hbm4b:s4+s12], $0x80, s8, s12, $0xb8;
	[tilespmem:$0x1D000] =	vst v63  }
0x54: {  	_ =	swait.ge [sflag:s15], $0x4000  }
0x55: {  	[sflag:s15] =	ssyncset.done $0x0  }
0x56: {  	s9 =	rddreg [dreg:$0xc];
	[sflag:s15] =	ssyncadd.s32 $0xFFFFC000  }
0x57: {  	[spmem:s2] =	stream.indirect.scatter.add.f32 [tilespmem:s13], [sflag:$0x3], $0x80, s9, s12, $0xb8;
	[tilespmem:$0x1D000] =	vst v63  }
0x58: {  	_ =	swait.ge [sflag:s16], $0x4000  }
0x59: {  	[sflag:s16] =	ssyncset.done $0x0  }
0x5a: {  	s7 =	rddreg [dreg:$0xd];
	[sflag:s16] =	ssyncadd.s32 $0xFFFFC000  }
0x5b: {  	[tilespmem:s13], [sflag:$0x1] =	stream.indirect.gather [hbm4b:s4+s12], $0x80, s7, s12, $0xb8;
	[tilespmem:$0x1D000] =	vst v63  }
0x5c: {  	_ =	swait.ge [sflag:s17], $0x4000  }
0x5d: {  	[sflag:s17] =	ssyncset.done $0x0  }
0x5e: {  	s8 =	rddreg [dreg:$0xe];
	[sflag:s17] =	ssyncadd.s32 $0xFFFFC000  }
0x5f: {  	[spmem:s2] =	stream.indirect.scatter.add.f32 [tilespmem:s14], [sflag:$0x4], $0x80, s8, s12, $0xb8;
	[tilespmem:$0x1D000] =	vst v63  }
0x60: {  	_ =	swait.ge [sflag:s18], $0x4000  }
0x61: {  	[sflag:s18] =	ssyncset.done $0x0  }
0x62: {  	s9 =	rddreg [dreg:$0xf];
	[sflag:s18] =	ssyncadd.s32 $0xFFFFC000  }
0x63: {  	[tilespmem:s14], [sflag:$0x2] =	stream.indirect.gather [hbm4b:s4+s12], $0x80, s9, s12, $0xb8;
	[tilespmem:$0x1D000] =	vst v63  }
0x64: {  	_ =	swait.ge [sflag:s15], $0x4000  }
0x65: {  	[sflag:s15] =	ssyncset.done $0x0  }
0x66: {  	s7 =	rddreg [dreg:$0x10];
	[sflag:s15] =	ssyncadd.s32 $0xFFFFC000  }
0x67: {  	[spmem:s2] =	stream.indirect.scatter.add.f32 [tilespmem:s13], [sflag:$0x3], $0x80, s7, s12, $0xb8;
	[tilespmem:$0x1D000] =	vst v63  }
0x68: {  	_ =	swait.ge [sflag:s16], $0x4000  }
0x69: {  	[sflag:s16] =	ssyncset.done $0x0  }
0x6a: {  	s8 =	rddreg [dreg:$0x11];
	[sflag:s16] =	ssyncadd.s32 $0xFFFFC000  }
0x6b: {  	[tilespmem:s13], [sflag:$0x1] =	stream.indirect.gather [hbm4b:s4+s12], $0x80, s8, s12, $0xb8;
	[tilespmem:$0x1D000] =	vst v63  }
0x6c: {  	_ =	swait.ge [sflag:s17], $0x4000  }
0x6d: {  	[sflag:s17] =	ssyncset.done $0x0  }
0x6e: {  	s9 =	rddreg [dreg:$0x12];
	[sflag:s17] =	ssyncadd.s32 $0xFFFFC000  }
0x6f: {  	[spmem:s2] =	stream.indirect.scatter.add.f32 [tilespmem:s14], [sflag:$0x4], $0x80, s9, s12, $0xb8;
	[tilespmem:$0x1D000] =	vst v63  }
0x70: {  	_ =	swait.ge [sflag:s18], $0x4000  }
0x71: {  	[sflag:s18] =	ssyncset.done $0x0  }
0x72: {  	[sflag:s18] =	ssyncadd.s32 $0xFFFFC000  }
0x73: {  	[tilespmem:s14], [sflag:$0x2] =	stream.indirect.gather [hbm4b:s4+s12], $0x80, s19, s12, $0xb8;
	[tilespmem:$0x1D000] =	vst v63  }
0x74: {  	_ =	swait.ge [sflag:s15], $0x4000  }
0x75: {  	[sflag:s15] =	ssyncset.done $0x0  }
0x76: {  	[sflag:s15] =	ssyncadd.s32 $0xFFFFC000  }
0x77: {  	[spmem:s2] =	stream.indirect.scatter.add.f32 [tilespmem:s13], [sflag:$0x3], $0x80, s20, s12, $0xb8;
	[tilespmem:$0x1D000] =	vst v63  }
0x78: {  	_ =	swait.ge [sflag:s16], $0x4000  }
0x79: {  	[sflag:s16] =	ssyncset.done $0x0  }
0x7a: {  	[sflag:s16] =	ssyncadd.s32 $0xFFFFC000  }
0x7b: {  	[tilespmem:s13], [sflag:$0x1] =	stream.indirect.gather [hbm4b:s4+s12], $0x80, s21, s12, $0xb8;
	[tilespmem:$0x1D000] =	vst v63  }
0x7c: {  	_ =	swait.ge [sflag:s17], $0x4000  }
0x7d: {  	[sflag:s17] =	ssyncset.done $0x0  }
0x7e: {  	[sflag:s17] =	ssyncadd.s32 $0xFFFFC000  }
0x7f: {  	[spmem:s2] =	stream.indirect.scatter.add.f32 [tilespmem:s14], [sflag:$0x4], $0x80, s22, s12, $0xb8;
	[tilespmem:$0x1D000] =	vst v63  }
0x80: {  	_ =	swait.ge [sflag:s18], $0x4000  }
0x81: {  	[sflag:s18] =	ssyncset.done $0x0  }
0x82: {  	[sflag:s18] =	ssyncadd.s32 $0xFFFFC000  }
0x83: {  	[tilespmem:s14], [sflag:$0x2] =	stream.indirect.gather [hbm4b:s4+s12], $0x80, s23, s12, $0xb8;
	[tilespmem:$0x1D000] =	vst v63  }
0x84: {  	_ =	swait.ge [sflag:s15], $0x4000  }
0x85: {  	[sflag:s15] =	ssyncset.done $0x0  }
0x86: {  	[sflag:s15] =	ssyncadd.s32 $0xFFFFC000  }
0x87: {  	[spmem:s2] =	stream.indirect.scatter.add.f32 [tilespmem:s13], [sflag:$0x3], $0x80, s24, s12, $0xb8;
	[tilespmem:$0x1D000] =	vst v63  }
0x88: {  	_ =	swait.ge [sflag:s16], $0x4000  }
0x89: {  	[sflag:s16] =	ssyncset.done $0x0  }
0x8a: {  	[sflag:s16] =	ssyncadd.s32 $0xFFFFC000  }
0x8b: {  	[tilespmem:s13], [sflag:$0x1] =	stream.indirect.gather [hbm4b:s4+s12], $0x80, s25, s12, $0xb8;
	[tilespmem:$0x1D000] =	vst v63  }
0x8c: {  	_ =	swait.ge [sflag:s17], $0x4000  }
0x8d: {  	[sflag:s17] =	ssyncset.done $0x0  }
0x8e: {  	[sflag:s17] =	ssyncadd.s32 $0xFFFFC000  }
0x8f: {  	[spmem:s2] =	stream.indirect.scatter.add.f32 [tilespmem:s14], [sflag:$0x4], $0x80, s26, s12, $0xb8;
	[tilespmem:$0x1D000] =	vst v63  }
0x90: {  	_ =	swait.ge [sflag:s18], $0x4000  }
0x91: {  	[sflag:s18] =	ssyncset.done $0x0  }
0x92: {  	[sflag:s18] =	ssyncadd.s32 $0xFFFFC000  }
0x93: {  	[tilespmem:s14], [sflag:$0x2] =	stream.indirect.gather [hbm4b:s4+s12], $0x80, s28, s12, $0xb8;
	[tilespmem:$0x1D000] =	vst v63  }
0x94: {  	_ =	swait.ge [sflag:s15], $0x4000  }
0x95: {  	[sflag:s15] =	ssyncset.done $0x0  }
0x96: {  	[sflag:s15] =	ssyncadd.s32 $0xFFFFC000  }
0x97: {  	[spmem:s2] =	stream.indirect.scatter.add.f32 [tilespmem:s13], [sflag:$0x3], $0x80, s29, s12, $0xb8;
	[tilespmem:$0x1D000] =	vst v63  }
0x98: {  	_ =	swait.ge [sflag:s16], $0x4000  }
0x99: {  	[sflag:s16] =	ssyncset.done $0x0  }
0x9a: {  	[sflag:s16] =	ssyncadd.s32 $0xFFFFC000  }
0x9b: {  	[tilespmem:s13], [sflag:$0x1] =	stream.indirect.gather [hbm4b:s4+s12], $0x80, s30, s12, $0xb8;
	[tilespmem:$0x1D000] =	vst v63  }
0x9c: {  	_ =	swait.ge [sflag:s17], $0x4000  }
0x9d: {  	[sflag:s17] =	ssyncset.done $0x0  }
0x9e: {  	[sflag:s17] =	ssyncadd.s32 $0xFFFFC000  }
0x9f: {  	[spmem:s2] =	stream.indirect.scatter.add.f32 [tilespmem:s14], [sflag:$0x4], $0x80, s31, s12, $0xb8;
	[tilespmem:$0x1D000] =	vst v63  }
0xa0: {  	_ =	swait.ge [sflag:s18], $0x4000  }
0xa1: {  	[sflag:s18] =	ssyncset.done $0x0  }
0xa2: {  	[sflag:s18] =	ssyncadd.s32 $0xFFFFC000  }
0xa3: {  	[tilespmem:s14], [sflag:$0x2] =	stream.indirect.gather [hbm4b:s4+s12], $0x80, s1, s12, $0xb8;
	[tilespmem:$0x1D000] =	vst v63  }
0xa4: {  	_ =	swait.ge [sflag:s15], $0x4000  }
0xa5: {  	[sflag:s15] =	ssyncset.done $0x0  }
0xa6: {  	[sflag:s15] =	ssyncadd.s32 $0xFFFFC000  }
0xa7: {  	[spmem:s2] =	stream.indirect.scatter.add.f32 [tilespmem:s13], [sflag:$0x3], $0x80, s0, s12, $0xb8;
	[tilespmem:$0x1D000] =	vst v63  }
0xa8: {  	_ =	swait.ge [sflag:s17], $0x4000  }
0xa9: {  	[sflag:s17] =	ssyncset.done $0x0  }
0xaa: {  	[sflag:s17] =	ssyncadd.s32 $0xFFFFC000  }
0xab: {  	[spmem:s2] =	stream.indirect.scatter.add.f32 [tilespmem:s14], [sflag:$0x4], $0x80, s5, s12, $0xb8;
	[tilespmem:$0x1D000] =	vst v63  }
0xac: {  	_ =	swait.ge [sflag:s16], $0x4000  }
0xad: {  	[sflag:s16] =	ssyncset.done $0x0  }
0xae: {  	[sflag:s16] =	ssyncadd.s32 $0xFFFFC000  }
0xaf: {  	s6 =	simm.s32 $0x200;
	_ =	swait.ge [sflag:s18], $0x4000  }
0xb0: {  	s8 =	simm.s32 $0x100;
	s9 =	rddreg [dreg:$0x4];
	[sflag:s18] =	ssyncset.done $0x0  }
.LBB2_2:
0xb1: {  	[sflag:s18] =	ssyncadd.s32 $0xFFFFC000;
	s9 =	sadd.s32 s8, s9  }
0xb2: {  	[tilespmem:s3], [sflag:$0x5] =	stream.linear.gather [hbm4b:s9+s3], $0x800, $0x38;
	[tilespmem:$0x1D000] =	vst v63  }
0xb3: {  	_ =	swait.ge [sflag:s10], $0x800  }
0xb4: {  	s9 =	rddreg [dreg:$0x3];
	[sflag:s10] =	ssyncset.done $0x0  }
0xb5: {  	[sflag:s10] =	ssyncadd.s32 $0xFFFFF800;
	s9 =	sadd.s32 s8, s9  }
0xb6: {  	[tilespmem:s11], [sflag:$0x5] =	stream.linear.gather [hbm4b:s9+s3], $0x800, $0x38;
	[tilespmem:$0x1D000] =	vst v63  }
0xb7: {  	_ =	swait.ge [sflag:s10], $0x800  }
0xb8: {  	[sflag:s10] =	ssyncset.done $0x0  }
0xb9: {  	[sflag:s10] =	ssyncadd.s32 $0xFFFFF800  }
0xba: {  	[tilespmem:s13], [sflag:$0x1] =	stream.indirect.gather [hbm4b:s4+s12], $0x80, s3, s12, $0xb8;
	[tilespmem:$0x1D000] =	vst v63  }
0xbb: {  	_ = 	snop  }
0xbc: {  	[tilespmem:s14], [sflag:$0x2] =	stream.indirect.gather [hbm4b:s4+s12], $0x80, s12, s12, $0xb8;
	[tilespmem:$0x1D000] =	vst v63  }
0xbd: {  	_ =	swait.ge [sflag:s15], $0x4000  }
0xbe: {  	[sflag:s15] =	ssyncset.done $0x0  }
0xbf: {  	[sflag:s15] =	ssyncadd.s32 $0xFFFFC000  }
0xc0: {  	[spmem:s2] =	stream.indirect.scatter.add.f32 [tilespmem:s13], [sflag:$0x3], $0x80, s11, s12, $0xb8;
	[tilespmem:$0x1D000] =	vst v63  }
0xc1: {  	_ =	swait.ge [sflag:s16], $0x4000  }
0xc2: {  	[sflag:s16] =	ssyncset.done $0x0  }
0xc3: {  	s9 =	rddreg [dreg:$0x5];
	[sflag:s16] =	ssyncadd.s32 $0xFFFFC000  }
0xc4: {  	[tilespmem:s13], [sflag:$0x1] =	stream.indirect.gather [hbm4b:s4+s12], $0x80, s9, s12, $0xb8;
	[tilespmem:$0x1D000] =	vst v63  }
0xc5: {  	_ =	swait.ge [sflag:s17], $0x4000  }
0xc6: {  	[sflag:s17] =	ssyncset.done $0x0  }
0xc7: {  	s9 =	rddreg [dreg:$0x6];
	[sflag:s17] =	ssyncadd.s32 $0xFFFFC000  }
0xc8: {  	[spmem:s2] =	stream.indirect.scatter.add.f32 [tilespmem:s14], [sflag:$0x4], $0x80, s9, s12, $0xb8;
	[tilespmem:$0x1D000] =	vst v63  }
0xc9: {  	_ =	swait.ge [sflag:s18], $0x4000  }
0xca: {  	[sflag:s18] =	ssyncset.done $0x0  }
0xcb: {  	s9 =	rddreg [dreg:$0x7];
	[sflag:s18] =	ssyncadd.s32 $0xFFFFC000  }
0xcc: {  	[tilespmem:s14], [sflag:$0x2] =	stream.indirect.gather [hbm4b:s4+s12], $0x80, s9, s12, $0xb8;
	[tilespmem:$0x1D000] =	vst v63  }
0xcd: {  	_ =	swait.ge [sflag:s15], $0x4000  }
0xce: {  	[sflag:s15] =	ssyncset.done $0x0  }
0xcf: {  	s9 =	rddreg [dreg:$0x8];
	[sflag:s15] =	ssyncadd.s32 $0xFFFFC000  }
0xd0: {  	[spmem:s2] =	stream.indirect.scatter.add.f32 [tilespmem:s13], [sflag:$0x3], $0x80, s9, s12, $0xb8;
	[tilespmem:$0x1D000] =	vst v63  }
0xd1: {  	_ =	swait.ge [sflag:s16], $0x4000  }
0xd2: {  	[sflag:s16] =	ssyncset.done $0x0  }
0xd3: {  	s9 =	rddreg [dreg:$0x9];
	[sflag:s16] =	ssyncadd.s32 $0xFFFFC000  }
0xd4: {  	[tilespmem:s13], [sflag:$0x1] =	stream.indirect.gather [hbm4b:s4+s12], $0x80, s9, s12, $0xb8;
	[tilespmem:$0x1D000] =	vst v63  }
0xd5: {  	_ =	swait.ge [sflag:s17], $0x4000  }
0xd6: {  	[sflag:s17] =	ssyncset.done $0x0  }
0xd7: {  	s9 =	rddreg [dreg:$0xa];
	[sflag:s17] =	ssyncadd.s32 $0xFFFFC000  }
0xd8: {  	[spmem:s2] =	stream.indirect.scatter.add.f32 [tilespmem:s14], [sflag:$0x4], $0x80, s9, s12, $0xb8;
	[tilespmem:$0x1D000] =	vst v63  }
0xd9: {  	_ =	swait.ge [sflag:s18], $0x4000  }
0xda: {  	[sflag:s18] =	ssyncset.done $0x0  }
0xdb: {  	s9 =	rddreg [dreg:$0xb];
	[sflag:s18] =	ssyncadd.s32 $0xFFFFC000  }
0xdc: {  	[tilespmem:s14], [sflag:$0x2] =	stream.indirect.gather [hbm4b:s4+s12], $0x80, s9, s12, $0xb8;
	[tilespmem:$0x1D000] =	vst v63  }
0xdd: {  	_ =	swait.ge [sflag:s15], $0x4000  }
0xde: {  	[sflag:s15] =	ssyncset.done $0x0  }
0xdf: {  	s9 =	rddreg [dreg:$0xc];
	[sflag:s15] =	ssyncadd.s32 $0xFFFFC000  }
0xe0: {  	[spmem:s2] =	stream.indirect.scatter.add.f32 [tilespmem:s13], [sflag:$0x3], $0x80, s9, s12, $0xb8;
	[tilespmem:$0x1D000] =	vst v63  }
0xe1: {  	_ =	swait.ge [sflag:s16], $0x4000  }
0xe2: {  	[sflag:s16] =	ssyncset.done $0x0  }
0xe3: {  	s9 =	rddreg [dreg:$0xd];
	[sflag:s16] =	ssyncadd.s32 $0xFFFFC000  }
0xe4: {  	[tilespmem:s13], [sflag:$0x1] =	stream.indirect.gather [hbm4b:s4+s12], $0x80, s9, s12, $0xb8;
	[tilespmem:$0x1D000] =	vst v63  }
0xe5: {  	_ =	swait.ge [sflag:s17], $0x4000  }
0xe6: {  	[sflag:s17] =	ssyncset.done $0x0  }
0xe7: {  	s9 =	rddreg [dreg:$0xe];
	[sflag:s17] =	ssyncadd.s32 $0xFFFFC000  }
0xe8: {  	[spmem:s2] =	stream.indirect.scatter.add.f32 [tilespmem:s14], [sflag:$0x4], $0x80, s9, s12, $0xb8;
	[tilespmem:$0x1D000] =	vst v63  }
0xe9: {  	_ =	swait.ge [sflag:s18], $0x4000  }
0xea: {  	[sflag:s18] =	ssyncset.done $0x0  }
0xeb: {  	s9 =	rddreg [dreg:$0xf];
	[sflag:s18] =	ssyncadd.s32 $0xFFFFC000  }
0xec: {  	[tilespmem:s14], [sflag:$0x2] =	stream.indirect.gather [hbm4b:s4+s12], $0x80, s9, s12, $0xb8;
	[tilespmem:$0x1D000] =	vst v63  }
0xed: {  	_ =	swait.ge [sflag:s15], $0x4000  }
0xee: {  	[sflag:s15] =	ssyncset.done $0x0  }
0xef: {  	s9 =	rddreg [dreg:$0x10];
	[sflag:s15] =	ssyncadd.s32 $0xFFFFC000  }
0xf0: {  	[spmem:s2] =	stream.indirect.scatter.add.f32 [tilespmem:s13], [sflag:$0x3], $0x80, s9, s12, $0xb8;
	[tilespmem:$0x1D000] =	vst v63  }
0xf1: {  	_ =	swait.ge [sflag:s16], $0x4000  }
0xf2: {  	[sflag:s16] =	ssyncset.done $0x0  }
0xf3: {  	s9 =	rddreg [dreg:$0x11];
	[sflag:s16] =	ssyncadd.s32 $0xFFFFC000  }
0xf4: {  	[tilespmem:s13], [sflag:$0x1] =	stream.indirect.gather [hbm4b:s4+s12], $0x80, s9, s12, $0xb8;
	[tilespmem:$0x1D000] =	vst v63  }
0xf5: {  	_ =	swait.ge [sflag:s17], $0x4000  }
0xf6: {  	[sflag:s17] =	ssyncset.done $0x0  }
0xf7: {  	s9 =	rddreg [dreg:$0x12];
	[sflag:s17] =	ssyncadd.s32 $0xFFFFC000  }
0xf8: {  	[spmem:s2] =	stream.indirect.scatter.add.f32 [tilespmem:s14], [sflag:$0x4], $0x80, s9, s12, $0xb8;
	[tilespmem:$0x1D000] =	vst v63  }
0xf9: {  	_ =	swait.ge [sflag:s18], $0x4000  }
0xfa: {  	[sflag:s18] =	ssyncset.done $0x0  }
0xfb: {  	[sflag:s18] =	ssyncadd.s32 $0xFFFFC000  }
0xfc: {  	[tilespmem:s14], [sflag:$0x2] =	stream.indirect.gather [hbm4b:s4+s12], $0x80, s19, s12, $0xb8;
	[tilespmem:$0x1D000] =	vst v63  }
0xfd: {  	_ =	swait.ge [sflag:s15], $0x4000  }
0xfe: {  	[sflag:s15] =	ssyncset.done $0x0  }
0xff: {  	[sflag:s15] =	ssyncadd.s32 $0xFFFFC000  }
0x100: {  	[spmem:s2] =	stream.indirect.scatter.add.f32 [tilespmem:s13], [sflag:$0x3], $0x80, s20, s12, $0xb8;
	[tilespmem:$0x1D000] =	vst v63  }
0x101: {  	_ =	swait.ge [sflag:s16], $0x4000  }
0x102: {  	[sflag:s16] =	ssyncset.done $0x0  }
0x103: {  	[sflag:s16] =	ssyncadd.s32 $0xFFFFC000  }
0x104: {  	[tilespmem:s13], [sflag:$0x1] =	stream.indirect.gather [hbm4b:s4+s12], $0x80, s21, s12, $0xb8;
	[tilespmem:$0x1D000] =	vst v63  }
0x105: {  	_ =	swait.ge [sflag:s17], $0x4000  }
0x106: {  	[sflag:s17] =	ssyncset.done $0x0  }
0x107: {  	[sflag:s17] =	ssyncadd.s32 $0xFFFFC000  }
0x108: {  	[spmem:s2] =	stream.indirect.scatter.add.f32 [tilespmem:s14], [sflag:$0x4], $0x80, s22, s12, $0xb8;
	[tilespmem:$0x1D000] =	vst v63  }
0x109: {  	_ =	swait.ge [sflag:s18], $0x4000  }
0x10a: {  	[sflag:s18] =	ssyncset.done $0x0  }
0x10b: {  	[sflag:s18] =	ssyncadd.s32 $0xFFFFC000  }
0x10c: {  	[tilespmem:s14], [sflag:$0x2] =	stream.indirect.gather [hbm4b:s4+s12], $0x80, s23, s12, $0xb8;
	[tilespmem:$0x1D000] =	vst v63  }
0x10d: {  	_ =	swait.ge [sflag:s15], $0x4000  }
0x10e: {  	[sflag:s15] =	ssyncset.done $0x0  }
0x10f: {  	[sflag:s15] =	ssyncadd.s32 $0xFFFFC000  }
0x110: {  	[spmem:s2] =	stream.indirect.scatter.add.f32 [tilespmem:s13], [sflag:$0x3], $0x80, s24, s12, $0xb8;
	[tilespmem:$0x1D000] =	vst v63  }
0x111: {  	_ =	swait.ge [sflag:s16], $0x4000  }
0x112: {  	[sflag:s16] =	ssyncset.done $0x0  }
0x113: {  	[sflag:s16] =	ssyncadd.s32 $0xFFFFC000  }
0x114: {  	[tilespmem:s13], [sflag:$0x1] =	stream.indirect.gather [hbm4b:s4+s12], $0x80, s25, s12, $0xb8;
	[tilespmem:$0x1D000] =	vst v63  }
0x115: {  	_ =	swait.ge [sflag:s17], $0x4000  }
0x116: {  	[sflag:s17] =	ssyncset.done $0x0  }
0x117: {  	[sflag:s17] =	ssyncadd.s32 $0xFFFFC000  }
0x118: {  	[spmem:s2] =	stream.indirect.scatter.add.f32 [tilespmem:s14], [sflag:$0x4], $0x80, s26, s12, $0xb8;
	[tilespmem:$0x1D000] =	vst v63  }
0x119: {  	_ =	swait.ge [sflag:s18], $0x4000  }
0x11a: {  	[sflag:s18] =	ssyncset.done $0x0  }
0x11b: {  	[sflag:s18] =	ssyncadd.s32 $0xFFFFC000  }
0x11c: {  	[tilespmem:s14], [sflag:$0x2] =	stream.indirect.gather [hbm4b:s4+s12], $0x80, s28, s12, $0xb8;
	[tilespmem:$0x1D000] =	vst v63  }
0x11d: {  	_ =	swait.ge [sflag:s15], $0x4000  }
0x11e: {  	[sflag:s15] =	ssyncset.done $0x0  }
0x11f: {  	[sflag:s15] =	ssyncadd.s32 $0xFFFFC000  }
0x120: {  	[spmem:s2] =	stream.indirect.scatter.add.f32 [tilespmem:s13], [sflag:$0x3], $0x80, s29, s12, $0xb8;
	[tilespmem:$0x1D000] =	vst v63  }
0x121: {  	_ =	swait.ge [sflag:s16], $0x4000  }
0x122: {  	[sflag:s16] =	ssyncset.done $0x0  }
0x123: {  	[sflag:s16] =	ssyncadd.s32 $0xFFFFC000  }
0x124: {  	[tilespmem:s13], [sflag:$0x1] =	stream.indirect.gather [hbm4b:s4+s12], $0x80, s30, s12, $0xb8;
	[tilespmem:$0x1D000] =	vst v63  }
0x125: {  	_ =	swait.ge [sflag:s17], $0x4000  }
0x126: {  	[sflag:s17] =	ssyncset.done $0x0  }
0x127: {  	[sflag:s17] =	ssyncadd.s32 $0xFFFFC000  }
0x128: {  	[spmem:s2] =	stream.indirect.scatter.add.f32 [tilespmem:s14], [sflag:$0x4], $0x80, s31, s12, $0xb8;
	[tilespmem:$0x1D000] =	vst v63  }
0x129: {  	_ =	swait.ge [sflag:s18], $0x4000  }
0x12a: {  	[sflag:s18] =	ssyncset.done $0x0  }
0x12b: {  	[sflag:s18] =	ssyncadd.s32 $0xFFFFC000  }
0x12c: {  	[tilespmem:s14], [sflag:$0x2] =	stream.indirect.gather [hbm4b:s4+s12], $0x80, s1, s12, $0xb8;
	[tilespmem:$0x1D000] =	vst v63  }
0x12d: {  	_ =	swait.ge [sflag:s15], $0x4000  }
0x12e: {  	[sflag:s15] =	ssyncset.done $0x0  }
0x12f: {  	[sflag:s15] =	ssyncadd.s32 $0xFFFFC000  }
0x130: {  	[spmem:s2] =	stream.indirect.scatter.add.f32 [tilespmem:s13], [sflag:$0x3], $0x80, s0, s12, $0xb8;
	[tilespmem:$0x1D000] =	vst v63  }
0x131: {  	_ =	swait.ge [sflag:s17], $0x4000  }
0x132: {  	[sflag:s17] =	ssyncset.done $0x0  }
0x133: {  	p0 =	sne.s32 s6, $0x400;
	[sflag:s17] =	ssyncadd.s32 $0xFFFFC000  }
0x134: {  	[spmem:s2] =	stream.indirect.scatter.add.f32 [tilespmem:s14], [sflag:$0x4], $0x80, s5, s12, $0xb8;
	[tilespmem:$0x1D000] =	vst v63  }
.Ltmp0:
0x135: {  	_ =	swait.ge [sflag:s16], $0x4000;
	(pc) =	sbr.rel @p0 .LBB2_2-.Ltmp0, $4  }
0x136: {  	[sflag:s16] =	ssyncset.done $0x0  }
0x137: {  	[sflag:s16] =	ssyncadd.s32 $0xFFFFC000  }
0x138: {  	s7 =	smov.u32 s6;
	s6 =	sadd.s32 $0x100, s6;
	_ =	swait.ge [sflag:s18], $0x4000  }
0x139: {  	s8 =	smov.u32 s7;
	s9 =	rddreg [dreg:$0x4];
	[sflag:s18] =	ssyncset.done $0x0  }
0x13a: {  	[sflag:s18] =	ssyncadd.s32 $0xFFFFC000;
	s6 =	sadd.s32 s8, s9  }
0x13b: {  	[tilespmem:s3], [sflag:$0x5] =	stream.linear.gather [hbm4b:s6+s3], $0x800, $0x38;
	[tilespmem:$0x1D000] =	vst v63  }
0x13c: {  	_ =	swait.ge [sflag:s10], $0x800  }
0x13d: {  	s9 =	rddreg [dreg:$0x3];
	[sflag:s10] =	ssyncset.done $0x0  }
0x13e: {  	s6 =	sadd.s32 s8, s9;
	[sflag:s10] =	ssyncadd.s32 $0xFFFFF800  }
0x13f: {  	[tilespmem:s11], [sflag:$0x5] =	stream.linear.gather [hbm4b:s6+s3], $0x800, $0x38;
	[tilespmem:$0x1D000] =	vst v63  }
0x140: {  	_ =	swait.ge [sflag:s10], $0x800  }
0x141: {  	[sflag:s10] =	ssyncset.done $0x0  }
0x142: {  	[sflag:s10] =	ssyncadd.s32 $0xFFFFF800  }
0x143: {  	[tilespmem:s13], [sflag:$0x1] =	stream.indirect.gather [hbm4b:s4+s12], $0x80, s3, s12, $0xb8;
	[tilespmem:$0x1D000] =	vst v63  }
0x144: {  	_ = 	snop  }
0x145: {  	[tilespmem:s14], [sflag:$0x2] =	stream.indirect.gather [hbm4b:s4+s12], $0x80, s12, s12, $0xb8;
	[tilespmem:$0x1D000] =	vst v63  }
0x146: {  	_ =	swait.ge [sflag:s15], $0x4000  }
0x147: {  	[sflag:s15] =	ssyncset.done $0x0  }
0x148: {  	[sflag:s15] =	ssyncadd.s32 $0xFFFFC000  }
0x149: {  	[spmem:s2] =	stream.indirect.scatter.add.f32 [tilespmem:s13], [sflag:$0x3], $0x80, s11, s12, $0xb8;
	[tilespmem:$0x1D000] =	vst v63  }
0x14a: {  	_ =	swait.ge [sflag:s16], $0x4000  }
0x14b: {  	[sflag:s16] =	ssyncset.done $0x0  }
0x14c: {  	s7 =	rddreg [dreg:$0x5];
	[sflag:s16] =	ssyncadd.s32 $0xFFFFC000  }
0x14d: {  	[tilespmem:s13], [sflag:$0x1] =	stream.indirect.gather [hbm4b:s4+s12], $0x80, s7, s12, $0xb8;
	[tilespmem:$0x1D000] =	vst v63  }
0x14e: {  	_ =	swait.ge [sflag:s17], $0x4000  }
0x14f: {  	[sflag:s17] =	ssyncset.done $0x0  }
0x150: {  	s8 =	rddreg [dreg:$0x6];
	[sflag:s17] =	ssyncadd.s32 $0xFFFFC000  }
0x151: {  	[spmem:s2] =	stream.indirect.scatter.add.f32 [tilespmem:s14], [sflag:$0x4], $0x80, s8, s12, $0xb8;
	[tilespmem:$0x1D000] =	vst v63  }
0x152: {  	_ =	swait.ge [sflag:s18], $0x4000  }
0x153: {  	[sflag:s18] =	ssyncset.done $0x0  }
0x154: {  	s9 =	rddreg [dreg:$0x7];
	[sflag:s18] =	ssyncadd.s32 $0xFFFFC000  }
0x155: {  	[tilespmem:s14], [sflag:$0x2] =	stream.indirect.gather [hbm4b:s4+s12], $0x80, s9, s12, $0xb8;
	[tilespmem:$0x1D000] =	vst v63  }
0x156: {  	_ =	swait.ge [sflag:s15], $0x4000  }
0x157: {  	[sflag:s15] =	ssyncset.done $0x0  }
0x158: {  	s7 =	rddreg [dreg:$0x8];
	[sflag:s15] =	ssyncadd.s32 $0xFFFFC000  }
0x159: {  	[spmem:s2] =	stream.indirect.scatter.add.f32 [tilespmem:s13], [sflag:$0x3], $0x80, s7, s12, $0xb8;
	[tilespmem:$0x1D000] =	vst v63  }
0x15a: {  	_ =	swait.ge [sflag:s16], $0x4000  }
0x15b: {  	[sflag:s16] =	ssyncset.done $0x0  }
0x15c: {  	s8 =	rddreg [dreg:$0x9];
	[sflag:s16] =	ssyncadd.s32 $0xFFFFC000  }
0x15d: {  	[tilespmem:s13], [sflag:$0x1] =	stream.indirect.gather [hbm4b:s4+s12], $0x80, s8, s12, $0xb8;
	[tilespmem:$0x1D000] =	vst v63  }
0x15e: {  	_ =	swait.ge [sflag:s17], $0x4000  }
0x15f: {  	[sflag:s17] =	ssyncset.done $0x0  }
0x160: {  	s9 =	rddreg [dreg:$0xa];
	[sflag:s17] =	ssyncadd.s32 $0xFFFFC000  }
0x161: {  	[spmem:s2] =	stream.indirect.scatter.add.f32 [tilespmem:s14], [sflag:$0x4], $0x80, s9, s12, $0xb8;
	[tilespmem:$0x1D000] =	vst v63  }
0x162: {  	_ =	swait.ge [sflag:s18], $0x4000  }
0x163: {  	[sflag:s18] =	ssyncset.done $0x0  }
0x164: {  	s7 =	rddreg [dreg:$0xb];
	[sflag:s18] =	ssyncadd.s32 $0xFFFFC000  }
0x165: {  	[tilespmem:s14], [sflag:$0x2] =	stream.indirect.gather [hbm4b:s4+s12], $0x80, s7, s12, $0xb8;
	[tilespmem:$0x1D000] =	vst v63  }
0x166: {  	_ =	swait.ge [sflag:s15], $0x4000  }
0x167: {  	[sflag:s15] =	ssyncset.done $0x0  }
0x168: {  	s8 =	rddreg [dreg:$0xc];
	[sflag:s15] =	ssyncadd.s32 $0xFFFFC000  }
0x169: {  	[spmem:s2] =	stream.indirect.scatter.add.f32 [tilespmem:s13], [sflag:$0x3], $0x80, s8, s12, $0xb8;
	[tilespmem:$0x1D000] =	vst v63  }
0x16a: {  	_ =	swait.ge [sflag:s16], $0x4000  }
0x16b: {  	[sflag:s16] =	ssyncset.done $0x0  }
0x16c: {  	s9 =	rddreg [dreg:$0xd];
	[sflag:s16] =	ssyncadd.s32 $0xFFFFC000  }
0x16d: {  	[tilespmem:s13], [sflag:$0x1] =	stream.indirect.gather [hbm4b:s4+s12], $0x80, s9, s12, $0xb8;
	[tilespmem:$0x1D000] =	vst v63  }
0x16e: {  	_ =	swait.ge [sflag:s17], $0x4000  }
0x16f: {  	[sflag:s17] =	ssyncset.done $0x0  }
0x170: {  	s7 =	rddreg [dreg:$0xe];
	[sflag:s17] =	ssyncadd.s32 $0xFFFFC000  }
0x171: {  	[spmem:s2] =	stream.indirect.scatter.add.f32 [tilespmem:s14], [sflag:$0x4], $0x80, s7, s12, $0xb8;
	[tilespmem:$0x1D000] =	vst v63  }
0x172: {  	_ =	swait.ge [sflag:s18], $0x4000  }
0x173: {  	[sflag:s18] =	ssyncset.done $0x0  }
0x174: {  	s8 =	rddreg [dreg:$0xf];
	[sflag:s18] =	ssyncadd.s32 $0xFFFFC000  }
0x175: {  	[tilespmem:s14], [sflag:$0x2] =	stream.indirect.gather [hbm4b:s4+s12], $0x80, s8, s12, $0xb8;
	[tilespmem:$0x1D000] =	vst v63  }
0x176: {  	_ =	swait.ge [sflag:s15], $0x4000  }
0x177: {  	[sflag:s15] =	ssyncset.done $0x0  }
0x178: {  	s9 =	rddreg [dreg:$0x10];
	[sflag:s15] =	ssyncadd.s32 $0xFFFFC000  }
0x179: {  	[spmem:s2] =	stream.indirect.scatter.add.f32 [tilespmem:s13], [sflag:$0x3], $0x80, s9, s12, $0xb8;
	[tilespmem:$0x1D000] =	vst v63  }
0x17a: {  	_ =	swait.ge [sflag:s16], $0x4000  }
0x17b: {  	[sflag:s16] =	ssyncset.done $0x0  }
0x17c: {  	s7 =	rddreg [dreg:$0x11];
	[sflag:s16] =	ssyncadd.s32 $0xFFFFC000  }
0x17d: {  	[tilespmem:s13], [sflag:$0x1] =	stream.indirect.gather [hbm4b:s4+s12], $0x80, s7, s12, $0xb8;
	[tilespmem:$0x1D000] =	vst v63  }
0x17e: {  	_ =	swait.ge [sflag:s17], $0x4000  }
0x17f: {  	[sflag:s17] =	ssyncset.done $0x0  }
0x180: {  	s8 =	rddreg [dreg:$0x12];
	[sflag:s17] =	ssyncadd.s32 $0xFFFFC000  }
0x181: {  	[spmem:s2] =	stream.indirect.scatter.add.f32 [tilespmem:s14], [sflag:$0x4], $0x80, s8, s12, $0xb8;
	[tilespmem:$0x1D000] =	vst v63  }
0x182: {  	_ =	swait.ge [sflag:s18], $0x4000  }
0x183: {  	[sflag:s18] =	ssyncset.done $0x0  }
0x184: {  	[sflag:s18] =	ssyncadd.s32 $0xFFFFC000  }
0x185: {  	[tilespmem:s14], [sflag:$0x2] =	stream.indirect.gather [hbm4b:s4+s12], $0x80, s19, s12, $0xb8;
	[tilespmem:$0x1D000] =	vst v63  }
0x186: {  	_ =	swait.ge [sflag:s15], $0x4000  }
0x187: {  	[sflag:s15] =	ssyncset.done $0x0  }
0x188: {  	[sflag:s15] =	ssyncadd.s32 $0xFFFFC000  }
0x189: {  	[spmem:s2] =	stream.indirect.scatter.add.f32 [tilespmem:s13], [sflag:$0x3], $0x80, s20, s12, $0xb8;
	[tilespmem:$0x1D000] =	vst v63  }
0x18a: {  	_ =	swait.ge [sflag:s16], $0x4000  }
0x18b: {  	[sflag:s16] =	ssyncset.done $0x0  }
0x18c: {  	[sflag:s16] =	ssyncadd.s32 $0xFFFFC000  }
0x18d: {  	[tilespmem:s13], [sflag:$0x1] =	stream.indirect.gather [hbm4b:s4+s12], $0x80, s21, s12, $0xb8;
	[tilespmem:$0x1D000] =	vst v63  }
0x18e: {  	_ =	swait.ge [sflag:s17], $0x4000  }
0x18f: {  	[sflag:s17] =	ssyncset.done $0x0  }
0x190: {  	[sflag:s17] =	ssyncadd.s32 $0xFFFFC000  }
0x191: {  	[spmem:s2] =	stream.indirect.scatter.add.f32 [tilespmem:s14], [sflag:$0x4], $0x80, s22, s12, $0xb8;
	[tilespmem:$0x1D000] =	vst v63  }
0x192: {  	_ =	swait.ge [sflag:s18], $0x4000  }
0x193: {  	[sflag:s18] =	ssyncset.done $0x0  }
0x194: {  	[sflag:s18] =	ssyncadd.s32 $0xFFFFC000  }
0x195: {  	[tilespmem:s14], [sflag:$0x2] =	stream.indirect.gather [hbm4b:s4+s12], $0x80, s23, s12, $0xb8;
	[tilespmem:$0x1D000] =	vst v63  }
0x196: {  	_ =	swait.ge [sflag:s15], $0x4000  }
0x197: {  	[sflag:s15] =	ssyncset.done $0x0  }
0x198: {  	[sflag:s15] =	ssyncadd.s32 $0xFFFFC000  }
0x199: {  	[spmem:s2] =	stream.indirect.scatter.add.f32 [tilespmem:s13], [sflag:$0x3], $0x80, s24, s12, $0xb8;
	[tilespmem:$0x1D000] =	vst v63  }
0x19a: {  	_ =	swait.ge [sflag:s16], $0x4000  }
0x19b: {  	[sflag:s16] =	ssyncset.done $0x0  }
0x19c: {  	[sflag:s16] =	ssyncadd.s32 $0xFFFFC000  }
0x19d: {  	[tilespmem:s13], [sflag:$0x1] =	stream.indirect.gather [hbm4b:s4+s12], $0x80, s25, s12, $0xb8;
	[tilespmem:$0x1D000] =	vst v63  }
0x19e: {  	_ =	swait.ge [sflag:s17], $0x4000  }
0x19f: {  	[sflag:s17] =	ssyncset.done $0x0  }
0x1a0: {  	[sflag:s17] =	ssyncadd.s32 $0xFFFFC000  }
0x1a1: {  	[spmem:s2] =	stream.indirect.scatter.add.f32 [tilespmem:s14], [sflag:$0x4], $0x80, s26, s12, $0xb8;
	[tilespmem:$0x1D000] =	vst v63  }
0x1a2: {  	_ =	swait.ge [sflag:s18], $0x4000  }
0x1a3: {  	[sflag:s18] =	ssyncset.done $0x0  }
0x1a4: {  	[sflag:s18] =	ssyncadd.s32 $0xFFFFC000  }
0x1a5: {  	[tilespmem:s14], [sflag:$0x2] =	stream.indirect.gather [hbm4b:s4+s12], $0x80, s28, s12, $0xb8;
	[tilespmem:$0x1D000] =	vst v63  }
0x1a6: {  	_ =	swait.ge [sflag:s15], $0x4000  }
0x1a7: {  	[sflag:s15] =	ssyncset.done $0x0  }
0x1a8: {  	[sflag:s15] =	ssyncadd.s32 $0xFFFFC000  }
0x1a9: {  	[spmem:s2] =	stream.indirect.scatter.add.f32 [tilespmem:s13], [sflag:$0x3], $0x80, s29, s12, $0xb8;
	[tilespmem:$0x1D000] =	vst v63  }
0x1aa: {  	_ =	swait.ge [sflag:s16], $0x4000  }
0x1ab: {  	[sflag:s16] =	ssyncset.done $0x0  }
0x1ac: {  	[sflag:s16] =	ssyncadd.s32 $0xFFFFC000  }
0x1ad: {  	[tilespmem:s13], [sflag:$0x1] =	stream.indirect.gather [hbm4b:s4+s12], $0x80, s30, s12, $0xb8;
	[tilespmem:$0x1D000] =	vst v63  }
0x1ae: {  	_ =	swait.ge [sflag:s17], $0x4000  }
0x1af: {  	[sflag:s17] =	ssyncset.done $0x0  }
0x1b0: {  	[sflag:s17] =	ssyncadd.s32 $0xFFFFC000  }
0x1b1: {  	[spmem:s2] =	stream.indirect.scatter.add.f32 [tilespmem:s14], [sflag:$0x4], $0x80, s31, s12, $0xb8;
	[tilespmem:$0x1D000] =	vst v63  }
0x1b2: {  	_ =	swait.ge [sflag:s18], $0x4000  }
0x1b3: {  	[sflag:s18] =	ssyncset.done $0x0  }
0x1b4: {  	[sflag:s18] =	ssyncadd.s32 $0xFFFFC000  }
0x1b5: {  	[tilespmem:s14], [sflag:$0x2] =	stream.indirect.gather [hbm4b:s4+s12], $0x80, s1, s12, $0xb8;
	[tilespmem:$0x1D000] =	vst v63  }
0x1b6: {  	_ =	swait.ge [sflag:s15], $0x4000  }
0x1b7: {  	[sflag:s15] =	ssyncset.done $0x0  }
0x1b8: {  	[sflag:s15] =	ssyncadd.s32 $0xFFFFC000  }
0x1b9: {  	[spmem:s2] =	stream.indirect.scatter.add.f32 [tilespmem:s13], [sflag:$0x3], $0x80, s0, s12, $0xb8;
	[tilespmem:$0x1D000] =	vst v63  }
0x1ba: {  	_ =	swait.ge [sflag:s17], $0x4000  }
0x1bb: {  	[sflag:s17] =	ssyncset.done $0x0  }
0x1bc: {  	[sflag:s17] =	ssyncadd.s32 $0xFFFFC000  }
0x1bd: {  	[spmem:s2] =	stream.indirect.scatter.add.f32 [tilespmem:s14], [sflag:$0x4], $0x80, s5, s12, $0xb8;
	[tilespmem:$0x1D000] =	vst v63  }
0x1be: {  	_ =	swait.ge [sflag:s16], $0x4000  }
0x1bf: {  	[sflag:s16] =	ssyncset.done $0x0  }
0x1c0: {  	[sflag:s16] =	ssyncadd.s32 $0xFFFFC000  }
0x1c1: {  	_ =	swait.ge [sflag:s18], $0x4000  }
0x1c2: {  	[sflag:s18] =	ssyncset.done $0x0  }
0x1c3: {  	[sflag:s18] =	ssyncadd.s32 $0xFFFFC000  }
0x1c4: {  	[bflag:$0x0] =	sbarrier.arrive $0xFFFF  }
0x1c5: {  	s7 =	rddreg [dreg:$0x14]  }
0x1c6: {  	s9 =	rddreg [dreg:$0x15]  }
0x1c7: {  	s8 =	rddreg [dreg:$0x17]  }
0x1c8: {  	[hbm:s9], [sflag:s7] =	dma.local [spmem:s8], $0x2800  }
0x1c9: {  	_ =	swait.ge [sflag:s10], $0x2800  }
0x1ca: {  	s6 =	rddreg [dreg:$0x18]  }
0x1cb: {  	s9 =	sadd.s32 $0x1, s6;
	s6 =	rddreg [dreg:$0x16]  }
0x1cc: {  	p0 =	sne.s32 s9, s6  }
.Ltmp1:
0x1cd: {  	_ = 	snop;
	(pc) =	sbr.rel @p0 .LBB2_1-.Ltmp1, $3  }
0x1ce: {  	_ =	sdelay $0x1  }
0x1cf: {  	[sflag:s10] =	ssyncset.done $0x0  }
0x1d0: {  	[sflag:s10] =	ssyncadd.s32 $0xFFFFD800  }
0x1d1: {  	_ =	sfence.sel $0x180000  }
0x1d2: {  	[bflag:$0x0] =	sbarrier.arrive $0xFFFF  }
0x1d3: {  	_ =	strace $0x9000004A  }
0x1d4: {  	s0 =	stileid.u32;
	[bflag:$0x2] =	sbarrier.arrive $0xFFFF  }
0x1d5: {  	p0 =	sne.s32 s0, $0x0;
	s0 =	rddreg [dreg:$0x2]  }
0x1d6: {  	s0 =	sadd.s32 @!p0 $0x100000, s0  }
0x1d7: {  	[sflag:s0] =	ssyncadd.tile.s32 @!p0 $0x1;
	_ =	shalt  }
.Lfunc_end2:
_tile_overlayer_lowered:
.L_overlay_start_2:
0x1d8: {  	(tag) =	ssettag $0x2  }
0x1d9: {  	s0 =	rddreg [dreg:$0x0];
	s2 =	stileid.u32  }
0x1da: {  	s1 =	rddreg [dreg:$0x1];
	p0 =	sne.s32 s2, $0x0  }
0x1db: {  	s3 =	rddreg [dreg:$0x2];
	[bflag:$0x3] =	sbarrier.arrive $0xFFFF;
	s2 =	simm.s32 @!p0 $0x1C05  }
0x1dc: {  	[timem:s3], [sflag:s2] =	dma.local @!p0 [hbm:s0], s1  }
0x1dd: {  	s0 =	simm.s32 @!p0 $0x5  }
0x1de: {  	_ =	swait.ge @!p0 [sflag:s0], s1  }
0x1df: {  	s1 =	ssub.s32 @!p0 $0x0, s1;
	[sflag:s0] =	ssyncset.done @!p0 $0x0  }
0x1e0: {  	[sflag:s0] =	ssyncadd.s32 @!p0 s1  }
0x1e1: {  	[bflag:$0x3] =	sbarrier.arrive $0xFFFF  }
0x1e2: {  	_ =	shalt  }

// kernel: sc_edge2.3.cloned.1.call-start
scs
__scs_entry_jumppad:
0x0: {  	(pc) =	sbr.rel $0x88, $3  }
0x1: {  	(tag) =	ssettag $0x0;
	lr =	simm.s32 $0x1  }
0x2: {  	[smem:$0x3F8F] =	sst lr;
	_ =	strace $0xD0000000  }
0x3: {  	_ = 	snop  }
0x4: {  	_ = 	snop  }
0x5: {  	_ = 	snop  }
0x6: {  	_ = 	snop  }
0x7: {  	_ = 	snop  }
__scs_overlays_trampoline_lowered:
0x8: {  	[smem:$0x3F9E] =	sst s0  }
0x9: {  	[smem:$0x3F9F] =	sst s1  }
0xa: {  	[smem:$0x3FA0] =	sst s2  }
0xb: {  	[smem:$0x3FA1] =	sst s3  }
0xc: {  	[smem:$0x3FA2] =	sst s4  }
0xd: {  	[smem:$0x3FA3] =	sst s5  }
0xe: {  	[smem:$0x3FA4] =	sst s6  }
0xf: {  	[smem:$0x3FA5] =	sst s7  }
0x10: {  	[smem:$0x3FA6] =	sst s8  }
0x11: {  	[smem:$0x3FA7] =	sst s9;
	s0 =	simm.s32 @!p0 $0x0  }
0x12: {  	s1 =	sld [smem:$0x3F8D];
	s0 =	simm.s32 @p0 $0x1  }
0x13: {  	[smem:$0x3FA8] =	sst s0;
	s0 =	simm.s32 @!p1 $0x0  }
0x14: {  	s2 =	sld [smem:$0x3F8C];
	s0 =	simm.s32 @p1 $0x1  }
0x15: {  	[smem:$0x3FA9] =	sst s0;
	s0 =	simm.s32 @!p2 $0x0  }
0x16: {  	s3 =	sld [smem:$0x3FDB];
	s0 =	simm.s32 @p2 $0x1  }
0x17: {  	s4 =	simm.s32 $0x1BF5;
	[smem:$0x3FAB] =	sst s0  }
0x18: {  	s0 =	sld [smem:$0x3F8E];
	_ =	swait.ge [sflag:s4], $0x0  }
0x19: {  	s7 =	sld [smem:$0x3F8F]  }
0x1a: {  	s8 =	sadd.s32 $0xFFFFE003, lr  }
0x1b: {  	s9 =	sadd.s32 $0xFFFFFEF7, lr;
	s5 =	simm.s32 $0xFFFFFFFF;
	p2 =	slt.u32 s8, $0xFFFFF086  }
0x1c: {  	p1 =	slt.u32 s9, $0xF7A;
	s5 =	simm.s32 @!p2 $0x0  }
0x1d: {  	s5 =	simm.s32 @p1 $0x1;
	p0 =	seq.s32 s7, s2  }
0x1e: {  	s7 =	smul.u32 @!p0 $0xF7A, s2;
	p2 =	seq.s32 @!p0 s5, $0x0  }
0x1f: {  	s9 =	smul.u32 $0xF7A, s1;
	s8 =	simm.s32 @!p0 $0x1BF5;
	p2 =	por !p2, p0  }
0x20: {  	[sflag:s8] =	ssyncset.s32 @!p0 $0xFFFFF086;
	s6 =	sadd.s32 @!p0 s3, s7;
	s7 =	simm.s32 @!p0 $0x108  }
0x21: {  	s3 =	sadd.s32 s3, s9;
	s6 =	sadd.s32 @!p0 $0x88, s6;
	s7 =	simm.s32 @p2 $0x1082  }
0x22: {  	[simem:s7], [sflag:s8] =	dma.local @!p0 [hbm:s6], $0xF7A  }
0x23: {  	s9 =	sor.u32 $0xD0000000, s2;
	s6 =	simm.s32 $0x108;
	_ =	swait.ge @!p0 [sflag:s8], $0x0  }
0x24: {  	s3 =	sadd.s32 $0x88, s3;
	s6 =	simm.s32 @!p1 $0x1082;
	[sflag:s4] =	ssyncset.s32 $0xFFFFF086  }
0x25: {  	[simem:s6], [sflag:s4] =	dma.local [hbm:s3], $0xF7A  }
0x26: {  	[smem:$0x3F8F] =	sst s1;
	(tag) =	ssettag s2;
	_ =	strace s9  }
0x27: {  	s1 =	sld [smem:$0x3F9F]  }
0x28: {  	s2 =	sld [smem:$0x3FA0]  }
0x29: {  	s4 =	sld [smem:$0x3FA2]  }
0x2a: {  	p0 =	seq.s32 s5, $0x0;
	s5 =	sld [smem:$0x3FA3]  }
0x2b: {  	s6 =	sld [smem:$0x3FA4]  }
0x2c: {  	s7 =	sld [smem:$0x3FA5]  }
0x2d: {  	s3 =	simm.s32 $0x108;
	s8 =	sld [smem:$0x3FA6]  }
0x2e: {  	s3 =	simm.s32 @!p0 $0x1082;
	s9 =	sld [smem:$0x3FA7]  }
0x2f: {  	lr =	sadd.s32 s0, s3;
	s0 =	sld [smem:$0x3F9E]  }
0x30: {  	s3 =	sld [smem:$0x3FA1]  }
0x31: {  	[smem:$0x3FAA] =	sst s10  }
0x32: {  	s10 =	sld [smem:$0x3FA8];
	_ =	sdelay $0x3  }
0x33: {  	p0 =	seq.s32 s10, $0x1;
	s10 =	sld [smem:$0x3FAA];
	_ =	sdelay $0x3  }
0x34: {  	[smem:$0x3FAA] =	sst s10  }
0x35: {  	s10 =	sld [smem:$0x3FA9];
	_ =	sdelay $0x3  }
0x36: {  	p1 =	seq.s32 s10, $0x1;
	s10 =	sld [smem:$0x3FAA];
	_ =	sdelay $0x3  }
0x37: {  	[smem:$0x3FAA] =	sst s10  }
0x38: {  	s10 =	sld [smem:$0x3FAB]  }
0x39: {  	_ = 	snop;
	(pc) =	sbr.ind lr, $3  }
0x3a: {  	_ = 	snop  }
0x3b: {  	_ = 	snop  }
0x3c: {  	p2 =	seq.s32 s10, $0x1;
	s10 =	sld [smem:$0x3FAA]  }
0x3d: {  	_ =	shalt  }
0x3e: {  	_ =	shalt  }
0x3f: {  	_ =	shalt  }
0x40: {  	_ =	shalt  }
0x41: {  	_ =	shalt  }
0x42: {  	_ =	shalt  }
0x43: {  	_ =	shalt  }
0x44: {  	_ =	shalt  }
0x45: {  	_ =	shalt  }
0x46: {  	_ =	shalt  }
0x47: {  	_ =	shalt  }
0x48: {  	_ =	shalt  }
0x49: {  	_ =	shalt  }
0x4a: {  	_ =	shalt  }
0x4b: {  	_ =	shalt  }
0x4c: {  	_ =	shalt  }
0x4d: {  	_ =	shalt  }
0x4e: {  	_ =	shalt  }
0x4f: {  	_ =	shalt  }
0x50: {  	_ =	shalt  }
0x51: {  	_ =	shalt  }
0x52: {  	_ =	shalt  }
0x53: {  	_ =	shalt  }
0x54: {  	_ =	shalt  }
0x55: {  	_ =	shalt  }
0x56: {  	_ =	shalt  }
0x57: {  	_ =	shalt  }
0x58: {  	_ =	shalt  }
0x59: {  	_ =	shalt  }
0x5a: {  	_ =	shalt  }
0x5b: {  	_ =	shalt  }
0x5c: {  	_ =	shalt  }
0x5d: {  	_ =	shalt  }
0x5e: {  	_ =	shalt  }
0x5f: {  	_ =	shalt  }
0x60: {  	_ =	shalt  }
0x61: {  	_ =	shalt  }
0x62: {  	_ =	shalt  }
0x63: {  	_ =	shalt  }
0x64: {  	_ =	shalt  }
0x65: {  	_ =	shalt  }
0x66: {  	_ =	shalt  }
0x67: {  	_ =	shalt  }
0x68: {  	_ =	shalt  }
0x69: {  	_ =	shalt  }
0x6a: {  	_ =	shalt  }
0x6b: {  	_ =	shalt  }
0x6c: {  	_ =	shalt  }
0x6d: {  	_ =	shalt  }
0x6e: {  	_ =	shalt  }
0x6f: {  	_ =	shalt  }
0x70: {  	_ =	shalt  }
0x71: {  	_ =	shalt  }
0x72: {  	_ =	shalt  }
0x73: {  	_ =	shalt  }
0x74: {  	_ =	shalt  }
0x75: {  	_ =	shalt  }
0x76: {  	_ =	shalt  }
0x77: {  	_ =	shalt  }
0x78: {  	_ =	shalt  }
0x79: {  	_ =	shalt  }
0x7a: {  	_ =	shalt  }
0x7b: {  	_ =	shalt  }
0x7c: {  	_ =	shalt  }
0x7d: {  	_ =	shalt  }
0x7e: {  	_ =	shalt  }
0x7f: {  	_ =	shalt  }
0x80: {  	_ =	shalt  }
0x81: {  	_ =	shalt  }
0x82: {  	_ =	shalt  }
0x83: {  	_ =	shalt  }
0x84: {  	_ =	shalt  }
0x85: {  	_ =	shalt  }
0x86: {  	_ =	shalt  }
0x87: {  	_ =	shalt  }
.Lfunc_end0:
.L_simem_size_0:
called_computation.2_lowered:
.L_overlay_start_0:
0x88: {  	s2 =	sld [smem:$0x3FD9]  }
0x89: {  	s3 =	sld [smem:$0x3FFE];
	_ =	sdelay $0x1  }
0x8a: {  	s1 =	srdreg.scid  }
0x8b: {  	s0 =	sand.u32 $0x1, s1  }
0x8c: {  	s16 =	sshll.u32 s0, $0xA;
	s2 =	sadd.s32 s3, s2  }
0x8d: {  	s2 =	sadd.s32 s2, s16  }
0x8e: {  	[smem:$0x3FB6] =	sst s2  }
0x8f: {  	_ = 	snop  }
0x90: {  	(tm) =	ssettm $0x1  }
0x91: {  	s17 =	sld [smem:$0x3FFB];
	_ =	sdelay $0x3  }
0x92: {  	_ =	strace s17  }
0x93: {  	s2 =	sld [smem:$0x3FFC];
	_ =	sdelay $0x3  }
0x94: {  	_ =	strace s2  }
0x95: {  	s2 =	sld [smem:$0x3FFD];
	_ =	sdelay $0x3  }
0x96: {  	_ =	strace s2  }
0x97: {  	_ =	strace $0x8FFFFFFF  }
0x98: {  	s18 =	sld [smem:$0x3FDB];
	_ =	sdelay $0x1  }
0x99: {  	s19 =	simm.s32 $_scs_section_size  }
0x9a: {  	s4 =	simm.s32 $_size__tile_overlayer_lowered;
	s5 =	simm.s32 $_tile_overlayer_lowered  }
0x9b: {  	s22 =	simm.s32 $0x1BFF;
	s21 =	sshll.u32 s5, $0x1;
	s2 =	sadd.s32 s19, s18  }
0x9c: {  	s6 =	simm.s32 $0x0;
	s20 =	sshll.u32 s4, $0x1;
	s4 =	sadd.s32 s21, s2  }
0x9d: {  	[timem:s6], [sflag:s22] =	dma.local [hbm:s4], s20  }
0x9e: {  	_ =	swait.ge [sflag:s22], s20  }
0x9f: {  	s3 =	ssub.s32 $0x0, s20;
	[sflag:s22] =	ssyncset.done $0x0  }
0xa0: {  	[sflag:s22] =	ssyncadd.s32 s3;
	_ =	sdelay $0x1  }
0xa1: {  	s23 =	simm.s32 $0x1B8B  }
0xa2: {  	_ =	swait.ge [sflag:s23], $0x1  }
0xa3: {  	[sflag:s23] =	ssyncset.done $0x0  }
0xa4: {  	s25 =	simm.s32 $0x1B8E;
	s24 =	sld [smem:$0x3FFE];
	[sflag:s23] =	ssyncadd.s32 $0xFFFFFFFF  }
0xa5: {  	s26 =	simm.s32 $execute0_lowered;
	[smem:$0x3FD2] =	sst s25  }
0xa6: {  	s4 =	sshll.u32 s26, $0x1;
	_ =	strace $0x8000004C;
	[dreg:$0x1] =	wrdreg $0xFFFFFFFF  }
0xa7: {  	s28 =	simm.s32 $_size_execute0_lowered;
	s2 =	sadd.s32 s2, s4;
	[dreg:$0x0] =	wrdreg $0x0  }
0xa8: {  	s4 =	sshll.u32 s28, $0x1;
	[dreg:$0x2] =	wrdreg s2  }
0xa9: {  	[dreg:$0x3] =	wrdreg s4  }
0xaa: {  	[dreg:$0x4] =	wrdreg $0xC0  }
0xab: {  	_ =	task [dreg:s6], $0x5FFFF  }
0xac: {  	[dreg:$0x1] =	wrdreg $0xFFFFFFFF  }
0xad: {  	[dreg:$0x0] =	wrdreg $0x60  }
0xae: {  	[dreg:$0x2] =	wrdreg s24  }
0xaf: {  	[dreg:$0x3] =	wrdreg $0x90000  }
0xb0: {  	[dreg:$0x4] =	wrdreg $0x9  }
0xb1: {  	_ =	task.clear_ibuf [dreg:s6], $0x5FFFF;
	_ =	strace $0x9000004C  }
0xb2: {  	s29 =	simm.s32 $0x9;
	_ =	strace $0x8000004E  }
0xb3: {  	_ =	swait.ge [sflag:s29], $0x1  }
0xb4: {  	[sflag:s29] =	ssyncadd.s32 $0xFFFFFFFF  }
0xb5: {  	_ =	strace $0x9000004E  }
0xb6: {  	_ =	sfence  }
0xb7: {  	s30 =	sld [smem:$0x0];
	_ =	sdelay $0x2  }
0xb8: {  	s31 =	sshll.u32 s1, $0xD;
	s1 =	sshrl.u32 s1, $0x2  }
0xb9: {  	s3 =	sand.u32 $0x4000, s31;
	s1 =	sadd.s32 s1, s30  }
0xba: {  	s0 =	sor.u32 s3, s0;
	s1 =	sshll.u32 s1, $0x11  }
0xbb: {  	s0 =	sor.u32 s1, s0  }
0xbc: {  	s0 =	sadd.s32 $0x8F2B, s0  }
0xbd: {  	[sflag:s0] =	ssyncadd.remote.s32 $0x1  }
0xbe: {  	_ =	sfence.sel $0xFFFF  }
0xbf: {  	[dreg:$0x0] =	wrdreg $0xFFFFFFFF;
	(pc) =	sbr.abs _section_cstart, $3  }
0xc0: {  	[dreg:$0x1] =	wrdreg $0xFFFFFFFF  }
0xc1: {  	_ =	task.clear_ibuf [dreg:s6], $0x2FFFF;
	_ =	strace $0x9FFFFFFF  }
0xc2: {  	(tm) =	ssettm $0x7FFFFFFF  }
0xc3: {  	_ =	shalt  }
tec
execute0_lowered:
.L_overlay_start_1:
0x0: {  	(tag) =	ssettag $0x1  }
0x1: {  	s0 =	srdreg.scid  }
0x2: {  	s10 =	stileid.u32;
	s1 =	rddreg [dreg:$0x0]  }
0x3: {  	s2 =	rddreg [dreg:$0x1];
	s3 =	simm.s32 $0x0;
	s12 =	simm.s32 $0x100  }
0x4: {  	s14 =	simm.s32 $0x880;
	s15 =	simm.s32 $0x180;
	s16 =	simm.s32 $0x900  }
0x5: {  	s17 =	simm.s32 $0x200;
	s18 =	simm.s32 $0x980;
	[smem:$0x7FF] =	sst s3  }
0x6: {  	s19 =	simm.s32 $0x280;
	_ =	strace $0x8000004D;
	[dreg:$0x5] =	wrdreg s12  }
0x7: {  	s20 =	simm.s32 $0xA00;
	s21 =	simm.s32 $0x300;
	[dreg:$0x6] =	wrdreg s14  }
0x8: {  	s22 =	simm.s32 $0xA80;
	s23 =	simm.s32 $0x380;
	[dreg:$0x7] =	wrdreg s15  }
0x9: {  	s24 =	simm.s32 $0xB00;
	s25 =	simm.s32 $0x400;
	[dreg:$0x8] =	wrdreg s16  }
0xa: {  	s28 =	simm.s32 $0x680;
	s29 =	simm.s32 $0xE00;
	[dreg:$0x9] =	wrdreg s17  }
0xb: {  	s30 =	simm.s32 $0x700;
	s31 =	simm.s32 $0xE80;
	[dreg:$0xa] =	wrdreg s18  }
0xc: {  	s0 =	sand.u32 $0x1, s0;
	s4 =	smul.u32 $0x2800, s10;
	[dreg:$0xb] =	wrdreg s19  }
0xd: {  	s6 =	smul.u32 $0x14000, s10;
	s13 =	sshll.u32 s10, $0x6;
	[dreg:$0xc] =	wrdreg s20  }
0xe: {  	s10 =	simm.s32 $0x5;
	s5 =	smul.u32 $0x28000, s0;
	[dreg:$0xd] =	wrdreg s21  }
0xf: {  	s0 =	ssub.s32 $0x2, s0;
	s12 =	simm.s32 $0x80;
	[dreg:$0xe] =	wrdreg s22  }
0x10: {  	s14 =	simm.s32 $0x5000;
	s15 =	simm.s32 $0x1;
	[dreg:$0xf] =	wrdreg s23  }
0x11: {  	s16 =	simm.s32 $0x3;
	[dreg:$0x10] =	wrdreg s24;
	s17 =	simm.s32 $0x2  }
0x12: {  	[dreg:$0x11] =	wrdreg s25;
	s18 =	simm.s32 $0x4;
	s19 =	simm.s32 $0x480  }
0x13: {  	s20 =	simm.s32 $0xC00;
	s21 =	simm.s32 $0x500;
	s22 =	simm.s32 $0xC80  }
0x14: {  	s23 =	simm.s32 $0x580;
	s24 =	simm.s32 $0xD00;
	s25 =	simm.s32 $0x600  }
0x15: {  	s8 =	sshrl.u32 s6, $0x3;
	s9 =	sshrl.u32 s0, $0x1;
	s6 =	sadd.s32 s6, s2  }
0x16: {  	s5 =	sadd.s32 s4, s5;
	s8 =	sadd.s32 s8, s1;
	s0 =	ssub.s32 s0, s9  }
0x17: {  	s4 =	sshrl.u32 s5, $0x3;
	s11 =	sadd.s32 $0xA9400, s8;
	s0 =	smax.u32 s0, $0x1  }
0x18: {  	s8 =	sshrl.u32 s6, $0x3;
	s7 =	sadd.s32 s4, s1;
	[dreg:$0x13] =	wrdreg s11  }
0x19: {  	s4 =	sadd.s32 $0x81400, s1;
	s1 =	sadd.s32 s5, s1;
	[dreg:$0x16] =	wrdreg s0  }
0x1a: {  	s11 =	simm.s32 $0x800;
	[dreg:$0x17] =	wrdreg s8;
	s26 =	sadd.s32 $0x1D400, s7  }
0x1b: {  	s0 =	simm.s32 $0xF00;
	s9 =	sadd.s32 $0x27400, s7;
	[dreg:$0x3] =	wrdreg s26  }
0x1c: {  	s5 =	simm.s32 $0xF80;
	s1 =	sadd.s32 $0xD1400, s1;
	[dreg:$0x4] =	wrdreg s9  }
0x1d: {  	s7 =	sor.u32 $0x1C05, s13;
	s13 =	simm.s32 $0x1000;
	[dreg:$0x15] =	wrdreg s1  }
0x1e: {  	s26 =	simm.s32 $0xB80;
	s1 =	simm.s32 $0x780;
	[dreg:$0x14] =	wrdreg s7  }
0x1f: {  	s9 =	simm.s32 $0x0;
	[dreg:$0x12] =	wrdreg s26;
	s26 =	simm.s32 $0xD80  }
.LBB2_1:
0x20: {  	[dreg:$0x18] =	wrdreg s9  }
0x21: {  	s6 =	rddreg [dreg:$0x13]  }
0x22: {  	[spmem:s8], [sflag:s7] =	dma.local [hbm:s6], $0x2800  }
0x23: {  	_ =	swait.ge [sflag:s10], $0x2800  }
0x24: {  	[sflag:s10] =	ssyncset.done $0x0  }
0x25: {  	[sflag:s10] =	ssyncadd.s32 $0xFFFFD800  }
0x26: {  	[bflag:$0x0] =	sbarrier.arrive $0xFFFF  }
0x27: {  	s9 =	rddreg [dreg:$0x4]  }
0x28: {  	s6 =	sadd.s32 $0x0, s9  }
0x29: {  	[tilespmem:s3], [sflag:$0x5] =	stream.linear.gather [hbm4b:s6+s3], $0x800, $0x38;
	[tilespmem:$0x1D000] =	vst v63  }
0x2a: {  	_ =	swait.ge [sflag:s10], $0x800  }
0x2b: {  	s7 =	rddreg [dreg:$0x3];
	[sflag:s10] =	ssyncset.done $0x0  }
0x2c: {  	[sflag:s10] =	ssyncadd.s32 $0xFFFFF800;
	s6 =	sadd.s32 $0x0, s7  }
0x2d: {  	[tilespmem:s11], [sflag:$0x5] =	stream.linear.gather [hbm4b:s6+s3], $0x800, $0x38;
	[tilespmem:$0x1D000] =	vst v63  }
0x2e: {  	_ =	swait.ge [sflag:s10], $0x800  }
0x2f: {  	[sflag:s10] =	ssyncset.done $0x0  }
0x30: {  	[sflag:s10] =	ssyncadd.s32 $0xFFFFF800  }
0x31: {  	[tilespmem:s13], [sflag:$0x1] =	stream.indirect.gather [hbm4b:s4+s12], $0x80, s3, s12, $0xb8;
	[tilespmem:$0x1D000] =	vst v63  }
0x32: {  	_ = 	snop  }
0x33: {  	[tilespmem:s14], [sflag:$0x2] =	stream.indirect.gather [hbm4b:s4+s12], $0x80, s12, s12, $0xb8;
	[tilespmem:$0x1D000] =	vst v63  }
0x34: {  	_ =	swait.ge [sflag:s15], $0x4000  }
0x35: {  	[sflag:s15] =	ssyncset.done $0x0  }
0x36: {  	[sflag:s15] =	ssyncadd.s32 $0xFFFFC000  }
0x37: {  	[spmem:s2] =	stream.indirect.scatter.add.f32 [tilespmem:s13], [sflag:$0x3], $0x80, s11, s12, $0xb8;
	[tilespmem:$0x1D000] =	vst v63  }
0x38: {  	_ =	swait.ge [sflag:s16], $0x4000  }
0x39: {  	[sflag:s16] =	ssyncset.done $0x0  }
0x3a: {  	s8 =	rddreg [dreg:$0x5];
	[sflag:s16] =	ssyncadd.s32 $0xFFFFC000  }
0x3b: {  	[tilespmem:s13], [sflag:$0x1] =	stream.indirect.gather [hbm4b:s4+s12], $0x80, s8, s12, $0xb8;
	[tilespmem:$0x1D000] =	vst v63  }
0x3c: {  	_ =	swait.ge [sflag:s17], $0x4000  }
0x3d: {  	[sflag:s17] =	ssyncset.done $0x0  }
0x3e: {  	s9 =	rddreg [dreg:$0x6];
	[sflag:s17] =	ssyncadd.s32 $0xFFFFC000  }
0x3f: {  	[spmem:s2] =	stream.indirect.scatter.add.f32 [tilespmem:s14], [sflag:$0x4], $0x80, s9, s12, $0xb8;
	[tilespmem:$0x1D000] =	vst v63  }
0x40: {  	_ =	swait.ge [sflag:s18], $0x4000  }
0x41: {  	[sflag:s18] =	ssyncset.done $0x0  }
0x42: {  	s7 =	rddreg [dreg:$0x7];
	[sflag:s18] =	ssyncadd.s32 $0xFFFFC000  }
0x43: {  	[tilespmem:s14], [sflag:$0x2] =	stream.indirect.gather [hbm4b:s4+s12], $0x80, s7, s12, $0xb8;
	[tilespmem:$0x1D000] =	vst v63  }
0x44: {  	_ =	swait.ge [sflag:s15], $0x4000  }
0x45: {  	[sflag:s15] =	ssyncset.done $0x0  }
0x46: {  	s8 =	rddreg [dreg:$0x8];
	[sflag:s15] =	ssyncadd.s32 $0xFFFFC000  }
0x47: {  	[spmem:s2] =	stream.indirect.scatter.add.f32 [tilespmem:s13], [sflag:$0x3], $0x80, s8, s12, $0xb8;
	[tilespmem:$0x1D000] =	vst v63  }
0x48: {  	_ =	swait.ge [sflag:s16], $0x4000  }
0x49: {  	[sflag:s16] =	ssyncset.done $0x0  }
0x4a: {  	s9 =	rddreg [dreg:$0x9];
	[sflag:s16] =	ssyncadd.s32 $0xFFFFC000  }
0x4b: {  	[tilespmem:s13], [sflag:$0x1] =	stream.indirect.gather [hbm4b:s4+s12], $0x80, s9, s12, $0xb8;
	[tilespmem:$0x1D000] =	vst v63  }
0x4c: {  	_ =	swait.ge [sflag:s17], $0x4000  }
0x4d: {  	[sflag:s17] =	ssyncset.done $0x0  }
0x4e: {  	s7 =	rddreg [dreg:$0xa];
	[sflag:s17] =	ssyncadd.s32 $0xFFFFC000  }
0x4f: {  	[spmem:s2] =	stream.indirect.scatter.add.f32 [tilespmem:s14], [sflag:$0x4], $0x80, s7, s12, $0xb8;
	[tilespmem:$0x1D000] =	vst v63  }
0x50: {  	_ =	swait.ge [sflag:s18], $0x4000  }
0x51: {  	[sflag:s18] =	ssyncset.done $0x0  }
0x52: {  	s8 =	rddreg [dreg:$0xb];
	[sflag:s18] =	ssyncadd.s32 $0xFFFFC000  }
0x53: {  	[tilespmem:s14], [sflag:$0x2] =	stream.indirect.gather [hbm4b:s4+s12], $0x80, s8, s12, $0xb8;
	[tilespmem:$0x1D000] =	vst v63  }
0x54: {  	_ =	swait.ge [sflag:s15], $0x4000  }
0x55: {  	[sflag:s15] =	ssyncset.done $0x0  }
0x56: {  	s9 =	rddreg [dreg:$0xc];
	[sflag:s15] =	ssyncadd.s32 $0xFFFFC000  }
0x57: {  	[spmem:s2] =	stream.indirect.scatter.add.f32 [tilespmem:s13], [sflag:$0x3], $0x80, s9, s12, $0xb8;
	[tilespmem:$0x1D000] =	vst v63  }
0x58: {  	_ =	swait.ge [sflag:s16], $0x4000  }
0x59: {  	[sflag:s16] =	ssyncset.done $0x0  }
0x5a: {  	s7 =	rddreg [dreg:$0xd];
	[sflag:s16] =	ssyncadd.s32 $0xFFFFC000  }
0x5b: {  	[tilespmem:s13], [sflag:$0x1] =	stream.indirect.gather [hbm4b:s4+s12], $0x80, s7, s12, $0xb8;
	[tilespmem:$0x1D000] =	vst v63  }
0x5c: {  	_ =	swait.ge [sflag:s17], $0x4000  }
0x5d: {  	[sflag:s17] =	ssyncset.done $0x0  }
0x5e: {  	s8 =	rddreg [dreg:$0xe];
	[sflag:s17] =	ssyncadd.s32 $0xFFFFC000  }
0x5f: {  	[spmem:s2] =	stream.indirect.scatter.add.f32 [tilespmem:s14], [sflag:$0x4], $0x80, s8, s12, $0xb8;
	[tilespmem:$0x1D000] =	vst v63  }
0x60: {  	_ =	swait.ge [sflag:s18], $0x4000  }
0x61: {  	[sflag:s18] =	ssyncset.done $0x0  }
0x62: {  	s9 =	rddreg [dreg:$0xf];
	[sflag:s18] =	ssyncadd.s32 $0xFFFFC000  }
0x63: {  	[tilespmem:s14], [sflag:$0x2] =	stream.indirect.gather [hbm4b:s4+s12], $0x80, s9, s12, $0xb8;
	[tilespmem:$0x1D000] =	vst v63  }
0x64: {  	_ =	swait.ge [sflag:s15], $0x4000  }
0x65: {  	[sflag:s15] =	ssyncset.done $0x0  }
0x66: {  	s7 =	rddreg [dreg:$0x10];
	[sflag:s15] =	ssyncadd.s32 $0xFFFFC000  }
0x67: {  	[spmem:s2] =	stream.indirect.scatter.add.f32 [tilespmem:s13], [sflag:$0x3], $0x80, s7, s12, $0xb8;
	[tilespmem:$0x1D000] =	vst v63  }
0x68: {  	_ =	swait.ge [sflag:s16], $0x4000  }
0x69: {  	[sflag:s16] =	ssyncset.done $0x0  }
0x6a: {  	s8 =	rddreg [dreg:$0x11];
	[sflag:s16] =	ssyncadd.s32 $0xFFFFC000  }
0x6b: {  	[tilespmem:s13], [sflag:$0x1] =	stream.indirect.gather [hbm4b:s4+s12], $0x80, s8, s12, $0xb8;
	[tilespmem:$0x1D000] =	vst v63  }
0x6c: {  	_ =	swait.ge [sflag:s17], $0x4000  }
0x6d: {  	[sflag:s17] =	ssyncset.done $0x0  }
0x6e: {  	s9 =	rddreg [dreg:$0x12];
	[sflag:s17] =	ssyncadd.s32 $0xFFFFC000  }
0x6f: {  	[spmem:s2] =	stream.indirect.scatter.add.f32 [tilespmem:s14], [sflag:$0x4], $0x80, s9, s12, $0xb8;
	[tilespmem:$0x1D000] =	vst v63  }
0x70: {  	_ =	swait.ge [sflag:s18], $0x4000  }
0x71: {  	[sflag:s18] =	ssyncset.done $0x0  }
0x72: {  	[sflag:s18] =	ssyncadd.s32 $0xFFFFC000  }
0x73: {  	[tilespmem:s14], [sflag:$0x2] =	stream.indirect.gather [hbm4b:s4+s12], $0x80, s19, s12, $0xb8;
	[tilespmem:$0x1D000] =	vst v63  }
0x74: {  	_ =	swait.ge [sflag:s15], $0x4000  }
0x75: {  	[sflag:s15] =	ssyncset.done $0x0  }
0x76: {  	[sflag:s15] =	ssyncadd.s32 $0xFFFFC000  }
0x77: {  	[spmem:s2] =	stream.indirect.scatter.add.f32 [tilespmem:s13], [sflag:$0x3], $0x80, s20, s12, $0xb8;
	[tilespmem:$0x1D000] =	vst v63  }
0x78: {  	_ =	swait.ge [sflag:s16], $0x4000  }
0x79: {  	[sflag:s16] =	ssyncset.done $0x0  }
0x7a: {  	[sflag:s16] =	ssyncadd.s32 $0xFFFFC000  }
0x7b: {  	[tilespmem:s13], [sflag:$0x1] =	stream.indirect.gather [hbm4b:s4+s12], $0x80, s21, s12, $0xb8;
	[tilespmem:$0x1D000] =	vst v63  }
0x7c: {  	_ =	swait.ge [sflag:s17], $0x4000  }
0x7d: {  	[sflag:s17] =	ssyncset.done $0x0  }
0x7e: {  	[sflag:s17] =	ssyncadd.s32 $0xFFFFC000  }
0x7f: {  	[spmem:s2] =	stream.indirect.scatter.add.f32 [tilespmem:s14], [sflag:$0x4], $0x80, s22, s12, $0xb8;
	[tilespmem:$0x1D000] =	vst v63  }
0x80: {  	_ =	swait.ge [sflag:s18], $0x4000  }
0x81: {  	[sflag:s18] =	ssyncset.done $0x0  }
0x82: {  	[sflag:s18] =	ssyncadd.s32 $0xFFFFC000  }
0x83: {  	[tilespmem:s14], [sflag:$0x2] =	stream.indirect.gather [hbm4b:s4+s12], $0x80, s23, s12, $0xb8;
	[tilespmem:$0x1D000] =	vst v63  }
0x84: {  	_ =	swait.ge [sflag:s15], $0x4000  }
0x85: {  	[sflag:s15] =	ssyncset.done $0x0  }
0x86: {  	[sflag:s15] =	ssyncadd.s32 $0xFFFFC000  }
0x87: {  	[spmem:s2] =	stream.indirect.scatter.add.f32 [tilespmem:s13], [sflag:$0x3], $0x80, s24, s12, $0xb8;
	[tilespmem:$0x1D000] =	vst v63  }
0x88: {  	_ =	swait.ge [sflag:s16], $0x4000  }
0x89: {  	[sflag:s16] =	ssyncset.done $0x0  }
0x8a: {  	[sflag:s16] =	ssyncadd.s32 $0xFFFFC000  }
0x8b: {  	[tilespmem:s13], [sflag:$0x1] =	stream.indirect.gather [hbm4b:s4+s12], $0x80, s25, s12, $0xb8;
	[tilespmem:$0x1D000] =	vst v63  }
0x8c: {  	_ =	swait.ge [sflag:s17], $0x4000  }
0x8d: {  	[sflag:s17] =	ssyncset.done $0x0  }
0x8e: {  	[sflag:s17] =	ssyncadd.s32 $0xFFFFC000  }
0x8f: {  	[spmem:s2] =	stream.indirect.scatter.add.f32 [tilespmem:s14], [sflag:$0x4], $0x80, s26, s12, $0xb8;
	[tilespmem:$0x1D000] =	vst v63  }
0x90: {  	_ =	swait.ge [sflag:s18], $0x4000  }
0x91: {  	[sflag:s18] =	ssyncset.done $0x0  }
0x92: {  	[sflag:s18] =	ssyncadd.s32 $0xFFFFC000  }
0x93: {  	[tilespmem:s14], [sflag:$0x2] =	stream.indirect.gather [hbm4b:s4+s12], $0x80, s28, s12, $0xb8;
	[tilespmem:$0x1D000] =	vst v63  }
0x94: {  	_ =	swait.ge [sflag:s15], $0x4000  }
0x95: {  	[sflag:s15] =	ssyncset.done $0x0  }
0x96: {  	[sflag:s15] =	ssyncadd.s32 $0xFFFFC000  }
0x97: {  	[spmem:s2] =	stream.indirect.scatter.add.f32 [tilespmem:s13], [sflag:$0x3], $0x80, s29, s12, $0xb8;
	[tilespmem:$0x1D000] =	vst v63  }
0x98: {  	_ =	swait.ge [sflag:s16], $0x4000  }
0x99: {  	[sflag:s16] =	ssyncset.done $0x0  }
0x9a: {  	[sflag:s16] =	ssyncadd.s32 $0xFFFFC000  }
0x9b: {  	[tilespmem:s13], [sflag:$0x1] =	stream.indirect.gather [hbm4b:s4+s12], $0x80, s30, s12, $0xb8;
	[tilespmem:$0x1D000] =	vst v63  }
0x9c: {  	_ =	swait.ge [sflag:s17], $0x4000  }
0x9d: {  	[sflag:s17] =	ssyncset.done $0x0  }
0x9e: {  	[sflag:s17] =	ssyncadd.s32 $0xFFFFC000  }
0x9f: {  	[spmem:s2] =	stream.indirect.scatter.add.f32 [tilespmem:s14], [sflag:$0x4], $0x80, s31, s12, $0xb8;
	[tilespmem:$0x1D000] =	vst v63  }
0xa0: {  	_ =	swait.ge [sflag:s18], $0x4000  }
0xa1: {  	[sflag:s18] =	ssyncset.done $0x0  }
0xa2: {  	[sflag:s18] =	ssyncadd.s32 $0xFFFFC000  }
0xa3: {  	[tilespmem:s14], [sflag:$0x2] =	stream.indirect.gather [hbm4b:s4+s12], $0x80, s1, s12, $0xb8;
	[tilespmem:$0x1D000] =	vst v63  }
0xa4: {  	_ =	swait.ge [sflag:s15], $0x4000  }
0xa5: {  	[sflag:s15] =	ssyncset.done $0x0  }
0xa6: {  	[sflag:s15] =	ssyncadd.s32 $0xFFFFC000  }
0xa7: {  	[spmem:s2] =	stream.indirect.scatter.add.f32 [tilespmem:s13], [sflag:$0x3], $0x80, s0, s12, $0xb8;
	[tilespmem:$0x1D000] =	vst v63  }
0xa8: {  	_ =	swait.ge [sflag:s17], $0x4000  }
0xa9: {  	[sflag:s17] =	ssyncset.done $0x0  }
0xaa: {  	[sflag:s17] =	ssyncadd.s32 $0xFFFFC000  }
0xab: {  	[spmem:s2] =	stream.indirect.scatter.add.f32 [tilespmem:s14], [sflag:$0x4], $0x80, s5, s12, $0xb8;
	[tilespmem:$0x1D000] =	vst v63  }
0xac: {  	_ =	swait.ge [sflag:s16], $0x4000  }
0xad: {  	[sflag:s16] =	ssyncset.done $0x0  }
0xae: {  	[sflag:s16] =	ssyncadd.s32 $0xFFFFC000  }
0xaf: {  	s6 =	simm.s32 $0x200;
	_ =	swait.ge [sflag:s18], $0x4000  }
0xb0: {  	s8 =	simm.s32 $0x100;
	s9 =	rddreg [dreg:$0x4];
	[sflag:s18] =	ssyncset.done $0x0  }
.LBB2_2:
0xb1: {  	[sflag:s18] =	ssyncadd.s32 $0xFFFFC000;
	s9 =	sadd.s32 s8, s9  }
0xb2: {  	[tilespmem:s3], [sflag:$0x5] =	stream.linear.gather [hbm4b:s9+s3], $0x800, $0x38;
	[tilespmem:$0x1D000] =	vst v63  }
0xb3: {  	_ =	swait.ge [sflag:s10], $0x800  }
0xb4: {  	s9 =	rddreg [dreg:$0x3];
	[sflag:s10] =	ssyncset.done $0x0  }
0xb5: {  	[sflag:s10] =	ssyncadd.s32 $0xFFFFF800;
	s9 =	sadd.s32 s8, s9  }
0xb6: {  	[tilespmem:s11], [sflag:$0x5] =	stream.linear.gather [hbm4b:s9+s3], $0x800, $0x38;
	[tilespmem:$0x1D000] =	vst v63  }
0xb7: {  	_ =	swait.ge [sflag:s10], $0x800  }
0xb8: {  	[sflag:s10] =	ssyncset.done $0x0  }
0xb9: {  	[sflag:s10] =	ssyncadd.s32 $0xFFFFF800  }
0xba: {  	[tilespmem:s13], [sflag:$0x1] =	stream.indirect.gather [hbm4b:s4+s12], $0x80, s3, s12, $0xb8;
	[tilespmem:$0x1D000] =	vst v63  }
0xbb: {  	_ = 	snop  }
0xbc: {  	[tilespmem:s14], [sflag:$0x2] =	stream.indirect.gather [hbm4b:s4+s12], $0x80, s12, s12, $0xb8;
	[tilespmem:$0x1D000] =	vst v63  }
0xbd: {  	_ =	swait.ge [sflag:s15], $0x4000  }
0xbe: {  	[sflag:s15] =	ssyncset.done $0x0  }
0xbf: {  	[sflag:s15] =	ssyncadd.s32 $0xFFFFC000  }
0xc0: {  	[spmem:s2] =	stream.indirect.scatter.add.f32 [tilespmem:s13], [sflag:$0x3], $0x80, s11, s12, $0xb8;
	[tilespmem:$0x1D000] =	vst v63  }
0xc1: {  	_ =	swait.ge [sflag:s16], $0x4000  }
0xc2: {  	[sflag:s16] =	ssyncset.done $0x0  }
0xc3: {  	s9 =	rddreg [dreg:$0x5];
	[sflag:s16] =	ssyncadd.s32 $0xFFFFC000  }
0xc4: {  	[tilespmem:s13], [sflag:$0x1] =	stream.indirect.gather [hbm4b:s4+s12], $0x80, s9, s12, $0xb8;
	[tilespmem:$0x1D000] =	vst v63  }
0xc5: {  	_ =	swait.ge [sflag:s17], $0x4000  }
0xc6: {  	[sflag:s17] =	ssyncset.done $0x0  }
0xc7: {  	s9 =	rddreg [dreg:$0x6];
	[sflag:s17] =	ssyncadd.s32 $0xFFFFC000  }
0xc8: {  	[spmem:s2] =	stream.indirect.scatter.add.f32 [tilespmem:s14], [sflag:$0x4], $0x80, s9, s12, $0xb8;
	[tilespmem:$0x1D000] =	vst v63  }
0xc9: {  	_ =	swait.ge [sflag:s18], $0x4000  }
0xca: {  	[sflag:s18] =	ssyncset.done $0x0  }
0xcb: {  	s9 =	rddreg [dreg:$0x7];
	[sflag:s18] =	ssyncadd.s32 $0xFFFFC000  }
0xcc: {  	[tilespmem:s14], [sflag:$0x2] =	stream.indirect.gather [hbm4b:s4+s12], $0x80, s9, s12, $0xb8;
	[tilespmem:$0x1D000] =	vst v63  }
0xcd: {  	_ =	swait.ge [sflag:s15], $0x4000  }
0xce: {  	[sflag:s15] =	ssyncset.done $0x0  }
0xcf: {  	s9 =	rddreg [dreg:$0x8];
	[sflag:s15] =	ssyncadd.s32 $0xFFFFC000  }
0xd0: {  	[spmem:s2] =	stream.indirect.scatter.add.f32 [tilespmem:s13], [sflag:$0x3], $0x80, s9, s12, $0xb8;
	[tilespmem:$0x1D000] =	vst v63  }
0xd1: {  	_ =	swait.ge [sflag:s16], $0x4000  }
0xd2: {  	[sflag:s16] =	ssyncset.done $0x0  }
0xd3: {  	s9 =	rddreg [dreg:$0x9];
	[sflag:s16] =	ssyncadd.s32 $0xFFFFC000  }
0xd4: {  	[tilespmem:s13], [sflag:$0x1] =	stream.indirect.gather [hbm4b:s4+s12], $0x80, s9, s12, $0xb8;
	[tilespmem:$0x1D000] =	vst v63  }
0xd5: {  	_ =	swait.ge [sflag:s17], $0x4000  }
0xd6: {  	[sflag:s17] =	ssyncset.done $0x0  }
0xd7: {  	s9 =	rddreg [dreg:$0xa];
	[sflag:s17] =	ssyncadd.s32 $0xFFFFC000  }
0xd8: {  	[spmem:s2] =	stream.indirect.scatter.add.f32 [tilespmem:s14], [sflag:$0x4], $0x80, s9, s12, $0xb8;
	[tilespmem:$0x1D000] =	vst v63  }
0xd9: {  	_ =	swait.ge [sflag:s18], $0x4000  }
0xda: {  	[sflag:s18] =	ssyncset.done $0x0  }
0xdb: {  	s9 =	rddreg [dreg:$0xb];
	[sflag:s18] =	ssyncadd.s32 $0xFFFFC000  }
0xdc: {  	[tilespmem:s14], [sflag:$0x2] =	stream.indirect.gather [hbm4b:s4+s12], $0x80, s9, s12, $0xb8;
	[tilespmem:$0x1D000] =	vst v63  }
0xdd: {  	_ =	swait.ge [sflag:s15], $0x4000  }
0xde: {  	[sflag:s15] =	ssyncset.done $0x0  }
0xdf: {  	s9 =	rddreg [dreg:$0xc];
	[sflag:s15] =	ssyncadd.s32 $0xFFFFC000  }
0xe0: {  	[spmem:s2] =	stream.indirect.scatter.add.f32 [tilespmem:s13], [sflag:$0x3], $0x80, s9, s12, $0xb8;
	[tilespmem:$0x1D000] =	vst v63  }
0xe1: {  	_ =	swait.ge [sflag:s16], $0x4000  }
0xe2: {  	[sflag:s16] =	ssyncset.done $0x0  }
0xe3: {  	s9 =	rddreg [dreg:$0xd];
	[sflag:s16] =	ssyncadd.s32 $0xFFFFC000  }
0xe4: {  	[tilespmem:s13], [sflag:$0x1] =	stream.indirect.gather [hbm4b:s4+s12], $0x80, s9, s12, $0xb8;
	[tilespmem:$0x1D000] =	vst v63  }
0xe5: {  	_ =	swait.ge [sflag:s17], $0x4000  }
0xe6: {  	[sflag:s17] =	ssyncset.done $0x0  }
0xe7: {  	s9 =	rddreg [dreg:$0xe];
	[sflag:s17] =	ssyncadd.s32 $0xFFFFC000  }
0xe8: {  	[spmem:s2] =	stream.indirect.scatter.add.f32 [tilespmem:s14], [sflag:$0x4], $0x80, s9, s12, $0xb8;
	[tilespmem:$0x1D000] =	vst v63  }
0xe9: {  	_ =	swait.ge [sflag:s18], $0x4000  }
0xea: {  	[sflag:s18] =	ssyncset.done $0x0  }
0xeb: {  	s9 =	rddreg [dreg:$0xf];
	[sflag:s18] =	ssyncadd.s32 $0xFFFFC000  }
0xec: {  	[tilespmem:s14], [sflag:$0x2] =	stream.indirect.gather [hbm4b:s4+s12], $0x80, s9, s12, $0xb8;
	[tilespmem:$0x1D000] =	vst v63  }
0xed: {  	_ =	swait.ge [sflag:s15], $0x4000  }
0xee: {  	[sflag:s15] =	ssyncset.done $0x0  }
0xef: {  	s9 =	rddreg [dreg:$0x10];
	[sflag:s15] =	ssyncadd.s32 $0xFFFFC000  }
0xf0: {  	[spmem:s2] =	stream.indirect.scatter.add.f32 [tilespmem:s13], [sflag:$0x3], $0x80, s9, s12, $0xb8;
	[tilespmem:$0x1D000] =	vst v63  }
0xf1: {  	_ =	swait.ge [sflag:s16], $0x4000  }
0xf2: {  	[sflag:s16] =	ssyncset.done $0x0  }
0xf3: {  	s9 =	rddreg [dreg:$0x11];
	[sflag:s16] =	ssyncadd.s32 $0xFFFFC000  }
0xf4: {  	[tilespmem:s13], [sflag:$0x1] =	stream.indirect.gather [hbm4b:s4+s12], $0x80, s9, s12, $0xb8;
	[tilespmem:$0x1D000] =	vst v63  }
0xf5: {  	_ =	swait.ge [sflag:s17], $0x4000  }
0xf6: {  	[sflag:s17] =	ssyncset.done $0x0  }
0xf7: {  	s9 =	rddreg [dreg:$0x12];
	[sflag:s17] =	ssyncadd.s32 $0xFFFFC000  }
0xf8: {  	[spmem:s2] =	stream.indirect.scatter.add.f32 [tilespmem:s14], [sflag:$0x4], $0x80, s9, s12, $0xb8;
	[tilespmem:$0x1D000] =	vst v63  }
0xf9: {  	_ =	swait.ge [sflag:s18], $0x4000  }
0xfa: {  	[sflag:s18] =	ssyncset.done $0x0  }
0xfb: {  	[sflag:s18] =	ssyncadd.s32 $0xFFFFC000  }
0xfc: {  	[tilespmem:s14], [sflag:$0x2] =	stream.indirect.gather [hbm4b:s4+s12], $0x80, s19, s12, $0xb8;
	[tilespmem:$0x1D000] =	vst v63  }
0xfd: {  	_ =	swait.ge [sflag:s15], $0x4000  }
0xfe: {  	[sflag:s15] =	ssyncset.done $0x0  }
0xff: {  	[sflag:s15] =	ssyncadd.s32 $0xFFFFC000  }
0x100: {  	[spmem:s2] =	stream.indirect.scatter.add.f32 [tilespmem:s13], [sflag:$0x3], $0x80, s20, s12, $0xb8;
	[tilespmem:$0x1D000] =	vst v63  }
0x101: {  	_ =	swait.ge [sflag:s16], $0x4000  }
0x102: {  	[sflag:s16] =	ssyncset.done $0x0  }
0x103: {  	[sflag:s16] =	ssyncadd.s32 $0xFFFFC000  }
0x104: {  	[tilespmem:s13], [sflag:$0x1] =	stream.indirect.gather [hbm4b:s4+s12], $0x80, s21, s12, $0xb8;
	[tilespmem:$0x1D000] =	vst v63  }
0x105: {  	_ =	swait.ge [sflag:s17], $0x4000  }
0x106: {  	[sflag:s17] =	ssyncset.done $0x0  }
0x107: {  	[sflag:s17] =	ssyncadd.s32 $0xFFFFC000  }
0x108: {  	[spmem:s2] =	stream.indirect.scatter.add.f32 [tilespmem:s14], [sflag:$0x4], $0x80, s22, s12, $0xb8;
	[tilespmem:$0x1D000] =	vst v63  }
0x109: {  	_ =	swait.ge [sflag:s18], $0x4000  }
0x10a: {  	[sflag:s18] =	ssyncset.done $0x0  }
0x10b: {  	[sflag:s18] =	ssyncadd.s32 $0xFFFFC000  }
0x10c: {  	[tilespmem:s14], [sflag:$0x2] =	stream.indirect.gather [hbm4b:s4+s12], $0x80, s23, s12, $0xb8;
	[tilespmem:$0x1D000] =	vst v63  }
0x10d: {  	_ =	swait.ge [sflag:s15], $0x4000  }
0x10e: {  	[sflag:s15] =	ssyncset.done $0x0  }
0x10f: {  	[sflag:s15] =	ssyncadd.s32 $0xFFFFC000  }
0x110: {  	[spmem:s2] =	stream.indirect.scatter.add.f32 [tilespmem:s13], [sflag:$0x3], $0x80, s24, s12, $0xb8;
	[tilespmem:$0x1D000] =	vst v63  }
0x111: {  	_ =	swait.ge [sflag:s16], $0x4000  }
0x112: {  	[sflag:s16] =	ssyncset.done $0x0  }
0x113: {  	[sflag:s16] =	ssyncadd.s32 $0xFFFFC000  }
0x114: {  	[tilespmem:s13], [sflag:$0x1] =	stream.indirect.gather [hbm4b:s4+s12], $0x80, s25, s12, $0xb8;
	[tilespmem:$0x1D000] =	vst v63  }
0x115: {  	_ =	swait.ge [sflag:s17], $0x4000  }
0x116: {  	[sflag:s17] =	ssyncset.done $0x0  }
0x117: {  	[sflag:s17] =	ssyncadd.s32 $0xFFFFC000  }
0x118: {  	[spmem:s2] =	stream.indirect.scatter.add.f32 [tilespmem:s14], [sflag:$0x4], $0x80, s26, s12, $0xb8;
	[tilespmem:$0x1D000] =	vst v63  }
0x119: {  	_ =	swait.ge [sflag:s18], $0x4000  }
0x11a: {  	[sflag:s18] =	ssyncset.done $0x0  }
0x11b: {  	[sflag:s18] =	ssyncadd.s32 $0xFFFFC000  }
0x11c: {  	[tilespmem:s14], [sflag:$0x2] =	stream.indirect.gather [hbm4b:s4+s12], $0x80, s28, s12, $0xb8;
	[tilespmem:$0x1D000] =	vst v63  }
0x11d: {  	_ =	swait.ge [sflag:s15], $0x4000  }
0x11e: {  	[sflag:s15] =	ssyncset.done $0x0  }
0x11f: {  	[sflag:s15] =	ssyncadd.s32 $0xFFFFC000  }
0x120: {  	[spmem:s2] =	stream.indirect.scatter.add.f32 [tilespmem:s13], [sflag:$0x3], $0x80, s29, s12, $0xb8;
	[tilespmem:$0x1D000] =	vst v63  }
0x121: {  	_ =	swait.ge [sflag:s16], $0x4000  }
0x122: {  	[sflag:s16] =	ssyncset.done $0x0  }
0x123: {  	[sflag:s16] =	ssyncadd.s32 $0xFFFFC000  }
0x124: {  	[tilespmem:s13], [sflag:$0x1] =	stream.indirect.gather [hbm4b:s4+s12], $0x80, s30, s12, $0xb8;
	[tilespmem:$0x1D000] =	vst v63  }
0x125: {  	_ =	swait.ge [sflag:s17], $0x4000  }
0x126: {  	[sflag:s17] =	ssyncset.done $0x0  }
0x127: {  	[sflag:s17] =	ssyncadd.s32 $0xFFFFC000  }
0x128: {  	[spmem:s2] =	stream.indirect.scatter.add.f32 [tilespmem:s14], [sflag:$0x4], $0x80, s31, s12, $0xb8;
	[tilespmem:$0x1D000] =	vst v63  }
0x129: {  	_ =	swait.ge [sflag:s18], $0x4000  }
0x12a: {  	[sflag:s18] =	ssyncset.done $0x0  }
0x12b: {  	[sflag:s18] =	ssyncadd.s32 $0xFFFFC000  }
0x12c: {  	[tilespmem:s14], [sflag:$0x2] =	stream.indirect.gather [hbm4b:s4+s12], $0x80, s1, s12, $0xb8;
	[tilespmem:$0x1D000] =	vst v63  }
0x12d: {  	_ =	swait.ge [sflag:s15], $0x4000  }
0x12e: {  	[sflag:s15] =	ssyncset.done $0x0  }
0x12f: {  	[sflag:s15] =	ssyncadd.s32 $0xFFFFC000  }
0x130: {  	[spmem:s2] =	stream.indirect.scatter.add.f32 [tilespmem:s13], [sflag:$0x3], $0x80, s0, s12, $0xb8;
	[tilespmem:$0x1D000] =	vst v63  }
0x131: {  	_ =	swait.ge [sflag:s17], $0x4000  }
0x132: {  	[sflag:s17] =	ssyncset.done $0x0  }
0x133: {  	p0 =	sne.s32 s6, $0x400;
	[sflag:s17] =	ssyncadd.s32 $0xFFFFC000  }
0x134: {  	[spmem:s2] =	stream.indirect.scatter.add.f32 [tilespmem:s14], [sflag:$0x4], $0x80, s5, s12, $0xb8;
	[tilespmem:$0x1D000] =	vst v63  }
.Ltmp0:
0x135: {  	_ =	swait.ge [sflag:s16], $0x4000;
	(pc) =	sbr.rel @p0 .LBB2_2-.Ltmp0, $4  }
0x136: {  	[sflag:s16] =	ssyncset.done $0x0  }
0x137: {  	[sflag:s16] =	ssyncadd.s32 $0xFFFFC000  }
0x138: {  	s7 =	smov.u32 s6;
	s6 =	sadd.s32 $0x100, s6;
	_ =	swait.ge [sflag:s18], $0x4000  }
0x139: {  	s8 =	smov.u32 s7;
	s9 =	rddreg [dreg:$0x4];
	[sflag:s18] =	ssyncset.done $0x0  }
0x13a: {  	[sflag:s18] =	ssyncadd.s32 $0xFFFFC000;
	s6 =	sadd.s32 s8, s9  }
0x13b: {  	[tilespmem:s3], [sflag:$0x5] =	stream.linear.gather [hbm4b:s6+s3], $0x800, $0x38;
	[tilespmem:$0x1D000] =	vst v63  }
0x13c: {  	_ =	swait.ge [sflag:s10], $0x800  }
0x13d: {  	s9 =	rddreg [dreg:$0x3];
	[sflag:s10] =	ssyncset.done $0x0  }
0x13e: {  	s6 =	sadd.s32 s8, s9;
	[sflag:s10] =	ssyncadd.s32 $0xFFFFF800  }
0x13f: {  	[tilespmem:s11], [sflag:$0x5] =	stream.linear.gather [hbm4b:s6+s3], $0x800, $0x38;
	[tilespmem:$0x1D000] =	vst v63  }
0x140: {  	_ =	swait.ge [sflag:s10], $0x800  }
0x141: {  	[sflag:s10] =	ssyncset.done $0x0  }
0x142: {  	[sflag:s10] =	ssyncadd.s32 $0xFFFFF800  }
0x143: {  	[tilespmem:s13], [sflag:$0x1] =	stream.indirect.gather [hbm4b:s4+s12], $0x80, s3, s12, $0xb8;
	[tilespmem:$0x1D000] =	vst v63  }
0x144: {  	_ = 	snop  }
0x145: {  	[tilespmem:s14], [sflag:$0x2] =	stream.indirect.gather [hbm4b:s4+s12], $0x80, s12, s12, $0xb8;
	[tilespmem:$0x1D000] =	vst v63  }
0x146: {  	_ =	swait.ge [sflag:s15], $0x4000  }
0x147: {  	[sflag:s15] =	ssyncset.done $0x0  }
0x148: {  	[sflag:s15] =	ssyncadd.s32 $0xFFFFC000  }
0x149: {  	[spmem:s2] =	stream.indirect.scatter.add.f32 [tilespmem:s13], [sflag:$0x3], $0x80, s11, s12, $0xb8;
	[tilespmem:$0x1D000] =	vst v63  }
0x14a: {  	_ =	swait.ge [sflag:s16], $0x4000  }
0x14b: {  	[sflag:s16] =	ssyncset.done $0x0  }
0x14c: {  	s7 =	rddreg [dreg:$0x5];
	[sflag:s16] =	ssyncadd.s32 $0xFFFFC000  }
0x14d: {  	[tilespmem:s13], [sflag:$0x1] =	stream.indirect.gather [hbm4b:s4+s12], $0x80, s7, s12, $0xb8;
	[tilespmem:$0x1D000] =	vst v63  }
0x14e: {  	_ =	swait.ge [sflag:s17], $0x4000  }
0x14f: {  	[sflag:s17] =	ssyncset.done $0x0  }
0x150: {  	s8 =	rddreg [dreg:$0x6];
	[sflag:s17] =	ssyncadd.s32 $0xFFFFC000  }
0x151: {  	[spmem:s2] =	stream.indirect.scatter.add.f32 [tilespmem:s14], [sflag:$0x4], $0x80, s8, s12, $0xb8;
	[tilespmem:$0x1D000] =	vst v63  }
0x152: {  	_ =	swait.ge [sflag:s18], $0x4000  }
0x153: {  	[sflag:s18] =	ssyncset.done $0x0  }
0x154: {  	s9 =	rddreg [dreg:$0x7];
	[sflag:s18] =	ssyncadd.s32 $0xFFFFC000  }
0x155: {  	[tilespmem:s14], [sflag:$0x2] =	stream.indirect.gather [hbm4b:s4+s12], $0x80, s9, s12, $0xb8;
	[tilespmem:$0x1D000] =	vst v63  }
0x156: {  	_ =	swait.ge [sflag:s15], $0x4000  }
0x157: {  	[sflag:s15] =	ssyncset.done $0x0  }
0x158: {  	s7 =	rddreg [dreg:$0x8];
	[sflag:s15] =	ssyncadd.s32 $0xFFFFC000  }
0x159: {  	[spmem:s2] =	stream.indirect.scatter.add.f32 [tilespmem:s13], [sflag:$0x3], $0x80, s7, s12, $0xb8;
	[tilespmem:$0x1D000] =	vst v63  }
0x15a: {  	_ =	swait.ge [sflag:s16], $0x4000  }
0x15b: {  	[sflag:s16] =	ssyncset.done $0x0  }
0x15c: {  	s8 =	rddreg [dreg:$0x9];
	[sflag:s16] =	ssyncadd.s32 $0xFFFFC000  }
0x15d: {  	[tilespmem:s13], [sflag:$0x1] =	stream.indirect.gather [hbm4b:s4+s12], $0x80, s8, s12, $0xb8;
	[tilespmem:$0x1D000] =	vst v63  }
0x15e: {  	_ =	swait.ge [sflag:s17], $0x4000  }
0x15f: {  	[sflag:s17] =	ssyncset.done $0x0  }
0x160: {  	s9 =	rddreg [dreg:$0xa];
	[sflag:s17] =	ssyncadd.s32 $0xFFFFC000  }
0x161: {  	[spmem:s2] =	stream.indirect.scatter.add.f32 [tilespmem:s14], [sflag:$0x4], $0x80, s9, s12, $0xb8;
	[tilespmem:$0x1D000] =	vst v63  }
0x162: {  	_ =	swait.ge [sflag:s18], $0x4000  }
0x163: {  	[sflag:s18] =	ssyncset.done $0x0  }
0x164: {  	s7 =	rddreg [dreg:$0xb];
	[sflag:s18] =	ssyncadd.s32 $0xFFFFC000  }
0x165: {  	[tilespmem:s14], [sflag:$0x2] =	stream.indirect.gather [hbm4b:s4+s12], $0x80, s7, s12, $0xb8;
	[tilespmem:$0x1D000] =	vst v63  }
0x166: {  	_ =	swait.ge [sflag:s15], $0x4000  }
0x167: {  	[sflag:s15] =	ssyncset.done $0x0  }
0x168: {  	s8 =	rddreg [dreg:$0xc];
	[sflag:s15] =	ssyncadd.s32 $0xFFFFC000  }
0x169: {  	[spmem:s2] =	stream.indirect.scatter.add.f32 [tilespmem:s13], [sflag:$0x3], $0x80, s8, s12, $0xb8;
	[tilespmem:$0x1D000] =	vst v63  }
0x16a: {  	_ =	swait.ge [sflag:s16], $0x4000  }
0x16b: {  	[sflag:s16] =	ssyncset.done $0x0  }
0x16c: {  	s9 =	rddreg [dreg:$0xd];
	[sflag:s16] =	ssyncadd.s32 $0xFFFFC000  }
0x16d: {  	[tilespmem:s13], [sflag:$0x1] =	stream.indirect.gather [hbm4b:s4+s12], $0x80, s9, s12, $0xb8;
	[tilespmem:$0x1D000] =	vst v63  }
0x16e: {  	_ =	swait.ge [sflag:s17], $0x4000  }
0x16f: {  	[sflag:s17] =	ssyncset.done $0x0  }
0x170: {  	s7 =	rddreg [dreg:$0xe];
	[sflag:s17] =	ssyncadd.s32 $0xFFFFC000  }
0x171: {  	[spmem:s2] =	stream.indirect.scatter.add.f32 [tilespmem:s14], [sflag:$0x4], $0x80, s7, s12, $0xb8;
	[tilespmem:$0x1D000] =	vst v63  }
0x172: {  	_ =	swait.ge [sflag:s18], $0x4000  }
0x173: {  	[sflag:s18] =	ssyncset.done $0x0  }
0x174: {  	s8 =	rddreg [dreg:$0xf];
	[sflag:s18] =	ssyncadd.s32 $0xFFFFC000  }
0x175: {  	[tilespmem:s14], [sflag:$0x2] =	stream.indirect.gather [hbm4b:s4+s12], $0x80, s8, s12, $0xb8;
	[tilespmem:$0x1D000] =	vst v63  }
0x176: {  	_ =	swait.ge [sflag:s15], $0x4000  }
0x177: {  	[sflag:s15] =	ssyncset.done $0x0  }
0x178: {  	s9 =	rddreg [dreg:$0x10];
	[sflag:s15] =	ssyncadd.s32 $0xFFFFC000  }
0x179: {  	[spmem:s2] =	stream.indirect.scatter.add.f32 [tilespmem:s13], [sflag:$0x3], $0x80, s9, s12, $0xb8;
	[tilespmem:$0x1D000] =	vst v63  }
0x17a: {  	_ =	swait.ge [sflag:s16], $0x4000  }
0x17b: {  	[sflag:s16] =	ssyncset.done $0x0  }
0x17c: {  	s7 =	rddreg [dreg:$0x11];
	[sflag:s16] =	ssyncadd.s32 $0xFFFFC000  }
0x17d: {  	[tilespmem:s13], [sflag:$0x1] =	stream.indirect.gather [hbm4b:s4+s12], $0x80, s7, s12, $0xb8;
	[tilespmem:$0x1D000] =	vst v63  }
0x17e: {  	_ =	swait.ge [sflag:s17], $0x4000  }
0x17f: {  	[sflag:s17] =	ssyncset.done $0x0  }
0x180: {  	s8 =	rddreg [dreg:$0x12];
	[sflag:s17] =	ssyncadd.s32 $0xFFFFC000  }
0x181: {  	[spmem:s2] =	stream.indirect.scatter.add.f32 [tilespmem:s14], [sflag:$0x4], $0x80, s8, s12, $0xb8;
	[tilespmem:$0x1D000] =	vst v63  }
0x182: {  	_ =	swait.ge [sflag:s18], $0x4000  }
0x183: {  	[sflag:s18] =	ssyncset.done $0x0  }
0x184: {  	[sflag:s18] =	ssyncadd.s32 $0xFFFFC000  }
0x185: {  	[tilespmem:s14], [sflag:$0x2] =	stream.indirect.gather [hbm4b:s4+s12], $0x80, s19, s12, $0xb8;
	[tilespmem:$0x1D000] =	vst v63  }
0x186: {  	_ =	swait.ge [sflag:s15], $0x4000  }
0x187: {  	[sflag:s15] =	ssyncset.done $0x0  }
0x188: {  	[sflag:s15] =	ssyncadd.s32 $0xFFFFC000  }
0x189: {  	[spmem:s2] =	stream.indirect.scatter.add.f32 [tilespmem:s13], [sflag:$0x3], $0x80, s20, s12, $0xb8;
	[tilespmem:$0x1D000] =	vst v63  }
0x18a: {  	_ =	swait.ge [sflag:s16], $0x4000  }
0x18b: {  	[sflag:s16] =	ssyncset.done $0x0  }
0x18c: {  	[sflag:s16] =	ssyncadd.s32 $0xFFFFC000  }
0x18d: {  	[tilespmem:s13], [sflag:$0x1] =	stream.indirect.gather [hbm4b:s4+s12], $0x80, s21, s12, $0xb8;
	[tilespmem:$0x1D000] =	vst v63  }
0x18e: {  	_ =	swait.ge [sflag:s17], $0x4000  }
0x18f: {  	[sflag:s17] =	ssyncset.done $0x0  }
0x190: {  	[sflag:s17] =	ssyncadd.s32 $0xFFFFC000  }
0x191: {  	[spmem:s2] =	stream.indirect.scatter.add.f32 [tilespmem:s14], [sflag:$0x4], $0x80, s22, s12, $0xb8;
	[tilespmem:$0x1D000] =	vst v63  }
0x192: {  	_ =	swait.ge [sflag:s18], $0x4000  }
0x193: {  	[sflag:s18] =	ssyncset.done $0x0  }
0x194: {  	[sflag:s18] =	ssyncadd.s32 $0xFFFFC000  }
0x195: {  	[tilespmem:s14], [sflag:$0x2] =	stream.indirect.gather [hbm4b:s4+s12], $0x80, s23, s12, $0xb8;
	[tilespmem:$0x1D000] =	vst v63  }
0x196: {  	_ =	swait.ge [sflag:s15], $0x4000  }
0x197: {  	[sflag:s15] =	ssyncset.done $0x0  }
0x198: {  	[sflag:s15] =	ssyncadd.s32 $0xFFFFC000  }
0x199: {  	[spmem:s2] =	stream.indirect.scatter.add.f32 [tilespmem:s13], [sflag:$0x3], $0x80, s24, s12, $0xb8;
	[tilespmem:$0x1D000] =	vst v63  }
0x19a: {  	_ =	swait.ge [sflag:s16], $0x4000  }
0x19b: {  	[sflag:s16] =	ssyncset.done $0x0  }
0x19c: {  	[sflag:s16] =	ssyncadd.s32 $0xFFFFC000  }
0x19d: {  	[tilespmem:s13], [sflag:$0x1] =	stream.indirect.gather [hbm4b:s4+s12], $0x80, s25, s12, $0xb8;
	[tilespmem:$0x1D000] =	vst v63  }
0x19e: {  	_ =	swait.ge [sflag:s17], $0x4000  }
0x19f: {  	[sflag:s17] =	ssyncset.done $0x0  }
0x1a0: {  	[sflag:s17] =	ssyncadd.s32 $0xFFFFC000  }
0x1a1: {  	[spmem:s2] =	stream.indirect.scatter.add.f32 [tilespmem:s14], [sflag:$0x4], $0x80, s26, s12, $0xb8;
	[tilespmem:$0x1D000] =	vst v63  }
0x1a2: {  	_ =	swait.ge [sflag:s18], $0x4000  }
0x1a3: {  	[sflag:s18] =	ssyncset.done $0x0  }
0x1a4: {  	[sflag:s18] =	ssyncadd.s32 $0xFFFFC000  }
0x1a5: {  	[tilespmem:s14], [sflag:$0x2] =	stream.indirect.gather [hbm4b:s4+s12], $0x80, s28, s12, $0xb8;
	[tilespmem:$0x1D000] =	vst v63  }
0x1a6: {  	_ =	swait.ge [sflag:s15], $0x4000  }
0x1a7: {  	[sflag:s15] =	ssyncset.done $0x0  }
0x1a8: {  	[sflag:s15] =	ssyncadd.s32 $0xFFFFC000  }
0x1a9: {  	[spmem:s2] =	stream.indirect.scatter.add.f32 [tilespmem:s13], [sflag:$0x3], $0x80, s29, s12, $0xb8;
	[tilespmem:$0x1D000] =	vst v63  }
0x1aa: {  	_ =	swait.ge [sflag:s16], $0x4000  }
0x1ab: {  	[sflag:s16] =	ssyncset.done $0x0  }
0x1ac: {  	[sflag:s16] =	ssyncadd.s32 $0xFFFFC000  }
0x1ad: {  	[tilespmem:s13], [sflag:$0x1] =	stream.indirect.gather [hbm4b:s4+s12], $0x80, s30, s12, $0xb8;
	[tilespmem:$0x1D000] =	vst v63  }
0x1ae: {  	_ =	swait.ge [sflag:s17], $0x4000  }
0x1af: {  	[sflag:s17] =	ssyncset.done $0x0  }
0x1b0: {  	[sflag:s17] =	ssyncadd.s32 $0xFFFFC000  }
0x1b1: {  	[spmem:s2] =	stream.indirect.scatter.add.f32 [tilespmem:s14], [sflag:$0x4], $0x80, s31, s12, $0xb8;
	[tilespmem:$0x1D000] =	vst v63  }
0x1b2: {  	_ =	swait.ge [sflag:s18], $0x4000  }
0x1b3: {  	[sflag:s18] =	ssyncset.done $0x0  }
0x1b4: {  	[sflag:s18] =	ssyncadd.s32 $0xFFFFC000  }
0x1b5: {  	[tilespmem:s14], [sflag:$0x2] =	stream.indirect.gather [hbm4b:s4+s12], $0x80, s1, s12, $0xb8;
	[tilespmem:$0x1D000] =	vst v63  }
0x1b6: {  	_ =	swait.ge [sflag:s15], $0x4000  }
0x1b7: {  	[sflag:s15] =	ssyncset.done $0x0  }
0x1b8: {  	[sflag:s15] =	ssyncadd.s32 $0xFFFFC000  }
0x1b9: {  	[spmem:s2] =	stream.indirect.scatter.add.f32 [tilespmem:s13], [sflag:$0x3], $0x80, s0, s12, $0xb8;
	[tilespmem:$0x1D000] =	vst v63  }
0x1ba: {  	_ =	swait.ge [sflag:s17], $0x4000  }
0x1bb: {  	[sflag:s17] =	ssyncset.done $0x0  }
0x1bc: {  	[sflag:s17] =	ssyncadd.s32 $0xFFFFC000  }
0x1bd: {  	[spmem:s2] =	stream.indirect.scatter.add.f32 [tilespmem:s14], [sflag:$0x4], $0x80, s5, s12, $0xb8;
	[tilespmem:$0x1D000] =	vst v63  }
0x1be: {  	_ =	swait.ge [sflag:s16], $0x4000  }
0x1bf: {  	[sflag:s16] =	ssyncset.done $0x0  }
0x1c0: {  	[sflag:s16] =	ssyncadd.s32 $0xFFFFC000  }
0x1c1: {  	_ =	swait.ge [sflag:s18], $0x4000  }
0x1c2: {  	[sflag:s18] =	ssyncset.done $0x0  }
0x1c3: {  	[sflag:s18] =	ssyncadd.s32 $0xFFFFC000  }
0x1c4: {  	[bflag:$0x0] =	sbarrier.arrive $0xFFFF  }
0x1c5: {  	s7 =	rddreg [dreg:$0x14]  }
0x1c6: {  	s9 =	rddreg [dreg:$0x15]  }
0x1c7: {  	s8 =	rddreg [dreg:$0x17]  }
0x1c8: {  	[hbm:s9], [sflag:s7] =	dma.local [spmem:s8], $0x2800  }
0x1c9: {  	_ =	swait.ge [sflag:s10], $0x2800  }
0x1ca: {  	s6 =	rddreg [dreg:$0x18]  }
0x1cb: {  	s9 =	sadd.s32 $0x1, s6;
	s6 =	rddreg [dreg:$0x16]  }
0x1cc: {  	p0 =	sne.s32 s9, s6  }
.Ltmp1:
0x1cd: {  	_ = 	snop;
	(pc) =	sbr.rel @p0 .LBB2_1-.Ltmp1, $3  }
0x1ce: {  	_ =	sdelay $0x1  }
0x1cf: {  	[sflag:s10] =	ssyncset.done $0x0  }
0x1d0: {  	[sflag:s10] =	ssyncadd.s32 $0xFFFFD800  }
0x1d1: {  	_ =	sfence.sel $0x180000  }
0x1d2: {  	[bflag:$0x0] =	sbarrier.arrive $0xFFFF  }
0x1d3: {  	_ =	strace $0x9000004D  }
0x1d4: {  	s0 =	stileid.u32;
	[bflag:$0x2] =	sbarrier.arrive $0xFFFF  }
0x1d5: {  	p0 =	sne.s32 s0, $0x0;
	s0 =	rddreg [dreg:$0x2]  }
0x1d6: {  	s0 =	sadd.s32 @!p0 $0x100000, s0  }
0x1d7: {  	[sflag:s0] =	ssyncadd.tile.s32 @!p0 $0x1;
	_ =	shalt  }
.Lfunc_end2:
_tile_overlayer_lowered:
.L_overlay_start_2:
0x1d8: {  	(tag) =	ssettag $0x2  }
0x1d9: {  	s0 =	rddreg [dreg:$0x0];
	s2 =	stileid.u32  }
0x1da: {  	s1 =	rddreg [dreg:$0x1];
	p0 =	sne.s32 s2, $0x0  }
0x1db: {  	s3 =	rddreg [dreg:$0x2];
	[bflag:$0x3] =	sbarrier.arrive $0xFFFF;
	s2 =	simm.s32 @!p0 $0x1C05  }
0x1dc: {  	[timem:s3], [sflag:s2] =	dma.local @!p0 [hbm:s0], s1  }
0x1dd: {  	s0 =	simm.s32 @!p0 $0x5  }
0x1de: {  	_ =	swait.ge @!p0 [sflag:s0], s1  }
0x1df: {  	s1 =	ssub.s32 @!p0 $0x0, s1;
	[sflag:s0] =	ssyncset.done @!p0 $0x0  }
0x1e0: {  	[sflag:s0] =	ssyncadd.s32 @!p0 s1  }
0x1e1: {  	[bflag:$0x3] =	sbarrier.arrive $0xFFFF  }
0x1e2: {  	_ =	shalt  }

// kernel: sc_edge3.3.cloned.1.call-start
scs
__scs_entry_jumppad:
0x0: {  	(pc) =	sbr.rel $0x88, $3  }
0x1: {  	(tag) =	ssettag $0x0;
	lr =	simm.s32 $0x1  }
0x2: {  	[smem:$0x3F8F] =	sst lr;
	_ =	strace $0xD0000000  }
0x3: {  	_ = 	snop  }
0x4: {  	_ = 	snop  }
0x5: {  	_ = 	snop  }
0x6: {  	_ = 	snop  }
0x7: {  	_ = 	snop  }
__scs_overlays_trampoline_lowered:
0x8: {  	[smem:$0x3F9E] =	sst s0  }
0x9: {  	[smem:$0x3F9F] =	sst s1  }
0xa: {  	[smem:$0x3FA0] =	sst s2  }
0xb: {  	[smem:$0x3FA1] =	sst s3  }
0xc: {  	[smem:$0x3FA2] =	sst s4  }
0xd: {  	[smem:$0x3FA3] =	sst s5  }
0xe: {  	[smem:$0x3FA4] =	sst s6  }
0xf: {  	[smem:$0x3FA5] =	sst s7  }
0x10: {  	[smem:$0x3FA6] =	sst s8  }
0x11: {  	[smem:$0x3FA7] =	sst s9;
	s0 =	simm.s32 @!p0 $0x0  }
0x12: {  	s1 =	sld [smem:$0x3F8D];
	s0 =	simm.s32 @p0 $0x1  }
0x13: {  	[smem:$0x3FA8] =	sst s0;
	s0 =	simm.s32 @!p1 $0x0  }
0x14: {  	s2 =	sld [smem:$0x3F8C];
	s0 =	simm.s32 @p1 $0x1  }
0x15: {  	[smem:$0x3FA9] =	sst s0;
	s0 =	simm.s32 @!p2 $0x0  }
0x16: {  	s3 =	sld [smem:$0x3FDB];
	s0 =	simm.s32 @p2 $0x1  }
0x17: {  	s4 =	simm.s32 $0x1BF5;
	[smem:$0x3FAB] =	sst s0  }
0x18: {  	s0 =	sld [smem:$0x3F8E];
	_ =	swait.ge [sflag:s4], $0x0  }
0x19: {  	s7 =	sld [smem:$0x3F8F]  }
0x1a: {  	s8 =	sadd.s32 $0xFFFFE003, lr  }
0x1b: {  	s9 =	sadd.s32 $0xFFFFFEF7, lr;
	s5 =	simm.s32 $0xFFFFFFFF;
	p2 =	slt.u32 s8, $0xFFFFF086  }
0x1c: {  	p1 =	slt.u32 s9, $0xF7A;
	s5 =	simm.s32 @!p2 $0x0  }
0x1d: {  	s5 =	simm.s32 @p1 $0x1;
	p0 =	seq.s32 s7, s2  }
0x1e: {  	s7 =	smul.u32 @!p0 $0xF7A, s2;
	p2 =	seq.s32 @!p0 s5, $0x0  }
0x1f: {  	s9 =	smul.u32 $0xF7A, s1;
	s8 =	simm.s32 @!p0 $0x1BF5;
	p2 =	por !p2, p0  }
0x20: {  	[sflag:s8] =	ssyncset.s32 @!p0 $0xFFFFF086;
	s6 =	sadd.s32 @!p0 s3, s7;
	s7 =	simm.s32 @!p0 $0x108  }
0x21: {  	s3 =	sadd.s32 s3, s9;
	s6 =	sadd.s32 @!p0 $0x88, s6;
	s7 =	simm.s32 @p2 $0x1082  }
0x22: {  	[simem:s7], [sflag:s8] =	dma.local @!p0 [hbm:s6], $0xF7A  }
0x23: {  	s9 =	sor.u32 $0xD0000000, s2;
	s6 =	simm.s32 $0x108;
	_ =	swait.ge @!p0 [sflag:s8], $0x0  }
0x24: {  	s3 =	sadd.s32 $0x88, s3;
	s6 =	simm.s32 @!p1 $0x1082;
	[sflag:s4] =	ssyncset.s32 $0xFFFFF086  }
0x25: {  	[simem:s6], [sflag:s4] =	dma.local [hbm:s3], $0xF7A  }
0x26: {  	[smem:$0x3F8F] =	sst s1;
	(tag) =	ssettag s2;
	_ =	strace s9  }
0x27: {  	s1 =	sld [smem:$0x3F9F]  }
0x28: {  	s2 =	sld [smem:$0x3FA0]  }
0x29: {  	s4 =	sld [smem:$0x3FA2]  }
0x2a: {  	p0 =	seq.s32 s5, $0x0;
	s5 =	sld [smem:$0x3FA3]  }
0x2b: {  	s6 =	sld [smem:$0x3FA4]  }
0x2c: {  	s7 =	sld [smem:$0x3FA5]  }
0x2d: {  	s3 =	simm.s32 $0x108;
	s8 =	sld [smem:$0x3FA6]  }
0x2e: {  	s3 =	simm.s32 @!p0 $0x1082;
	s9 =	sld [smem:$0x3FA7]  }
0x2f: {  	lr =	sadd.s32 s0, s3;
	s0 =	sld [smem:$0x3F9E]  }
0x30: {  	s3 =	sld [smem:$0x3FA1]  }
0x31: {  	[smem:$0x3FAA] =	sst s10  }
0x32: {  	s10 =	sld [smem:$0x3FA8];
	_ =	sdelay $0x3  }
0x33: {  	p0 =	seq.s32 s10, $0x1;
	s10 =	sld [smem:$0x3FAA];
	_ =	sdelay $0x3  }
0x34: {  	[smem:$0x3FAA] =	sst s10  }
0x35: {  	s10 =	sld [smem:$0x3FA9];
	_ =	sdelay $0x3  }
0x36: {  	p1 =	seq.s32 s10, $0x1;
	s10 =	sld [smem:$0x3FAA];
	_ =	sdelay $0x3  }
0x37: {  	[smem:$0x3FAA] =	sst s10  }
0x38: {  	s10 =	sld [smem:$0x3FAB]  }
0x39: {  	_ = 	snop;
	(pc) =	sbr.ind lr, $3  }
0x3a: {  	_ = 	snop  }
0x3b: {  	_ = 	snop  }
0x3c: {  	p2 =	seq.s32 s10, $0x1;
	s10 =	sld [smem:$0x3FAA]  }
0x3d: {  	_ =	shalt  }
0x3e: {  	_ =	shalt  }
0x3f: {  	_ =	shalt  }
0x40: {  	_ =	shalt  }
0x41: {  	_ =	shalt  }
0x42: {  	_ =	shalt  }
0x43: {  	_ =	shalt  }
0x44: {  	_ =	shalt  }
0x45: {  	_ =	shalt  }
0x46: {  	_ =	shalt  }
0x47: {  	_ =	shalt  }
0x48: {  	_ =	shalt  }
0x49: {  	_ =	shalt  }
0x4a: {  	_ =	shalt  }
0x4b: {  	_ =	shalt  }
0x4c: {  	_ =	shalt  }
0x4d: {  	_ =	shalt  }
0x4e: {  	_ =	shalt  }
0x4f: {  	_ =	shalt  }
0x50: {  	_ =	shalt  }
0x51: {  	_ =	shalt  }
0x52: {  	_ =	shalt  }
0x53: {  	_ =	shalt  }
0x54: {  	_ =	shalt  }
0x55: {  	_ =	shalt  }
0x56: {  	_ =	shalt  }
0x57: {  	_ =	shalt  }
0x58: {  	_ =	shalt  }
0x59: {  	_ =	shalt  }
0x5a: {  	_ =	shalt  }
0x5b: {  	_ =	shalt  }
0x5c: {  	_ =	shalt  }
0x5d: {  	_ =	shalt  }
0x5e: {  	_ =	shalt  }
0x5f: {  	_ =	shalt  }
0x60: {  	_ =	shalt  }
0x61: {  	_ =	shalt  }
0x62: {  	_ =	shalt  }
0x63: {  	_ =	shalt  }
0x64: {  	_ =	shalt  }
0x65: {  	_ =	shalt  }
0x66: {  	_ =	shalt  }
0x67: {  	_ =	shalt  }
0x68: {  	_ =	shalt  }
0x69: {  	_ =	shalt  }
0x6a: {  	_ =	shalt  }
0x6b: {  	_ =	shalt  }
0x6c: {  	_ =	shalt  }
0x6d: {  	_ =	shalt  }
0x6e: {  	_ =	shalt  }
0x6f: {  	_ =	shalt  }
0x70: {  	_ =	shalt  }
0x71: {  	_ =	shalt  }
0x72: {  	_ =	shalt  }
0x73: {  	_ =	shalt  }
0x74: {  	_ =	shalt  }
0x75: {  	_ =	shalt  }
0x76: {  	_ =	shalt  }
0x77: {  	_ =	shalt  }
0x78: {  	_ =	shalt  }
0x79: {  	_ =	shalt  }
0x7a: {  	_ =	shalt  }
0x7b: {  	_ =	shalt  }
0x7c: {  	_ =	shalt  }
0x7d: {  	_ =	shalt  }
0x7e: {  	_ =	shalt  }
0x7f: {  	_ =	shalt  }
0x80: {  	_ =	shalt  }
0x81: {  	_ =	shalt  }
0x82: {  	_ =	shalt  }
0x83: {  	_ =	shalt  }
0x84: {  	_ =	shalt  }
0x85: {  	_ =	shalt  }
0x86: {  	_ =	shalt  }
0x87: {  	_ =	shalt  }
.Lfunc_end0:
.L_simem_size_0:
called_computation.3_lowered:
.L_overlay_start_0:
0x88: {  	s2 =	sld [smem:$0x3FD9]  }
0x89: {  	s3 =	sld [smem:$0x3FFE];
	_ =	sdelay $0x1  }
0x8a: {  	s1 =	srdreg.scid  }
0x8b: {  	s0 =	sand.u32 $0x1, s1  }
0x8c: {  	s16 =	sshll.u32 s0, $0xA;
	s2 =	sadd.s32 s3, s2  }
0x8d: {  	s2 =	sadd.s32 s2, s16  }
0x8e: {  	[smem:$0x3FB6] =	sst s2  }
0x8f: {  	_ = 	snop  }
0x90: {  	(tm) =	ssettm $0x1  }
0x91: {  	s17 =	sld [smem:$0x3FFB];
	_ =	sdelay $0x3  }
0x92: {  	_ =	strace s17  }
0x93: {  	s2 =	sld [smem:$0x3FFC];
	_ =	sdelay $0x3  }
0x94: {  	_ =	strace s2  }
0x95: {  	s2 =	sld [smem:$0x3FFD];
	_ =	sdelay $0x3  }
0x96: {  	_ =	strace s2  }
0x97: {  	_ =	strace $0x8FFFFFFF  }
0x98: {  	s18 =	sld [smem:$0x3FDB];
	_ =	sdelay $0x1  }
0x99: {  	s19 =	simm.s32 $_scs_section_size  }
0x9a: {  	s4 =	simm.s32 $_size__tile_overlayer_lowered;
	s5 =	simm.s32 $_tile_overlayer_lowered  }
0x9b: {  	s22 =	simm.s32 $0x1BFF;
	s21 =	sshll.u32 s5, $0x1;
	s2 =	sadd.s32 s19, s18  }
0x9c: {  	s6 =	simm.s32 $0x0;
	s20 =	sshll.u32 s4, $0x1;
	s4 =	sadd.s32 s21, s2  }
0x9d: {  	[timem:s6], [sflag:s22] =	dma.local [hbm:s4], s20  }
0x9e: {  	_ =	swait.ge [sflag:s22], s20  }
0x9f: {  	s3 =	ssub.s32 $0x0, s20;
	[sflag:s22] =	ssyncset.done $0x0  }
0xa0: {  	[sflag:s22] =	ssyncadd.s32 s3;
	_ =	sdelay $0x1  }
0xa1: {  	s23 =	simm.s32 $0x1B8B  }
0xa2: {  	_ =	swait.ge [sflag:s23], $0x1  }
0xa3: {  	[sflag:s23] =	ssyncset.done $0x0  }
0xa4: {  	s25 =	simm.s32 $0x1B8E;
	s24 =	sld [smem:$0x3FFE];
	[sflag:s23] =	ssyncadd.s32 $0xFFFFFFFF  }
0xa5: {  	s26 =	simm.s32 $execute0_lowered;
	[smem:$0x3FD2] =	sst s25  }
0xa6: {  	s4 =	sshll.u32 s26, $0x1;
	_ =	strace $0x8000004F;
	[dreg:$0x1] =	wrdreg $0xFFFFFFFF  }
0xa7: {  	s28 =	simm.s32 $_size_execute0_lowered;
	s2 =	sadd.s32 s2, s4;
	[dreg:$0x0] =	wrdreg $0x0  }
0xa8: {  	s4 =	sshll.u32 s28, $0x1;
	[dreg:$0x2] =	wrdreg s2  }
0xa9: {  	[dreg:$0x3] =	wrdreg s4  }
0xaa: {  	[dreg:$0x4] =	wrdreg $0xC0  }
0xab: {  	_ =	task [dreg:s6], $0x5FFFF  }
0xac: {  	[dreg:$0x1] =	wrdreg $0xFFFFFFFF  }
0xad: {  	[dreg:$0x0] =	wrdreg $0x60  }
0xae: {  	[dreg:$0x2] =	wrdreg s24  }
0xaf: {  	[dreg:$0x3] =	wrdreg $0x50000  }
0xb0: {  	[dreg:$0x4] =	wrdreg $0x9  }
0xb1: {  	_ =	task.clear_ibuf [dreg:s6], $0x5FFFF;
	_ =	strace $0x9000004F  }
0xb2: {  	s29 =	simm.s32 $0x9;
	_ =	strace $0x80000051  }
0xb3: {  	_ =	swait.ge [sflag:s29], $0x1  }
0xb4: {  	[sflag:s29] =	ssyncadd.s32 $0xFFFFFFFF  }
0xb5: {  	_ =	strace $0x90000051  }
0xb6: {  	_ =	sfence  }
0xb7: {  	s30 =	sld [smem:$0x0];
	_ =	sdelay $0x2  }
0xb8: {  	s31 =	sshll.u32 s1, $0xD;
	s1 =	sshrl.u32 s1, $0x2  }
0xb9: {  	s3 =	sand.u32 $0x4000, s31;
	s1 =	sadd.s32 s1, s30  }
0xba: {  	s0 =	sor.u32 s3, s0;
	s1 =	sshll.u32 s1, $0x11  }
0xbb: {  	s0 =	sor.u32 s1, s0  }
0xbc: {  	s0 =	sadd.s32 $0x8F2B, s0  }
0xbd: {  	[sflag:s0] =	ssyncadd.remote.s32 $0x1  }
0xbe: {  	_ =	sfence.sel $0xFFFF  }
0xbf: {  	[dreg:$0x0] =	wrdreg $0xFFFFFFFF;
	(pc) =	sbr.abs _section_cstart, $3  }
0xc0: {  	[dreg:$0x1] =	wrdreg $0xFFFFFFFF  }
0xc1: {  	_ =	task.clear_ibuf [dreg:s6], $0x2FFFF;
	_ =	strace $0x9FFFFFFF  }
0xc2: {  	(tm) =	ssettm $0x7FFFFFFF  }
0xc3: {  	_ =	shalt  }
tec
execute0_lowered:
.L_overlay_start_1:
0x0: {  	(tag) =	ssettag $0x1  }
0x1: {  	s0 =	srdreg.scid  }
0x2: {  	s1 =	rddreg [dreg:$0x0];
	s10 =	stileid.u32  }
0x3: {  	s2 =	rddreg [dreg:$0x1];
	s3 =	simm.s32 $0x0;
	s25 =	simm.s32 $0x100  }
0x4: {  	s11 =	simm.s32 $0x200;
	s12 =	simm.s32 $0x980;
	s13 =	simm.s32 $0x280  }
0x5: {  	s14 =	simm.s32 $0xA00;
	s15 =	simm.s32 $0x300;
	s5 =	smul.u32 $0x2800, s10  }
0x6: {  	s16 =	simm.s32 $0xA80;
	s17 =	simm.s32 $0x380;
	s20 =	smul.u32 $0x5000, s10  }
0x7: {  	[smem:$0x7FF] =	sst s3;
	s6 =	smul.u32 $0xA00, s10;
	s26 =	sshll.u32 s10, $0x6  }
0x8: {  	s10 =	simm.s32 $0x900;
	_ =	strace $0x80000050;
	[dreg:$0x5] =	wrdreg s25  }
0x9: {  	s18 =	simm.s32 $0xB00;
	s19 =	simm.s32 $0x400;
	[dreg:$0x8] =	wrdreg s10  }
0xa: {  	s28 =	simm.s32 $0x680;
	s29 =	simm.s32 $0xE00;
	[dreg:$0x9] =	wrdreg s11  }
0xb: {  	s30 =	simm.s32 $0x700;
	s0 =	sand.u32 $0x1, s0;
	[dreg:$0xa] =	wrdreg s12  }
0xc: {  	s31 =	simm.s32 $0xE80;
	s4 =	smul.u32 $0x28000, s0;
	[dreg:$0xb] =	wrdreg s13  }
0xd: {  	s8 =	smul.u32 $0xA000, s0;
	s0 =	ssub.s32 $0x2, s0;
	[dreg:$0xc] =	wrdreg s14  }
0xe: {  	s10 =	simm.s32 $0x9;
	s11 =	simm.s32 $0x800;
	[dreg:$0xd] =	wrdreg s15  }
0xf: {  	s12 =	simm.s32 $0x80;
	s13 =	simm.s32 $0x1000;
	[dreg:$0xe] =	wrdreg s16  }
0x10: {  	s14 =	simm.s32 $0x2000;
	s15 =	simm.s32 $0x1;
	[dreg:$0xf] =	wrdreg s17  }
0x11: {  	s16 =	simm.s32 $0x3000;
	[dreg:$0x10] =	wrdreg s18;
	s17 =	simm.s32 $0x2  }
0x12: {  	[dreg:$0x11] =	wrdreg s19;
	s18 =	simm.s32 $0x4000;
	s19 =	simm.s32 $0x3  }
0x13: {  	s25 =	simm.s32 $0x580;
	s9 =	sshrl.u32 s20, $0x3;
	s21 =	sshrl.u32 s0, $0x1  }
0x14: {  	[dreg:$0x17] =	wrdreg s25;
	s25 =	simm.s32 $0x600;
	s4 =	sadd.s32 s5, s4  }
0x15: {  	s9 =	sadd.s32 s9, s1;
	s6 =	sadd.s32 s6, s8;
	s8 =	simm.s32 $0x880  }
0x16: {  	s5 =	sadd.s32 s20, s2;
	s20 =	simm.s32 $0xB80;
	[dreg:$0x6] =	wrdreg s8  }
0x17: {  	s0 =	ssub.s32 s0, s21;
	s21 =	simm.s32 $0x480;
	[dreg:$0x12] =	wrdreg s20  }
0x18: {  	s4 =	sshrl.u32 s4, $0x3;
	s24 =	sadd.s32 $0xE400, s9;
	[dreg:$0x13] =	wrdreg s21  }
0x19: {  	s9 =	simm.s32 $0x180;
	s0 =	smax.u32 s0, $0x1;
	[dreg:$0x19] =	wrdreg s24  }
0x1a: {  	s8 =	sshrl.u32 s5, $0x3;
	s20 =	simm.s32 $0x5;
	[dreg:$0x7] =	wrdreg s9  }
0x1b: {  	s21 =	simm.s32 $0x4;
	s5 =	simm.s32 $0xF80;
	[dreg:$0x1c] =	wrdreg s0  }
0x1c: {  	s7 =	sadd.s32 s4, s1;
	s24 =	simm.s32 $0xC80;
	[dreg:$0x1d] =	wrdreg s8  }
0x1d: {  	s4 =	sadd.s32 $0x4400, s1;
	s22 =	sadd.s32 $0x1D400, s7;
	[dreg:$0x16] =	wrdreg s24  }
0x1e: {  	s1 =	sadd.s32 s6, s1;
	s23 =	sadd.s32 $0x27400, s7;
	[dreg:$0x3] =	wrdreg s22  }
0x1f: {  	s0 =	simm.s32 $0xF00;
	s1 =	sadd.s32 $0x81400, s1;
	[dreg:$0x4] =	wrdreg s23  }
0x20: {  	s7 =	sor.u32 $0x1C09, s26;
	s26 =	simm.s32 $0xD00;
	[dreg:$0x1b] =	wrdreg s1  }
0x21: {  	s9 =	simm.s32 $0x0;
	s24 =	simm.s32 $0x8;
	[dreg:$0x18] =	wrdreg s26  }
0x22: {  	s22 =	simm.s32 $0xC00;
	s23 =	simm.s32 $0x500;
	[dreg:$0x1a] =	wrdreg s7  }
0x23: {  	s26 =	simm.s32 $0xD80;
	s1 =	simm.s32 $0x780;
	[dreg:$0x14] =	wrdreg s22  }
0x24: {  	[dreg:$0x15] =	wrdreg s23;
	s22 =	simm.s32 $0x6;
	s23 =	simm.s32 $0x7  }
.LBB2_1:
0x25: {  	[dreg:$0x1e] =	wrdreg s9  }
0x26: {  	s6 =	rddreg [dreg:$0x19]  }
0x27: {  	[spmem:s8], [sflag:s7] =	dma.local [hbm:s6], $0xA00  }
0x28: {  	_ =	swait.ge [sflag:s10], $0xA00  }
0x29: {  	[sflag:s10] =	ssyncset.done $0x0  }
0x2a: {  	[sflag:s10] =	ssyncadd.s32 $0xFFFFF600  }
0x2b: {  	[bflag:$0x0] =	sbarrier.arrive $0xFFFF  }
0x2c: {  	s9 =	rddreg [dreg:$0x4]  }
0x2d: {  	s6 =	sadd.s32 $0x0, s9  }
0x2e: {  	[tilespmem:s3], [sflag:$0x9] =	stream.linear.gather [hbm4b:s6+s3], $0x800, $0x38;
	[tilespmem:$0xA000] =	vst v63  }
0x2f: {  	_ =	swait.ge [sflag:s10], $0x800  }
0x30: {  	s7 =	rddreg [dreg:$0x3];
	[sflag:s10] =	ssyncset.done $0x0  }
0x31: {  	[sflag:s10] =	ssyncadd.s32 $0xFFFFF800;
	s6 =	sadd.s32 $0x0, s7  }
0x32: {  	[tilespmem:s11], [sflag:$0x9] =	stream.linear.gather [hbm4b:s6+s3], $0x800, $0x38;
	[tilespmem:$0xA000] =	vst v63  }
0x33: {  	_ =	swait.ge [sflag:s10], $0x800  }
0x34: {  	[sflag:s10] =	ssyncset.done $0x0  }
0x35: {  	[sflag:s10] =	ssyncadd.s32 $0xFFFFF800  }
0x36: {  	[tilespmem:s13], [sflag:$0x1] =	stream.indirect.gather [hbm4b:s4+s12], $0x20, s3, s12, $0xb8;
	[tilespmem:$0xA000] =	vst v63  }
0x37: {  	_ = 	snop  }
0x38: {  	[tilespmem:s14], [sflag:$0x2] =	stream.indirect.gather [hbm4b:s4+s12], $0x20, s12, s12, $0xb8;
	[tilespmem:$0xA000] =	vst v63  }
0x39: {  	_ =	swait.ge [sflag:s15], $0x1000  }
0x3a: {  	[sflag:s15] =	ssyncset.done $0x0  }
0x3b: {  	[sflag:s15] =	ssyncadd.s32 $0xFFFFF000  }
0x3c: {  	[spmem:s2] =	stream.indirect.scatter.add.f32 [tilespmem:s13], [sflag:$0x5], $0x20, s11, s12, $0xb8;
	[tilespmem:$0xA000] =	vst v63  }
0x3d: {  	s8 =	rddreg [dreg:$0x5]  }
0x3e: {  	[tilespmem:s16], [sflag:$0x3] =	stream.indirect.gather [hbm4b:s4+s12], $0x20, s8, s12, $0xb8;
	[tilespmem:$0xA000] =	vst v63  }
0x3f: {  	_ =	swait.ge [sflag:s17], $0x1000  }
0x40: {  	[sflag:s17] =	ssyncset.done $0x0  }
0x41: {  	s9 =	rddreg [dreg:$0x6];
	[sflag:s17] =	ssyncadd.s32 $0xFFFFF000  }
0x42: {  	[spmem:s2] =	stream.indirect.scatter.add.f32 [tilespmem:s14], [sflag:$0x6], $0x20, s9, s12, $0xb8;
	[tilespmem:$0xA000] =	vst v63  }
0x43: {  	s7 =	rddreg [dreg:$0x7]  }
0x44: {  	[tilespmem:s18], [sflag:$0x4] =	stream.indirect.gather [hbm4b:s4+s12], $0x20, s7, s12, $0xb8;
	[tilespmem:$0xA000] =	vst v63  }
0x45: {  	_ =	swait.ge [sflag:s19], $0x1000  }
0x46: {  	[sflag:s19] =	ssyncset.done $0x0  }
0x47: {  	s8 =	rddreg [dreg:$0x8];
	[sflag:s19] =	ssyncadd.s32 $0xFFFFF000  }
0x48: {  	[spmem:s2] =	stream.indirect.scatter.add.f32 [tilespmem:s16], [sflag:$0x7], $0x20, s8, s12, $0xb8;
	[tilespmem:$0xA000] =	vst v63  }
0x49: {  	_ =	swait.ge [sflag:s20], $0x1000  }
0x4a: {  	[sflag:s20] =	ssyncset.done $0x0  }
0x4b: {  	s9 =	rddreg [dreg:$0x9];
	[sflag:s20] =	ssyncadd.s32 $0xFFFFF000  }
0x4c: {  	[tilespmem:s13], [sflag:$0x1] =	stream.indirect.gather [hbm4b:s4+s12], $0x20, s9, s12, $0xb8;
	[tilespmem:$0xA000] =	vst v63  }
0x4d: {  	_ =	swait.ge [sflag:s21], $0x1000  }
0x4e: {  	[sflag:s21] =	ssyncset.done $0x0  }
0x4f: {  	s7 =	rddreg [dreg:$0xa];
	[sflag:s21] =	ssyncadd.s32 $0xFFFFF000  }
0x50: {  	[spmem:s2] =	stream.indirect.scatter.add.f32 [tilespmem:s18], [sflag:$0x8], $0x20, s7, s12, $0xb8;
	[tilespmem:$0xA000] =	vst v63  }
0x51: {  	_ =	swait.ge [sflag:s22], $0x1000  }
0x52: {  	[sflag:s22] =	ssyncset.done $0x0  }
0x53: {  	s8 =	rddreg [dreg:$0xb];
	[sflag:s22] =	ssyncadd.s32 $0xFFFFF000  }
0x54: {  	[tilespmem:s14], [sflag:$0x2] =	stream.indirect.gather [hbm4b:s4+s12], $0x20, s8, s12, $0xb8;
	[tilespmem:$0xA000] =	vst v63  }
0x55: {  	_ =	swait.ge [sflag:s15], $0x1000  }
0x56: {  	[sflag:s15] =	ssyncset.done $0x0  }
0x57: {  	s9 =	rddreg [dreg:$0xc];
	[sflag:s15] =	ssyncadd.s32 $0xFFFFF000  }
0x58: {  	[spmem:s2] =	stream.indirect.scatter.add.f32 [tilespmem:s13], [sflag:$0x5], $0x20, s9, s12, $0xb8;
	[tilespmem:$0xA000] =	vst v63  }
0x59: {  	_ =	swait.ge [sflag:s23], $0x1000  }
0x5a: {  	[sflag:s23] =	ssyncset.done $0x0  }
0x5b: {  	s7 =	rddreg [dreg:$0xd];
	[sflag:s23] =	ssyncadd.s32 $0xFFFFF000  }
0x5c: {  	[tilespmem:s16], [sflag:$0x3] =	stream.indirect.gather [hbm4b:s4+s12], $0x20, s7, s12, $0xb8;
	[tilespmem:$0xA000] =	vst v63  }
0x5d: {  	_ =	swait.ge [sflag:s17], $0x1000  }
0x5e: {  	[sflag:s17] =	ssyncset.done $0x0  }
0x5f: {  	s8 =	rddreg [dreg:$0xe];
	[sflag:s17] =	ssyncadd.s32 $0xFFFFF000  }
0x60: {  	[spmem:s2] =	stream.indirect.scatter.add.f32 [tilespmem:s14], [sflag:$0x6], $0x20, s8, s12, $0xb8;
	[tilespmem:$0xA000] =	vst v63  }
0x61: {  	_ =	swait.ge [sflag:s24], $0x1000  }
0x62: {  	[sflag:s24] =	ssyncset.done $0x0  }
0x63: {  	s9 =	rddreg [dreg:$0xf];
	[sflag:s24] =	ssyncadd.s32 $0xFFFFF000  }
0x64: {  	[tilespmem:s18], [sflag:$0x4] =	stream.indirect.gather [hbm4b:s4+s12], $0x20, s9, s12, $0xb8;
	[tilespmem:$0xA000] =	vst v63  }
0x65: {  	_ =	swait.ge [sflag:s19], $0x1000  }
0x66: {  	[sflag:s19] =	ssyncset.done $0x0  }
0x67: {  	s7 =	rddreg [dreg:$0x10];
	[sflag:s19] =	ssyncadd.s32 $0xFFFFF000  }
0x68: {  	[spmem:s2] =	stream.indirect.scatter.add.f32 [tilespmem:s16], [sflag:$0x7], $0x20, s7, s12, $0xb8;
	[tilespmem:$0xA000] =	vst v63  }
0x69: {  	_ =	swait.ge [sflag:s20], $0x1000  }
0x6a: {  	[sflag:s20] =	ssyncset.done $0x0  }
0x6b: {  	s8 =	rddreg [dreg:$0x11];
	[sflag:s20] =	ssyncadd.s32 $0xFFFFF000  }
0x6c: {  	[tilespmem:s13], [sflag:$0x1] =	stream.indirect.gather [hbm4b:s4+s12], $0x20, s8, s12, $0xb8;
	[tilespmem:$0xA000] =	vst v63  }
0x6d: {  	_ =	swait.ge [sflag:s21], $0x1000  }
0x6e: {  	[sflag:s21] =	ssyncset.done $0x0  }
0x6f: {  	s9 =	rddreg [dreg:$0x12];
	[sflag:s21] =	ssyncadd.s32 $0xFFFFF000  }
0x70: {  	[spmem:s2] =	stream.indirect.scatter.add.f32 [tilespmem:s18], [sflag:$0x8], $0x20, s9, s12, $0xb8;
	[tilespmem:$0xA000] =	vst v63  }
0x71: {  	_ =	swait.ge [sflag:s22], $0x1000  }
0x72: {  	[sflag:s22] =	ssyncset.done $0x0  }
0x73: {  	s7 =	rddreg [dreg:$0x13];
	[sflag:s22] =	ssyncadd.s32 $0xFFFFF000  }
0x74: {  	[tilespmem:s14], [sflag:$0x2] =	stream.indirect.gather [hbm4b:s4+s12], $0x20, s7, s12, $0xb8;
	[tilespmem:$0xA000] =	vst v63  }
0x75: {  	_ =	swait.ge [sflag:s15], $0x1000  }
0x76: {  	[sflag:s15] =	ssyncset.done $0x0  }
0x77: {  	s8 =	rddreg [dreg:$0x14];
	[sflag:s15] =	ssyncadd.s32 $0xFFFFF000  }
0x78: {  	[spmem:s2] =	stream.indirect.scatter.add.f32 [tilespmem:s13], [sflag:$0x5], $0x20, s8, s12, $0xb8;
	[tilespmem:$0xA000] =	vst v63  }
0x79: {  	_ =	swait.ge [sflag:s23], $0x1000  }
0x7a: {  	[sflag:s23] =	ssyncset.done $0x0  }
0x7b: {  	s9 =	rddreg [dreg:$0x15];
	[sflag:s23] =	ssyncadd.s32 $0xFFFFF000  }
0x7c: {  	[tilespmem:s16], [sflag:$0x3] =	stream.indirect.gather [hbm4b:s4+s12], $0x20, s9, s12, $0xb8;
	[tilespmem:$0xA000] =	vst v63  }
0x7d: {  	_ =	swait.ge [sflag:s17], $0x1000  }
0x7e: {  	[sflag:s17] =	ssyncset.done $0x0  }
0x7f: {  	s7 =	rddreg [dreg:$0x16];
	[sflag:s17] =	ssyncadd.s32 $0xFFFFF000  }
0x80: {  	[spmem:s2] =	stream.indirect.scatter.add.f32 [tilespmem:s14], [sflag:$0x6], $0x20, s7, s12, $0xb8;
	[tilespmem:$0xA000] =	vst v63  }
0x81: {  	_ =	swait.ge [sflag:s24], $0x1000  }
0x82: {  	[sflag:s24] =	ssyncset.done $0x0  }
0x83: {  	s8 =	rddreg [dreg:$0x17];
	[sflag:s24] =	ssyncadd.s32 $0xFFFFF000  }
0x84: {  	[tilespmem:s18], [sflag:$0x4] =	stream.indirect.gather [hbm4b:s4+s12], $0x20, s8, s12, $0xb8;
	[tilespmem:$0xA000] =	vst v63  }
0x85: {  	_ =	swait.ge [sflag:s19], $0x1000  }
0x86: {  	[sflag:s19] =	ssyncset.done $0x0  }
0x87: {  	s9 =	rddreg [dreg:$0x18];
	[sflag:s19] =	ssyncadd.s32 $0xFFFFF000  }
0x88: {  	[spmem:s2] =	stream.indirect.scatter.add.f32 [tilespmem:s16], [sflag:$0x7], $0x20, s9, s12, $0xb8;
	[tilespmem:$0xA000] =	vst v63  }
0x89: {  	_ =	swait.ge [sflag:s20], $0x1000  }
0x8a: {  	[sflag:s20] =	ssyncset.done $0x0  }
0x8b: {  	[sflag:s20] =	ssyncadd.s32 $0xFFFFF000  }
0x8c: {  	[tilespmem:s13], [sflag:$0x1] =	stream.indirect.gather [hbm4b:s4+s12], $0x20, s25, s12, $0xb8;
	[tilespmem:$0xA000] =	vst v63  }
0x8d: {  	_ =	swait.ge [sflag:s21], $0x1000  }
0x8e: {  	[sflag:s21] =	ssyncset.done $0x0  }
0x8f: {  	[sflag:s21] =	ssyncadd.s32 $0xFFFFF000  }
0x90: {  	[spmem:s2] =	stream.indirect.scatter.add.f32 [tilespmem:s18], [sflag:$0x8], $0x20, s26, s12, $0xb8;
	[tilespmem:$0xA000] =	vst v63  }
0x91: {  	_ =	swait.ge [sflag:s22], $0x1000  }
0x92: {  	[sflag:s22] =	ssyncset.done $0x0  }
0x93: {  	[sflag:s22] =	ssyncadd.s32 $0xFFFFF000  }
0x94: {  	[tilespmem:s14], [sflag:$0x2] =	stream.indirect.gather [hbm4b:s4+s12], $0x20, s28, s12, $0xb8;
	[tilespmem:$0xA000] =	vst v63  }
0x95: {  	_ =	swait.ge [sflag:s15], $0x1000  }
0x96: {  	[sflag:s15] =	ssyncset.done $0x0  }
0x97: {  	[sflag:s15] =	ssyncadd.s32 $0xFFFFF000  }
0x98: {  	[spmem:s2] =	stream.indirect.scatter.add.f32 [tilespmem:s13], [sflag:$0x5], $0x20, s29, s12, $0xb8;
	[tilespmem:$0xA000] =	vst v63  }
0x99: {  	_ =	swait.ge [sflag:s23], $0x1000  }
0x9a: {  	[sflag:s23] =	ssyncset.done $0x0  }
0x9b: {  	[sflag:s23] =	ssyncadd.s32 $0xFFFFF000  }
0x9c: {  	[tilespmem:s16], [sflag:$0x3] =	stream.indirect.gather [hbm4b:s4+s12], $0x20, s30, s12, $0xb8;
	[tilespmem:$0xA000] =	vst v63  }
0x9d: {  	_ =	swait.ge [sflag:s17], $0x1000  }
0x9e: {  	[sflag:s17] =	ssyncset.done $0x0  }
0x9f: {  	[sflag:s17] =	ssyncadd.s32 $0xFFFFF000  }
0xa0: {  	[spmem:s2] =	stream.indirect.scatter.add.f32 [tilespmem:s14], [sflag:$0x6], $0x20, s31, s12, $0xb8;
	[tilespmem:$0xA000] =	vst v63  }
0xa1: {  	_ =	swait.ge [sflag:s24], $0x1000  }
0xa2: {  	[sflag:s24] =	ssyncset.done $0x0  }
0xa3: {  	[sflag:s24] =	ssyncadd.s32 $0xFFFFF000  }
0xa4: {  	[tilespmem:s18], [sflag:$0x4] =	stream.indirect.gather [hbm4b:s4+s12], $0x20, s1, s12, $0xb8;
	[tilespmem:$0xA000] =	vst v63  }
0xa5: {  	_ =	swait.ge [sflag:s19], $0x1000  }
0xa6: {  	[sflag:s19] =	ssyncset.done $0x0  }
0xa7: {  	[sflag:s19] =	ssyncadd.s32 $0xFFFFF000  }
0xa8: {  	[spmem:s2] =	stream.indirect.scatter.add.f32 [tilespmem:s16], [sflag:$0x7], $0x20, s0, s12, $0xb8;
	[tilespmem:$0xA000] =	vst v63  }
0xa9: {  	_ =	swait.ge [sflag:s21], $0x1000  }
0xaa: {  	[sflag:s21] =	ssyncset.done $0x0  }
0xab: {  	[sflag:s21] =	ssyncadd.s32 $0xFFFFF000  }
0xac: {  	[spmem:s2] =	stream.indirect.scatter.add.f32 [tilespmem:s18], [sflag:$0x8], $0x20, s5, s12, $0xb8;
	[tilespmem:$0xA000] =	vst v63  }
0xad: {  	_ =	swait.ge [sflag:s20], $0x1000  }
0xae: {  	[sflag:s20] =	ssyncset.done $0x0  }
0xaf: {  	[sflag:s20] =	ssyncadd.s32 $0xFFFFF000  }
0xb0: {  	_ =	swait.ge [sflag:s22], $0x1000  }
0xb1: {  	[sflag:s22] =	ssyncset.done $0x0  }
0xb2: {  	[sflag:s22] =	ssyncadd.s32 $0xFFFFF000  }
0xb3: {  	_ =	swait.ge [sflag:s23], $0x1000  }
0xb4: {  	[sflag:s23] =	ssyncset.done $0x0  }
0xb5: {  	[sflag:s23] =	ssyncadd.s32 $0xFFFFF000  }
0xb6: {  	s6 =	simm.s32 $0x200;
	_ =	swait.ge [sflag:s24], $0x1000  }
0xb7: {  	s8 =	simm.s32 $0x100;
	s9 =	rddreg [dreg:$0x4];
	[sflag:s24] =	ssyncset.done $0x0  }
.LBB2_2:
0xb8: {  	[sflag:s24] =	ssyncadd.s32 $0xFFFFF000;
	s9 =	sadd.s32 s8, s9  }
0xb9: {  	[tilespmem:s3], [sflag:$0x9] =	stream.linear.gather [hbm4b:s9+s3], $0x800, $0x38;
	[tilespmem:$0xA000] =	vst v63  }
0xba: {  	_ =	swait.ge [sflag:s10], $0x800  }
0xbb: {  	s9 =	rddreg [dreg:$0x3];
	[sflag:s10] =	ssyncset.done $0x0  }
0xbc: {  	[sflag:s10] =	ssyncadd.s32 $0xFFFFF800;
	s9 =	sadd.s32 s8, s9  }
0xbd: {  	[tilespmem:s11], [sflag:$0x9] =	stream.linear.gather [hbm4b:s9+s3], $0x800, $0x38;
	[tilespmem:$0xA000] =	vst v63  }
0xbe: {  	_ =	swait.ge [sflag:s10], $0x800  }
0xbf: {  	[sflag:s10] =	ssyncset.done $0x0  }
0xc0: {  	[sflag:s10] =	ssyncadd.s32 $0xFFFFF800  }
0xc1: {  	[tilespmem:s13], [sflag:$0x1] =	stream.indirect.gather [hbm4b:s4+s12], $0x20, s3, s12, $0xb8;
	[tilespmem:$0xA000] =	vst v63  }
0xc2: {  	_ = 	snop  }
0xc3: {  	[tilespmem:s14], [sflag:$0x2] =	stream.indirect.gather [hbm4b:s4+s12], $0x20, s12, s12, $0xb8;
	[tilespmem:$0xA000] =	vst v63  }
0xc4: {  	_ =	swait.ge [sflag:s15], $0x1000  }
0xc5: {  	[sflag:s15] =	ssyncset.done $0x0  }
0xc6: {  	[sflag:s15] =	ssyncadd.s32 $0xFFFFF000  }
0xc7: {  	[spmem:s2] =	stream.indirect.scatter.add.f32 [tilespmem:s13], [sflag:$0x5], $0x20, s11, s12, $0xb8;
	[tilespmem:$0xA000] =	vst v63  }
0xc8: {  	s9 =	rddreg [dreg:$0x5]  }
0xc9: {  	[tilespmem:s16], [sflag:$0x3] =	stream.indirect.gather [hbm4b:s4+s12], $0x20, s9, s12, $0xb8;
	[tilespmem:$0xA000] =	vst v63  }
0xca: {  	_ =	swait.ge [sflag:s17], $0x1000  }
0xcb: {  	s7 =	smov.u32 s6;
	[sflag:s17] =	ssyncset.done $0x0  }
0xcc: {  	s8 =	smov.u32 s7;
	s7 =	rddreg [dreg:$0x6];
	[sflag:s17] =	ssyncadd.s32 $0xFFFFF000  }
0xcd: {  	[spmem:s2] =	stream.indirect.scatter.add.f32 [tilespmem:s14], [sflag:$0x6], $0x20, s7, s12, $0xb8;
	[tilespmem:$0xA000] =	vst v63  }
0xce: {  	s9 =	rddreg [dreg:$0x7]  }
0xcf: {  	[tilespmem:s18], [sflag:$0x4] =	stream.indirect.gather [hbm4b:s4+s12], $0x20, s9, s12, $0xb8;
	[tilespmem:$0xA000] =	vst v63  }
0xd0: {  	_ =	swait.ge [sflag:s19], $0x1000  }
0xd1: {  	[sflag:s19] =	ssyncset.done $0x0  }
0xd2: {  	s9 =	rddreg [dreg:$0x8];
	[sflag:s19] =	ssyncadd.s32 $0xFFFFF000  }
0xd3: {  	[spmem:s2] =	stream.indirect.scatter.add.f32 [tilespmem:s16], [sflag:$0x7], $0x20, s9, s12, $0xb8;
	[tilespmem:$0xA000] =	vst v63  }
0xd4: {  	_ =	swait.ge [sflag:s20], $0x1000  }
0xd5: {  	[sflag:s20] =	ssyncset.done $0x0  }
0xd6: {  	s9 =	rddreg [dreg:$0x9];
	[sflag:s20] =	ssyncadd.s32 $0xFFFFF000  }
0xd7: {  	[tilespmem:s13], [sflag:$0x1] =	stream.indirect.gather [hbm4b:s4+s12], $0x20, s9, s12, $0xb8;
	[tilespmem:$0xA000] =	vst v63  }
0xd8: {  	_ =	swait.ge [sflag:s21], $0x1000  }
0xd9: {  	[sflag:s21] =	ssyncset.done $0x0  }
0xda: {  	s9 =	rddreg [dreg:$0xa];
	[sflag:s21] =	ssyncadd.s32 $0xFFFFF000  }
0xdb: {  	[spmem:s2] =	stream.indirect.scatter.add.f32 [tilespmem:s18], [sflag:$0x8], $0x20, s9, s12, $0xb8;
	[tilespmem:$0xA000] =	vst v63  }
0xdc: {  	_ =	swait.ge [sflag:s22], $0x1000  }
0xdd: {  	[sflag:s22] =	ssyncset.done $0x0  }
0xde: {  	s9 =	rddreg [dreg:$0xb];
	[sflag:s22] =	ssyncadd.s32 $0xFFFFF000  }
0xdf: {  	[tilespmem:s14], [sflag:$0x2] =	stream.indirect.gather [hbm4b:s4+s12], $0x20, s9, s12, $0xb8;
	[tilespmem:$0xA000] =	vst v63  }
0xe0: {  	_ =	swait.ge [sflag:s15], $0x1000  }
0xe1: {  	[sflag:s15] =	ssyncset.done $0x0  }
0xe2: {  	s9 =	rddreg [dreg:$0xc];
	[sflag:s15] =	ssyncadd.s32 $0xFFFFF000  }
0xe3: {  	[spmem:s2] =	stream.indirect.scatter.add.f32 [tilespmem:s13], [sflag:$0x5], $0x20, s9, s12, $0xb8;
	[tilespmem:$0xA000] =	vst v63  }
0xe4: {  	_ =	swait.ge [sflag:s23], $0x1000  }
0xe5: {  	[sflag:s23] =	ssyncset.done $0x0  }
0xe6: {  	s9 =	rddreg [dreg:$0xd];
	[sflag:s23] =	ssyncadd.s32 $0xFFFFF000  }
0xe7: {  	[tilespmem:s16], [sflag:$0x3] =	stream.indirect.gather [hbm4b:s4+s12], $0x20, s9, s12, $0xb8;
	[tilespmem:$0xA000] =	vst v63  }
0xe8: {  	_ =	swait.ge [sflag:s17], $0x1000  }
0xe9: {  	[sflag:s17] =	ssyncset.done $0x0  }
0xea: {  	s9 =	rddreg [dreg:$0xe];
	[sflag:s17] =	ssyncadd.s32 $0xFFFFF000  }
0xeb: {  	[spmem:s2] =	stream.indirect.scatter.add.f32 [tilespmem:s14], [sflag:$0x6], $0x20, s9, s12, $0xb8;
	[tilespmem:$0xA000] =	vst v63  }
0xec: {  	_ =	swait.ge [sflag:s24], $0x1000  }
0xed: {  	[sflag:s24] =	ssyncset.done $0x0  }
0xee: {  	s9 =	rddreg [dreg:$0xf];
	[sflag:s24] =	ssyncadd.s32 $0xFFFFF000  }
0xef: {  	[tilespmem:s18], [sflag:$0x4] =	stream.indirect.gather [hbm4b:s4+s12], $0x20, s9, s12, $0xb8;
	[tilespmem:$0xA000] =	vst v63  }
0xf0: {  	_ =	swait.ge [sflag:s19], $0x1000  }
0xf1: {  	[sflag:s19] =	ssyncset.done $0x0  }
0xf2: {  	s9 =	rddreg [dreg:$0x10];
	[sflag:s19] =	ssyncadd.s32 $0xFFFFF000  }
0xf3: {  	[spmem:s2] =	stream.indirect.scatter.add.f32 [tilespmem:s16], [sflag:$0x7], $0x20, s9, s12, $0xb8;
	[tilespmem:$0xA000] =	vst v63  }
0xf4: {  	_ =	swait.ge [sflag:s20], $0x1000  }
0xf5: {  	[sflag:s20] =	ssyncset.done $0x0  }
0xf6: {  	s9 =	rddreg [dreg:$0x11];
	[sflag:s20] =	ssyncadd.s32 $0xFFFFF000  }
0xf7: {  	[tilespmem:s13], [sflag:$0x1] =	stream.indirect.gather [hbm4b:s4+s12], $0x20, s9, s12, $0xb8;
	[tilespmem:$0xA000] =	vst v63  }
0xf8: {  	_ =	swait.ge [sflag:s21], $0x1000  }
0xf9: {  	[sflag:s21] =	ssyncset.done $0x0  }
0xfa: {  	s9 =	rddreg [dreg:$0x12];
	[sflag:s21] =	ssyncadd.s32 $0xFFFFF000  }
0xfb: {  	[spmem:s2] =	stream.indirect.scatter.add.f32 [tilespmem:s18], [sflag:$0x8], $0x20, s9, s12, $0xb8;
	[tilespmem:$0xA000] =	vst v63  }
0xfc: {  	_ =	swait.ge [sflag:s22], $0x1000  }
0xfd: {  	[sflag:s22] =	ssyncset.done $0x0  }
0xfe: {  	s9 =	rddreg [dreg:$0x13];
	[sflag:s22] =	ssyncadd.s32 $0xFFFFF000  }
0xff: {  	[tilespmem:s14], [sflag:$0x2] =	stream.indirect.gather [hbm4b:s4+s12], $0x20, s9, s12, $0xb8;
	[tilespmem:$0xA000] =	vst v63  }
0x100: {  	_ =	swait.ge [sflag:s15], $0x1000  }
0x101: {  	[sflag:s15] =	ssyncset.done $0x0  }
0x102: {  	s9 =	rddreg [dreg:$0x14];
	[sflag:s15] =	ssyncadd.s32 $0xFFFFF000  }
0x103: {  	[spmem:s2] =	stream.indirect.scatter.add.f32 [tilespmem:s13], [sflag:$0x5], $0x20, s9, s12, $0xb8;
	[tilespmem:$0xA000] =	vst v63  }
0x104: {  	_ =	swait.ge [sflag:s23], $0x1000  }
0x105: {  	[sflag:s23] =	ssyncset.done $0x0  }
0x106: {  	s9 =	rddreg [dreg:$0x15];
	[sflag:s23] =	ssyncadd.s32 $0xFFFFF000  }
0x107: {  	[tilespmem:s16], [sflag:$0x3] =	stream.indirect.gather [hbm4b:s4+s12], $0x20, s9, s12, $0xb8;
	[tilespmem:$0xA000] =	vst v63  }
0x108: {  	_ =	swait.ge [sflag:s17], $0x1000  }
0x109: {  	[sflag:s17] =	ssyncset.done $0x0  }
0x10a: {  	s9 =	rddreg [dreg:$0x16];
	[sflag:s17] =	ssyncadd.s32 $0xFFFFF000  }
0x10b: {  	[spmem:s2] =	stream.indirect.scatter.add.f32 [tilespmem:s14], [sflag:$0x6], $0x20, s9, s12, $0xb8;
	[tilespmem:$0xA000] =	vst v63  }
0x10c: {  	_ =	swait.ge [sflag:s24], $0x1000  }
0x10d: {  	[sflag:s24] =	ssyncset.done $0x0  }
0x10e: {  	s9 =	rddreg [dreg:$0x17];
	[sflag:s24] =	ssyncadd.s32 $0xFFFFF000  }
0x10f: {  	[tilespmem:s18], [sflag:$0x4] =	stream.indirect.gather [hbm4b:s4+s12], $0x20, s9, s12, $0xb8;
	[tilespmem:$0xA000] =	vst v63  }
0x110: {  	_ =	swait.ge [sflag:s19], $0x1000  }
0x111: {  	[sflag:s19] =	ssyncset.done $0x0  }
0x112: {  	s9 =	rddreg [dreg:$0x18];
	[sflag:s19] =	ssyncadd.s32 $0xFFFFF000  }
0x113: {  	[spmem:s2] =	stream.indirect.scatter.add.f32 [tilespmem:s16], [sflag:$0x7], $0x20, s9, s12, $0xb8;
	[tilespmem:$0xA000] =	vst v63  }
0x114: {  	_ =	swait.ge [sflag:s20], $0x1000  }
0x115: {  	[sflag:s20] =	ssyncset.done $0x0  }
0x116: {  	[sflag:s20] =	ssyncadd.s32 $0xFFFFF000  }
0x117: {  	[tilespmem:s13], [sflag:$0x1] =	stream.indirect.gather [hbm4b:s4+s12], $0x20, s25, s12, $0xb8;
	[tilespmem:$0xA000] =	vst v63  }
0x118: {  	_ =	swait.ge [sflag:s21], $0x1000  }
0x119: {  	[sflag:s21] =	ssyncset.done $0x0  }
0x11a: {  	[sflag:s21] =	ssyncadd.s32 $0xFFFFF000  }
0x11b: {  	[spmem:s2] =	stream.indirect.scatter.add.f32 [tilespmem:s18], [sflag:$0x8], $0x20, s26, s12, $0xb8;
	[tilespmem:$0xA000] =	vst v63  }
0x11c: {  	_ =	swait.ge [sflag:s22], $0x1000  }
0x11d: {  	[sflag:s22] =	ssyncset.done $0x0  }
0x11e: {  	[sflag:s22] =	ssyncadd.s32 $0xFFFFF000  }
0x11f: {  	[tilespmem:s14], [sflag:$0x2] =	stream.indirect.gather [hbm4b:s4+s12], $0x20, s28, s12, $0xb8;
	[tilespmem:$0xA000] =	vst v63  }
0x120: {  	_ =	swait.ge [sflag:s15], $0x1000  }
0x121: {  	[sflag:s15] =	ssyncset.done $0x0  }
0x122: {  	[sflag:s15] =	ssyncadd.s32 $0xFFFFF000  }
0x123: {  	[spmem:s2] =	stream.indirect.scatter.add.f32 [tilespmem:s13], [sflag:$0x5], $0x20, s29, s12, $0xb8;
	[tilespmem:$0xA000] =	vst v63  }
0x124: {  	_ =	swait.ge [sflag:s23], $0x1000  }
0x125: {  	[sflag:s23] =	ssyncset.done $0x0  }
0x126: {  	[sflag:s23] =	ssyncadd.s32 $0xFFFFF000  }
0x127: {  	[tilespmem:s16], [sflag:$0x3] =	stream.indirect.gather [hbm4b:s4+s12], $0x20, s30, s12, $0xb8;
	[tilespmem:$0xA000] =	vst v63  }
0x128: {  	_ =	swait.ge [sflag:s17], $0x1000  }
0x129: {  	[sflag:s17] =	ssyncset.done $0x0  }
0x12a: {  	[sflag:s17] =	ssyncadd.s32 $0xFFFFF000  }
0x12b: {  	[spmem:s2] =	stream.indirect.scatter.add.f32 [tilespmem:s14], [sflag:$0x6], $0x20, s31, s12, $0xb8;
	[tilespmem:$0xA000] =	vst v63  }
0x12c: {  	_ =	swait.ge [sflag:s24], $0x1000  }
0x12d: {  	[sflag:s24] =	ssyncset.done $0x0  }
0x12e: {  	[sflag:s24] =	ssyncadd.s32 $0xFFFFF000  }
0x12f: {  	[tilespmem:s18], [sflag:$0x4] =	stream.indirect.gather [hbm4b:s4+s12], $0x20, s1, s12, $0xb8;
	[tilespmem:$0xA000] =	vst v63  }
0x130: {  	_ =	swait.ge [sflag:s19], $0x1000  }
0x131: {  	[sflag:s19] =	ssyncset.done $0x0  }
0x132: {  	[sflag:s19] =	ssyncadd.s32 $0xFFFFF000  }
0x133: {  	[spmem:s2] =	stream.indirect.scatter.add.f32 [tilespmem:s16], [sflag:$0x7], $0x20, s0, s12, $0xb8;
	[tilespmem:$0xA000] =	vst v63  }
0x134: {  	_ =	swait.ge [sflag:s21], $0x1000  }
0x135: {  	[sflag:s21] =	ssyncset.done $0x0  }
0x136: {  	[sflag:s21] =	ssyncadd.s32 $0xFFFFF000  }
0x137: {  	[spmem:s2] =	stream.indirect.scatter.add.f32 [tilespmem:s18], [sflag:$0x8], $0x20, s5, s12, $0xb8;
	[tilespmem:$0xA000] =	vst v63  }
0x138: {  	_ =	swait.ge [sflag:s20], $0x1000  }
0x139: {  	[sflag:s20] =	ssyncset.done $0x0  }
0x13a: {  	[sflag:s20] =	ssyncadd.s32 $0xFFFFF000  }
0x13b: {  	_ =	swait.ge [sflag:s22], $0x1000  }
0x13c: {  	[sflag:s22] =	ssyncset.done $0x0  }
0x13d: {  	p0 =	sne.s32 s6, $0x400;
	[sflag:s22] =	ssyncadd.s32 $0xFFFFF000  }
.Ltmp0:
0x13e: {  	_ =	swait.ge [sflag:s23], $0x1000;
	(pc) =	sbr.rel @p0 .LBB2_2-.Ltmp0, $4  }
0x13f: {  	[sflag:s23] =	ssyncset.done $0x0  }
0x140: {  	[sflag:s23] =	ssyncadd.s32 $0xFFFFF000  }
0x141: {  	_ =	swait.ge [sflag:s24], $0x1000  }
0x142: {  	s6 =	sadd.s32 $0x100, s6;
	s9 =	rddreg [dreg:$0x4];
	[sflag:s24] =	ssyncset.done $0x0  }
0x143: {  	[sflag:s24] =	ssyncadd.s32 $0xFFFFF000;
	s6 =	sadd.s32 s8, s9  }
0x144: {  	[tilespmem:s3], [sflag:$0x9] =	stream.linear.gather [hbm4b:s6+s3], $0x800, $0x38;
	[tilespmem:$0xA000] =	vst v63  }
0x145: {  	_ =	swait.ge [sflag:s10], $0x800  }
0x146: {  	s7 =	rddreg [dreg:$0x3];
	[sflag:s10] =	ssyncset.done $0x0  }
0x147: {  	[sflag:s10] =	ssyncadd.s32 $0xFFFFF800;
	s6 =	sadd.s32 s8, s7  }
0x148: {  	[tilespmem:s11], [sflag:$0x9] =	stream.linear.gather [hbm4b:s6+s3], $0x800, $0x38;
	[tilespmem:$0xA000] =	vst v63  }
0x149: {  	_ =	swait.ge [sflag:s10], $0x800  }
0x14a: {  	[sflag:s10] =	ssyncset.done $0x0  }
0x14b: {  	[sflag:s10] =	ssyncadd.s32 $0xFFFFF800  }
0x14c: {  	[tilespmem:s13], [sflag:$0x1] =	stream.indirect.gather [hbm4b:s4+s12], $0x20, s3, s12, $0xb8;
	[tilespmem:$0xA000] =	vst v63  }
0x14d: {  	_ = 	snop  }
0x14e: {  	[tilespmem:s14], [sflag:$0x2] =	stream.indirect.gather [hbm4b:s4+s12], $0x20, s12, s12, $0xb8;
	[tilespmem:$0xA000] =	vst v63  }
0x14f: {  	_ =	swait.ge [sflag:s15], $0x1000  }
0x150: {  	[sflag:s15] =	ssyncset.done $0x0  }
0x151: {  	[sflag:s15] =	ssyncadd.s32 $0xFFFFF000  }
0x152: {  	[spmem:s2] =	stream.indirect.scatter.add.f32 [tilespmem:s13], [sflag:$0x5], $0x20, s11, s12, $0xb8;
	[tilespmem:$0xA000] =	vst v63  }
0x153: {  	s8 =	rddreg [dreg:$0x5]  }
0x154: {  	[tilespmem:s16], [sflag:$0x3] =	stream.indirect.gather [hbm4b:s4+s12], $0x20, s8, s12, $0xb8;
	[tilespmem:$0xA000] =	vst v63  }
0x155: {  	_ =	swait.ge [sflag:s17], $0x1000  }
0x156: {  	[sflag:s17] =	ssyncset.done $0x0  }
0x157: {  	s9 =	rddreg [dreg:$0x6];
	[sflag:s17] =	ssyncadd.s32 $0xFFFFF000  }
0x158: {  	[spmem:s2] =	stream.indirect.scatter.add.f32 [tilespmem:s14], [sflag:$0x6], $0x20, s9, s12, $0xb8;
	[tilespmem:$0xA000] =	vst v63  }
0x159: {  	s7 =	rddreg [dreg:$0x7]  }
0x15a: {  	[tilespmem:s18], [sflag:$0x4] =	stream.indirect.gather [hbm4b:s4+s12], $0x20, s7, s12, $0xb8;
	[tilespmem:$0xA000] =	vst v63  }
0x15b: {  	_ =	swait.ge [sflag:s19], $0x1000  }
0x15c: {  	[sflag:s19] =	ssyncset.done $0x0  }
0x15d: {  	s7 =	rddreg [dreg:$0x8];
	[sflag:s19] =	ssyncadd.s32 $0xFFFFF000  }
0x15e: {  	[spmem:s2] =	stream.indirect.scatter.add.f32 [tilespmem:s16], [sflag:$0x7], $0x20, s7, s12, $0xb8;
	[tilespmem:$0xA000] =	vst v63  }
0x15f: {  	_ =	swait.ge [sflag:s20], $0x1000  }
0x160: {  	[sflag:s20] =	ssyncset.done $0x0  }
0x161: {  	s8 =	rddreg [dreg:$0x9];
	[sflag:s20] =	ssyncadd.s32 $0xFFFFF000  }
0x162: {  	[tilespmem:s13], [sflag:$0x1] =	stream.indirect.gather [hbm4b:s4+s12], $0x20, s8, s12, $0xb8;
	[tilespmem:$0xA000] =	vst v63  }
0x163: {  	_ =	swait.ge [sflag:s21], $0x1000  }
0x164: {  	[sflag:s21] =	ssyncset.done $0x0  }
0x165: {  	s9 =	rddreg [dreg:$0xa];
	[sflag:s21] =	ssyncadd.s32 $0xFFFFF000  }
0x166: {  	[spmem:s2] =	stream.indirect.scatter.add.f32 [tilespmem:s18], [sflag:$0x8], $0x20, s9, s12, $0xb8;
	[tilespmem:$0xA000] =	vst v63  }
0x167: {  	_ =	swait.ge [sflag:s22], $0x1000  }
0x168: {  	[sflag:s22] =	ssyncset.done $0x0  }
0x169: {  	s7 =	rddreg [dreg:$0xb];
	[sflag:s22] =	ssyncadd.s32 $0xFFFFF000  }
0x16a: {  	[tilespmem:s14], [sflag:$0x2] =	stream.indirect.gather [hbm4b:s4+s12], $0x20, s7, s12, $0xb8;
	[tilespmem:$0xA000] =	vst v63  }
0x16b: {  	_ =	swait.ge [sflag:s15], $0x1000  }
0x16c: {  	[sflag:s15] =	ssyncset.done $0x0  }
0x16d: {  	s8 =	rddreg [dreg:$0xc];
	[sflag:s15] =	ssyncadd.s32 $0xFFFFF000  }
0x16e: {  	[spmem:s2] =	stream.indirect.scatter.add.f32 [tilespmem:s13], [sflag:$0x5], $0x20, s8, s12, $0xb8;
	[tilespmem:$0xA000] =	vst v63  }
0x16f: {  	_ =	swait.ge [sflag:s23], $0x1000  }
0x170: {  	[sflag:s23] =	ssyncset.done $0x0  }
0x171: {  	s9 =	rddreg [dreg:$0xd];
	[sflag:s23] =	ssyncadd.s32 $0xFFFFF000  }
0x172: {  	[tilespmem:s16], [sflag:$0x3] =	stream.indirect.gather [hbm4b:s4+s12], $0x20, s9, s12, $0xb8;
	[tilespmem:$0xA000] =	vst v63  }
0x173: {  	_ =	swait.ge [sflag:s17], $0x1000  }
0x174: {  	[sflag:s17] =	ssyncset.done $0x0  }
0x175: {  	s7 =	rddreg [dreg:$0xe];
	[sflag:s17] =	ssyncadd.s32 $0xFFFFF000  }
0x176: {  	[spmem:s2] =	stream.indirect.scatter.add.f32 [tilespmem:s14], [sflag:$0x6], $0x20, s7, s12, $0xb8;
	[tilespmem:$0xA000] =	vst v63  }
0x177: {  	_ =	swait.ge [sflag:s24], $0x1000  }
0x178: {  	[sflag:s24] =	ssyncset.done $0x0  }
0x179: {  	s8 =	rddreg [dreg:$0xf];
	[sflag:s24] =	ssyncadd.s32 $0xFFFFF000  }
0x17a: {  	[tilespmem:s18], [sflag:$0x4] =	stream.indirect.gather [hbm4b:s4+s12], $0x20, s8, s12, $0xb8;
	[tilespmem:$0xA000] =	vst v63  }
0x17b: {  	_ =	swait.ge [sflag:s19], $0x1000  }
0x17c: {  	[sflag:s19] =	ssyncset.done $0x0  }
0x17d: {  	s9 =	rddreg [dreg:$0x10];
	[sflag:s19] =	ssyncadd.s32 $0xFFFFF000  }
0x17e: {  	[spmem:s2] =	stream.indirect.scatter.add.f32 [tilespmem:s16], [sflag:$0x7], $0x20, s9, s12, $0xb8;
	[tilespmem:$0xA000] =	vst v63  }
0x17f: {  	_ =	swait.ge [sflag:s20], $0x1000  }
0x180: {  	[sflag:s20] =	ssyncset.done $0x0  }
0x181: {  	s7 =	rddreg [dreg:$0x11];
	[sflag:s20] =	ssyncadd.s32 $0xFFFFF000  }
0x182: {  	[tilespmem:s13], [sflag:$0x1] =	stream.indirect.gather [hbm4b:s4+s12], $0x20, s7, s12, $0xb8;
	[tilespmem:$0xA000] =	vst v63  }
0x183: {  	_ =	swait.ge [sflag:s21], $0x1000  }
0x184: {  	[sflag:s21] =	ssyncset.done $0x0  }
0x185: {  	s8 =	rddreg [dreg:$0x12];
	[sflag:s21] =	ssyncadd.s32 $0xFFFFF000  }
0x186: {  	[spmem:s2] =	stream.indirect.scatter.add.f32 [tilespmem:s18], [sflag:$0x8], $0x20, s8, s12, $0xb8;
	[tilespmem:$0xA000] =	vst v63  }
0x187: {  	_ =	swait.ge [sflag:s22], $0x1000  }
0x188: {  	[sflag:s22] =	ssyncset.done $0x0  }
0x189: {  	s9 =	rddreg [dreg:$0x13];
	[sflag:s22] =	ssyncadd.s32 $0xFFFFF000  }
0x18a: {  	[tilespmem:s14], [sflag:$0x2] =	stream.indirect.gather [hbm4b:s4+s12], $0x20, s9, s12, $0xb8;
	[tilespmem:$0xA000] =	vst v63  }
0x18b: {  	_ =	swait.ge [sflag:s15], $0x1000  }
0x18c: {  	[sflag:s15] =	ssyncset.done $0x0  }
0x18d: {  	s7 =	rddreg [dreg:$0x14];
	[sflag:s15] =	ssyncadd.s32 $0xFFFFF000  }
0x18e: {  	[spmem:s2] =	stream.indirect.scatter.add.f32 [tilespmem:s13], [sflag:$0x5], $0x20, s7, s12, $0xb8;
	[tilespmem:$0xA000] =	vst v63  }
0x18f: {  	_ =	swait.ge [sflag:s23], $0x1000  }
0x190: {  	[sflag:s23] =	ssyncset.done $0x0  }
0x191: {  	s8 =	rddreg [dreg:$0x15];
	[sflag:s23] =	ssyncadd.s32 $0xFFFFF000  }
0x192: {  	[tilespmem:s16], [sflag:$0x3] =	stream.indirect.gather [hbm4b:s4+s12], $0x20, s8, s12, $0xb8;
	[tilespmem:$0xA000] =	vst v63  }
0x193: {  	_ =	swait.ge [sflag:s17], $0x1000  }
0x194: {  	[sflag:s17] =	ssyncset.done $0x0  }
0x195: {  	s9 =	rddreg [dreg:$0x16];
	[sflag:s17] =	ssyncadd.s32 $0xFFFFF000  }
0x196: {  	[spmem:s2] =	stream.indirect.scatter.add.f32 [tilespmem:s14], [sflag:$0x6], $0x20, s9, s12, $0xb8;
	[tilespmem:$0xA000] =	vst v63  }
0x197: {  	_ =	swait.ge [sflag:s24], $0x1000  }
0x198: {  	[sflag:s24] =	ssyncset.done $0x0  }
0x199: {  	s7 =	rddreg [dreg:$0x17];
	[sflag:s24] =	ssyncadd.s32 $0xFFFFF000  }
0x19a: {  	[tilespmem:s18], [sflag:$0x4] =	stream.indirect.gather [hbm4b:s4+s12], $0x20, s7, s12, $0xb8;
	[tilespmem:$0xA000] =	vst v63  }
0x19b: {  	_ =	swait.ge [sflag:s19], $0x1000  }
0x19c: {  	[sflag:s19] =	ssyncset.done $0x0  }
0x19d: {  	s8 =	rddreg [dreg:$0x18];
	[sflag:s19] =	ssyncadd.s32 $0xFFFFF000  }
0x19e: {  	[spmem:s2] =	stream.indirect.scatter.add.f32 [tilespmem:s16], [sflag:$0x7], $0x20, s8, s12, $0xb8;
	[tilespmem:$0xA000] =	vst v63  }
0x19f: {  	_ =	swait.ge [sflag:s20], $0x1000  }
0x1a0: {  	[sflag:s20] =	ssyncset.done $0x0  }
0x1a1: {  	[sflag:s20] =	ssyncadd.s32 $0xFFFFF000  }
0x1a2: {  	[tilespmem:s13], [sflag:$0x1] =	stream.indirect.gather [hbm4b:s4+s12], $0x20, s25, s12, $0xb8;
	[tilespmem:$0xA000] =	vst v63  }
0x1a3: {  	_ =	swait.ge [sflag:s21], $0x1000  }
0x1a4: {  	[sflag:s21] =	ssyncset.done $0x0  }
0x1a5: {  	[sflag:s21] =	ssyncadd.s32 $0xFFFFF000  }
0x1a6: {  	[spmem:s2] =	stream.indirect.scatter.add.f32 [tilespmem:s18], [sflag:$0x8], $0x20, s26, s12, $0xb8;
	[tilespmem:$0xA000] =	vst v63  }
0x1a7: {  	_ =	swait.ge [sflag:s22], $0x1000  }
0x1a8: {  	[sflag:s22] =	ssyncset.done $0x0  }
0x1a9: {  	[sflag:s22] =	ssyncadd.s32 $0xFFFFF000  }
0x1aa: {  	[tilespmem:s14], [sflag:$0x2] =	stream.indirect.gather [hbm4b:s4+s12], $0x20, s28, s12, $0xb8;
	[tilespmem:$0xA000] =	vst v63  }
0x1ab: {  	_ =	swait.ge [sflag:s15], $0x1000  }
0x1ac: {  	[sflag:s15] =	ssyncset.done $0x0  }
0x1ad: {  	[sflag:s15] =	ssyncadd.s32 $0xFFFFF000  }
0x1ae: {  	[spmem:s2] =	stream.indirect.scatter.add.f32 [tilespmem:s13], [sflag:$0x5], $0x20, s29, s12, $0xb8;
	[tilespmem:$0xA000] =	vst v63  }
0x1af: {  	_ =	swait.ge [sflag:s23], $0x1000  }
0x1b0: {  	[sflag:s23] =	ssyncset.done $0x0  }
0x1b1: {  	[sflag:s23] =	ssyncadd.s32 $0xFFFFF000  }
0x1b2: {  	[tilespmem:s16], [sflag:$0x3] =	stream.indirect.gather [hbm4b:s4+s12], $0x20, s30, s12, $0xb8;
	[tilespmem:$0xA000] =	vst v63  }
0x1b3: {  	_ =	swait.ge [sflag:s17], $0x1000  }
0x1b4: {  	[sflag:s17] =	ssyncset.done $0x0  }
0x1b5: {  	[sflag:s17] =	ssyncadd.s32 $0xFFFFF000  }
0x1b6: {  	[spmem:s2] =	stream.indirect.scatter.add.f32 [tilespmem:s14], [sflag:$0x6], $0x20, s31, s12, $0xb8;
	[tilespmem:$0xA000] =	vst v63  }
0x1b7: {  	_ =	swait.ge [sflag:s24], $0x1000  }
0x1b8: {  	[sflag:s24] =	ssyncset.done $0x0  }
0x1b9: {  	[sflag:s24] =	ssyncadd.s32 $0xFFFFF000  }
0x1ba: {  	[tilespmem:s18], [sflag:$0x4] =	stream.indirect.gather [hbm4b:s4+s12], $0x20, s1, s12, $0xb8;
	[tilespmem:$0xA000] =	vst v63  }
0x1bb: {  	_ =	swait.ge [sflag:s19], $0x1000  }
0x1bc: {  	[sflag:s19] =	ssyncset.done $0x0  }
0x1bd: {  	[sflag:s19] =	ssyncadd.s32 $0xFFFFF000  }
0x1be: {  	[spmem:s2] =	stream.indirect.scatter.add.f32 [tilespmem:s16], [sflag:$0x7], $0x20, s0, s12, $0xb8;
	[tilespmem:$0xA000] =	vst v63  }
0x1bf: {  	_ =	swait.ge [sflag:s21], $0x1000  }
0x1c0: {  	[sflag:s21] =	ssyncset.done $0x0  }
0x1c1: {  	[sflag:s21] =	ssyncadd.s32 $0xFFFFF000  }
0x1c2: {  	[spmem:s2] =	stream.indirect.scatter.add.f32 [tilespmem:s18], [sflag:$0x8], $0x20, s5, s12, $0xb8;
	[tilespmem:$0xA000] =	vst v63  }
0x1c3: {  	_ =	swait.ge [sflag:s20], $0x1000  }
0x1c4: {  	[sflag:s20] =	ssyncset.done $0x0  }
0x1c5: {  	[sflag:s20] =	ssyncadd.s32 $0xFFFFF000  }
0x1c6: {  	_ =	swait.ge [sflag:s22], $0x1000  }
0x1c7: {  	[sflag:s22] =	ssyncset.done $0x0  }
0x1c8: {  	[sflag:s22] =	ssyncadd.s32 $0xFFFFF000  }
0x1c9: {  	_ =	swait.ge [sflag:s23], $0x1000  }
0x1ca: {  	[sflag:s23] =	ssyncset.done $0x0  }
0x1cb: {  	[sflag:s23] =	ssyncadd.s32 $0xFFFFF000  }
0x1cc: {  	_ =	swait.ge [sflag:s24], $0x1000  }
0x1cd: {  	[sflag:s24] =	ssyncset.done $0x0  }
0x1ce: {  	[sflag:s24] =	ssyncadd.s32 $0xFFFFF000  }
0x1cf: {  	[bflag:$0x0] =	sbarrier.arrive $0xFFFF  }
0x1d0: {  	s7 =	rddreg [dreg:$0x1a]  }
0x1d1: {  	s9 =	rddreg [dreg:$0x1b]  }
0x1d2: {  	s8 =	rddreg [dreg:$0x1d]  }
0x1d3: {  	[hbm:s9], [sflag:s7] =	dma.local [spmem:s8], $0xA00  }
0x1d4: {  	_ =	swait.ge [sflag:s10], $0xA00  }
0x1d5: {  	s6 =	rddreg [dreg:$0x1e]  }
0x1d6: {  	s9 =	sadd.s32 $0x1, s6;
	s6 =	rddreg [dreg:$0x1c]  }
0x1d7: {  	p0 =	sne.s32 s9, s6  }
.Ltmp1:
0x1d8: {  	_ = 	snop;
	(pc) =	sbr.rel @p0 .LBB2_1-.Ltmp1, $3  }
0x1d9: {  	_ =	sdelay $0x1  }
0x1da: {  	[sflag:s10] =	ssyncset.done $0x0  }
0x1db: {  	[sflag:s10] =	ssyncadd.s32 $0xFFFFF600  }
0x1dc: {  	_ =	sfence.sel $0x180000  }
0x1dd: {  	[bflag:$0x0] =	sbarrier.arrive $0xFFFF  }
0x1de: {  	_ =	strace $0x90000050  }
0x1df: {  	s0 =	stileid.u32;
	[bflag:$0x2] =	sbarrier.arrive $0xFFFF  }
0x1e0: {  	p0 =	sne.s32 s0, $0x0;
	s0 =	rddreg [dreg:$0x2]  }
0x1e1: {  	s0 =	sadd.s32 @!p0 $0x100000, s0  }
0x1e2: {  	[sflag:s0] =	ssyncadd.tile.s32 @!p0 $0x1;
	_ =	shalt  }
.Lfunc_end2:
_tile_overlayer_lowered:
.L_overlay_start_2:
0x1e3: {  	(tag) =	ssettag $0x2  }
0x1e4: {  	s0 =	rddreg [dreg:$0x0];
	s2 =	stileid.u32  }
0x1e5: {  	s1 =	rddreg [dreg:$0x1];
	p0 =	sne.s32 s2, $0x0  }
0x1e6: {  	s3 =	rddreg [dreg:$0x2];
	[bflag:$0x3] =	sbarrier.arrive $0xFFFF;
	s2 =	simm.s32 @!p0 $0x1C09  }
0x1e7: {  	[timem:s3], [sflag:s2] =	dma.local @!p0 [hbm:s0], s1  }
0x1e8: {  	s0 =	simm.s32 @!p0 $0x9  }
0x1e9: {  	_ =	swait.ge @!p0 [sflag:s0], s1  }
0x1ea: {  	s1 =	ssub.s32 @!p0 $0x0, s1;
	[sflag:s0] =	ssyncset.done @!p0 $0x0  }
0x1eb: {  	[sflag:s0] =	ssyncadd.s32 @!p0 s1  }
0x1ec: {  	[bflag:$0x3] =	sbarrier.arrive $0xFFFF  }
0x1ed: {  	_ =	shalt  }

</sc_bundles>
